<compile_context>
chip_gen: v7x
topology: tpu7x:2x2x1
jax: 0.10.2.dev20260603
libtpu: 0.0.44.dev20260713+nightly
codegen_flags: <defaults>
</compile_context>

<pallas_src>
import functools

import jax
import jax.numpy as jnp
from jax import lax
from jax.experimental import pallas as pl
from jax.experimental.pallas import tpu as pltpu
from jax.experimental.pallas import tpu_sc as plsc

_NC = 2
_NS = 16
_NW = _NC * _NS
_L = 16

_SELU_SCALE = 1.0507009873554805
_SELU_ALPHA = 1.6732632423543772


def _sc_partials(x, src, dst, w, n, d):
    e = src.size
    b = 128
    sbb = 8
    epw = -(-e // (_NW * b * sbb)) * b * sbb
    ep = epw * _NW
    pad = ep - e
    nb = epw // b
    nsb = nb // sbb

    idx_pad = jnp.arange(pad, dtype=jnp.int32) % n
    src_p = jnp.concatenate([src, idx_pad]).reshape(_NW, nb, b)
    dst_p = jnp.concatenate([dst, idx_pad]).reshape(_NW, nb, b)
    w_p = jnp.concatenate([w, jnp.zeros((pad,), jnp.float32)]).reshape(_NW, nb, b)

    npad = -(-n // (_NS * 128)) * _NS * 128
    rpt = npad // _NS
    zb = 128
    nz = rpt // zb

    mesh = plsc.VectorSubcoreMesh(core_axis_name="c", subcore_axis_name="s")

    @functools.partial(
        pl.kernel,
        mesh=mesh,
        out_type=jax.ShapeDtypeStruct((_NC, npad, d), jnp.float32),
        scratch_types=[
            pltpu.VMEM((1, sbb, b), jnp.int32),
            pltpu.VMEM((1, sbb, b), jnp.int32),
            pltpu.VMEM((1, sbb, b), jnp.float32),
            pltpu.VMEM((2, b, d), jnp.float32),
            pltpu.VMEM_SHARED((npad, d), jnp.float32),
            pltpu.SemaphoreType.DMA,
            pltpu.SemaphoreType.DMA,
            pltpu.SemaphoreType.DMA,
            pltpu.SemaphoreType.DMA,
            pltpu.SemaphoreType.DMA,
        ],
    )
    def scatter_kernel(x_hbm, src_hbm, dst_hbm, w_hbm, out_hbm,
                       src_v, dst_v, w_v, rows_v, agg_sh,
                       gsem0, gsem1, ssem0, ssem1, stsem):
        cid = lax.axis_index("c")
        sid = lax.axis_index("s")
        wid = sid * _NC + cid

        def gwait(p, st, j):
            pltpu.make_async_copy(x_hbm.at[src_v.at[st].at[j]],
                                  rows_v.at[p], gsem).wait()

        def swait(p, st, j):
            pltpu.make_async_copy(rows_v.at[p],
                                  agg_sh.at[dst_v.at[st].at[j]], ssem).wait()

        def stage(g, q):
            grp = pl.ds(g * sbb, sbb)
            pltpu.async_copy(src_hbm.at[wid].at[grp], src_v.at[q], stsem)
            pltpu.async_copy(dst_hbm.at[wid].at[grp], dst_v.at[q], stsem)
            pltpu.async_copy(w_hbm.at[wid].at[grp], w_v.at[q], stsem)

        def stwait(q):
            grp = pl.ds(0, sbb)
            pltpu.make_async_copy(src_hbm.at[wid].at[grp], src_v.at[q], stsem).wait()
            pltpu.make_async_copy(dst_hbm.at[wid].at[grp], dst_v.at[q], stsem).wait()
            pltpu.make_async_copy(w_hbm.at[wid].at[grp], w_v.at[q], stsem).wait()

        def zstore(i, carry):
            for q in range(d // _L):
                rows_v[0, i, pl.ds(q * _L, _L)] = jnp.zeros((_L,), jnp.float32)
            return carry
        lax.fori_loop(0, b, zstore, 0)
        for q in range(nz * zb // b):
            pltpu.sync_copy(rows_v.at[0], agg_sh.at[pl.ds(sid * rpt + q * b, b)])
        plsc.subcore_barrier()

        def super_block(sb, carry):
            grp = pl.ds(sb * sbb, sbb)
            pltpu.sync_copy(src_hbm.at[wid].at[grp], src_v.at[0])
            pltpu.sync_copy(dst_hbm.at[wid].at[grp], dst_v.at[0])
            pltpu.sync_copy(w_hbm.at[wid].at[grp], w_v.at[0])

            def scale(p, j):
                def row16(i16, rcarry):
                    wv = w_v[0, j, pl.ds(i16 * _L, _L)]
                    for k in range(_L):
                        ws = jnp.full((_L,), wv[k], jnp.float32)
                        r = i16 * _L + k
                        for q in range(d // _L):
                            rows_v[p, r, pl.ds(q * _L, _L)] = (
                                rows_v[p, r, pl.ds(q * _L, _L)] * ws)
                    return rcarry
                lax.fori_loop(0, b // _L, row16, 0)

            def block2(jj, bcarry):
                j0 = 2 * jj
                j1 = 2 * jj + 1
                h0 = pltpu.async_copy(x_hbm.at[src_v.at[0].at[j0]],
                                     rows_v.at[0], gsem0)
                h1 = pltpu.async_copy(x_hbm.at[src_v.at[0].at[j1]],
                                     rows_v.at[1], gsem1)
                h0.wait()
                scale(0, j0)
                s0 = pltpu.async_copy(rows_v.at[0], agg_sh.at[dst_v.at[0].at[j0]],
                                      ssem0, add=True)
                h1.wait()
                scale(1, j1)
                s1 = pltpu.async_copy(rows_v.at[1], agg_sh.at[dst_v.at[0].at[j1]],
                                      ssem1, add=True)
                s0.wait()
                s1.wait()
                return bcarry
            lax.fori_loop(0, sbb // 2, block2, 0)
            return carry
        lax.fori_loop(0, nsb, super_block, 0)

        plsc.subcore_barrier()
        for q in range(nz * zb // b):
            rows = pl.ds(sid * rpt + q * b, b)
            pltpu.sync_copy(agg_sh.at[rows], out_hbm.at[cid].at[rows])

    return scatter_kernel(x, src_p, dst_p, w_p)


def _epilogue(x, partials, kmat, bias2, skip2, n, d, c):
    rb = 1000

    def body(x_ref, p_ref, k_ref, b_ref, s_ref, o_ref):
        km = k_ref[...]
        acc = jnp.dot(x_ref[...], km * s_ref[...], preferred_element_type=jnp.float32)
        acc = acc + jnp.dot(p_ref[0] + p_ref[1], km, preferred_element_type=jnp.float32)
        acc = acc + b_ref[...]
        neg = _SELU_ALPHA * (jnp.exp(jnp.minimum(acc, 0.0)) - 1.0)
        o_ref[...] = _SELU_SCALE * jnp.where(acc > 0.0, acc, neg)

    return pl.pallas_call(
        body,
        grid=(n // rb,),
        in_specs=[
            pl.BlockSpec((rb, d), lambda i: (i, 0)),
            pl.BlockSpec((_NC, rb, c), lambda i: (0, i, 0)),
            pl.BlockSpec((d, c), lambda i: (0, 0)),
            pl.BlockSpec((1, c), lambda i: (0, 0)),
            pl.BlockSpec((1, c), lambda i: (0, 0)),
        ],
        out_specs=pl.BlockSpec((rb, c), lambda i: (i, 0)),
        out_shape=jax.ShapeDtypeStruct((n, c), jnp.float32),
    )(x, partials, kmat, bias2, skip2)


def kernel(features, edge_index, edge_weight, kernel, bias, skip_weight):
    n, d = features.shape
    c = kernel.shape[1]
    dst = edge_index[0]
    src = edge_index[1]
    partials = _sc_partials(features, src, dst, edge_weight, n, d)
    return _epilogue(features, partials, kernel,
                     bias.reshape(1, c), skip_weight.reshape(1, c), n, d, c)

# --- scband reference (transcript-rebuilt; emitter-appended) ---
"""Pipeline reference for scband-gcn-31868657336497 (READ-ONLY COPY).

The authoritative reference and input builder live on the scoring server;
editing this copy changes nothing except your own understanding.
"""

import jax, jax.numpy as jnp
import numpy as np

N = 10000
E = 320000
D = 128
C = 128


def setup_inputs(seed: int = 0) -> dict:
    key = jax.random.key(seed)
    k1, k2, k3, k4, k5, k6 = jax.random.split(key, 6)
    features = jax.random.normal(k1, (N, D), dtype=jnp.float32)
    edge_index = jax.random.randint(k2, (2, E), 0, N, dtype=jnp.int32)
    edge_weight = jax.random.uniform(k3, (E,), dtype=jnp.float32)
    kernel = jax.random.normal(k4, (D, C), dtype=jnp.float32) * 0.05
    bias = jax.random.normal(k5, (C,), dtype=jnp.float32) * 0.01
    skip_weight = jax.random.normal(k6, (C,), dtype=jnp.float32) * 0.1
    return {
        "features": features,
        "edge_index": edge_index,
        "edge_weight": edge_weight,
        "kernel": kernel,
        "bias": bias,
        "skip_weight": skip_weight,
    }


def reference(features, edge_index, edge_weight, kernel, bias, skip_weight):
    # output = features @ kernel
    out = jnp.matmul(features, kernel)
    # sparse_dense_matmul(graph, out): for edge (dst=row, src=col) with weight w,
    # agg[dst] += w * out[src]
    dst = edge_index[0]
    src = edge_index[1]
    msg = jnp.take(out, src, axis=0) * edge_weight[:, None]
    agg = jnp.zeros((features.shape[0], kernel.shape[1]), dtype=out.dtype).at[dst].add(msg)
    # skip connection: output * skip_weight + A @ output
    out = out * skip_weight + agg
    out = out + bias
    return jax.nn.selu(out)

if __name__ == "__main__":
    import jax
    _d = setup_inputs()
    print(jax.jit(kernel)(*tuple(_d.values())))

</pallas_src>

<mosaic_0001>
#map = affine_map<(d0, d1) -> (0, 0)>
#map1 = affine_map<(d0, d1) -> (0, 0, 0)>
module attributes {stable_mosaic.version = 14 : i64} {
  func.func @scatter_kernel(%arg0: i32, %arg1: i32, %arg2: memref<10000x128xf32, #tpu.memory_space<hbm>>, %arg3: memref<32x80x128xi32, #tpu.memory_space<hbm>>, %arg4: memref<32x80x128xi32, #tpu.memory_space<hbm>>, %arg5: memref<32x80x128xf32, #tpu.memory_space<hbm>>, %arg6: memref<2x10240x128xf32, #tpu.memory_space<hbm>>, %arg7: memref<1x8x128xi32, #tpu.memory_space<vmem>>, %arg8: memref<1x8x128xi32, #tpu.memory_space<vmem>>, %arg9: memref<1x8x128xf32, #tpu.memory_space<vmem>>, %arg10: memref<2x128x128xf32, #tpu.memory_space<vmem>>, %arg11: memref<10240x128xf32, #tpu.memory_space<vmem_shared>>, %arg12: memref<!tpu.dma_semaphore, #tpu.memory_space<semaphore_mem>>, %arg13: memref<!tpu.dma_semaphore, #tpu.memory_space<semaphore_mem>>, %arg14: memref<!tpu.dma_semaphore, #tpu.memory_space<semaphore_mem>>, %arg15: memref<!tpu.dma_semaphore, #tpu.memory_space<semaphore_mem>>, %arg16: memref<!tpu.dma_semaphore, #tpu.memory_space<semaphore_mem>>) attributes {dimension_semantics = [#tpu.dimension_semantics<core_parallel>, #tpu.dimension_semantics<subcore_parallel>], iteration_bounds = array<i64: 2, 16>, scalar_prefetch = 0 : i64, scratch_operands = 10 : i64, tpu.core_type = #tpu.core_type<sc_vector_subcore>, window_params = [{transform_indices = #map}, {transform_indices = #map1}, {transform_indices = #map1}, {transform_indices = #map1}, {transform_indices = #map1}]} {
    %mul3A = arith.constant 2 : i32
    %mul3A_0 = arith.muli %arg1, %mul3A : i32
    %add3A = arith.addi %mul3A_0, %arg0 : i32
    %scan3A = arith.constant 0 : i32
    %scan3A_1 = arith.constant 0 : i32
    %scan3A_2 = arith.constant 128 : i32
    %scan3A_3 = arith.addi %scan3A_1, %scan3A_2 : i32
    %scan3A_4 = arith.constant 1 : i32
    scf.for %scan3A_57 = %scan3A_1 to %scan3A_3 step %scan3A_4  : i32 {
      %broadcast_in_dim3A = arith.constant 0.000000e+00 : f32
      %broadcast_in_dim3A_58 = vector.broadcast %broadcast_in_dim3A : f32 to vector<16xf32>
      %swap3A = arith.constant 0 : i32
      %swap3A_59 = arith.index_cast %swap3A : i32 to index
      %swap3A_60 = arith.index_cast %scan3A_57 : i32 to index
      %swap3A_61 = arith.constant 0 : index
      %swap3A_62 = tpu.vector_load %arg10[%swap3A_59, %swap3A_60, %swap3A_61] {strides = array<i32>} : memref<2x128x128xf32, #tpu.memory_space<vmem>>, vector<1x1x16xf32>,
      %swap3A_63 = vector.shape_cast %swap3A_62 : vector<1x1x16xf32> to vector<16xf32>
      %swap3A_64 = vector.shape_cast %broadcast_in_dim3A_58 : vector<16xf32> to vector<1x1x16xf32>
      tpu.vector_store %arg10[%swap3A_59, %swap3A_60, %swap3A_61], %swap3A_64 {strides = array<i32>} : memref<2x128x128xf32, #tpu.memory_space<vmem>>, vector<1x1x16xf32>,
      %broadcast_in_dim3A_65 = arith.constant 0.000000e+00 : f32
      %broadcast_in_dim3A_66 = vector.broadcast %broadcast_in_dim3A_65 : f32 to vector<16xf32>
      %swap3A_67 = arith.constant 0 : i32
      %swap3A_68 = arith.index_cast %swap3A_67 : i32 to index
      %swap3A_69 = arith.index_cast %scan3A_57 : i32 to index
      %swap3A_70 = arith.constant 16 : index
      %swap3A_71 = tpu.vector_load %arg10[%swap3A_68, %swap3A_69, %swap3A_70] {strides = array<i32>} : memref<2x128x128xf32, #tpu.memory_space<vmem>>, vector<1x1x16xf32>,
      %swap3A_72 = vector.shape_cast %swap3A_71 : vector<1x1x16xf32> to vector<16xf32>
      %swap3A_73 = vector.shape_cast %broadcast_in_dim3A_66 : vector<16xf32> to vector<1x1x16xf32>
      tpu.vector_store %arg10[%swap3A_68, %swap3A_69, %swap3A_70], %swap3A_73 {strides = array<i32>} : memref<2x128x128xf32, #tpu.memory_space<vmem>>, vector<1x1x16xf32>,
      %broadcast_in_dim3A_74 = arith.constant 0.000000e+00 : f32
      %broadcast_in_dim3A_75 = vector.broadcast %broadcast_in_dim3A_74 : f32 to vector<16xf32>
      %swap3A_76 = arith.constant 0 : i32
      %swap3A_77 = arith.index_cast %swap3A_76 : i32 to index
      %swap3A_78 = arith.index_cast %scan3A_57 : i32 to index
      %swap3A_79 = arith.constant 32 : index
      %swap3A_80 = tpu.vector_load %arg10[%swap3A_77, %swap3A_78, %swap3A_79] {strides = array<i32>} : memref<2x128x128xf32, #tpu.memory_space<vmem>>, vector<1x1x16xf32>,
      %swap3A_81 = vector.shape_cast %swap3A_80 : vector<1x1x16xf32> to vector<16xf32>
      %swap3A_82 = vector.shape_cast %broadcast_in_dim3A_75 : vector<16xf32> to vector<1x1x16xf32>
      tpu.vector_store %arg10[%swap3A_77, %swap3A_78, %swap3A_79], %swap3A_82 {strides = array<i32>} : memref<2x128x128xf32, #tpu.memory_space<vmem>>, vector<1x1x16xf32>,
      %broadcast_in_dim3A_83 = arith.constant 0.000000e+00 : f32
      %broadcast_in_dim3A_84 = vector.broadcast %broadcast_in_dim3A_83 : f32 to vector<16xf32>
      %swap3A_85 = arith.constant 0 : i32
      %swap3A_86 = arith.index_cast %swap3A_85 : i32 to index
      %swap3A_87 = arith.index_cast %scan3A_57 : i32 to index
      %swap3A_88 = arith.constant 48 : index
      %swap3A_89 = tpu.vector_load %arg10[%swap3A_86, %swap3A_87, %swap3A_88] {strides = array<i32>} : memref<2x128x128xf32, #tpu.memory_space<vmem>>, vector<1x1x16xf32>,
      %swap3A_90 = vector.shape_cast %swap3A_89 : vector<1x1x16xf32> to vector<16xf32>
      %swap3A_91 = vector.shape_cast %broadcast_in_dim3A_84 : vector<16xf32> to vector<1x1x16xf32>
      tpu.vector_store %arg10[%swap3A_86, %swap3A_87, %swap3A_88], %swap3A_91 {strides = array<i32>} : memref<2x128x128xf32, #tpu.memory_space<vmem>>, vector<1x1x16xf32>,
      %broadcast_in_dim3A_92 = arith.constant 0.000000e+00 : f32
      %broadcast_in_dim3A_93 = vector.broadcast %broadcast_in_dim3A_92 : f32 to vector<16xf32>
      %swap3A_94 = arith.constant 0 : i32
      %swap3A_95 = arith.index_cast %swap3A_94 : i32 to index
      %swap3A_96 = arith.index_cast %scan3A_57 : i32 to index
      %swap3A_97 = arith.constant 64 : index
      %swap3A_98 = tpu.vector_load %arg10[%swap3A_95, %swap3A_96, %swap3A_97] {strides = array<i32>} : memref<2x128x128xf32, #tpu.memory_space<vmem>>, vector<1x1x16xf32>,
      %swap3A_99 = vector.shape_cast %swap3A_98 : vector<1x1x16xf32> to vector<16xf32>
      %swap3A_100 = vector.shape_cast %broadcast_in_dim3A_93 : vector<16xf32> to vector<1x1x16xf32>
      tpu.vector_store %arg10[%swap3A_95, %swap3A_96, %swap3A_97], %swap3A_100 {strides = array<i32>} : memref<2x128x128xf32, #tpu.memory_space<vmem>>, vector<1x1x16xf32>,
      %broadcast_in_dim3A_101 = arith.constant 0.000000e+00 : f32
      %broadcast_in_dim3A_102 = vector.broadcast %broadcast_in_dim3A_101 : f32 to vector<16xf32>
      %swap3A_103 = arith.constant 0 : i32
      %swap3A_104 = arith.index_cast %swap3A_103 : i32 to index
      %swap3A_105 = arith.index_cast %scan3A_57 : i32 to index
      %swap3A_106 = arith.constant 80 : index
      %swap3A_107 = tpu.vector_load %arg10[%swap3A_104, %swap3A_105, %swap3A_106] {strides = array<i32>} : memref<2x128x128xf32, #tpu.memory_space<vmem>>, vector<1x1x16xf32>,
      %swap3A_108 = vector.shape_cast %swap3A_107 : vector<1x1x16xf32> to vector<16xf32>
      %swap3A_109 = vector.shape_cast %broadcast_in_dim3A_102 : vector<16xf32> to vector<1x1x16xf32>
      tpu.vector_store %arg10[%swap3A_104, %swap3A_105, %swap3A_106], %swap3A_109 {strides = array<i32>} : memref<2x128x128xf32, #tpu.memory_space<vmem>>, vector<1x1x16xf32>,
      %broadcast_in_dim3A_110 = arith.constant 0.000000e+00 : f32
      %broadcast_in_dim3A_111 = vector.broadcast %broadcast_in_dim3A_110 : f32 to vector<16xf32>
      %swap3A_112 = arith.constant 0 : i32
      %swap3A_113 = arith.index_cast %swap3A_112 : i32 to index
      %swap3A_114 = arith.index_cast %scan3A_57 : i32 to index
      %swap3A_115 = arith.constant 96 : index
      %swap3A_116 = tpu.vector_load %arg10[%swap3A_113, %swap3A_114, %swap3A_115] {strides = array<i32>} : memref<2x128x128xf32, #tpu.memory_space<vmem>>, vector<1x1x16xf32>,
      %swap3A_117 = vector.shape_cast %swap3A_116 : vector<1x1x16xf32> to vector<16xf32>
      %swap3A_118 = vector.shape_cast %broadcast_in_dim3A_111 : vector<16xf32> to vector<1x1x16xf32>
      tpu.vector_store %arg10[%swap3A_113, %swap3A_114, %swap3A_115], %swap3A_118 {strides = array<i32>} : memref<2x128x128xf32, #tpu.memory_space<vmem>>, vector<1x1x16xf32>,
      %broadcast_in_dim3A_119 = arith.constant 0.000000e+00 : f32
      %broadcast_in_dim3A_120 = vector.broadcast %broadcast_in_dim3A_119 : f32 to vector<16xf32>
      %swap3A_121 = arith.constant 0 : i32
      %swap3A_122 = arith.index_cast %swap3A_121 : i32 to index
      %swap3A_123 = arith.index_cast %scan3A_57 : i32 to index
      %swap3A_124 = arith.constant 112 : index
      %swap3A_125 = tpu.vector_load %arg10[%swap3A_122, %swap3A_123, %swap3A_124] {strides = array<i32>} : memref<2x128x128xf32, #tpu.memory_space<vmem>>, vector<1x1x16xf32>,
      %swap3A_126 = vector.shape_cast %swap3A_125 : vector<1x1x16xf32> to vector<16xf32>
      %swap3A_127 = vector.shape_cast %broadcast_in_dim3A_120 : vector<16xf32> to vector<1x1x16xf32>
      tpu.vector_store %arg10[%swap3A_122, %swap3A_123, %swap3A_124], %swap3A_127 {strides = array<i32>} : memref<2x128x128xf32, #tpu.memory_space<vmem>>, vector<1x1x16xf32>,
    }
    %scan3A_5 = arith.constant 128 : i32
    %mul3A_6 = arith.constant 640 : i32
    %mul3A_7 = arith.muli %arg1, %mul3A_6 : i32
    %add3A_8 = arith.constant 0 : i32
    %add3A_9 = arith.addi %mul3A_7, %add3A_8 : i32
    %run_scoped3A = arith.constant 0 : i32
    "tpu.region"() ({
      %run_scoped3A_57 = tpu.sem_alloc : memref<!tpu.dma_semaphore, #tpu.memory_space<semaphore_mem>>
      %dma_start3A = arith.constant 0 : i32
      %dma_start3A_58 = arith.constant 0 : i32
      %dma_start3A_59 = tpu.memref_slice %arg10[%run_scoped3A, %dma_start3A, %dma_start3A_58] : memref<2x128x128xf32, #tpu.memory_space<vmem>> -> memref<1x128x128xf32, #tpu.memory_space<vmem>>
      %dma_start3A_60 = tpu.memref_squeeze %dma_start3A_59 : memref<1x128x128xf32, #tpu.memory_space<vmem>> -> memref<128x128xf32, #tpu.memory_space<vmem>>
      %dma_start3A_61 = arith.constant 0 : i32
      %dma_start3A_62 = tpu.memref_slice %arg11[%add3A_9, %dma_start3A_61] : memref<10240x128xf32, #tpu.memory_space<vmem_shared>> -> memref<128x128xf32, #tpu.memory_space<vmem_shared>>
      %dma_start3A_63 = arith.constant 0 : i32
      %dma_start3A_64 = tpu.memref_slice %arg11[%add3A_9, %dma_start3A_63] : memref<10240x128xf32, #tpu.memory_space<vmem_shared>> -> memref<128x128xf32, #tpu.memory_space<vmem_shared>>
      %dma_start3A_65 = arith.constant 0 : i32
      %dma_start3A_66 = arith.constant 0 : i32
      %dma_start3A_67 = tpu.memref_slice %arg10[%run_scoped3A, %dma_start3A_65, %dma_start3A_66] : memref<2x128x128xf32, #tpu.memory_space<vmem>> -> memref<1x128x128xf32, #tpu.memory_space<vmem>>
      %dma_start3A_68 = tpu.memref_squeeze %dma_start3A_67 : memref<1x128x128xf32, #tpu.memory_space<vmem>> -> memref<128x128xf32, #tpu.memory_space<vmem>>
      tpu.enqueue_dma source(%dma_start3A_68 : memref<128x128xf32, #tpu.memory_space<vmem>>) target(%dma_start3A_64 : memref<128x128xf32, #tpu.memory_space<vmem_shared>>) target_semaphore(%run_scoped3A_57 : memref<!tpu.dma_semaphore, #tpu.memory_space<semaphore_mem>>)
      %dma_wait3A = arith.constant 0 : i32
      %dma_wait3A_69 = arith.constant 0 : i32
      %dma_wait3A_70 = tpu.memref_slice %arg10[%run_scoped3A, %dma_wait3A, %dma_wait3A_69] : memref<2x128x128xf32, #tpu.memory_space<vmem>> -> memref<1x128x128xf32, #tpu.memory_space<vmem>>
      %dma_wait3A_71 = tpu.memref_squeeze %dma_wait3A_70 : memref<1x128x128xf32, #tpu.memory_space<vmem>> -> memref<128x128xf32, #tpu.memory_space<vmem>>
      %dma_wait3A_72 = arith.constant 0 : i32
      %dma_wait3A_73 = tpu.memref_slice %arg11[%add3A_9, %dma_wait3A_72] : memref<10240x128xf32, #tpu.memory_space<vmem_shared>> -> memref<128x128xf32, #tpu.memory_space<vmem_shared>>
      %dma_wait3A_74 = arith.constant 0 : i32
      %dma_wait3A_75 = tpu.memref_slice %arg11[%add3A_9, %dma_wait3A_74] : memref<10240x128xf32, #tpu.memory_space<vmem_shared>> -> memref<128x128xf32, #tpu.memory_space<vmem_shared>>
      %dma_wait3A_76 = arith.constant 0 : i32
      %dma_wait3A_77 = arith.constant 0 : i32
      %dma_wait3A_78 = tpu.memref_slice %arg10[%run_scoped3A, %dma_wait3A_76, %dma_wait3A_77] : memref<2x128x128xf32, #tpu.memory_space<vmem>> -> memref<1x128x128xf32, #tpu.memory_space<vmem>>
      %dma_wait3A_79 = tpu.memref_squeeze %dma_wait3A_78 : memref<1x128x128xf32, #tpu.memory_space<vmem>> -> memref<128x128xf32, #tpu.memory_space<vmem>>
      tpu.wait_dma2 semaphore(%run_scoped3A_57 : memref<!tpu.dma_semaphore, #tpu.memory_space<semaphore_mem>>) src(%dma_wait3A_79 : memref<128x128xf32, #tpu.memory_space<vmem>>) dst(%dma_wait3A_75 : memref<128x128xf32, #tpu.memory_space<vmem_shared>>)
      tpu.yield
    }) : () -> ()
    %mul3A_10 = arith.constant 640 : i32
    %mul3A_11 = arith.muli %arg1, %mul3A_10 : i32
    %add3A_12 = arith.constant 128 : i32
    %add3A_13 = arith.addi %mul3A_11, %add3A_12 : i32
    %run_scoped3A_14 = arith.constant 0 : i32
    "tpu.region"() ({
      %run_scoped3A_57 = tpu.sem_alloc : memref<!tpu.dma_semaphore, #tpu.memory_space<semaphore_mem>>
      %dma_start3A = arith.constant 0 : i32
      %dma_start3A_58 = arith.constant 0 : i32
      %dma_start3A_59 = tpu.memref_slice %arg10[%run_scoped3A_14, %dma_start3A, %dma_start3A_58] : memref<2x128x128xf32, #tpu.memory_space<vmem>> -> memref<1x128x128xf32, #tpu.memory_space<vmem>>
      %dma_start3A_60 = tpu.memref_squeeze %dma_start3A_59 : memref<1x128x128xf32, #tpu.memory_space<vmem>> -> memref<128x128xf32, #tpu.memory_space<vmem>>
      %dma_start3A_61 = arith.constant 0 : i32
      %dma_start3A_62 = tpu.memref_slice %arg11[%add3A_13, %dma_start3A_61] : memref<10240x128xf32, #tpu.memory_space<vmem_shared>> -> memref<128x128xf32, #tpu.memory_space<vmem_shared>>
      %dma_start3A_63 = arith.constant 0 : i32
      %dma_start3A_64 = tpu.memref_slice %arg11[%add3A_13, %dma_start3A_63] : memref<10240x128xf32, #tpu.memory_space<vmem_shared>> -> memref<128x128xf32, #tpu.memory_space<vmem_shared>>
      %dma_start3A_65 = arith.constant 0 : i32
      %dma_start3A_66 = arith.constant 0 : i32
      %dma_start3A_67 = tpu.memref_slice %arg10[%run_scoped3A_14, %dma_start3A_65, %dma_start3A_66] : memref<2x128x128xf32, #tpu.memory_space<vmem>> -> memref<1x128x128xf32, #tpu.memory_space<vmem>>
      %dma_start3A_68 = tpu.memref_squeeze %dma_start3A_67 : memref<1x128x128xf32, #tpu.memory_space<vmem>> -> memref<128x128xf32, #tpu.memory_space<vmem>>
      tpu.enqueue_dma source(%dma_start3A_68 : memref<128x128xf32, #tpu.memory_space<vmem>>) target(%dma_start3A_64 : memref<128x128xf32, #tpu.memory_space<vmem_shared>>) target_semaphore(%run_scoped3A_57 : memref<!tpu.dma_semaphore, #tpu.memory_space<semaphore_mem>>)
      %dma_wait3A = arith.constant 0 : i32
      %dma_wait3A_69 = arith.constant 0 : i32
      %dma_wait3A_70 = tpu.memref_slice %arg10[%run_scoped3A_14, %dma_wait3A, %dma_wait3A_69] : memref<2x128x128xf32, #tpu.memory_space<vmem>> -> memref<1x128x128xf32, #tpu.memory_space<vmem>>
      %dma_wait3A_71 = tpu.memref_squeeze %dma_wait3A_70 : memref<1x128x128xf32, #tpu.memory_space<vmem>> -> memref<128x128xf32, #tpu.memory_space<vmem>>
      %dma_wait3A_72 = arith.constant 0 : i32
      %dma_wait3A_73 = tpu.memref_slice %arg11[%add3A_13, %dma_wait3A_72] : memref<10240x128xf32, #tpu.memory_space<vmem_shared>> -> memref<128x128xf32, #tpu.memory_space<vmem_shared>>
      %dma_wait3A_74 = arith.constant 0 : i32
      %dma_wait3A_75 = tpu.memref_slice %arg11[%add3A_13, %dma_wait3A_74] : memref<10240x128xf32, #tpu.memory_space<vmem_shared>> -> memref<128x128xf32, #tpu.memory_space<vmem_shared>>
      %dma_wait3A_76 = arith.constant 0 : i32
      %dma_wait3A_77 = arith.constant 0 : i32
      %dma_wait3A_78 = tpu.memref_slice %arg10[%run_scoped3A_14, %dma_wait3A_76, %dma_wait3A_77] : memref<2x128x128xf32, #tpu.memory_space<vmem>> -> memref<1x128x128xf32, #tpu.memory_space<vmem>>
      %dma_wait3A_79 = tpu.memref_squeeze %dma_wait3A_78 : memref<1x128x128xf32, #tpu.memory_space<vmem>> -> memref<128x128xf32, #tpu.memory_space<vmem>>
      tpu.wait_dma2 semaphore(%run_scoped3A_57 : memref<!tpu.dma_semaphore, #tpu.memory_space<semaphore_mem>>) src(%dma_wait3A_79 : memref<128x128xf32, #tpu.memory_space<vmem>>) dst(%dma_wait3A_75 : memref<128x128xf32, #tpu.memory_space<vmem_shared>>)
      tpu.yield
    }) : () -> ()
    %mul3A_15 = arith.constant 640 : i32
    %mul3A_16 = arith.muli %arg1, %mul3A_15 : i32
    %add3A_17 = arith.constant 256 : i32
    %add3A_18 = arith.addi %mul3A_16, %add3A_17 : i32
    %run_scoped3A_19 = arith.constant 0 : i32
    "tpu.region"() ({
      %run_scoped3A_57 = tpu.sem_alloc : memref<!tpu.dma_semaphore, #tpu.memory_space<semaphore_mem>>
      %dma_start3A = arith.constant 0 : i32
      %dma_start3A_58 = arith.constant 0 : i32
      %dma_start3A_59 = tpu.memref_slice %arg10[%run_scoped3A_19, %dma_start3A, %dma_start3A_58] : memref<2x128x128xf32, #tpu.memory_space<vmem>> -> memref<1x128x128xf32, #tpu.memory_space<vmem>>
      %dma_start3A_60 = tpu.memref_squeeze %dma_start3A_59 : memref<1x128x128xf32, #tpu.memory_space<vmem>> -> memref<128x128xf32, #tpu.memory_space<vmem>>
      %dma_start3A_61 = arith.constant 0 : i32
      %dma_start3A_62 = tpu.memref_slice %arg11[%add3A_18, %dma_start3A_61] : memref<10240x128xf32, #tpu.memory_space<vmem_shared>> -> memref<128x128xf32, #tpu.memory_space<vmem_shared>>
      %dma_start3A_63 = arith.constant 0 : i32
      %dma_start3A_64 = tpu.memref_slice %arg11[%add3A_18, %dma_start3A_63] : memref<10240x128xf32, #tpu.memory_space<vmem_shared>> -> memref<128x128xf32, #tpu.memory_space<vmem_shared>>
      %dma_start3A_65 = arith.constant 0 : i32
      %dma_start3A_66 = arith.constant 0 : i32
      %dma_start3A_67 = tpu.memref_slice %arg10[%run_scoped3A_19, %dma_start3A_65, %dma_start3A_66] : memref<2x128x128xf32, #tpu.memory_space<vmem>> -> memref<1x128x128xf32, #tpu.memory_space<vmem>>
      %dma_start3A_68 = tpu.memref_squeeze %dma_start3A_67 : memref<1x128x128xf32, #tpu.memory_space<vmem>> -> memref<128x128xf32, #tpu.memory_space<vmem>>
      tpu.enqueue_dma source(%dma_start3A_68 : memref<128x128xf32, #tpu.memory_space<vmem>>) target(%dma_start3A_64 : memref<128x128xf32, #tpu.memory_space<vmem_shared>>) target_semaphore(%run_scoped3A_57 : memref<!tpu.dma_semaphore, #tpu.memory_space<semaphore_mem>>)
      %dma_wait3A = arith.constant 0 : i32
      %dma_wait3A_69 = arith.constant 0 : i32
      %dma_wait3A_70 = tpu.memref_slice %arg10[%run_scoped3A_19, %dma_wait3A, %dma_wait3A_69] : memref<2x128x128xf32, #tpu.memory_space<vmem>> -> memref<1x128x128xf32, #tpu.memory_space<vmem>>
      %dma_wait3A_71 = tpu.memref_squeeze %dma_wait3A_70 : memref<1x128x128xf32, #tpu.memory_space<vmem>> -> memref<128x128xf32, #tpu.memory_space<vmem>>
      %dma_wait3A_72 = arith.constant 0 : i32
      %dma_wait3A_73 = tpu.memref_slice %arg11[%add3A_18, %dma_wait3A_72] : memref<10240x128xf32, #tpu.memory_space<vmem_shared>> -> memref<128x128xf32, #tpu.memory_space<vmem_shared>>
      %dma_wait3A_74 = arith.constant 0 : i32
      %dma_wait3A_75 = tpu.memref_slice %arg11[%add3A_18, %dma_wait3A_74] : memref<10240x128xf32, #tpu.memory_space<vmem_shared>> -> memref<128x128xf32, #tpu.memory_space<vmem_shared>>
      %dma_wait3A_76 = arith.constant 0 : i32
      %dma_wait3A_77 = arith.constant 0 : i32
      %dma_wait3A_78 = tpu.memref_slice %arg10[%run_scoped3A_19, %dma_wait3A_76, %dma_wait3A_77] : memref<2x128x128xf32, #tpu.memory_space<vmem>> -> memref<1x128x128xf32, #tpu.memory_space<vmem>>
      %dma_wait3A_79 = tpu.memref_squeeze %dma_wait3A_78 : memref<1x128x128xf32, #tpu.memory_space<vmem>> -> memref<128x128xf32, #tpu.memory_space<vmem>>
      tpu.wait_dma2 semaphore(%run_scoped3A_57 : memref<!tpu.dma_semaphore, #tpu.memory_space<semaphore_mem>>) src(%dma_wait3A_79 : memref<128x128xf32, #tpu.memory_space<vmem>>) dst(%dma_wait3A_75 : memref<128x128xf32, #tpu.memory_space<vmem_shared>>)
      tpu.yield
    }) : () -> ()
    %mul3A_20 = arith.constant 640 : i32
    %mul3A_21 = arith.muli %arg1, %mul3A_20 : i32
    %add3A_22 = arith.constant 384 : i32
    %add3A_23 = arith.addi %mul3A_21, %add3A_22 : i32
    %run_scoped3A_24 = arith.constant 0 : i32
    "tpu.region"() ({
      %run_scoped3A_57 = tpu.sem_alloc : memref<!tpu.dma_semaphore, #tpu.memory_space<semaphore_mem>>
      %dma_start3A = arith.constant 0 : i32
      %dma_start3A_58 = arith.constant 0 : i32
      %dma_start3A_59 = tpu.memref_slice %arg10[%run_scoped3A_24, %dma_start3A, %dma_start3A_58] : memref<2x128x128xf32, #tpu.memory_space<vmem>> -> memref<1x128x128xf32, #tpu.memory_space<vmem>>
      %dma_start3A_60 = tpu.memref_squeeze %dma_start3A_59 : memref<1x128x128xf32, #tpu.memory_space<vmem>> -> memref<128x128xf32, #tpu.memory_space<vmem>>
      %dma_start3A_61 = arith.constant 0 : i32
      %dma_start3A_62 = tpu.memref_slice %arg11[%add3A_23, %dma_start3A_61] : memref<10240x128xf32, #tpu.memory_space<vmem_shared>> -> memref<128x128xf32, #tpu.memory_space<vmem_shared>>
      %dma_start3A_63 = arith.constant 0 : i32
      %dma_start3A_64 = tpu.memref_slice %arg11[%add3A_23, %dma_start3A_63] : memref<10240x128xf32, #tpu.memory_space<vmem_shared>> -> memref<128x128xf32, #tpu.memory_space<vmem_shared>>
      %dma_start3A_65 = arith.constant 0 : i32
      %dma_start3A_66 = arith.constant 0 : i32
      %dma_start3A_67 = tpu.memref_slice %arg10[%run_scoped3A_24, %dma_start3A_65, %dma_start3A_66] : memref<2x128x128xf32, #tpu.memory_space<vmem>> -> memref<1x128x128xf32, #tpu.memory_space<vmem>>
      %dma_start3A_68 = tpu.memref_squeeze %dma_start3A_67 : memref<1x128x128xf32, #tpu.memory_space<vmem>> -> memref<128x128xf32, #tpu.memory_space<vmem>>
      tpu.enqueue_dma source(%dma_start3A_68 : memref<128x128xf32, #tpu.memory_space<vmem>>) target(%dma_start3A_64 : memref<128x128xf32, #tpu.memory_space<vmem_shared>>) target_semaphore(%run_scoped3A_57 : memref<!tpu.dma_semaphore, #tpu.memory_space<semaphore_mem>>)
      %dma_wait3A = arith.constant 0 : i32
      %dma_wait3A_69 = arith.constant 0 : i32
      %dma_wait3A_70 = tpu.memref_slice %arg10[%run_scoped3A_24, %dma_wait3A, %dma_wait3A_69] : memref<2x128x128xf32, #tpu.memory_space<vmem>> -> memref<1x128x128xf32, #tpu.memory_space<vmem>>
      %dma_wait3A_71 = tpu.memref_squeeze %dma_wait3A_70 : memref<1x128x128xf32, #tpu.memory_space<vmem>> -> memref<128x128xf32, #tpu.memory_space<vmem>>
      %dma_wait3A_72 = arith.constant 0 : i32
      %dma_wait3A_73 = tpu.memref_slice %arg11[%add3A_23, %dma_wait3A_72] : memref<10240x128xf32, #tpu.memory_space<vmem_shared>> -> memref<128x128xf32, #tpu.memory_space<vmem_shared>>
      %dma_wait3A_74 = arith.constant 0 : i32
      %dma_wait3A_75 = tpu.memref_slice %arg11[%add3A_23, %dma_wait3A_74] : memref<10240x128xf32, #tpu.memory_space<vmem_shared>> -> memref<128x128xf32, #tpu.memory_space<vmem_shared>>
      %dma_wait3A_76 = arith.constant 0 : i32
      %dma_wait3A_77 = arith.constant 0 : i32
      %dma_wait3A_78 = tpu.memref_slice %arg10[%run_scoped3A_24, %dma_wait3A_76, %dma_wait3A_77] : memref<2x128x128xf32, #tpu.memory_space<vmem>> -> memref<1x128x128xf32, #tpu.memory_space<vmem>>
      %dma_wait3A_79 = tpu.memref_squeeze %dma_wait3A_78 : memref<1x128x128xf32, #tpu.memory_space<vmem>> -> memref<128x128xf32, #tpu.memory_space<vmem>>
      tpu.wait_dma2 semaphore(%run_scoped3A_57 : memref<!tpu.dma_semaphore, #tpu.memory_space<semaphore_mem>>) src(%dma_wait3A_79 : memref<128x128xf32, #tpu.memory_space<vmem>>) dst(%dma_wait3A_75 : memref<128x128xf32, #tpu.memory_space<vmem_shared>>)
      tpu.yield
    }) : () -> ()
    %mul3A_25 = arith.constant 640 : i32
    %mul3A_26 = arith.muli %arg1, %mul3A_25 : i32
    %add3A_27 = arith.constant 512 : i32
    %add3A_28 = arith.addi %mul3A_26, %add3A_27 : i32
    %run_scoped3A_29 = arith.constant 0 : i32
    "tpu.region"() ({
      %run_scoped3A_57 = tpu.sem_alloc : memref<!tpu.dma_semaphore, #tpu.memory_space<semaphore_mem>>
      %dma_start3A = arith.constant 0 : i32
      %dma_start3A_58 = arith.constant 0 : i32
      %dma_start3A_59 = tpu.memref_slice %arg10[%run_scoped3A_29, %dma_start3A, %dma_start3A_58] : memref<2x128x128xf32, #tpu.memory_space<vmem>> -> memref<1x128x128xf32, #tpu.memory_space<vmem>>
      %dma_start3A_60 = tpu.memref_squeeze %dma_start3A_59 : memref<1x128x128xf32, #tpu.memory_space<vmem>> -> memref<128x128xf32, #tpu.memory_space<vmem>>
      %dma_start3A_61 = arith.constant 0 : i32
      %dma_start3A_62 = tpu.memref_slice %arg11[%add3A_28, %dma_start3A_61] : memref<10240x128xf32, #tpu.memory_space<vmem_shared>> -> memref<128x128xf32, #tpu.memory_space<vmem_shared>>
      %dma_start3A_63 = arith.constant 0 : i32
      %dma_start3A_64 = tpu.memref_slice %arg11[%add3A_28, %dma_start3A_63] : memref<10240x128xf32, #tpu.memory_space<vmem_shared>> -> memref<128x128xf32, #tpu.memory_space<vmem_shared>>
      %dma_start3A_65 = arith.constant 0 : i32
      %dma_start3A_66 = arith.constant 0 : i32
      %dma_start3A_67 = tpu.memref_slice %arg10[%run_scoped3A_29, %dma_start3A_65, %dma_start3A_66] : memref<2x128x128xf32, #tpu.memory_space<vmem>> -> memref<1x128x128xf32, #tpu.memory_space<vmem>>
      %dma_start3A_68 = tpu.memref_squeeze %dma_start3A_67 : memref<1x128x128xf32, #tpu.memory_space<vmem>> -> memref<128x128xf32, #tpu.memory_space<vmem>>
      tpu.enqueue_dma source(%dma_start3A_68 : memref<128x128xf32, #tpu.memory_space<vmem>>) target(%dma_start3A_64 : memref<128x128xf32, #tpu.memory_space<vmem_shared>>) target_semaphore(%run_scoped3A_57 : memref<!tpu.dma_semaphore, #tpu.memory_space<semaphore_mem>>)
      %dma_wait3A = arith.constant 0 : i32
      %dma_wait3A_69 = arith.constant 0 : i32
      %dma_wait3A_70 = tpu.memref_slice %arg10[%run_scoped3A_29, %dma_wait3A, %dma_wait3A_69] : memref<2x128x128xf32, #tpu.memory_space<vmem>> -> memref<1x128x128xf32, #tpu.memory_space<vmem>>
      %dma_wait3A_71 = tpu.memref_squeeze %dma_wait3A_70 : memref<1x128x128xf32, #tpu.memory_space<vmem>> -> memref<128x128xf32, #tpu.memory_space<vmem>>
      %dma_wait3A_72 = arith.constant 0 : i32
      %dma_wait3A_73 = tpu.memref_slice %arg11[%add3A_28, %dma_wait3A_72] : memref<10240x128xf32, #tpu.memory_space<vmem_shared>> -> memref<128x128xf32, #tpu.memory_space<vmem_shared>>
      %dma_wait3A_74 = arith.constant 0 : i32
      %dma_wait3A_75 = tpu.memref_slice %arg11[%add3A_28, %dma_wait3A_74] : memref<10240x128xf32, #tpu.memory_space<vmem_shared>> -> memref<128x128xf32, #tpu.memory_space<vmem_shared>>
      %dma_wait3A_76 = arith.constant 0 : i32
      %dma_wait3A_77 = arith.constant 0 : i32
      %dma_wait3A_78 = tpu.memref_slice %arg10[%run_scoped3A_29, %dma_wait3A_76, %dma_wait3A_77] : memref<2x128x128xf32, #tpu.memory_space<vmem>> -> memref<1x128x128xf32, #tpu.memory_space<vmem>>
      %dma_wait3A_79 = tpu.memref_squeeze %dma_wait3A_78 : memref<1x128x128xf32, #tpu.memory_space<vmem>> -> memref<128x128xf32, #tpu.memory_space<vmem>>
      tpu.wait_dma2 semaphore(%run_scoped3A_57 : memref<!tpu.dma_semaphore, #tpu.memory_space<semaphore_mem>>) src(%dma_wait3A_79 : memref<128x128xf32, #tpu.memory_space<vmem>>) dst(%dma_wait3A_75 : memref<128x128xf32, #tpu.memory_space<vmem_shared>>)
      tpu.yield
    }) : () -> ()
    %barrier3A = arith.constant 0 : index
    tpu.barrier barrier_id(%barrier3A)
    %scan3A_30 = arith.constant 0 : i32
    %scan3A_31 = arith.constant 0 : i32
    %scan3A_32 = arith.constant 10 : i32
    %scan3A_33 = arith.addi %scan3A_31, %scan3A_32 : i32
    %scan3A_34 = arith.constant 1 : i32
    scf.for %scan3A_57 = %scan3A_31 to %scan3A_33 step %scan3A_34  : i32 {
      %mul3A_58 = arith.constant 8 : i32
      %mul3A_59 = arith.muli %scan3A_57, %mul3A_58 : i32
      %run_scoped3A_60 = arith.constant 0 : i32
      "tpu.region"() ({
        %run_scoped3A_69 = tpu.sem_alloc : memref<!tpu.dma_semaphore, #tpu.memory_space<semaphore_mem>>
        %dma_start3A = arith.constant 0 : i32
        %dma_start3A_70 = arith.constant 0 : i32
        %dma_start3A_71 = tpu.memref_slice %arg7[%run_scoped3A_60, %dma_start3A, %dma_start3A_70] : memref<1x8x128xi32, #tpu.memory_space<vmem>> -> memref<1x8x128xi32, #tpu.memory_space<vmem>>
        %dma_start3A_72 = tpu.memref_squeeze %dma_start3A_71 : memref<1x8x128xi32, #tpu.memory_space<vmem>> -> memref<8x128xi32, #tpu.memory_space<vmem>>
        %dma_start3A_73 = arith.constant 0 : i32
        %dma_start3A_74 = arith.constant 0 : i32
        %dma_start3A_75 = tpu.memref_slice %arg3[%add3A, %dma_start3A_73, %dma_start3A_74] : memref<32x80x128xi32, #tpu.memory_space<hbm>> -> memref<1x80x128xi32, #tpu.memory_space<hbm>>
        %dma_start3A_76 = tpu.memref_squeeze %dma_start3A_75 : memref<1x80x128xi32, #tpu.memory_space<hbm>> -> memref<80x128xi32, #tpu.memory_space<hbm>>
        %dma_start3A_77 = arith.constant 0 : i32
        %dma_start3A_78 = tpu.memref_slice %dma_start3A_76[%mul3A_59, %dma_start3A_77] : memref<80x128xi32, #tpu.memory_space<hbm>> -> memref<8x128xi32, #tpu.memory_space<hbm>>
        %dma_start3A_79 = arith.constant 0 : i32
        %dma_start3A_80 = arith.constant 0 : i32
        %dma_start3A_81 = tpu.memref_slice %arg7[%run_scoped3A_60, %dma_start3A_79, %dma_start3A_80] : memref<1x8x128xi32, #tpu.memory_space<vmem>> -> memref<1x8x128xi32, #tpu.memory_space<vmem>>
        %dma_start3A_82 = tpu.memref_squeeze %dma_start3A_81 : memref<1x8x128xi32, #tpu.memory_space<vmem>> -> memref<8x128xi32, #tpu.memory_space<vmem>>
        %dma_start3A_83 = arith.constant 0 : i32
        %dma_start3A_84 = arith.constant 0 : i32
        %dma_start3A_85 = tpu.memref_slice %arg3[%add3A, %dma_start3A_83, %dma_start3A_84] : memref<32x80x128xi32, #tpu.memory_space<hbm>> -> memref<1x80x128xi32, #tpu.memory_space<hbm>>
        %dma_start3A_86 = tpu.memref_squeeze %dma_start3A_85 : memref<1x80x128xi32, #tpu.memory_space<hbm>> -> memref<80x128xi32, #tpu.memory_space<hbm>>
        %dma_start3A_87 = arith.constant 0 : i32
        %dma_start3A_88 = tpu.memref_slice %dma_start3A_86[%mul3A_59, %dma_start3A_87] : memref<80x128xi32, #tpu.memory_space<hbm>> -> memref<8x128xi32, #tpu.memory_space<hbm>>
        tpu.enqueue_dma source(%dma_start3A_88 : memref<8x128xi32, #tpu.memory_space<hbm>>) target(%dma_start3A_82 : memref<8x128xi32, #tpu.memory_space<vmem>>) target_semaphore(%run_scoped3A_69 : memref<!tpu.dma_semaphore, #tpu.memory_space<semaphore_mem>>)
        %dma_wait3A = arith.constant 0 : i32
        %dma_wait3A_89 = arith.constant 0 : i32
        %dma_wait3A_90 = tpu.memref_slice %arg7[%run_scoped3A_60, %dma_wait3A, %dma_wait3A_89] : memref<1x8x128xi32, #tpu.memory_space<vmem>> -> memref<1x8x128xi32, #tpu.memory_space<vmem>>
        %dma_wait3A_91 = tpu.memref_squeeze %dma_wait3A_90 : memref<1x8x128xi32, #tpu.memory_space<vmem>> -> memref<8x128xi32, #tpu.memory_space<vmem>>
        %dma_wait3A_92 = arith.constant 0 : i32
        %dma_wait3A_93 = arith.constant 0 : i32
        %dma_wait3A_94 = tpu.memref_slice %arg3[%add3A, %dma_wait3A_92, %dma_wait3A_93] : memref<32x80x128xi32, #tpu.memory_space<hbm>> -> memref<1x80x128xi32, #tpu.memory_space<hbm>>
        %dma_wait3A_95 = tpu.memref_squeeze %dma_wait3A_94 : memref<1x80x128xi32, #tpu.memory_space<hbm>> -> memref<80x128xi32, #tpu.memory_space<hbm>>
        %dma_wait3A_96 = arith.constant 0 : i32
        %dma_wait3A_97 = tpu.memref_slice %dma_wait3A_95[%mul3A_59, %dma_wait3A_96] : memref<80x128xi32, #tpu.memory_space<hbm>> -> memref<8x128xi32, #tpu.memory_space<hbm>>
        %dma_wait3A_98 = arith.constant 0 : i32
        %dma_wait3A_99 = arith.constant 0 : i32
        %dma_wait3A_100 = tpu.memref_slice %arg7[%run_scoped3A_60, %dma_wait3A_98, %dma_wait3A_99] : memref<1x8x128xi32, #tpu.memory_space<vmem>> -> memref<1x8x128xi32, #tpu.memory_space<vmem>>
        %dma_wait3A_101 = tpu.memref_squeeze %dma_wait3A_100 : memref<1x8x128xi32, #tpu.memory_space<vmem>> -> memref<8x128xi32, #tpu.memory_space<vmem>>
        %dma_wait3A_102 = arith.constant 0 : i32
        %dma_wait3A_103 = arith.constant 0 : i32
        %dma_wait3A_104 = tpu.memref_slice %arg3[%add3A, %dma_wait3A_102, %dma_wait3A_103] : memref<32x80x128xi32, #tpu.memory_space<hbm>> -> memref<1x80x128xi32, #tpu.memory_space<hbm>>
        %dma_wait3A_105 = tpu.memref_squeeze %dma_wait3A_104 : memref<1x80x128xi32, #tpu.memory_space<hbm>> -> memref<80x128xi32, #tpu.memory_space<hbm>>
        %dma_wait3A_106 = arith.constant 0 : i32
        %dma_wait3A_107 = tpu.memref_slice %dma_wait3A_105[%mul3A_59, %dma_wait3A_106] : memref<80x128xi32, #tpu.memory_space<hbm>> -> memref<8x128xi32, #tpu.memory_space<hbm>>
        tpu.wait_dma2 semaphore(%run_scoped3A_69 : memref<!tpu.dma_semaphore, #tpu.memory_space<semaphore_mem>>) src(%dma_wait3A_107 : memref<8x128xi32, #tpu.memory_space<hbm>>) dst(%dma_wait3A_101 : memref<8x128xi32, #tpu.memory_space<vmem>>)
        tpu.yield
      }) : () -> ()
      %run_scoped3A_61 = arith.constant 0 : i32
      "tpu.region"() ({
        %run_scoped3A_69 = tpu.sem_alloc : memref<!tpu.dma_semaphore, #tpu.memory_space<semaphore_mem>>
        %dma_start3A = arith.constant 0 : i32
        %dma_start3A_70 = arith.constant 0 : i32
        %dma_start3A_71 = tpu.memref_slice %arg8[%run_scoped3A_61, %dma_start3A, %dma_start3A_70] : memref<1x8x128xi32, #tpu.memory_space<vmem>> -> memref<1x8x128xi32, #tpu.memory_space<vmem>>
        %dma_start3A_72 = tpu.memref_squeeze %dma_start3A_71 : memref<1x8x128xi32, #tpu.memory_space<vmem>> -> memref<8x128xi32, #tpu.memory_space<vmem>>
        %dma_start3A_73 = arith.constant 0 : i32
        %dma_start3A_74 = arith.constant 0 : i32
        %dma_start3A_75 = tpu.memref_slice %arg4[%add3A, %dma_start3A_73, %dma_start3A_74] : memref<32x80x128xi32, #tpu.memory_space<hbm>> -> memref<1x80x128xi32, #tpu.memory_space<hbm>>
        %dma_start3A_76 = tpu.memref_squeeze %dma_start3A_75 : memref<1x80x128xi32, #tpu.memory_space<hbm>> -> memref<80x128xi32, #tpu.memory_space<hbm>>
        %dma_start3A_77 = arith.constant 0 : i32
        %dma_start3A_78 = tpu.memref_slice %dma_start3A_76[%mul3A_59, %dma_start3A_77] : memref<80x128xi32, #tpu.memory_space<hbm>> -> memref<8x128xi32, #tpu.memory_space<hbm>>
        %dma_start3A_79 = arith.constant 0 : i32
        %dma_start3A_80 = arith.constant 0 : i32
        %dma_start3A_81 = tpu.memref_slice %arg8[%run_scoped3A_61, %dma_start3A_79, %dma_start3A_80] : memref<1x8x128xi32, #tpu.memory_space<vmem>> -> memref<1x8x128xi32, #tpu.memory_space<vmem>>
        %dma_start3A_82 = tpu.memref_squeeze %dma_start3A_81 : memref<1x8x128xi32, #tpu.memory_space<vmem>> -> memref<8x128xi32, #tpu.memory_space<vmem>>
        %dma_start3A_83 = arith.constant 0 : i32
        %dma_start3A_84 = arith.constant 0 : i32
        %dma_start3A_85 = tpu.memref_slice %arg4[%add3A, %dma_start3A_83, %dma_start3A_84] : memref<32x80x128xi32, #tpu.memory_space<hbm>> -> memref<1x80x128xi32, #tpu.memory_space<hbm>>
        %dma_start3A_86 = tpu.memref_squeeze %dma_start3A_85 : memref<1x80x128xi32, #tpu.memory_space<hbm>> -> memref<80x128xi32, #tpu.memory_space<hbm>>
        %dma_start3A_87 = arith.constant 0 : i32
        %dma_start3A_88 = tpu.memref_slice %dma_start3A_86[%mul3A_59, %dma_start3A_87] : memref<80x128xi32, #tpu.memory_space<hbm>> -> memref<8x128xi32, #tpu.memory_space<hbm>>
        tpu.enqueue_dma source(%dma_start3A_88 : memref<8x128xi32, #tpu.memory_space<hbm>>) target(%dma_start3A_82 : memref<8x128xi32, #tpu.memory_space<vmem>>) target_semaphore(%run_scoped3A_69 : memref<!tpu.dma_semaphore, #tpu.memory_space<semaphore_mem>>)
        %dma_wait3A = arith.constant 0 : i32
        %dma_wait3A_89 = arith.constant 0 : i32
        %dma_wait3A_90 = tpu.memref_slice %arg8[%run_scoped3A_61, %dma_wait3A, %dma_wait3A_89] : memref<1x8x128xi32, #tpu.memory_space<vmem>> -> memref<1x8x128xi32, #tpu.memory_space<vmem>>
        %dma_wait3A_91 = tpu.memref_squeeze %dma_wait3A_90 : memref<1x8x128xi32, #tpu.memory_space<vmem>> -> memref<8x128xi32, #tpu.memory_space<vmem>>
        %dma_wait3A_92 = arith.constant 0 : i32
        %dma_wait3A_93 = arith.constant 0 : i32
        %dma_wait3A_94 = tpu.memref_slice %arg4[%add3A, %dma_wait3A_92, %dma_wait3A_93] : memref<32x80x128xi32, #tpu.memory_space<hbm>> -> memref<1x80x128xi32, #tpu.memory_space<hbm>>
        %dma_wait3A_95 = tpu.memref_squeeze %dma_wait3A_94 : memref<1x80x128xi32, #tpu.memory_space<hbm>> -> memref<80x128xi32, #tpu.memory_space<hbm>>
        %dma_wait3A_96 = arith.constant 0 : i32
        %dma_wait3A_97 = tpu.memref_slice %dma_wait3A_95[%mul3A_59, %dma_wait3A_96] : memref<80x128xi32, #tpu.memory_space<hbm>> -> memref<8x128xi32, #tpu.memory_space<hbm>>
        %dma_wait3A_98 = arith.constant 0 : i32
        %dma_wait3A_99 = arith.constant 0 : i32
        %dma_wait3A_100 = tpu.memref_slice %arg8[%run_scoped3A_61, %dma_wait3A_98, %dma_wait3A_99] : memref<1x8x128xi32, #tpu.memory_space<vmem>> -> memref<1x8x128xi32, #tpu.memory_space<vmem>>
        %dma_wait3A_101 = tpu.memref_squeeze %dma_wait3A_100 : memref<1x8x128xi32, #tpu.memory_space<vmem>> -> memref<8x128xi32, #tpu.memory_space<vmem>>
        %dma_wait3A_102 = arith.constant 0 : i32
        %dma_wait3A_103 = arith.constant 0 : i32
        %dma_wait3A_104 = tpu.memref_slice %arg4[%add3A, %dma_wait3A_102, %dma_wait3A_103] : memref<32x80x128xi32, #tpu.memory_space<hbm>> -> memref<1x80x128xi32, #tpu.memory_space<hbm>>
        %dma_wait3A_105 = tpu.memref_squeeze %dma_wait3A_104 : memref<1x80x128xi32, #tpu.memory_space<hbm>> -> memref<80x128xi32, #tpu.memory_space<hbm>>
        %dma_wait3A_106 = arith.constant 0 : i32
        %dma_wait3A_107 = tpu.memref_slice %dma_wait3A_105[%mul3A_59, %dma_wait3A_106] : memref<80x128xi32, #tpu.memory_space<hbm>> -> memref<8x128xi32, #tpu.memory_space<hbm>>
        tpu.wait_dma2 semaphore(%run_scoped3A_69 : memref<!tpu.dma_semaphore, #tpu.memory_space<semaphore_mem>>) src(%dma_wait3A_107 : memref<8x128xi32, #tpu.memory_space<hbm>>) dst(%dma_wait3A_101 : memref<8x128xi32, #tpu.memory_space<vmem>>)
        tpu.yield
      }) : () -> ()
      %run_scoped3A_62 = arith.constant 0 : i32
      "tpu.region"() ({
        %run_scoped3A_69 = tpu.sem_alloc : memref<!tpu.dma_semaphore, #tpu.memory_space<semaphore_mem>>
        %dma_start3A = arith.constant 0 : i32
        %dma_start3A_70 = arith.constant 0 : i32
        %dma_start3A_71 = tpu.memref_slice %arg9[%run_scoped3A_62, %dma_start3A, %dma_start3A_70] : memref<1x8x128xf32, #tpu.memory_space<vmem>> -> memref<1x8x128xf32, #tpu.memory_space<vmem>>
        %dma_start3A_72 = tpu.memref_squeeze %dma_start3A_71 : memref<1x8x128xf32, #tpu.memory_space<vmem>> -> memref<8x128xf32, #tpu.memory_space<vmem>>
        %dma_start3A_73 = arith.constant 0 : i32
        %dma_start3A_74 = arith.constant 0 : i32
        %dma_start3A_75 = tpu.memref_slice %arg5[%add3A, %dma_start3A_73, %dma_start3A_74] : memref<32x80x128xf32, #tpu.memory_space<hbm>> -> memref<1x80x128xf32, #tpu.memory_space<hbm>>
        %dma_start3A_76 = tpu.memref_squeeze %dma_start3A_75 : memref<1x80x128xf32, #tpu.memory_space<hbm>> -> memref<80x128xf32, #tpu.memory_space<hbm>>
        %dma_start3A_77 = arith.constant 0 : i32
        %dma_start3A_78 = tpu.memref_slice %dma_start3A_76[%mul3A_59, %dma_start3A_77] : memref<80x128xf32, #tpu.memory_space<hbm>> -> memref<8x128xf32, #tpu.memory_space<hbm>>
        %dma_start3A_79 = arith.constant 0 : i32
        %dma_start3A_80 = arith.constant 0 : i32
        %dma_start3A_81 = tpu.memref_slice %arg9[%run_scoped3A_62, %dma_start3A_79, %dma_start3A_80] : memref<1x8x128xf32, #tpu.memory_space<vmem>> -> memref<1x8x128xf32, #tpu.memory_space<vmem>>
        %dma_start3A_82 = tpu.memref_squeeze %dma_start3A_81 : memref<1x8x128xf32, #tpu.memory_space<vmem>> -> memref<8x128xf32, #tpu.memory_space<vmem>>
        %dma_start3A_83 = arith.constant 0 : i32
        %dma_start3A_84 = arith.constant 0 : i32
        %dma_start3A_85 = tpu.memref_slice %arg5[%add3A, %dma_start3A_83, %dma_start3A_84] : memref<32x80x128xf32, #tpu.memory_space<hbm>> -> memref<1x80x128xf32, #tpu.memory_space<hbm>>
        %dma_start3A_86 = tpu.memref_squeeze %dma_start3A_85 : memref<1x80x128xf32, #tpu.memory_space<hbm>> -> memref<80x128xf32, #tpu.memory_space<hbm>>
        %dma_start3A_87 = arith.constant 0 : i32
        %dma_start3A_88 = tpu.memref_slice %dma_start3A_86[%mul3A_59, %dma_start3A_87] : memref<80x128xf32, #tpu.memory_space<hbm>> -> memref<8x128xf32, #tpu.memory_space<hbm>>
        tpu.enqueue_dma source(%dma_start3A_88 : memref<8x128xf32, #tpu.memory_space<hbm>>) target(%dma_start3A_82 : memref<8x128xf32, #tpu.memory_space<vmem>>) target_semaphore(%run_scoped3A_69 : memref<!tpu.dma_semaphore, #tpu.memory_space<semaphore_mem>>)
        %dma_wait3A = arith.constant 0 : i32
        %dma_wait3A_89 = arith.constant 0 : i32
        %dma_wait3A_90 = tpu.memref_slice %arg9[%run_scoped3A_62, %dma_wait3A, %dma_wait3A_89] : memref<1x8x128xf32, #tpu.memory_space<vmem>> -> memref<1x8x128xf32, #tpu.memory_space<vmem>>
        %dma_wait3A_91 = tpu.memref_squeeze %dma_wait3A_90 : memref<1x8x128xf32, #tpu.memory_space<vmem>> -> memref<8x128xf32, #tpu.memory_space<vmem>>
        %dma_wait3A_92 = arith.constant 0 : i32
        %dma_wait3A_93 = arith.constant 0 : i32
        %dma_wait3A_94 = tpu.memref_slice %arg5[%add3A, %dma_wait3A_92, %dma_wait3A_93] : memref<32x80x128xf32, #tpu.memory_space<hbm>> -> memref<1x80x128xf32, #tpu.memory_space<hbm>>
        %dma_wait3A_95 = tpu.memref_squeeze %dma_wait3A_94 : memref<1x80x128xf32, #tpu.memory_space<hbm>> -> memref<80x128xf32, #tpu.memory_space<hbm>>
        %dma_wait3A_96 = arith.constant 0 : i32
        %dma_wait3A_97 = tpu.memref_slice %dma_wait3A_95[%mul3A_59, %dma_wait3A_96] : memref<80x128xf32, #tpu.memory_space<hbm>> -> memref<8x128xf32, #tpu.memory_space<hbm>>
        %dma_wait3A_98 = arith.constant 0 : i32
        %dma_wait3A_99 = arith.constant 0 : i32
        %dma_wait3A_100 = tpu.memref_slice %arg9[%run_scoped3A_62, %dma_wait3A_98, %dma_wait3A_99] : memref<1x8x128xf32, #tpu.memory_space<vmem>> -> memref<1x8x128xf32, #tpu.memory_space<vmem>>
        %dma_wait3A_101 = tpu.memref_squeeze %dma_wait3A_100 : memref<1x8x128xf32, #tpu.memory_space<vmem>> -> memref<8x128xf32, #tpu.memory_space<vmem>>
        %dma_wait3A_102 = arith.constant 0 : i32
        %dma_wait3A_103 = arith.constant 0 : i32
        %dma_wait3A_104 = tpu.memref_slice %arg5[%add3A, %dma_wait3A_102, %dma_wait3A_103] : memref<32x80x128xf32, #tpu.memory_space<hbm>> -> memref<1x80x128xf32, #tpu.memory_space<hbm>>
        %dma_wait3A_105 = tpu.memref_squeeze %dma_wait3A_104 : memref<1x80x128xf32, #tpu.memory_space<hbm>> -> memref<80x128xf32, #tpu.memory_space<hbm>>
        %dma_wait3A_106 = arith.constant 0 : i32
        %dma_wait3A_107 = tpu.memref_slice %dma_wait3A_105[%mul3A_59, %dma_wait3A_106] : memref<80x128xf32, #tpu.memory_space<hbm>> -> memref<8x128xf32, #tpu.memory_space<hbm>>
        tpu.wait_dma2 semaphore(%run_scoped3A_69 : memref<!tpu.dma_semaphore, #tpu.memory_space<semaphore_mem>>) src(%dma_wait3A_107 : memref<8x128xf32, #tpu.memory_space<hbm>>) dst(%dma_wait3A_101 : memref<8x128xf32, #tpu.memory_space<vmem>>)
        tpu.yield
      }) : () -> ()
      %scan3A_63 = arith.constant 0 : i32
      %scan3A_64 = arith.constant 0 : i32
      %scan3A_65 = arith.constant 4 : i32
      %scan3A_66 = arith.addi %scan3A_64, %scan3A_65 : i32
      %scan3A_67 = arith.constant 1 : i32
      scf.for %scan3A_69 = %scan3A_64 to %scan3A_66 step %scan3A_67  : i32 {
        %mul3A_70 = arith.constant 2 : i32
        %mul3A_71 = arith.muli %mul3A_70, %scan3A_69 : i32
        %mul3A_72 = arith.constant 2 : i32
        %mul3A_73 = arith.muli %mul3A_72, %scan3A_69 : i32
        %add3A_74 = arith.constant 1 : i32
        %add3A_75 = arith.addi %mul3A_73, %add3A_74 : i32
        %dma_start3A = arith.constant 0 : i32
        %dma_start3A_76 = arith.constant 0 : i32
        %dma_start3A_77 = arith.constant 0 : i32
        %dma_start3A_78 = arith.constant 0 : i32
        %dma_start3A_79 = tpu.memref_slice %arg10[%dma_start3A_76, %dma_start3A_77, %dma_start3A_78] : memref<2x128x128xf32, #tpu.memory_space<vmem>> -> memref<1x128x128xf32, #tpu.memory_space<vmem>>
        %dma_start3A_80 = tpu.memref_squeeze %dma_start3A_79 : memref<1x128x128xf32, #tpu.memory_space<vmem>> -> memref<128x128xf32, #tpu.memory_space<vmem>>
        %dma_start3A_81 = arith.constant 0 : i32
        %dma_start3A_82 = arith.constant 0 : i32
        %dma_start3A_83 = tpu.memref_slice %arg7[%dma_start3A, %dma_start3A_81, %dma_start3A_82] : memref<1x8x128xi32, #tpu.memory_space<vmem>> -> memref<1x8x128xi32, #tpu.memory_space<vmem>>
        %dma_start3A_84 = tpu.memref_squeeze %dma_start3A_83 : memref<1x8x128xi32, #tpu.memory_space<vmem>> -> memref<8x128xi32, #tpu.memory_space<vmem>>
        %dma_start3A_85 = arith.constant 0 : i32
        %dma_start3A_86 = tpu.memref_slice %dma_start3A_84[%mul3A_71, %dma_start3A_85] : memref<8x128xi32, #tpu.memory_space<vmem>> -> memref<1x128xi32, #tpu.memory_space<vmem>>
        %dma_start3A_87 = tpu.memref_squeeze %dma_start3A_86 : memref<1x128xi32, #tpu.memory_space<vmem>> -> memref<128xi32, #tpu.memory_space<vmem>>
        %dma_start3A_88 = arith.constant 0 : i32
        %dma_start3A_89 = arith.constant 0 : i32
        %dma_start3A_90 = tpu.memref_slice %arg2[%dma_start3A_88, %dma_start3A_89] : memref<10000x128xf32, #tpu.memory_space<hbm>> -> memref<10000x128xf32, #tpu.memory_space<hbm>>
        tpu.enqueue_indirect_dma source(%dma_start3A_90 : memref<10000x128xf32, #tpu.memory_space<hbm>>) target(%dma_start3A_80 : memref<128x128xf32, #tpu.memory_space<vmem>>) offsets(%dma_start3A_87 : memref<128xi32, #tpu.memory_space<vmem>>) semaphore(%arg12 : memref<!tpu.dma_semaphore, #tpu.memory_space<semaphore_mem>>)
        %dma_start3A_91 = arith.constant 0 : i32
        %dma_start3A_92 = arith.constant 1 : i32
        %dma_start3A_93 = arith.constant 0 : i32
        %dma_start3A_94 = arith.constant 0 : i32
        %dma_start3A_95 = tpu.memref_slice %arg10[%dma_start3A_92, %dma_start3A_93, %dma_start3A_94] : memref<2x128x128xf32, #tpu.memory_space<vmem>> -> memref<1x128x128xf32, #tpu.memory_space<vmem>>
        %dma_start3A_96 = tpu.memref_squeeze %dma_start3A_95 : memref<1x128x128xf32, #tpu.memory_space<vmem>> -> memref<128x128xf32, #tpu.memory_space<vmem>>
        %dma_start3A_97 = arith.constant 0 : i32
        %dma_start3A_98 = arith.constant 0 : i32
        %dma_start3A_99 = tpu.memref_slice %arg7[%dma_start3A_91, %dma_start3A_97, %dma_start3A_98] : memref<1x8x128xi32, #tpu.memory_space<vmem>> -> memref<1x8x128xi32, #tpu.memory_space<vmem>>
        %dma_start3A_100 = tpu.memref_squeeze %dma_start3A_99 : memref<1x8x128xi32, #tpu.memory_space<vmem>> -> memref<8x128xi32, #tpu.memory_space<vmem>>
        %dma_start3A_101 = arith.constant 0 : i32
        %dma_start3A_102 = tpu.memref_slice %dma_start3A_100[%add3A_75, %dma_start3A_101] : memref<8x128xi32, #tpu.memory_space<vmem>> -> memref<1x128xi32, #tpu.memory_space<vmem>>
        %dma_start3A_103 = tpu.memref_squeeze %dma_start3A_102 : memref<1x128xi32, #tpu.memory_space<vmem>> -> memref<128xi32, #tpu.memory_space<vmem>>
        %dma_start3A_104 = arith.constant 0 : i32
        %dma_start3A_105 = arith.constant 0 : i32
        %dma_start3A_106 = tpu.memref_slice %arg2[%dma_start3A_104, %dma_start3A_105] : memref<10000x128xf32, #tpu.memory_space<hbm>> -> memref<10000x128xf32, #tpu.memory_space<hbm>>
        tpu.enqueue_indirect_dma source(%dma_start3A_106 : memref<10000x128xf32, #tpu.memory_space<hbm>>) target(%dma_start3A_96 : memref<128x128xf32, #tpu.memory_space<vmem>>) offsets(%dma_start3A_103 : memref<128xi32, #tpu.memory_space<vmem>>) semaphore(%arg13 : memref<!tpu.dma_semaphore, #tpu.memory_space<semaphore_mem>>)
        %dma_wait3A = arith.constant 0 : i32
        %dma_wait3A_107 = arith.constant 0 : i32
        %dma_wait3A_108 = arith.constant 0 : i32
        %dma_wait3A_109 = arith.constant 0 : i32
        %dma_wait3A_110 = tpu.memref_slice %arg10[%dma_wait3A_107, %dma_wait3A_108, %dma_wait3A_109] : memref<2x128x128xf32, #tpu.memory_space<vmem>> -> memref<1x128x128xf32, #tpu.memory_space<vmem>>
        %dma_wait3A_111 = tpu.memref_squeeze %dma_wait3A_110 : memref<1x128x128xf32, #tpu.memory_space<vmem>> -> memref<128x128xf32, #tpu.memory_space<vmem>>
        %dma_wait3A_112 = arith.constant 0 : i32
        %dma_wait3A_113 = arith.constant 0 : i32
        %dma_wait3A_114 = tpu.memref_slice %arg7[%dma_wait3A, %dma_wait3A_112, %dma_wait3A_113] : memref<1x8x128xi32, #tpu.memory_space<vmem>> -> memref<1x8x128xi32, #tpu.memory_space<vmem>>
        %dma_wait3A_115 = tpu.memref_squeeze %dma_wait3A_114 : memref<1x8x128xi32, #tpu.memory_space<vmem>> -> memref<8x128xi32, #tpu.memory_space<vmem>>
        %dma_wait3A_116 = arith.constant 0 : i32
        %dma_wait3A_117 = tpu.memref_slice %dma_wait3A_115[%mul3A_71, %dma_wait3A_116] : memref<8x128xi32, #tpu.memory_space<vmem>> -> memref<1x128xi32, #tpu.memory_space<vmem>>
        %dma_wait3A_118 = tpu.memref_squeeze %dma_wait3A_117 : memref<1x128xi32, #tpu.memory_space<vmem>> -> memref<128xi32, #tpu.memory_space<vmem>>
        %dma_wait3A_119 = arith.constant 0 : i32
        %dma_wait3A_120 = arith.constant 0 : i32
        %dma_wait3A_121 = tpu.memref_slice %arg2[%dma_wait3A_119, %dma_wait3A_120] : memref<10000x128xf32, #tpu.memory_space<hbm>> -> memref<10000x128xf32, #tpu.memory_space<hbm>>
        tpu.wait_indirect_dma semaphore(%arg12 : memref<!tpu.dma_semaphore, #tpu.memory_space<semaphore_mem>>) src(%dma_wait3A_121 : memref<10000x128xf32, #tpu.memory_space<hbm>>) dst(%dma_wait3A_111 : memref<128x128xf32, #tpu.memory_space<vmem>>)
        %scan3A_122 = arith.constant 0 : i32
        %scan3A_123 = arith.constant 0 : i32
        %scan3A_124 = arith.constant 8 : i32
        %scan3A_125 = arith.addi %scan3A_123, %scan3A_124 : i32
        %scan3A_126 = arith.constant 1 : i32
        scf.for %scan3A_214 = %scan3A_123 to %scan3A_125 step %scan3A_126  : i32 {
          %mul3A_215 = arith.constant 16 : i32
          %mul3A_216 = arith.muli %scan3A_214, %mul3A_215 : i32
          %get3A = arith.constant 0 : i32
          %get3A_217 = arith.index_cast %get3A : i32 to index
          %get3A_218 = arith.index_cast %mul3A_71 : i32 to index
          %get3A_219 = arith.index_cast %mul3A_216 : i32 to index
          %get3A_220 = tpu.vector_load %arg9[%get3A_217, %get3A_218, %get3A_219] {strides = array<i32>} : memref<1x8x128xf32, #tpu.memory_space<vmem>>, vector<1x1x16xf32>,
          %get3A_221 = vector.shape_cast %get3A_220 : vector<1x1x16xf32> to vector<16xf32>
          %slice3A = vector.extract_strided_slice %get3A_221 {offsets = [0], sizes = [1], strides = [1]} : vector<16xf32> to vector<1xf32>
          %squeeze3A = vector.extract %slice3A[0] : f32 from vector<1xf32>
          %broadcast_in_dim3A = vector.broadcast %squeeze3A : f32 to vector<16xf32>
          %mul3A_222 = arith.constant 16 : i32
          %mul3A_223 = arith.muli %scan3A_214, %mul3A_222 : i32
          %add3A_224 = arith.constant 0 : i32
          %add3A_225 = arith.addi %mul3A_223, %add3A_224 : i32
          %get3A_226 = arith.constant 0 : i32
          %get3A_227 = arith.index_cast %get3A_226 : i32 to index
          %get3A_228 = arith.index_cast %add3A_225 : i32 to index
          %get3A_229 = arith.constant 0 : index
          %get3A_230 = tpu.vector_load %arg10[%get3A_227, %get3A_228, %get3A_229] {strides = array<i32>} : memref<2x128x128xf32, #tpu.memory_space<vmem>>, vector<1x1x16xf32>,
          %get3A_231 = vector.shape_cast %get3A_230 : vector<1x1x16xf32> to vector<16xf32>
          %mul3A_232 = arith.mulf %get3A_231, %broadcast_in_dim3A : vector<16xf32>
          %swap3A = arith.constant 0 : i32
          %swap3A_233 = arith.index_cast %swap3A : i32 to index
          %swap3A_234 = arith.index_cast %add3A_225 : i32 to index
          %swap3A_235 = arith.constant 0 : index
          %swap3A_236 = tpu.vector_load %arg10[%swap3A_233, %swap3A_234, %swap3A_235] {strides = array<i32>} : memref<2x128x128xf32, #tpu.memory_space<vmem>>, vector<1x1x16xf32>,
          %swap3A_237 = vector.shape_cast %swap3A_236 : vector<1x1x16xf32> to vector<16xf32>
          %swap3A_238 = vector.shape_cast %mul3A_232 : vector<16xf32> to vector<1x1x16xf32>
          tpu.vector_store %arg10[%swap3A_233, %swap3A_234, %swap3A_235], %swap3A_238 {strides = array<i32>} : memref<2x128x128xf32, #tpu.memory_space<vmem>>, vector<1x1x16xf32>,
          %get3A_239 = arith.constant 0 : i32
          %get3A_240 = arith.index_cast %get3A_239 : i32 to index
          %get3A_241 = arith.index_cast %add3A_225 : i32 to index
          %get3A_242 = arith.constant 16 : index
          %get3A_243 = tpu.vector_load %arg10[%get3A_240, %get3A_241, %get3A_242] {strides = array<i32>} : memref<2x128x128xf32, #tpu.memory_space<vmem>>, vector<1x1x16xf32>,
          %get3A_244 = vector.shape_cast %get3A_243 : vector<1x1x16xf32> to vector<16xf32>
          %mul3A_245 = arith.mulf %get3A_244, %broadcast_in_dim3A : vector<16xf32>
          %swap3A_246 = arith.constant 0 : i32
          %swap3A_247 = arith.index_cast %swap3A_246 : i32 to index
          %swap3A_248 = arith.index_cast %add3A_225 : i32 to index
          %swap3A_249 = arith.constant 16 : index
          %swap3A_250 = tpu.vector_load %arg10[%swap3A_247, %swap3A_248, %swap3A_249] {strides = array<i32>} : memref<2x128x128xf32, #tpu.memory_space<vmem>>, vector<1x1x16xf32>,
          %swap3A_251 = vector.shape_cast %swap3A_250 : vector<1x1x16xf32> to vector<16xf32>
          %swap3A_252 = vector.shape_cast %mul3A_245 : vector<16xf32> to vector<1x1x16xf32>
          tpu.vector_store %arg10[%swap3A_247, %swap3A_248, %swap3A_249], %swap3A_252 {strides = array<i32>} : memref<2x128x128xf32, #tpu.memory_space<vmem>>, vector<1x1x16xf32>,
          %get3A_253 = arith.constant 0 : i32
          %get3A_254 = arith.index_cast %get3A_253 : i32 to index
          %get3A_255 = arith.index_cast %add3A_225 : i32 to index
          %get3A_256 = arith.constant 32 : index
          %get3A_257 = tpu.vector_load %arg10[%get3A_254, %get3A_255, %get3A_256] {strides = array<i32>} : memref<2x128x128xf32, #tpu.memory_space<vmem>>, vector<1x1x16xf32>,
          %get3A_258 = vector.shape_cast %get3A_257 : vector<1x1x16xf32> to vector<16xf32>
          %mul3A_259 = arith.mulf %get3A_258, %broadcast_in_dim3A : vector<16xf32>
          %swap3A_260 = arith.constant 0 : i32
          %swap3A_261 = arith.index_cast %swap3A_260 : i32 to index
          %swap3A_262 = arith.index_cast %add3A_225 : i32 to index
          %swap3A_263 = arith.constant 32 : index
          %swap3A_264 = tpu.vector_load %arg10[%swap3A_261, %swap3A_262, %swap3A_263] {strides = array<i32>} : memref<2x128x128xf32, #tpu.memory_space<vmem>>, vector<1x1x16xf32>,
          %swap3A_265 = vector.shape_cast %swap3A_264 : vector<1x1x16xf32> to vector<16xf32>
          %swap3A_266 = vector.shape_cast %mul3A_259 : vector<16xf32> to vector<1x1x16xf32>
          tpu.vector_store %arg10[%swap3A_261, %swap3A_262, %swap3A_263], %swap3A_266 {strides = array<i32>} : memref<2x128x128xf32, #tpu.memory_space<vmem>>, vector<1x1x16xf32>,
          %get3A_267 = arith.constant 0 : i32
          %get3A_268 = arith.index_cast %get3A_267 : i32 to index
          %get3A_269 = arith.index_cast %add3A_225 : i32 to index
          %get3A_270 = arith.constant 48 : index
          %get3A_271 = tpu.vector_load %arg10[%get3A_268, %get3A_269, %get3A_270] {strides = array<i32>} : memref<2x128x128xf32, #tpu.memory_space<vmem>>, vector<1x1x16xf32>,
          %get3A_272 = vector.shape_cast %get3A_271 : vector<1x1x16xf32> to vector<16xf32>
          %mul3A_273 = arith.mulf %get3A_272, %broadcast_in_dim3A : vector<16xf32>
          %swap3A_274 = arith.constant 0 : i32
          %swap3A_275 = arith.index_cast %swap3A_274 : i32 to index
          %swap3A_276 = arith.index_cast %add3A_225 : i32 to index
          %swap3A_277 = arith.constant 48 : index
          %swap3A_278 = tpu.vector_load %arg10[%swap3A_275, %swap3A_276, %swap3A_277] {strides = array<i32>} : memref<2x128x128xf32, #tpu.memory_space<vmem>>, vector<1x1x16xf32>,
          %swap3A_279 = vector.shape_cast %swap3A_278 : vector<1x1x16xf32> to vector<16xf32>
          %swap3A_280 = vector.shape_cast %mul3A_273 : vector<16xf32> to vector<1x1x16xf32>
          tpu.vector_store %arg10[%swap3A_275, %swap3A_276, %swap3A_277], %swap3A_280 {strides = array<i32>} : memref<2x128x128xf32, #tpu.memory_space<vmem>>, vector<1x1x16xf32>,
          %get3A_281 = arith.constant 0 : i32
          %get3A_282 = arith.index_cast %get3A_281 : i32 to index
          %get3A_283 = arith.index_cast %add3A_225 : i32 to index
          %get3A_284 = arith.constant 64 : index
          %get3A_285 = tpu.vector_load %arg10[%get3A_282, %get3A_283, %get3A_284] {strides = array<i32>} : memref<2x128x128xf32, #tpu.memory_space<vmem>>, vector<1x1x16xf32>,
          %get3A_286 = vector.shape_cast %get3A_285 : vector<1x1x16xf32> to vector<16xf32>
          %mul3A_287 = arith.mulf %get3A_286, %broadcast_in_dim3A : vector<16xf32>
          %swap3A_288 = arith.constant 0 : i32
          %swap3A_289 = arith.index_cast %swap3A_288 : i32 to index
          %swap3A_290 = arith.index_cast %add3A_225 : i32 to index
          %swap3A_291 = arith.constant 64 : index
          %swap3A_292 = tpu.vector_load %arg10[%swap3A_289, %swap3A_290, %swap3A_291] {strides = array<i32>} : memref<2x128x128xf32, #tpu.memory_space<vmem>>, vector<1x1x16xf32>,
          %swap3A_293 = vector.shape_cast %swap3A_292 : vector<1x1x16xf32> to vector<16xf32>
          %swap3A_294 = vector.shape_cast %mul3A_287 : vector<16xf32> to vector<1x1x16xf32>
          tpu.vector_store %arg10[%swap3A_289, %swap3A_290, %swap3A_291], %swap3A_294 {strides = array<i32>} : memref<2x128x128xf32, #tpu.memory_space<vmem>>, vector<1x1x16xf32>,
          %get3A_295 = arith.constant 0 : i32
          %get3A_296 = arith.index_cast %get3A_295 : i32 to index
          %get3A_297 = arith.index_cast %add3A_225 : i32 to index
          %get3A_298 = arith.constant 80 : index
          %get3A_299 = tpu.vector_load %arg10[%get3A_296, %get3A_297, %get3A_298] {strides = array<i32>} : memref<2x128x128xf32, #tpu.memory_space<vmem>>, vector<1x1x16xf32>,
          %get3A_300 = vector.shape_cast %get3A_299 : vector<1x1x16xf32> to vector<16xf32>
          %mul3A_301 = arith.mulf %get3A_300, %broadcast_in_dim3A : vector<16xf32>
          %swap3A_302 = arith.constant 0 : i32
          %swap3A_303 = arith.index_cast %swap3A_302 : i32 to index
          %swap3A_304 = arith.index_cast %add3A_225 : i32 to index
          %swap3A_305 = arith.constant 80 : index
          %swap3A_306 = tpu.vector_load %arg10[%swap3A_303, %swap3A_304, %swap3A_305] {strides = array<i32>} : memref<2x128x128xf32, #tpu.memory_space<vmem>>, vector<1x1x16xf32>,
          %swap3A_307 = vector.shape_cast %swap3A_306 : vector<1x1x16xf32> to vector<16xf32>
          %swap3A_308 = vector.shape_cast %mul3A_301 : vector<16xf32> to vector<1x1x16xf32>
          tpu.vector_store %arg10[%swap3A_303, %swap3A_304, %swap3A_305], %swap3A_308 {strides = array<i32>} : memref<2x128x128xf32, #tpu.memory_space<vmem>>, vector<1x1x16xf32>,
          %get3A_309 = arith.constant 0 : i32
          %get3A_310 = arith.index_cast %get3A_309 : i32 to index
          %get3A_311 = arith.index_cast %add3A_225 : i32 to index
          %get3A_312 = arith.constant 96 : index
          %get3A_313 = tpu.vector_load %arg10[%get3A_310, %get3A_311, %get3A_312] {strides = array<i32>} : memref<2x128x128xf32, #tpu.memory_space<vmem>>, vector<1x1x16xf32>,
          %get3A_314 = vector.shape_cast %get3A_313 : vector<1x1x16xf32> to vector<16xf32>
          %mul3A_315 = arith.mulf %get3A_314, %broadcast_in_dim3A : vector<16xf32>
          %swap3A_316 = arith.constant 0 : i32
          %swap3A_317 = arith.index_cast %swap3A_316 : i32 to index
          %swap3A_318 = arith.index_cast %add3A_225 : i32 to index
          %swap3A_319 = arith.constant 96 : index
          %swap3A_320 = tpu.vector_load %arg10[%swap3A_317, %swap3A_318, %swap3A_319] {strides = array<i32>} : memref<2x128x128xf32, #tpu.memory_space<vmem>>, vector<1x1x16xf32>,
          %swap3A_321 = vector.shape_cast %swap3A_320 : vector<1x1x16xf32> to vector<16xf32>
          %swap3A_322 = vector.shape_cast %mul3A_315 : vector<16xf32> to vector<1x1x16xf32>
          tpu.vector_store %arg10[%swap3A_317, %swap3A_318, %swap3A_319], %swap3A_322 {strides = array<i32>} : memref<2x128x128xf32, #tpu.memory_space<vmem>>, vector<1x1x16xf32>,
          %get3A_323 = arith.constant 0 : i32
          %get3A_324 = arith.index_cast %get3A_323 : i32 to index
          %get3A_325 = arith.index_cast %add3A_225 : i32 to index
          %get3A_326 = arith.constant 112 : index
          %get3A_327 = tpu.vector_load %arg10[%get3A_324, %get3A_325, %get3A_326] {strides = array<i32>} : memref<2x128x128xf32, #tpu.memory_space<vmem>>, vector<1x1x16xf32>,
          %get3A_328 = vector.shape_cast %get3A_327 : vector<1x1x16xf32> to vector<16xf32>
          %mul3A_329 = arith.mulf %get3A_328, %broadcast_in_dim3A : vector<16xf32>
          %swap3A_330 = arith.constant 0 : i32
          %swap3A_331 = arith.index_cast %swap3A_330 : i32 to index
          %swap3A_332 = arith.index_cast %add3A_225 : i32 to index
          %swap3A_333 = arith.constant 112 : index
          %swap3A_334 = tpu.vector_load %arg10[%swap3A_331, %swap3A_332, %swap3A_333] {strides = array<i32>} : memref<2x128x128xf32, #tpu.memory_space<vmem>>, vector<1x1x16xf32>,
          %swap3A_335 = vector.shape_cast %swap3A_334 : vector<1x1x16xf32> to vector<16xf32>
          %swap3A_336 = vector.shape_cast %mul3A_329 : vector<16xf32> to vector<1x1x16xf32>
          tpu.vector_store %arg10[%swap3A_331, %swap3A_332, %swap3A_333], %swap3A_336 {strides = array<i32>} : memref<2x128x128xf32, #tpu.memory_space<vmem>>, vector<1x1x16xf32>,
          %slice3A_337 = vector.extract_strided_slice %get3A_221 {offsets = [1], sizes = [1], strides = [1]} : vector<16xf32> to vector<1xf32>
          %squeeze3A_338 = vector.extract %slice3A_337[0] : f32 from vector<1xf32>
          %broadcast_in_dim3A_339 = vector.broadcast %squeeze3A_338 : f32 to vector<16xf32>
          %mul3A_340 = arith.constant 16 : i32
          %mul3A_341 = arith.muli %scan3A_214, %mul3A_340 : i32
          %add3A_342 = arith.constant 1 : i32
          %add3A_343 = arith.addi %mul3A_341, %add3A_342 : i32
          %get3A_344 = arith.constant 0 : i32
          %get3A_345 = arith.index_cast %get3A_344 : i32 to index
          %get3A_346 = arith.index_cast %add3A_343 : i32 to index
          %get3A_347 = arith.constant 0 : index
          %get3A_348 = tpu.vector_load %arg10[%get3A_345, %get3A_346, %get3A_347] {strides = array<i32>} : memref<2x128x128xf32, #tpu.memory_space<vmem>>, vector<1x1x16xf32>,
          %get3A_349 = vector.shape_cast %get3A_348 : vector<1x1x16xf32> to vector<16xf32>
          %mul3A_350 = arith.mulf %get3A_349, %broadcast_in_dim3A_339 : vector<16xf32>
          %swap3A_351 = arith.constant 0 : i32
          %swap3A_352 = arith.index_cast %swap3A_351 : i32 to index
          %swap3A_353 = arith.index_cast %add3A_343 : i32 to index
          %swap3A_354 = arith.constant 0 : index
          %swap3A_355 = tpu.vector_load %arg10[%swap3A_352, %swap3A_353, %swap3A_354] {strides = array<i32>} : memref<2x128x128xf32, #tpu.memory_space<vmem>>, vector<1x1x16xf32>,
          %swap3A_356 = vector.shape_cast %swap3A_355 : vector<1x1x16xf32> to vector<16xf32>
          %swap3A_357 = vector.shape_cast %mul3A_350 : vector<16xf32> to vector<1x1x16xf32>
          tpu.vector_store %arg10[%swap3A_352, %swap3A_353, %swap3A_354], %swap3A_357 {strides = array<i32>} : memref<2x128x128xf32, #tpu.memory_space<vmem>>, vector<1x1x16xf32>,
          %get3A_358 = arith.constant 0 : i32
          %get3A_359 = arith.index_cast %get3A_358 : i32 to index
          %get3A_360 = arith.index_cast %add3A_343 : i32 to index
          %get3A_361 = arith.constant 16 : index
          %get3A_362 = tpu.vector_load %arg10[%get3A_359, %get3A_360, %get3A_361] {strides = array<i32>} : memref<2x128x128xf32, #tpu.memory_space<vmem>>, vector<1x1x16xf32>,
          %get3A_363 = vector.shape_cast %get3A_362 : vector<1x1x16xf32> to vector<16xf32>
          %mul3A_364 = arith.mulf %get3A_363, %broadcast_in_dim3A_339 : vector<16xf32>
          %swap3A_365 = arith.constant 0 : i32
          %swap3A_366 = arith.index_cast %swap3A_365 : i32 to index
          %swap3A_367 = arith.index_cast %add3A_343 : i32 to index
          %swap3A_368 = arith.constant 16 : index
          %swap3A_369 = tpu.vector_load %arg10[%swap3A_366, %swap3A_367, %swap3A_368] {strides = array<i32>} : memref<2x128x128xf32, #tpu.memory_space<vmem>>, vector<1x1x16xf32>,
          %swap3A_370 = vector.shape_cast %swap3A_369 : vector<1x1x16xf32> to vector<16xf32>
          %swap3A_371 = vector.shape_cast %mul3A_364 : vector<16xf32> to vector<1x1x16xf32>
          tpu.vector_store %arg10[%swap3A_366, %swap3A_367, %swap3A_368], %swap3A_371 {strides = array<i32>} : memref<2x128x128xf32, #tpu.memory_space<vmem>>, vector<1x1x16xf32>,
          %get3A_372 = arith.constant 0 : i32
          %get3A_373 = arith.index_cast %get3A_372 : i32 to index
          %get3A_374 = arith.index_cast %add3A_343 : i32 to index
          %get3A_375 = arith.constant 32 : index
          %get3A_376 = tpu.vector_load %arg10[%get3A_373, %get3A_374, %get3A_375] {strides = array<i32>} : memref<2x128x128xf32, #tpu.memory_space<vmem>>, vector<1x1x16xf32>,
          %get3A_377 = vector.shape_cast %get3A_376 : vector<1x1x16xf32> to vector<16xf32>
          %mul3A_378 = arith.mulf %get3A_377, %broadcast_in_dim3A_339 : vector<16xf32>
          %swap3A_379 = arith.constant 0 : i32
          %swap3A_380 = arith.index_cast %swap3A_379 : i32 to index
          %swap3A_381 = arith.index_cast %add3A_343 : i32 to index
          %swap3A_382 = arith.constant 32 : index
          %swap3A_383 = tpu.vector_load %arg10[%swap3A_380, %swap3A_381, %swap3A_382] {strides = array<i32>} : memref<2x128x128xf32, #tpu.memory_space<vmem>>, vector<1x1x16xf32>,
          %swap3A_384 = vector.shape_cast %swap3A_383 : vector<1x1x16xf32> to vector<16xf32>
          %swap3A_385 = vector.shape_cast %mul3A_378 : vector<16xf32> to vector<1x1x16xf32>
          tpu.vector_store %arg10[%swap3A_380, %swap3A_381, %swap3A_382], %swap3A_385 {strides = array<i32>} : memref<2x128x128xf32, #tpu.memory_space<vmem>>, vector<1x1x16xf32>,
          %get3A_386 = arith.constant 0 : i32
          %get3A_387 = arith.index_cast %get3A_386 : i32 to index
          %get3A_388 = arith.index_cast %add3A_343 : i32 to index
          %get3A_389 = arith.constant 48 : index
          %get3A_390 = tpu.vector_load %arg10[%get3A_387, %get3A_388, %get3A_389] {strides = array<i32>} : memref<2x128x128xf32, #tpu.memory_space<vmem>>, vector<1x1x16xf32>,
          %get3A_391 = vector.shape_cast %get3A_390 : vector<1x1x16xf32> to vector<16xf32>
          %mul3A_392 = arith.mulf %get3A_391, %broadcast_in_dim3A_339 : vector<16xf32>
          %swap3A_393 = arith.constant 0 : i32
          %swap3A_394 = arith.index_cast %swap3A_393 : i32 to index
          %swap3A_395 = arith.index_cast %add3A_343 : i32 to index
          %swap3A_396 = arith.constant 48 : index
          %swap3A_397 = tpu.vector_load %arg10[%swap3A_394, %swap3A_395, %swap3A_396] {strides = array<i32>} : memref<2x128x128xf32, #tpu.memory_space<vmem>>, vector<1x1x16xf32>,
          %swap3A_398 = vector.shape_cast %swap3A_397 : vector<1x1x16xf32> to vector<16xf32>
          %swap3A_399 = vector.shape_cast %mul3A_392 : vector<16xf32> to vector<1x1x16xf32>
          tpu.vector_store %arg10[%swap3A_394, %swap3A_395, %swap3A_396], %swap3A_399 {strides = array<i32>} : memref<2x128x128xf32, #tpu.memory_space<vmem>>, vector<1x1x16xf32>,
          %get3A_400 = arith.constant 0 : i32
          %get3A_401 = arith.index_cast %get3A_400 : i32 to index
          %get3A_402 = arith.index_cast %add3A_343 : i32 to index
          %get3A_403 = arith.constant 64 : index
          %get3A_404 = tpu.vector_load %arg10[%get3A_401, %get3A_402, %get3A_403] {strides = array<i32>} : memref<2x128x128xf32, #tpu.memory_space<vmem>>, vector<1x1x16xf32>,
          %get3A_405 = vector.shape_cast %get3A_404 : vector<1x1x16xf32> to vector<16xf32>
          %mul3A_406 = arith.mulf %get3A_405, %broadcast_in_dim3A_339 : vector<16xf32>
          %swap3A_407 = arith.constant 0 : i32
          %swap3A_408 = arith.index_cast %swap3A_407 : i32 to index
          %swap3A_409 = arith.index_cast %add3A_343 : i32 to index
          %swap3A_410 = arith.constant 64 : index
          %swap3A_411 = tpu.vector_load %arg10[%swap3A_408, %swap3A_409, %swap3A_410] {strides = array<i32>} : memref<2x128x128xf32, #tpu.memory_space<vmem>>, vector<1x1x16xf32>,
          %swap3A_412 = vector.shape_cast %swap3A_411 : vector<1x1x16xf32> to vector<16xf32>
          %swap3A_413 = vector.shape_cast %mul3A_406 : vector<16xf32> to vector<1x1x16xf32>
          tpu.vector_store %arg10[%swap3A_408, %swap3A_409, %swap3A_410], %swap3A_413 {strides = array<i32>} : memref<2x128x128xf32, #tpu.memory_space<vmem>>, vector<1x1x16xf32>,
          %get3A_414 = arith.constant 0 : i32
          %get3A_415 = arith.index_cast %get3A_414 : i32 to index
          %get3A_416 = arith.index_cast %add3A_343 : i32 to index
          %get3A_417 = arith.constant 80 : index
          %get3A_418 = tpu.vector_load %arg10[%get3A_415, %get3A_416, %get3A_417] {strides = array<i32>} : memref<2x128x128xf32, #tpu.memory_space<vmem>>, vector<1x1x16xf32>,
          %get3A_419 = vector.shape_cast %get3A_418 : vector<1x1x16xf32> to vector<16xf32>
          %mul3A_420 = arith.mulf %get3A_419, %broadcast_in_dim3A_339 : vector<16xf32>
          %swap3A_421 = arith.constant 0 : i32
          %swap3A_422 = arith.index_cast %swap3A_421 : i32 to index
          %swap3A_423 = arith.index_cast %add3A_343 : i32 to index
          %swap3A_424 = arith.constant 80 : index
          %swap3A_425 = tpu.vector_load %arg10[%swap3A_422, %swap3A_423, %swap3A_424] {strides = array<i32>} : memref<2x128x128xf32, #tpu.memory_space<vmem>>, vector<1x1x16xf32>,
          %swap3A_426 = vector.shape_cast %swap3A_425 : vector<1x1x16xf32> to vector<16xf32>
          %swap3A_427 = vector.shape_cast %mul3A_420 : vector<16xf32> to vector<1x1x16xf32>
          tpu.vector_store %arg10[%swap3A_422, %swap3A_423, %swap3A_424], %swap3A_427 {strides = array<i32>} : memref<2x128x128xf32, #tpu.memory_space<vmem>>, vector<1x1x16xf32>,
          %get3A_428 = arith.constant 0 : i32
          %get3A_429 = arith.index_cast %get3A_428 : i32 to index
          %get3A_430 = arith.index_cast %add3A_343 : i32 to index
          %get3A_431 = arith.constant 96 : index
          %get3A_432 = tpu.vector_load %arg10[%get3A_429, %get3A_430, %get3A_431] {strides = array<i32>} : memref<2x128x128xf32, #tpu.memory_space<vmem>>, vector<1x1x16xf32>,
          %get3A_433 = vector.shape_cast %get3A_432 : vector<1x1x16xf32> to vector<16xf32>
          %mul3A_434 = arith.mulf %get3A_433, %broadcast_in_dim3A_339 : vector<16xf32>
          %swap3A_435 = arith.constant 0 : i32
          %swap3A_436 = arith.index_cast %swap3A_435 : i32 to index
          %swap3A_437 = arith.index_cast %add3A_343 : i32 to index
          %swap3A_438 = arith.constant 96 : index
          %swap3A_439 = tpu.vector_load %arg10[%swap3A_436, %swap3A_437, %swap3A_438] {strides = array<i32>} : memref<2x128x128xf32, #tpu.memory_space<vmem>>, vector<1x1x16xf32>,
          %swap3A_440 = vector.shape_cast %swap3A_439 : vector<1x1x16xf32> to vector<16xf32>
          %swap3A_441 = vector.shape_cast %mul3A_434 : vector<16xf32> to vector<1x1x16xf32>
          tpu.vector_store %arg10[%swap3A_436, %swap3A_437, %swap3A_438], %swap3A_441 {strides = array<i32>} : memref<2x128x128xf32, #tpu.memory_space<vmem>>, vector<1x1x16xf32>,
          %get3A_442 = arith.constant 0 : i32
          %get3A_443 = arith.index_cast %get3A_442 : i32 to index
          %get3A_444 = arith.index_cast %add3A_343 : i32 to index
          %get3A_445 = arith.constant 112 : index
          %get3A_446 = tpu.vector_load %arg10[%get3A_443, %get3A_444, %get3A_445] {strides = array<i32>} : memref<2x128x128xf32, #tpu.memory_space<vmem>>, vector<1x1x16xf32>,
          %get3A_447 = vector.shape_cast %get3A_446 : vector<1x1x16xf32> to vector<16xf32>
          %mul3A_448 = arith.mulf %get3A_447, %broadcast_in_dim3A_339 : vector<16xf32>
          %swap3A_449 = arith.constant 0 : i32
          %swap3A_450 = arith.index_cast %swap3A_449 : i32 to index
          %swap3A_451 = arith.index_cast %add3A_343 : i32 to index
          %swap3A_452 = arith.constant 112 : index
          %swap3A_453 = tpu.vector_load %arg10[%swap3A_450, %swap3A_451, %swap3A_452] {strides = array<i32>} : memref<2x128x128xf32, #tpu.memory_space<vmem>>, vector<1x1x16xf32>,
          %swap3A_454 = vector.shape_cast %swap3A_453 : vector<1x1x16xf32> to vector<16xf32>
          %swap3A_455 = vector.shape_cast %mul3A_448 : vector<16xf32> to vector<1x1x16xf32>
          tpu.vector_store %arg10[%swap3A_450, %swap3A_451, %swap3A_452], %swap3A_455 {strides = array<i32>} : memref<2x128x128xf32, #tpu.memory_space<vmem>>, vector<1x1x16xf32>,
          %slice3A_456 = vector.extract_strided_slice %get3A_221 {offsets = [2], sizes = [1], strides = [1]} : vector<16xf32> to vector<1xf32>
          %squeeze3A_457 = vector.extract %slice3A_456[0] : f32 from vector<1xf32>
          %broadcast_in_dim3A_458 = vector.broadcast %squeeze3A_457 : f32 to vector<16xf32>
          %mul3A_459 = arith.constant 16 : i32
          %mul3A_460 = arith.muli %scan3A_214, %mul3A_459 : i32
          %add3A_461 = arith.constant 2 : i32
          %add3A_462 = arith.addi %mul3A_460, %add3A_461 : i32
          %get3A_463 = arith.constant 0 : i32
          %get3A_464 = arith.index_cast %get3A_463 : i32 to index
          %get3A_465 = arith.index_cast %add3A_462 : i32 to index
          %get3A_466 = arith.constant 0 : index
          %get3A_467 = tpu.vector_load %arg10[%get3A_464, %get3A_465, %get3A_466] {strides = array<i32>} : memref<2x128x128xf32, #tpu.memory_space<vmem>>, vector<1x1x16xf32>,
          %get3A_468 = vector.shape_cast %get3A_467 : vector<1x1x16xf32> to vector<16xf32>
          %mul3A_469 = arith.mulf %get3A_468, %broadcast_in_dim3A_458 : vector<16xf32>
          %swap3A_470 = arith.constant 0 : i32
          %swap3A_471 = arith.index_cast %swap3A_470 : i32 to index
          %swap3A_472 = arith.index_cast %add3A_462 : i32 to index
          %swap3A_473 = arith.constant 0 : index
          %swap3A_474 = tpu.vector_load %arg10[%swap3A_471, %swap3A_472, %swap3A_473] {strides = array<i32>} : memref<2x128x128xf32, #tpu.memory_space<vmem>>, vector<1x1x16xf32>,
          %swap3A_475 = vector.shape_cast %swap3A_474 : vector<1x1x16xf32> to vector<16xf32>
          %swap3A_476 = vector.shape_cast %mul3A_469 : vector<16xf32> to vector<1x1x16xf32>
          tpu.vector_store %arg10[%swap3A_471, %swap3A_472, %swap3A_473], %swap3A_476 {strides = array<i32>} : memref<2x128x128xf32, #tpu.memory_space<vmem>>, vector<1x1x16xf32>,
          %get3A_477 = arith.constant 0 : i32
          %get3A_478 = arith.index_cast %get3A_477 : i32 to index
          %get3A_479 = arith.index_cast %add3A_462 : i32 to index
          %get3A_480 = arith.constant 16 : index
          %get3A_481 = tpu.vector_load %arg10[%get3A_478, %get3A_479, %get3A_480] {strides = array<i32>} : memref<2x128x128xf32, #tpu.memory_space<vmem>>, vector<1x1x16xf32>,
          %get3A_482 = vector.shape_cast %get3A_481 : vector<1x1x16xf32> to vector<16xf32>
          %mul3A_483 = arith.mulf %get3A_482, %broadcast_in_dim3A_458 : vector<16xf32>
          %swap3A_484 = arith.constant 0 : i32
          %swap3A_485 = arith.index_cast %swap3A_484 : i32 to index
          %swap3A_486 = arith.index_cast %add3A_462 : i32 to index
          %swap3A_487 = arith.constant 16 : index
          %swap3A_488 = tpu.vector_load %arg10[%swap3A_485, %swap3A_486, %swap3A_487] {strides = array<i32>} : memref<2x128x128xf32, #tpu.memory_space<vmem>>, vector<1x1x16xf32>,
          %swap3A_489 = vector.shape_cast %swap3A_488 : vector<1x1x16xf32> to vector<16xf32>
          %swap3A_490 = vector.shape_cast %mul3A_483 : vector<16xf32> to vector<1x1x16xf32>
          tpu.vector_store %arg10[%swap3A_485, %swap3A_486, %swap3A_487], %swap3A_490 {strides = array<i32>} : memref<2x128x128xf32, #tpu.memory_space<vmem>>, vector<1x1x16xf32>,
          %get3A_491 = arith.constant 0 : i32
          %get3A_492 = arith.index_cast %get3A_491 : i32 to index
          %get3A_493 = arith.index_cast %add3A_462 : i32 to index
          %get3A_494 = arith.constant 32 : index
          %get3A_495 = tpu.vector_load %arg10[%get3A_492, %get3A_493, %get3A_494] {strides = array<i32>} : memref<2x128x128xf32, #tpu.memory_space<vmem>>, vector<1x1x16xf32>,
          %get3A_496 = vector.shape_cast %get3A_495 : vector<1x1x16xf32> to vector<16xf32>
          %mul3A_497 = arith.mulf %get3A_496, %broadcast_in_dim3A_458 : vector<16xf32>
          %swap3A_498 = arith.constant 0 : i32
          %swap3A_499 = arith.index_cast %swap3A_498 : i32 to index
          %swap3A_500 = arith.index_cast %add3A_462 : i32 to index
          %swap3A_501 = arith.constant 32 : index
          %swap3A_502 = tpu.vector_load %arg10[%swap3A_499, %swap3A_500, %swap3A_501] {strides = array<i32>} : memref<2x128x128xf32, #tpu.memory_space<vmem>>, vector<1x1x16xf32>,
          %swap3A_503 = vector.shape_cast %swap3A_502 : vector<1x1x16xf32> to vector<16xf32>
          %swap3A_504 = vector.shape_cast %mul3A_497 : vector<16xf32> to vector<1x1x16xf32>
          tpu.vector_store %arg10[%swap3A_499, %swap3A_500, %swap3A_501], %swap3A_504 {strides = array<i32>} : memref<2x128x128xf32, #tpu.memory_space<vmem>>, vector<1x1x16xf32>,
          %get3A_505 = arith.constant 0 : i32
          %get3A_506 = arith.index_cast %get3A_505 : i32 to index
          %get3A_507 = arith.index_cast %add3A_462 : i32 to index
          %get3A_508 = arith.constant 48 : index
          %get3A_509 = tpu.vector_load %arg10[%get3A_506, %get3A_507, %get3A_508] {strides = array<i32>} : memref<2x128x128xf32, #tpu.memory_space<vmem>>, vector<1x1x16xf32>,
          %get3A_510 = vector.shape_cast %get3A_509 : vector<1x1x16xf32> to vector<16xf32>
          %mul3A_511 = arith.mulf %get3A_510, %broadcast_in_dim3A_458 : vector<16xf32>
          %swap3A_512 = arith.constant 0 : i32
          %swap3A_513 = arith.index_cast %swap3A_512 : i32 to index
          %swap3A_514 = arith.index_cast %add3A_462 : i32 to index
          %swap3A_515 = arith.constant 48 : index
          %swap3A_516 = tpu.vector_load %arg10[%swap3A_513, %swap3A_514, %swap3A_515] {strides = array<i32>} : memref<2x128x128xf32, #tpu.memory_space<vmem>>, vector<1x1x16xf32>,
          %swap3A_517 = vector.shape_cast %swap3A_516 : vector<1x1x16xf32> to vector<16xf32>
          %swap3A_518 = vector.shape_cast %mul3A_511 : vector<16xf32> to vector<1x1x16xf32>
          tpu.vector_store %arg10[%swap3A_513, %swap3A_514, %swap3A_515], %swap3A_518 {strides = array<i32>} : memref<2x128x128xf32, #tpu.memory_space<vmem>>, vector<1x1x16xf32>,
          %get3A_519 = arith.constant 0 : i32
          %get3A_520 = arith.index_cast %get3A_519 : i32 to index
          %get3A_521 = arith.index_cast %add3A_462 : i32 to index
          %get3A_522 = arith.constant 64 : index
          %get3A_523 = tpu.vector_load %arg10[%get3A_520, %get3A_521, %get3A_522] {strides = array<i32>} : memref<2x128x128xf32, #tpu.memory_space<vmem>>, vector<1x1x16xf32>,
          %get3A_524 = vector.shape_cast %get3A_523 : vector<1x1x16xf32> to vector<16xf32>
          %mul3A_525 = arith.mulf %get3A_524, %broadcast_in_dim3A_458 : vector<16xf32>
          %swap3A_526 = arith.constant 0 : i32
          %swap3A_527 = arith.index_cast %swap3A_526 : i32 to index
          %swap3A_528 = arith.index_cast %add3A_462 : i32 to index
          %swap3A_529 = arith.constant 64 : index
          %swap3A_530 = tpu.vector_load %arg10[%swap3A_527, %swap3A_528, %swap3A_529] {strides = array<i32>} : memref<2x128x128xf32, #tpu.memory_space<vmem>>, vector<1x1x16xf32>,
          %swap3A_531 = vector.shape_cast %swap3A_530 : vector<1x1x16xf32> to vector<16xf32>
          %swap3A_532 = vector.shape_cast %mul3A_525 : vector<16xf32> to vector<1x1x16xf32>
          tpu.vector_store %arg10[%swap3A_527, %swap3A_528, %swap3A_529], %swap3A_532 {strides = array<i32>} : memref<2x128x128xf32, #tpu.memory_space<vmem>>, vector<1x1x16xf32>,
          %get3A_533 = arith.constant 0 : i32
          %get3A_534 = arith.index_cast %get3A_533 : i32 to index
          %get3A_535 = arith.index_cast %add3A_462 : i32 to index
          %get3A_536 = arith.constant 80 : index
          %get3A_537 = tpu.vector_load %arg10[%get3A_534, %get3A_535, %get3A_536] {strides = array<i32>} : memref<2x128x128xf32, #tpu.memory_space<vmem>>, vector<1x1x16xf32>,
          %get3A_538 = vector.shape_cast %get3A_537 : vector<1x1x16xf32> to vector<16xf32>
          %mul3A_539 = arith.mulf %get3A_538, %broadcast_in_dim3A_458 : vector<16xf32>
          %swap3A_540 = arith.constant 0 : i32
          %swap3A_541 = arith.index_cast %swap3A_540 : i32 to index
          %swap3A_542 = arith.index_cast %add3A_462 : i32 to index
          %swap3A_543 = arith.constant 80 : index
          %swap3A_544 = tpu.vector_load %arg10[%swap3A_541, %swap3A_542, %swap3A_543] {strides = array<i32>} : memref<2x128x128xf32, #tpu.memory_space<vmem>>, vector<1x1x16xf32>,
          %swap3A_545 = vector.shape_cast %swap3A_544 : vector<1x1x16xf32> to vector<16xf32>
          %swap3A_546 = vector.shape_cast %mul3A_539 : vector<16xf32> to vector<1x1x16xf32>
          tpu.vector_store %arg10[%swap3A_541, %swap3A_542, %swap3A_543], %swap3A_546 {strides = array<i32>} : memref<2x128x128xf32, #tpu.memory_space<vmem>>, vector<1x1x16xf32>,
          %get3A_547 = arith.constant 0 : i32
          %get3A_548 = arith.index_cast %get3A_547 : i32 to index
          %get3A_549 = arith.index_cast %add3A_462 : i32 to index
          %get3A_550 = arith.constant 96 : index
          %get3A_551 = tpu.vector_load %arg10[%get3A_548, %get3A_549, %get3A_550] {strides = array<i32>} : memref<2x128x128xf32, #tpu.memory_space<vmem>>, vector<1x1x16xf32>,
          %get3A_552 = vector.shape_cast %get3A_551 : vector<1x1x16xf32> to vector<16xf32>
          %mul3A_553 = arith.mulf %get3A_552, %broadcast_in_dim3A_458 : vector<16xf32>
          %swap3A_554 = arith.constant 0 : i32
          %swap3A_555 = arith.index_cast %swap3A_554 : i32 to index
          %swap3A_556 = arith.index_cast %add3A_462 : i32 to index
          %swap3A_557 = arith.constant 96 : index
          %swap3A_558 = tpu.vector_load %arg10[%swap3A_555, %swap3A_556, %swap3A_557] {strides = array<i32>} : memref<2x128x128xf32, #tpu.memory_space<vmem>>, vector<1x1x16xf32>,
          %swap3A_559 = vector.shape_cast %swap3A_558 : vector<1x1x16xf32> to vector<16xf32>
          %swap3A_560 = vector.shape_cast %mul3A_553 : vector<16xf32> to vector<1x1x16xf32>
          tpu.vector_store %arg10[%swap3A_555, %swap3A_556, %swap3A_557], %swap3A_560 {strides = array<i32>} : memref<2x128x128xf32, #tpu.memory_space<vmem>>, vector<1x1x16xf32>,
          %get3A_561 = arith.constant 0 : i32
          %get3A_562 = arith.index_cast %get3A_561 : i32 to index
          %get3A_563 = arith.index_cast %add3A_462 : i32 to index
          %get3A_564 = arith.constant 112 : index
          %get3A_565 = tpu.vector_load %arg10[%get3A_562, %get3A_563, %get3A_564] {strides = array<i32>} : memref<2x128x128xf32, #tpu.memory_space<vmem>>, vector<1x1x16xf32>,
          %get3A_566 = vector.shape_cast %get3A_565 : vector<1x1x16xf32> to vector<16xf32>
          %mul3A_567 = arith.mulf %get3A_566, %broadcast_in_dim3A_458 : vector<16xf32>
          %swap3A_568 = arith.constant 0 : i32
          %swap3A_569 = arith.index_cast %swap3A_568 : i32 to index
          %swap3A_570 = arith.index_cast %add3A_462 : i32 to index
          %swap3A_571 = arith.constant 112 : index
          %swap3A_572 = tpu.vector_load %arg10[%swap3A_569, %swap3A_570, %swap3A_571] {strides = array<i32>} : memref<2x128x128xf32, #tpu.memory_space<vmem>>, vector<1x1x16xf32>,
          %swap3A_573 = vector.shape_cast %swap3A_572 : vector<1x1x16xf32> to vector<16xf32>
          %swap3A_574 = vector.shape_cast %mul3A_567 : vector<16xf32> to vector<1x1x16xf32>
          tpu.vector_store %arg10[%swap3A_569, %swap3A_570, %swap3A_571], %swap3A_574 {strides = array<i32>} : memref<2x128x128xf32, #tpu.memory_space<vmem>>, vector<1x1x16xf32>,
          %slice3A_575 = vector.extract_strided_slice %get3A_221 {offsets = [3], sizes = [1], strides = [1]} : vector<16xf32> to vector<1xf32>
          %squeeze3A_576 = vector.extract %slice3A_575[0] : f32 from vector<1xf32>
          %broadcast_in_dim3A_577 = vector.broadcast %squeeze3A_576 : f32 to vector<16xf32>
          %mul3A_578 = arith.constant 16 : i32
          %mul3A_579 = arith.muli %scan3A_214, %mul3A_578 : i32
          %add3A_580 = arith.constant 3 : i32
          %add3A_581 = arith.addi %mul3A_579, %add3A_580 : i32
          %get3A_582 = arith.constant 0 : i32
          %get3A_583 = arith.index_cast %get3A_582 : i32 to index
          %get3A_584 = arith.index_cast %add3A_581 : i32 to index
          %get3A_585 = arith.constant 0 : index
          %get3A_586 = tpu.vector_load %arg10[%get3A_583, %get3A_584, %get3A_585] {strides = array<i32>} : memref<2x128x128xf32, #tpu.memory_space<vmem>>, vector<1x1x16xf32>,
          %get3A_587 = vector.shape_cast %get3A_586 : vector<1x1x16xf32> to vector<16xf32>
          %mul3A_588 = arith.mulf %get3A_587, %broadcast_in_dim3A_577 : vector<16xf32>
          %swap3A_589 = arith.constant 0 : i32
          %swap3A_590 = arith.index_cast %swap3A_589 : i32 to index
          %swap3A_591 = arith.index_cast %add3A_581 : i32 to index
          %swap3A_592 = arith.constant 0 : index
          %swap3A_593 = tpu.vector_load %arg10[%swap3A_590, %swap3A_591, %swap3A_592] {strides = array<i32>} : memref<2x128x128xf32, #tpu.memory_space<vmem>>, vector<1x1x16xf32>,
          %swap3A_594 = vector.shape_cast %swap3A_593 : vector<1x1x16xf32> to vector<16xf32>
          %swap3A_595 = vector.shape_cast %mul3A_588 : vector<16xf32> to vector<1x1x16xf32>
          tpu.vector_store %arg10[%swap3A_590, %swap3A_591, %swap3A_592], %swap3A_595 {strides = array<i32>} : memref<2x128x128xf32, #tpu.memory_space<vmem>>, vector<1x1x16xf32>,
          %get3A_596 = arith.constant 0 : i32
          %get3A_597 = arith.index_cast %get3A_596 : i32 to index
          %get3A_598 = arith.index_cast %add3A_581 : i32 to index
          %get3A_599 = arith.constant 16 : index
          %get3A_600 = tpu.vector_load %arg10[%get3A_597, %get3A_598, %get3A_599] {strides = array<i32>} : memref<2x128x128xf32, #tpu.memory_space<vmem>>, vector<1x1x16xf32>,
          %get3A_601 = vector.shape_cast %get3A_600 : vector<1x1x16xf32> to vector<16xf32>
          %mul3A_602 = arith.mulf %get3A_601, %broadcast_in_dim3A_577 : vector<16xf32>
          %swap3A_603 = arith.constant 0 : i32
          %swap3A_604 = arith.index_cast %swap3A_603 : i32 to index
          %swap3A_605 = arith.index_cast %add3A_581 : i32 to index
          %swap3A_606 = arith.constant 16 : index
          %swap3A_607 = tpu.vector_load %arg10[%swap3A_604, %swap3A_605, %swap3A_606] {strides = array<i32>} : memref<2x128x128xf32, #tpu.memory_space<vmem>>, vector<1x1x16xf32>,
          %swap3A_608 = vector.shape_cast %swap3A_607 : vector<1x1x16xf32> to vector<16xf32>
          %swap3A_609 = vector.shape_cast %mul3A_602 : vector<16xf32> to vector<1x1x16xf32>
          tpu.vector_store %arg10[%swap3A_604, %swap3A_605, %swap3A_606], %swap3A_609 {strides = array<i32>} : memref<2x128x128xf32, #tpu.memory_space<vmem>>, vector<1x1x16xf32>,
          %get3A_610 = arith.constant 0 : i32
          %get3A_611 = arith.index_cast %get3A_610 : i32 to index
          %get3A_612 = arith.index_cast %add3A_581 : i32 to index
          %get3A_613 = arith.constant 32 : index
          %get3A_614 = tpu.vector_load %arg10[%get3A_611, %get3A_612, %get3A_613] {strides = array<i32>} : memref<2x128x128xf32, #tpu.memory_space<vmem>>, vector<1x1x16xf32>,
          %get3A_615 = vector.shape_cast %get3A_614 : vector<1x1x16xf32> to vector<16xf32>
          %mul3A_616 = arith.mulf %get3A_615, %broadcast_in_dim3A_577 : vector<16xf32>
          %swap3A_617 = arith.constant 0 : i32
          %swap3A_618 = arith.index_cast %swap3A_617 : i32 to index
          %swap3A_619 = arith.index_cast %add3A_581 : i32 to index
          %swap3A_620 = arith.constant 32 : index
          %swap3A_621 = tpu.vector_load %arg10[%swap3A_618, %swap3A_619, %swap3A_620] {strides = array<i32>} : memref<2x128x128xf32, #tpu.memory_space<vmem>>, vector<1x1x16xf32>,
          %swap3A_622 = vector.shape_cast %swap3A_621 : vector<1x1x16xf32> to vector<16xf32>
          %swap3A_623 = vector.shape_cast %mul3A_616 : vector<16xf32> to vector<1x1x16xf32>
          tpu.vector_store %arg10[%swap3A_618, %swap3A_619, %swap3A_620], %swap3A_623 {strides = array<i32>} : memref<2x128x128xf32, #tpu.memory_space<vmem>>, vector<1x1x16xf32>,
          %get3A_624 = arith.constant 0 : i32
          %get3A_625 = arith.index_cast %get3A_624 : i32 to index
          %get3A_626 = arith.index_cast %add3A_581 : i32 to index
          %get3A_627 = arith.constant 48 : index
          %get3A_628 = tpu.vector_load %arg10[%get3A_625, %get3A_626, %get3A_627] {strides = array<i32>} : memref<2x128x128xf32, #tpu.memory_space<vmem>>, vector<1x1x16xf32>,
          %get3A_629 = vector.shape_cast %get3A_628 : vector<1x1x16xf32> to vector<16xf32>
          %mul3A_630 = arith.mulf %get3A_629, %broadcast_in_dim3A_577 : vector<16xf32>
          %swap3A_631 = arith.constant 0 : i32
          %swap3A_632 = arith.index_cast %swap3A_631 : i32 to index
          %swap3A_633 = arith.index_cast %add3A_581 : i32 to index
          %swap3A_634 = arith.constant 48 : index
          %swap3A_635 = tpu.vector_load %arg10[%swap3A_632, %swap3A_633, %swap3A_634] {strides = array<i32>} : memref<2x128x128xf32, #tpu.memory_space<vmem>>, vector<1x1x16xf32>,
          %swap3A_636 = vector.shape_cast %swap3A_635 : vector<1x1x16xf32> to vector<16xf32>
          %swap3A_637 = vector.shape_cast %mul3A_630 : vector<16xf32> to vector<1x1x16xf32>
          tpu.vector_store %arg10[%swap3A_632, %swap3A_633, %swap3A_634], %swap3A_637 {strides = array<i32>} : memref<2x128x128xf32, #tpu.memory_space<vmem>>, vector<1x1x16xf32>,
          %get3A_638 = arith.constant 0 : i32
          %get3A_639 = arith.index_cast %get3A_638 : i32 to index
          %get3A_640 = arith.index_cast %add3A_581 : i32 to index
          %get3A_641 = arith.constant 64 : index
          %get3A_642 = tpu.vector_load %arg10[%get3A_639, %get3A_640, %get3A_641] {strides = array<i32>} : memref<2x128x128xf32, #tpu.memory_space<vmem>>, vector<1x1x16xf32>,
          %get3A_643 = vector.shape_cast %get3A_642 : vector<1x1x16xf32> to vector<16xf32>
          %mul3A_644 = arith.mulf %get3A_643, %broadcast_in_dim3A_577 : vector<16xf32>
          %swap3A_645 = arith.constant 0 : i32
          %swap3A_646 = arith.index_cast %swap3A_645 : i32 to index
          %swap3A_647 = arith.index_cast %add3A_581 : i32 to index
          %swap3A_648 = arith.constant 64 : index
          %swap3A_649 = tpu.vector_load %arg10[%swap3A_646, %swap3A_647, %swap3A_648] {strides = array<i32>} : memref<2x128x128xf32, #tpu.memory_space<vmem>>, vector<1x1x16xf32>,
          %swap3A_650 = vector.shape_cast %swap3A_649 : vector<1x1x16xf32> to vector<16xf32>
          %swap3A_651 = vector.shape_cast %mul3A_644 : vector<16xf32> to vector<1x1x16xf32>
          tpu.vector_store %arg10[%swap3A_646, %swap3A_647, %swap3A_648], %swap3A_651 {strides = array<i32>} : memref<2x128x128xf32, #tpu.memory_space<vmem>>, vector<1x1x16xf32>,
          %get3A_652 = arith.constant 0 : i32
          %get3A_653 = arith.index_cast %get3A_652 : i32 to index
          %get3A_654 = arith.index_cast %add3A_581 : i32 to index
          %get3A_655 = arith.constant 80 : index
          %get3A_656 = tpu.vector_load %arg10[%get3A_653, %get3A_654, %get3A_655] {strides = array<i32>} : memref<2x128x128xf32, #tpu.memory_space<vmem>>, vector<1x1x16xf32>,
          %get3A_657 = vector.shape_cast %get3A_656 : vector<1x1x16xf32> to vector<16xf32>
          %mul3A_658 = arith.mulf %get3A_657, %broadcast_in_dim3A_577 : vector<16xf32>
          %swap3A_659 = arith.constant 0 : i32
          %swap3A_660 = arith.index_cast %swap3A_659 : i32 to index
          %swap3A_661 = arith.index_cast %add3A_581 : i32 to index
          %swap3A_662 = arith.constant 80 : index
          %swap3A_663 = tpu.vector_load %arg10[%swap3A_660, %swap3A_661, %swap3A_662] {strides = array<i32>} : memref<2x128x128xf32, #tpu.memory_space<vmem>>, vector<1x1x16xf32>,
          %swap3A_664 = vector.shape_cast %swap3A_663 : vector<1x1x16xf32> to vector<16xf32>
          %swap3A_665 = vector.shape_cast %mul3A_658 : vector<16xf32> to vector<1x1x16xf32>
          tpu.vector_store %arg10[%swap3A_660, %swap3A_661, %swap3A_662], %swap3A_665 {strides = array<i32>} : memref<2x128x128xf32, #tpu.memory_space<vmem>>, vector<1x1x16xf32>,
          %get3A_666 = arith.constant 0 : i32
          %get3A_667 = arith.index_cast %get3A_666 : i32 to index
          %get3A_668 = arith.index_cast %add3A_581 : i32 to index
          %get3A_669 = arith.constant 96 : index
          %get3A_670 = tpu.vector_load %arg10[%get3A_667, %get3A_668, %get3A_669] {strides = array<i32>} : memref<2x128x128xf32, #tpu.memory_space<vmem>>, vector<1x1x16xf32>,
          %get3A_671 = vector.shape_cast %get3A_670 : vector<1x1x16xf32> to vector<16xf32>
          %mul3A_672 = arith.mulf %get3A_671, %broadcast_in_dim3A_577 : vector<16xf32>
          %swap3A_673 = arith.constant 0 : i32
          %swap3A_674 = arith.index_cast %swap3A_673 : i32 to index
          %swap3A_675 = arith.index_cast %add3A_581 : i32 to index
          %swap3A_676 = arith.constant 96 : index
          %swap3A_677 = tpu.vector_load %arg10[%swap3A_674, %swap3A_675, %swap3A_676] {strides = array<i32>} : memref<2x128x128xf32, #tpu.memory_space<vmem>>, vector<1x1x16xf32>,
          %swap3A_678 = vector.shape_cast %swap3A_677 : vector<1x1x16xf32> to vector<16xf32>
          %swap3A_679 = vector.shape_cast %mul3A_672 : vector<16xf32> to vector<1x1x16xf32>
          tpu.vector_store %arg10[%swap3A_674, %swap3A_675, %swap3A_676], %swap3A_679 {strides = array<i32>} : memref<2x128x128xf32, #tpu.memory_space<vmem>>, vector<1x1x16xf32>,
          %get3A_680 = arith.constant 0 : i32
          %get3A_681 = arith.index_cast %get3A_680 : i32 to index
          %get3A_682 = arith.index_cast %add3A_581 : i32 to index
          %get3A_683 = arith.constant 112 : index
          %get3A_684 = tpu.vector_load %arg10[%get3A_681, %get3A_682, %get3A_683] {strides = array<i32>} : memref<2x128x128xf32, #tpu.memory_space<vmem>>, vector<1x1x16xf32>,
          %get3A_685 = vector.shape_cast %get3A_684 : vector<1x1x16xf32> to vector<16xf32>
          %mul3A_686 = arith.mulf %get3A_685, %broadcast_in_dim3A_577 : vector<16xf32>
          %swap3A_687 = arith.constant 0 : i32
          %swap3A_688 = arith.index_cast %swap3A_687 : i32 to index
          %swap3A_689 = arith.index_cast %add3A_581 : i32 to index
          %swap3A_690 = arith.constant 112 : index
          %swap3A_691 = tpu.vector_load %arg10[%swap3A_688, %swap3A_689, %swap3A_690] {strides = array<i32>} : memref<2x128x128xf32, #tpu.memory_space<vmem>>, vector<1x1x16xf32>,
          %swap3A_692 = vector.shape_cast %swap3A_691 : vector<1x1x16xf32> to vector<16xf32>
          %swap3A_693 = vector.shape_cast %mul3A_686 : vector<16xf32> to vector<1x1x16xf32>
          tpu.vector_store %arg10[%swap3A_688, %swap3A_689, %swap3A_690], %swap3A_693 {strides = array<i32>} : memref<2x128x128xf32, #tpu.memory_space<vmem>>, vector<1x1x16xf32>,
          %slice3A_694 = vector.extract_strided_slice %get3A_221 {offsets = [4], sizes = [1], strides = [1]} : vector<16xf32> to vector<1xf32>
          %squeeze3A_695 = vector.extract %slice3A_694[0] : f32 from vector<1xf32>
          %broadcast_in_dim3A_696 = vector.broadcast %squeeze3A_695 : f32 to vector<16xf32>
          %mul3A_697 = arith.constant 16 : i32
          %mul3A_698 = arith.muli %scan3A_214, %mul3A_697 : i32
          %add3A_699 = arith.constant 4 : i32
          %add3A_700 = arith.addi %mul3A_698, %add3A_699 : i32
          %get3A_701 = arith.constant 0 : i32
          %get3A_702 = arith.index_cast %get3A_701 : i32 to index
          %get3A_703 = arith.index_cast %add3A_700 : i32 to index
          %get3A_704 = arith.constant 0 : index
          %get3A_705 = tpu.vector_load %arg10[%get3A_702, %get3A_703, %get3A_704] {strides = array<i32>} : memref<2x128x128xf32, #tpu.memory_space<vmem>>, vector<1x1x16xf32>,
          %get3A_706 = vector.shape_cast %get3A_705 : vector<1x1x16xf32> to vector<16xf32>
          %mul3A_707 = arith.mulf %get3A_706, %broadcast_in_dim3A_696 : vector<16xf32>
          %swap3A_708 = arith.constant 0 : i32
          %swap3A_709 = arith.index_cast %swap3A_708 : i32 to index
          %swap3A_710 = arith.index_cast %add3A_700 : i32 to index
          %swap3A_711 = arith.constant 0 : index
          %swap3A_712 = tpu.vector_load %arg10[%swap3A_709, %swap3A_710, %swap3A_711] {strides = array<i32>} : memref<2x128x128xf32, #tpu.memory_space<vmem>>, vector<1x1x16xf32>,
          %swap3A_713 = vector.shape_cast %swap3A_712 : vector<1x1x16xf32> to vector<16xf32>
          %swap3A_714 = vector.shape_cast %mul3A_707 : vector<16xf32> to vector<1x1x16xf32>
          tpu.vector_store %arg10[%swap3A_709, %swap3A_710, %swap3A_711], %swap3A_714 {strides = array<i32>} : memref<2x128x128xf32, #tpu.memory_space<vmem>>, vector<1x1x16xf32>,
          %get3A_715 = arith.constant 0 : i32
          %get3A_716 = arith.index_cast %get3A_715 : i32 to index
          %get3A_717 = arith.index_cast %add3A_700 : i32 to index
          %get3A_718 = arith.constant 16 : index
          %get3A_719 = tpu.vector_load %arg10[%get3A_716, %get3A_717, %get3A_718] {strides = array<i32>} : memref<2x128x128xf32, #tpu.memory_space<vmem>>, vector<1x1x16xf32>,
          %get3A_720 = vector.shape_cast %get3A_719 : vector<1x1x16xf32> to vector<16xf32>
          %mul3A_721 = arith.mulf %get3A_720, %broadcast_in_dim3A_696 : vector<16xf32>
          %swap3A_722 = arith.constant 0 : i32
          %swap3A_723 = arith.index_cast %swap3A_722 : i32 to index
          %swap3A_724 = arith.index_cast %add3A_700 : i32 to index
          %swap3A_725 = arith.constant 16 : index
          %swap3A_726 = tpu.vector_load %arg10[%swap3A_723, %swap3A_724, %swap3A_725] {strides = array<i32>} : memref<2x128x128xf32, #tpu.memory_space<vmem>>, vector<1x1x16xf32>,
          %swap3A_727 = vector.shape_cast %swap3A_726 : vector<1x1x16xf32> to vector<16xf32>
          %swap3A_728 = vector.shape_cast %mul3A_721 : vector<16xf32> to vector<1x1x16xf32>
          tpu.vector_store %arg10[%swap3A_723, %swap3A_724, %swap3A_725], %swap3A_728 {strides = array<i32>} : memref<2x128x128xf32, #tpu.memory_space<vmem>>, vector<1x1x16xf32>,
          %get3A_729 = arith.constant 0 : i32
          %get3A_730 = arith.index_cast %get3A_729 : i32 to index
          %get3A_731 = arith.index_cast %add3A_700 : i32 to index
          %get3A_732 = arith.constant 32 : index
          %get3A_733 = tpu.vector_load %arg10[%get3A_730, %get3A_731, %get3A_732] {strides = array<i32>} : memref<2x128x128xf32, #tpu.memory_space<vmem>>, vector<1x1x16xf32>,
          %get3A_734 = vector.shape_cast %get3A_733 : vector<1x1x16xf32> to vector<16xf32>
          %mul3A_735 = arith.mulf %get3A_734, %broadcast_in_dim3A_696 : vector<16xf32>
          %swap3A_736 = arith.constant 0 : i32
          %swap3A_737 = arith.index_cast %swap3A_736 : i32 to index
          %swap3A_738 = arith.index_cast %add3A_700 : i32 to index
          %swap3A_739 = arith.constant 32 : index
          %swap3A_740 = tpu.vector_load %arg10[%swap3A_737, %swap3A_738, %swap3A_739] {strides = array<i32>} : memref<2x128x128xf32, #tpu.memory_space<vmem>>, vector<1x1x16xf32>,
          %swap3A_741 = vector.shape_cast %swap3A_740 : vector<1x1x16xf32> to vector<16xf32>
          %swap3A_742 = vector.shape_cast %mul3A_735 : vector<16xf32> to vector<1x1x16xf32>
          tpu.vector_store %arg10[%swap3A_737, %swap3A_738, %swap3A_739], %swap3A_742 {strides = array<i32>} : memref<2x128x128xf32, #tpu.memory_space<vmem>>, vector<1x1x16xf32>,
          %get3A_743 = arith.constant 0 : i32
          %get3A_744 = arith.index_cast %get3A_743 : i32 to index
          %get3A_745 = arith.index_cast %add3A_700 : i32 to index
          %get3A_746 = arith.constant 48 : index
          %get3A_747 = tpu.vector_load %arg10[%get3A_744, %get3A_745, %get3A_746] {strides = array<i32>} : memref<2x128x128xf32, #tpu.memory_space<vmem>>, vector<1x1x16xf32>,
          %get3A_748 = vector.shape_cast %get3A_747 : vector<1x1x16xf32> to vector<16xf32>
          %mul3A_749 = arith.mulf %get3A_748, %broadcast_in_dim3A_696 : vector<16xf32>
          %swap3A_750 = arith.constant 0 : i32
          %swap3A_751 = arith.index_cast %swap3A_750 : i32 to index
          %swap3A_752 = arith.index_cast %add3A_700 : i32 to index
          %swap3A_753 = arith.constant 48 : index
          %swap3A_754 = tpu.vector_load %arg10[%swap3A_751, %swap3A_752, %swap3A_753] {strides = array<i32>} : memref<2x128x128xf32, #tpu.memory_space<vmem>>, vector<1x1x16xf32>,
          %swap3A_755 = vector.shape_cast %swap3A_754 : vector<1x1x16xf32> to vector<16xf32>
          %swap3A_756 = vector.shape_cast %mul3A_749 : vector<16xf32> to vector<1x1x16xf32>
          tpu.vector_store %arg10[%swap3A_751, %swap3A_752, %swap3A_753], %swap3A_756 {strides = array<i32>} : memref<2x128x128xf32, #tpu.memory_space<vmem>>, vector<1x1x16xf32>,
          %get3A_757 = arith.constant 0 : i32
          %get3A_758 = arith.index_cast %get3A_757 : i32 to index
          %get3A_759 = arith.index_cast %add3A_700 : i32 to index
          %get3A_760 = arith.constant 64 : index
          %get3A_761 = tpu.vector_load %arg10[%get3A_758, %get3A_759, %get3A_760] {strides = array<i32>} : memref<2x128x128xf32, #tpu.memory_space<vmem>>, vector<1x1x16xf32>,
          %get3A_762 = vector.shape_cast %get3A_761 : vector<1x1x16xf32> to vector<16xf32>
          %mul3A_763 = arith.mulf %get3A_762, %broadcast_in_dim3A_696 : vector<16xf32>
          %swap3A_764 = arith.constant 0 : i32
          %swap3A_765 = arith.index_cast %swap3A_764 : i32 to index
          %swap3A_766 = arith.index_cast %add3A_700 : i32 to index
          %swap3A_767 = arith.constant 64 : index
          %swap3A_768 = tpu.vector_load %arg10[%swap3A_765, %swap3A_766, %swap3A_767] {strides = array<i32>} : memref<2x128x128xf32, #tpu.memory_space<vmem>>, vector<1x1x16xf32>,
          %swap3A_769 = vector.shape_cast %swap3A_768 : vector<1x1x16xf32> to vector<16xf32>
          %swap3A_770 = vector.shape_cast %mul3A_763 : vector<16xf32> to vector<1x1x16xf32>
          tpu.vector_store %arg10[%swap3A_765, %swap3A_766, %swap3A_767], %swap3A_770 {strides = array<i32>} : memref<2x128x128xf32, #tpu.memory_space<vmem>>, vector<1x1x16xf32>,
          %get3A_771 = arith.constant 0 : i32
          %get3A_772 = arith.index_cast %get3A_771 : i32 to index
          %get3A_773 = arith.index_cast %add3A_700 : i32 to index
          %get3A_774 = arith.constant 80 : index
          %get3A_775 = tpu.vector_load %arg10[%get3A_772, %get3A_773, %get3A_774] {strides = array<i32>} : memref<2x128x128xf32, #tpu.memory_space<vmem>>, vector<1x1x16xf32>,
          %get3A_776 = vector.shape_cast %get3A_775 : vector<1x1x16xf32> to vector<16xf32>
          %mul3A_777 = arith.mulf %get3A_776, %broadcast_in_dim3A_696 : vector<16xf32>
          %swap3A_778 = arith.constant 0 : i32
          %swap3A_779 = arith.index_cast %swap3A_778 : i32 to index
          %swap3A_780 = arith.index_cast %add3A_700 : i32 to index
          %swap3A_781 = arith.constant 80 : index
          %swap3A_782 = tpu.vector_load %arg10[%swap3A_779, %swap3A_780, %swap3A_781] {strides = array<i32>} : memref<2x128x128xf32, #tpu.memory_space<vmem>>, vector<1x1x16xf32>,
          %swap3A_783 = vector.shape_cast %swap3A_782 : vector<1x1x16xf32> to vector<16xf32>
          %swap3A_784 = vector.shape_cast %mul3A_777 : vector<16xf32> to vector<1x1x16xf32>
          tpu.vector_store %arg10[%swap3A_779, %swap3A_780, %swap3A_781], %swap3A_784 {strides = array<i32>} : memref<2x128x128xf32, #tpu.memory_space<vmem>>, vector<1x1x16xf32>,
          %get3A_785 = arith.constant 0 : i32
          %get3A_786 = arith.index_cast %get3A_785 : i32 to index
          %get3A_787 = arith.index_cast %add3A_700 : i32 to index
          %get3A_788 = arith.constant 96 : index
          %get3A_789 = tpu.vector_load %arg10[%get3A_786, %get3A_787, %get3A_788] {strides = array<i32>} : memref<2x128x128xf32, #tpu.memory_space<vmem>>, vector<1x1x16xf32>,
          %get3A_790 = vector.shape_cast %get3A_789 : vector<1x1x16xf32> to vector<16xf32>
          %mul3A_791 = arith.mulf %get3A_790, %broadcast_in_dim3A_696 : vector<16xf32>
          %swap3A_792 = arith.constant 0 : i32
          %swap3A_793 = arith.index_cast %swap3A_792 : i32 to index
          %swap3A_794 = arith.index_cast %add3A_700 : i32 to index
          %swap3A_795 = arith.constant 96 : index
          %swap3A_796 = tpu.vector_load %arg10[%swap3A_793, %swap3A_794, %swap3A_795] {strides = array<i32>} : memref<2x128x128xf32, #tpu.memory_space<vmem>>, vector<1x1x16xf32>,
          %swap3A_797 = vector.shape_cast %swap3A_796 : vector<1x1x16xf32> to vector<16xf32>
          %swap3A_798 = vector.shape_cast %mul3A_791 : vector<16xf32> to vector<1x1x16xf32>
          tpu.vector_store %arg10[%swap3A_793, %swap3A_794, %swap3A_795], %swap3A_798 {strides = array<i32>} : memref<2x128x128xf32, #tpu.memory_space<vmem>>, vector<1x1x16xf32>,
          %get3A_799 = arith.constant 0 : i32
          %get3A_800 = arith.index_cast %get3A_799 : i32 to index
          %get3A_801 = arith.index_cast %add3A_700 : i32 to index
          %get3A_802 = arith.constant 112 : index
          %get3A_803 = tpu.vector_load %arg10[%get3A_800, %get3A_801, %get3A_802] {strides = array<i32>} : memref<2x128x128xf32, #tpu.memory_space<vmem>>, vector<1x1x16xf32>,
          %get3A_804 = vector.shape_cast %get3A_803 : vector<1x1x16xf32> to vector<16xf32>
          %mul3A_805 = arith.mulf %get3A_804, %broadcast_in_dim3A_696 : vector<16xf32>
          %swap3A_806 = arith.constant 0 : i32
          %swap3A_807 = arith.index_cast %swap3A_806 : i32 to index
          %swap3A_808 = arith.index_cast %add3A_700 : i32 to index
          %swap3A_809 = arith.constant 112 : index
          %swap3A_810 = tpu.vector_load %arg10[%swap3A_807, %swap3A_808, %swap3A_809] {strides = array<i32>} : memref<2x128x128xf32, #tpu.memory_space<vmem>>, vector<1x1x16xf32>,
          %swap3A_811 = vector.shape_cast %swap3A_810 : vector<1x1x16xf32> to vector<16xf32>
          %swap3A_812 = vector.shape_cast %mul3A_805 : vector<16xf32> to vector<1x1x16xf32>
          tpu.vector_store %arg10[%swap3A_807, %swap3A_808, %swap3A_809], %swap3A_812 {strides = array<i32>} : memref<2x128x128xf32, #tpu.memory_space<vmem>>, vector<1x1x16xf32>,
          %slice3A_813 = vector.extract_strided_slice %get3A_221 {offsets = [5], sizes = [1], strides = [1]} : vector<16xf32> to vector<1xf32>
          %squeeze3A_814 = vector.extract %slice3A_813[0] : f32 from vector<1xf32>
          %broadcast_in_dim3A_815 = vector.broadcast %squeeze3A_814 : f32 to vector<16xf32>
          %mul3A_816 = arith.constant 16 : i32
          %mul3A_817 = arith.muli %scan3A_214, %mul3A_816 : i32
          %add3A_818 = arith.constant 5 : i32
          %add3A_819 = arith.addi %mul3A_817, %add3A_818 : i32
          %get3A_820 = arith.constant 0 : i32
          %get3A_821 = arith.index_cast %get3A_820 : i32 to index
          %get3A_822 = arith.index_cast %add3A_819 : i32 to index
          %get3A_823 = arith.constant 0 : index
          %get3A_824 = tpu.vector_load %arg10[%get3A_821, %get3A_822, %get3A_823] {strides = array<i32>} : memref<2x128x128xf32, #tpu.memory_space<vmem>>, vector<1x1x16xf32>,
          %get3A_825 = vector.shape_cast %get3A_824 : vector<1x1x16xf32> to vector<16xf32>
          %mul3A_826 = arith.mulf %get3A_825, %broadcast_in_dim3A_815 : vector<16xf32>
          %swap3A_827 = arith.constant 0 : i32
          %swap3A_828 = arith.index_cast %swap3A_827 : i32 to index
          %swap3A_829 = arith.index_cast %add3A_819 : i32 to index
          %swap3A_830 = arith.constant 0 : index
          %swap3A_831 = tpu.vector_load %arg10[%swap3A_828, %swap3A_829, %swap3A_830] {strides = array<i32>} : memref<2x128x128xf32, #tpu.memory_space<vmem>>, vector<1x1x16xf32>,
          %swap3A_832 = vector.shape_cast %swap3A_831 : vector<1x1x16xf32> to vector<16xf32>
          %swap3A_833 = vector.shape_cast %mul3A_826 : vector<16xf32> to vector<1x1x16xf32>
          tpu.vector_store %arg10[%swap3A_828, %swap3A_829, %swap3A_830], %swap3A_833 {strides = array<i32>} : memref<2x128x128xf32, #tpu.memory_space<vmem>>, vector<1x1x16xf32>,
          %get3A_834 = arith.constant 0 : i32
          %get3A_835 = arith.index_cast %get3A_834 : i32 to index
          %get3A_836 = arith.index_cast %add3A_819 : i32 to index
          %get3A_837 = arith.constant 16 : index
          %get3A_838 = tpu.vector_load %arg10[%get3A_835, %get3A_836, %get3A_837] {strides = array<i32>} : memref<2x128x128xf32, #tpu.memory_space<vmem>>, vector<1x1x16xf32>,
          %get3A_839 = vector.shape_cast %get3A_838 : vector<1x1x16xf32> to vector<16xf32>
          %mul3A_840 = arith.mulf %get3A_839, %broadcast_in_dim3A_815 : vector<16xf32>
          %swap3A_841 = arith.constant 0 : i32
          %swap3A_842 = arith.index_cast %swap3A_841 : i32 to index
          %swap3A_843 = arith.index_cast %add3A_819 : i32 to index
          %swap3A_844 = arith.constant 16 : index
          %swap3A_845 = tpu.vector_load %arg10[%swap3A_842, %swap3A_843, %swap3A_844] {strides = array<i32>} : memref<2x128x128xf32, #tpu.memory_space<vmem>>, vector<1x1x16xf32>,
          %swap3A_846 = vector.shape_cast %swap3A_845 : vector<1x1x16xf32> to vector<16xf32>
          %swap3A_847 = vector.shape_cast %mul3A_840 : vector<16xf32> to vector<1x1x16xf32>
          tpu.vector_store %arg10[%swap3A_842, %swap3A_843, %swap3A_844], %swap3A_847 {strides = array<i32>} : memref<2x128x128xf32, #tpu.memory_space<vmem>>, vector<1x1x16xf32>,
          %get3A_848 = arith.constant 0 : i32
          %get3A_849 = arith.index_cast %get3A_848 : i32 to index
          %get3A_850 = arith.index_cast %add3A_819 : i32 to index
          %get3A_851 = arith.constant 32 : index
          %get3A_852 = tpu.vector_load %arg10[%get3A_849, %get3A_850, %get3A_851] {strides = array<i32>} : memref<2x128x128xf32, #tpu.memory_space<vmem>>, vector<1x1x16xf32>,
          %get3A_853 = vector.shape_cast %get3A_852 : vector<1x1x16xf32> to vector<16xf32>
          %mul3A_854 = arith.mulf %get3A_853, %broadcast_in_dim3A_815 : vector<16xf32>
          %swap3A_855 = arith.constant 0 : i32
          %swap3A_856 = arith.index_cast %swap3A_855 : i32 to index
          %swap3A_857 = arith.index_cast %add3A_819 : i32 to index
          %swap3A_858 = arith.constant 32 : index
          %swap3A_859 = tpu.vector_load %arg10[%swap3A_856, %swap3A_857, %swap3A_858] {strides = array<i32>} : memref<2x128x128xf32, #tpu.memory_space<vmem>>, vector<1x1x16xf32>,
          %swap3A_860 = vector.shape_cast %swap3A_859 : vector<1x1x16xf32> to vector<16xf32>
          %swap3A_861 = vector.shape_cast %mul3A_854 : vector<16xf32> to vector<1x1x16xf32>
          tpu.vector_store %arg10[%swap3A_856, %swap3A_857, %swap3A_858], %swap3A_861 {strides = array<i32>} : memref<2x128x128xf32, #tpu.memory_space<vmem>>, vector<1x1x16xf32>,
          %get3A_862 = arith.constant 0 : i32
          %get3A_863 = arith.index_cast %get3A_862 : i32 to index
          %get3A_864 = arith.index_cast %add3A_819 : i32 to index
          %get3A_865 = arith.constant 48 : index
          %get3A_866 = tpu.vector_load %arg10[%get3A_863, %get3A_864, %get3A_865] {strides = array<i32>} : memref<2x128x128xf32, #tpu.memory_space<vmem>>, vector<1x1x16xf32>,
          %get3A_867 = vector.shape_cast %get3A_866 : vector<1x1x16xf32> to vector<16xf32>
          %mul3A_868 = arith.mulf %get3A_867, %broadcast_in_dim3A_815 : vector<16xf32>
          %swap3A_869 = arith.constant 0 : i32
          %swap3A_870 = arith.index_cast %swap3A_869 : i32 to index
          %swap3A_871 = arith.index_cast %add3A_819 : i32 to index
          %swap3A_872 = arith.constant 48 : index
          %swap3A_873 = tpu.vector_load %arg10[%swap3A_870, %swap3A_871, %swap3A_872] {strides = array<i32>} : memref<2x128x128xf32, #tpu.memory_space<vmem>>, vector<1x1x16xf32>,
          %swap3A_874 = vector.shape_cast %swap3A_873 : vector<1x1x16xf32> to vector<16xf32>
          %swap3A_875 = vector.shape_cast %mul3A_868 : vector<16xf32> to vector<1x1x16xf32>
          tpu.vector_store %arg10[%swap3A_870, %swap3A_871, %swap3A_872], %swap3A_875 {strides = array<i32>} : memref<2x128x128xf32, #tpu.memory_space<vmem>>, vector<1x1x16xf32>,
          %get3A_876 = arith.constant 0 : i32
          %get3A_877 = arith.index_cast %get3A_876 : i32 to index
          %get3A_878 = arith.index_cast %add3A_819 : i32 to index
          %get3A_879 = arith.constant 64 : index
          %get3A_880 = tpu.vector_load %arg10[%get3A_877, %get3A_878, %get3A_879] {strides = array<i32>} : memref<2x128x128xf32, #tpu.memory_space<vmem>>, vector<1x1x16xf32>,
          %get3A_881 = vector.shape_cast %get3A_880 : vector<1x1x16xf32> to vector<16xf32>
          %mul3A_882 = arith.mulf %get3A_881, %broadcast_in_dim3A_815 : vector<16xf32>
          %swap3A_883 = arith.constant 0 : i32
          %swap3A_884 = arith.index_cast %swap3A_883 : i32 to index
          %swap3A_885 = arith.index_cast %add3A_819 : i32 to index
          %swap3A_886 = arith.constant 64 : index
          %swap3A_887 = tpu.vector_load %arg10[%swap3A_884, %swap3A_885, %swap3A_886] {strides = array<i32>} : memref<2x128x128xf32, #tpu.memory_space<vmem>>, vector<1x1x16xf32>,
          %swap3A_888 = vector.shape_cast %swap3A_887 : vector<1x1x16xf32> to vector<16xf32>
          %swap3A_889 = vector.shape_cast %mul3A_882 : vector<16xf32> to vector<1x1x16xf32>
          tpu.vector_store %arg10[%swap3A_884, %swap3A_885, %swap3A_886], %swap3A_889 {strides = array<i32>} : memref<2x128x128xf32, #tpu.memory_space<vmem>>, vector<1x1x16xf32>,
          %get3A_890 = arith.constant 0 : i32
          %get3A_891 = arith.index_cast %get3A_890 : i32 to index
          %get3A_892 = arith.index_cast %add3A_819 : i32 to index
          %get3A_893 = arith.constant 80 : index
          %get3A_894 = tpu.vector_load %arg10[%get3A_891, %get3A_892, %get3A_893] {strides = array<i32>} : memref<2x128x128xf32, #tpu.memory_space<vmem>>, vector<1x1x16xf32>,
          %get3A_895 = vector.shape_cast %get3A_894 : vector<1x1x16xf32> to vector<16xf32>
          %mul3A_896 = arith.mulf %get3A_895, %broadcast_in_dim3A_815 : vector<16xf32>
          %swap3A_897 = arith.constant 0 : i32
          %swap3A_898 = arith.index_cast %swap3A_897 : i32 to index
          %swap3A_899 = arith.index_cast %add3A_819 : i32 to index
          %swap3A_900 = arith.constant 80 : index
          %swap3A_901 = tpu.vector_load %arg10[%swap3A_898, %swap3A_899, %swap3A_900] {strides = array<i32>} : memref<2x128x128xf32, #tpu.memory_space<vmem>>, vector<1x1x16xf32>,
          %swap3A_902 = vector.shape_cast %swap3A_901 : vector<1x1x16xf32> to vector<16xf32>
          %swap3A_903 = vector.shape_cast %mul3A_896 : vector<16xf32> to vector<1x1x16xf32>
          tpu.vector_store %arg10[%swap3A_898, %swap3A_899, %swap3A_900], %swap3A_903 {strides = array<i32>} : memref<2x128x128xf32, #tpu.memory_space<vmem>>, vector<1x1x16xf32>,
          %get3A_904 = arith.constant 0 : i32
          %get3A_905 = arith.index_cast %get3A_904 : i32 to index
          %get3A_906 = arith.index_cast %add3A_819 : i32 to index
          %get3A_907 = arith.constant 96 : index
          %get3A_908 = tpu.vector_load %arg10[%get3A_905, %get3A_906, %get3A_907] {strides = array<i32>} : memref<2x128x128xf32, #tpu.memory_space<vmem>>, vector<1x1x16xf32>,
          %get3A_909 = vector.shape_cast %get3A_908 : vector<1x1x16xf32> to vector<16xf32>
          %mul3A_910 = arith.mulf %get3A_909, %broadcast_in_dim3A_815 : vector<16xf32>
          %swap3A_911 = arith.constant 0 : i32
          %swap3A_912 = arith.index_cast %swap3A_911 : i32 to index
          %swap3A_913 = arith.index_cast %add3A_819 : i32 to index
          %swap3A_914 = arith.constant 96 : index
          %swap3A_915 = tpu.vector_load %arg10[%swap3A_912, %swap3A_913, %swap3A_914] {strides = array<i32>} : memref<2x128x128xf32, #tpu.memory_space<vmem>>, vector<1x1x16xf32>,
          %swap3A_916 = vector.shape_cast %swap3A_915 : vector<1x1x16xf32> to vector<16xf32>
          %swap3A_917 = vector.shape_cast %mul3A_910 : vector<16xf32> to vector<1x1x16xf32>
          tpu.vector_store %arg10[%swap3A_912, %swap3A_913, %swap3A_914], %swap3A_917 {strides = array<i32>} : memref<2x128x128xf32, #tpu.memory_space<vmem>>, vector<1x1x16xf32>,
          %get3A_918 = arith.constant 0 : i32
          %get3A_919 = arith.index_cast %get3A_918 : i32 to index
          %get3A_920 = arith.index_cast %add3A_819 : i32 to index
          %get3A_921 = arith.constant 112 : index
          %get3A_922 = tpu.vector_load %arg10[%get3A_919, %get3A_920, %get3A_921] {strides = array<i32>} : memref<2x128x128xf32, #tpu.memory_space<vmem>>, vector<1x1x16xf32>,
          %get3A_923 = vector.shape_cast %get3A_922 : vector<1x1x16xf32> to vector<16xf32>
          %mul3A_924 = arith.mulf %get3A_923, %broadcast_in_dim3A_815 : vector<16xf32>
          %swap3A_925 = arith.constant 0 : i32
          %swap3A_926 = arith.index_cast %swap3A_925 : i32 to index
          %swap3A_927 = arith.index_cast %add3A_819 : i32 to index
          %swap3A_928 = arith.constant 112 : index
          %swap3A_929 = tpu.vector_load %arg10[%swap3A_926, %swap3A_927, %swap3A_928] {strides = array<i32>} : memref<2x128x128xf32, #tpu.memory_space<vmem>>, vector<1x1x16xf32>,
          %swap3A_930 = vector.shape_cast %swap3A_929 : vector<1x1x16xf32> to vector<16xf32>
          %swap3A_931 = vector.shape_cast %mul3A_924 : vector<16xf32> to vector<1x1x16xf32>
          tpu.vector_store %arg10[%swap3A_926, %swap3A_927, %swap3A_928], %swap3A_931 {strides = array<i32>} : memref<2x128x128xf32, #tpu.memory_space<vmem>>, vector<1x1x16xf32>,
          %slice3A_932 = vector.extract_strided_slice %get3A_221 {offsets = [6], sizes = [1], strides = [1]} : vector<16xf32> to vector<1xf32>
          %squeeze3A_933 = vector.extract %slice3A_932[0] : f32 from vector<1xf32>
          %broadcast_in_dim3A_934 = vector.broadcast %squeeze3A_933 : f32 to vector<16xf32>
          %mul3A_935 = arith.constant 16 : i32
          %mul3A_936 = arith.muli %scan3A_214, %mul3A_935 : i32
          %add3A_937 = arith.constant 6 : i32
          %add3A_938 = arith.addi %mul3A_936, %add3A_937 : i32
          %get3A_939 = arith.constant 0 : i32
          %get3A_940 = arith.index_cast %get3A_939 : i32 to index
          %get3A_941 = arith.index_cast %add3A_938 : i32 to index
          %get3A_942 = arith.constant 0 : index
          %get3A_943 = tpu.vector_load %arg10[%get3A_940, %get3A_941, %get3A_942] {strides = array<i32>} : memref<2x128x128xf32, #tpu.memory_space<vmem>>, vector<1x1x16xf32>,
          %get3A_944 = vector.shape_cast %get3A_943 : vector<1x1x16xf32> to vector<16xf32>
          %mul3A_945 = arith.mulf %get3A_944, %broadcast_in_dim3A_934 : vector<16xf32>
          %swap3A_946 = arith.constant 0 : i32
          %swap3A_947 = arith.index_cast %swap3A_946 : i32 to index
          %swap3A_948 = arith.index_cast %add3A_938 : i32 to index
          %swap3A_949 = arith.constant 0 : index
          %swap3A_950 = tpu.vector_load %arg10[%swap3A_947, %swap3A_948, %swap3A_949] {strides = array<i32>} : memref<2x128x128xf32, #tpu.memory_space<vmem>>, vector<1x1x16xf32>,
          %swap3A_951 = vector.shape_cast %swap3A_950 : vector<1x1x16xf32> to vector<16xf32>
          %swap3A_952 = vector.shape_cast %mul3A_945 : vector<16xf32> to vector<1x1x16xf32>
          tpu.vector_store %arg10[%swap3A_947, %swap3A_948, %swap3A_949], %swap3A_952 {strides = array<i32>} : memref<2x128x128xf32, #tpu.memory_space<vmem>>, vector<1x1x16xf32>,
          %get3A_953 = arith.constant 0 : i32
          %get3A_954 = arith.index_cast %get3A_953 : i32 to index
          %get3A_955 = arith.index_cast %add3A_938 : i32 to index
          %get3A_956 = arith.constant 16 : index
          %get3A_957 = tpu.vector_load %arg10[%get3A_954, %get3A_955, %get3A_956] {strides = array<i32>} : memref<2x128x128xf32, #tpu.memory_space<vmem>>, vector<1x1x16xf32>,
          %get3A_958 = vector.shape_cast %get3A_957 : vector<1x1x16xf32> to vector<16xf32>
          %mul3A_959 = arith.mulf %get3A_958, %broadcast_in_dim3A_934 : vector<16xf32>
          %swap3A_960 = arith.constant 0 : i32
          %swap3A_961 = arith.index_cast %swap3A_960 : i32 to index
          %swap3A_962 = arith.index_cast %add3A_938 : i32 to index
          %swap3A_963 = arith.constant 16 : index
          %swap3A_964 = tpu.vector_load %arg10[%swap3A_961, %swap3A_962, %swap3A_963] {strides = array<i32>} : memref<2x128x128xf32, #tpu.memory_space<vmem>>, vector<1x1x16xf32>,
          %swap3A_965 = vector.shape_cast %swap3A_964 : vector<1x1x16xf32> to vector<16xf32>
          %swap3A_966 = vector.shape_cast %mul3A_959 : vector<16xf32> to vector<1x1x16xf32>
          tpu.vector_store %arg10[%swap3A_961, %swap3A_962, %swap3A_963], %swap3A_966 {strides = array<i32>} : memref<2x128x128xf32, #tpu.memory_space<vmem>>, vector<1x1x16xf32>,
          %get3A_967 = arith.constant 0 : i32
          %get3A_968 = arith.index_cast %get3A_967 : i32 to index
          %get3A_969 = arith.index_cast %add3A_938 : i32 to index
          %get3A_970 = arith.constant 32 : index
          %get3A_971 = tpu.vector_load %arg10[%get3A_968, %get3A_969, %get3A_970] {strides = array<i32>} : memref<2x128x128xf32, #tpu.memory_space<vmem>>, vector<1x1x16xf32>,
          %get3A_972 = vector.shape_cast %get3A_971 : vector<1x1x16xf32> to vector<16xf32>
          %mul3A_973 = arith.mulf %get3A_972, %broadcast_in_dim3A_934 : vector<16xf32>
          %swap3A_974 = arith.constant 0 : i32
          %swap3A_975 = arith.index_cast %swap3A_974 : i32 to index
          %swap3A_976 = arith.index_cast %add3A_938 : i32 to index
          %swap3A_977 = arith.constant 32 : index
          %swap3A_978 = tpu.vector_load %arg10[%swap3A_975, %swap3A_976, %swap3A_977] {strides = array<i32>} : memref<2x128x128xf32, #tpu.memory_space<vmem>>, vector<1x1x16xf32>,
          %swap3A_979 = vector.shape_cast %swap3A_978 : vector<1x1x16xf32> to vector<16xf32>
          %swap3A_980 = vector.shape_cast %mul3A_973 : vector<16xf32> to vector<1x1x16xf32>
          tpu.vector_store %arg10[%swap3A_975, %swap3A_976, %swap3A_977], %swap3A_980 {strides = array<i32>} : memref<2x128x128xf32, #tpu.memory_space<vmem>>, vector<1x1x16xf32>,
          %get3A_981 = arith.constant 0 : i32
          %get3A_982 = arith.index_cast %get3A_981 : i32 to index
          %get3A_983 = arith.index_cast %add3A_938 : i32 to index
          %get3A_984 = arith.constant 48 : index
          %get3A_985 = tpu.vector_load %arg10[%get3A_982, %get3A_983, %get3A_984] {strides = array<i32>} : memref<2x128x128xf32, #tpu.memory_space<vmem>>, vector<1x1x16xf32>,
          %get3A_986 = vector.shape_cast %get3A_985 : vector<1x1x16xf32> to vector<16xf32>
          %mul3A_987 = arith.mulf %get3A_986, %broadcast_in_dim3A_934 : vector<16xf32>
          %swap3A_988 = arith.constant 0 : i32
          %swap3A_989 = arith.index_cast %swap3A_988 : i32 to index
          %swap3A_990 = arith.index_cast %add3A_938 : i32 to index
          %swap3A_991 = arith.constant 48 : index
          %swap3A_992 = tpu.vector_load %arg10[%swap3A_989, %swap3A_990, %swap3A_991] {strides = array<i32>} : memref<2x128x128xf32, #tpu.memory_space<vmem>>, vector<1x1x16xf32>,
          %swap3A_993 = vector.shape_cast %swap3A_992 : vector<1x1x16xf32> to vector<16xf32>
          %swap3A_994 = vector.shape_cast %mul3A_987 : vector<16xf32> to vector<1x1x16xf32>
          tpu.vector_store %arg10[%swap3A_989, %swap3A_990, %swap3A_991], %swap3A_994 {strides = array<i32>} : memref<2x128x128xf32, #tpu.memory_space<vmem>>, vector<1x1x16xf32>,
          %get3A_995 = arith.constant 0 : i32
          %get3A_996 = arith.index_cast %get3A_995 : i32 to index
          %get3A_997 = arith.index_cast %add3A_938 : i32 to index
          %get3A_998 = arith.constant 64 : index
          %get3A_999 = tpu.vector_load %arg10[%get3A_996, %get3A_997, %get3A_998] {strides = array<i32>} : memref<2x128x128xf32, #tpu.memory_space<vmem>>, vector<1x1x16xf32>,
          %get3A_1000 = vector.shape_cast %get3A_999 : vector<1x1x16xf32> to vector<16xf32>
          %mul3A_1001 = arith.mulf %get3A_1000, %broadcast_in_dim3A_934 : vector<16xf32>
          %swap3A_1002 = arith.constant 0 : i32
          %swap3A_1003 = arith.index_cast %swap3A_1002 : i32 to index
          %swap3A_1004 = arith.index_cast %add3A_938 : i32 to index
          %swap3A_1005 = arith.constant 64 : index
          %swap3A_1006 = tpu.vector_load %arg10[%swap3A_1003, %swap3A_1004, %swap3A_1005] {strides = array<i32>} : memref<2x128x128xf32, #tpu.memory_space<vmem>>, vector<1x1x16xf32>,
          %swap3A_1007 = vector.shape_cast %swap3A_1006 : vector<1x1x16xf32> to vector<16xf32>
          %swap3A_1008 = vector.shape_cast %mul3A_1001 : vector<16xf32> to vector<1x1x16xf32>
          tpu.vector_store %arg10[%swap3A_1003, %swap3A_1004, %swap3A_1005], %swap3A_1008 {strides = array<i32>} : memref<2x128x128xf32, #tpu.memory_space<vmem>>, vector<1x1x16xf32>,
          %get3A_1009 = arith.constant 0 : i32
          %get3A_1010 = arith.index_cast %get3A_1009 : i32 to index
          %get3A_1011 = arith.index_cast %add3A_938 : i32 to index
          %get3A_1012 = arith.constant 80 : index
          %get3A_1013 = tpu.vector_load %arg10[%get3A_1010, %get3A_1011, %get3A_1012] {strides = array<i32>} : memref<2x128x128xf32, #tpu.memory_space<vmem>>, vector<1x1x16xf32>,
          %get3A_1014 = vector.shape_cast %get3A_1013 : vector<1x1x16xf32> to vector<16xf32>
          %mul3A_1015 = arith.mulf %get3A_1014, %broadcast_in_dim3A_934 : vector<16xf32>
          %swap3A_1016 = arith.constant 0 : i32
          %swap3A_1017 = arith.index_cast %swap3A_1016 : i32 to index
          %swap3A_1018 = arith.index_cast %add3A_938 : i32 to index
          %swap3A_1019 = arith.constant 80 : index
          %swap3A_1020 = tpu.vector_load %arg10[%swap3A_1017, %swap3A_1018, %swap3A_1019] {strides = array<i32>} : memref<2x128x128xf32, #tpu.memory_space<vmem>>, vector<1x1x16xf32>,
          %swap3A_1021 = vector.shape_cast %swap3A_1020 : vector<1x1x16xf32> to vector<16xf32>
          %swap3A_1022 = vector.shape_cast %mul3A_1015 : vector<16xf32> to vector<1x1x16xf32>
          tpu.vector_store %arg10[%swap3A_1017, %swap3A_1018, %swap3A_1019], %swap3A_1022 {strides = array<i32>} : memref<2x128x128xf32, #tpu.memory_space<vmem>>, vector<1x1x16xf32>,
          %get3A_1023 = arith.constant 0 : i32
          %get3A_1024 = arith.index_cast %get3A_1023 : i32 to index
          %get3A_1025 = arith.index_cast %add3A_938 : i32 to index
          %get3A_1026 = arith.constant 96 : index
          %get3A_1027 = tpu.vector_load %arg10[%get3A_1024, %get3A_1025, %get3A_1026] {strides = array<i32>} : memref<2x128x128xf32, #tpu.memory_space<vmem>>, vector<1x1x16xf32>,
          %get3A_1028 = vector.shape_cast %get3A_1027 : vector<1x1x16xf32> to vector<16xf32>
          %mul3A_1029 = arith.mulf %get3A_1028, %broadcast_in_dim3A_934 : vector<16xf32>
          %swap3A_1030 = arith.constant 0 : i32
          %swap3A_1031 = arith.index_cast %swap3A_1030 : i32 to index
          %swap3A_1032 = arith.index_cast %add3A_938 : i32 to index
          %swap3A_1033 = arith.constant 96 : index
          %swap3A_1034 = tpu.vector_load %arg10[%swap3A_1031, %swap3A_1032, %swap3A_1033] {strides = array<i32>} : memref<2x128x128xf32, #tpu.memory_space<vmem>>, vector<1x1x16xf32>,
          %swap3A_1035 = vector.shape_cast %swap3A_1034 : vector<1x1x16xf32> to vector<16xf32>
          %swap3A_1036 = vector.shape_cast %mul3A_1029 : vector<16xf32> to vector<1x1x16xf32>
          tpu.vector_store %arg10[%swap3A_1031, %swap3A_1032, %swap3A_1033], %swap3A_1036 {strides = array<i32>} : memref<2x128x128xf32, #tpu.memory_space<vmem>>, vector<1x1x16xf32>,
          %get3A_1037 = arith.constant 0 : i32
          %get3A_1038 = arith.index_cast %get3A_1037 : i32 to index
          %get3A_1039 = arith.index_cast %add3A_938 : i32 to index
          %get3A_1040 = arith.constant 112 : index
          %get3A_1041 = tpu.vector_load %arg10[%get3A_1038, %get3A_1039, %get3A_1040] {strides = array<i32>} : memref<2x128x128xf32, #tpu.memory_space<vmem>>, vector<1x1x16xf32>,
          %get3A_1042 = vector.shape_cast %get3A_1041 : vector<1x1x16xf32> to vector<16xf32>
          %mul3A_1043 = arith.mulf %get3A_1042, %broadcast_in_dim3A_934 : vector<16xf32>
          %swap3A_1044 = arith.constant 0 : i32
          %swap3A_1045 = arith.index_cast %swap3A_1044 : i32 to index
          %swap3A_1046 = arith.index_cast %add3A_938 : i32 to index
          %swap3A_1047 = arith.constant 112 : index
          %swap3A_1048 = tpu.vector_load %arg10[%swap3A_1045, %swap3A_1046, %swap3A_1047] {strides = array<i32>} : memref<2x128x128xf32, #tpu.memory_space<vmem>>, vector<1x1x16xf32>,
          %swap3A_1049 = vector.shape_cast %swap3A_1048 : vector<1x1x16xf32> to vector<16xf32>
          %swap3A_1050 = vector.shape_cast %mul3A_1043 : vector<16xf32> to vector<1x1x16xf32>
          tpu.vector_store %arg10[%swap3A_1045, %swap3A_1046, %swap3A_1047], %swap3A_1050 {strides = array<i32>} : memref<2x128x128xf32, #tpu.memory_space<vmem>>, vector<1x1x16xf32>,
          %slice3A_1051 = vector.extract_strided_slice %get3A_221 {offsets = [7], sizes = [1], strides = [1]} : vector<16xf32> to vector<1xf32>
          %squeeze3A_1052 = vector.extract %slice3A_1051[0] : f32 from vector<1xf32>
          %broadcast_in_dim3A_1053 = vector.broadcast %squeeze3A_1052 : f32 to vector<16xf32>
          %mul3A_1054 = arith.constant 16 : i32
          %mul3A_1055 = arith.muli %scan3A_214, %mul3A_1054 : i32
          %add3A_1056 = arith.constant 7 : i32
          %add3A_1057 = arith.addi %mul3A_1055, %add3A_1056 : i32
          %get3A_1058 = arith.constant 0 : i32
          %get3A_1059 = arith.index_cast %get3A_1058 : i32 to index
          %get3A_1060 = arith.index_cast %add3A_1057 : i32 to index
          %get3A_1061 = arith.constant 0 : index
          %get3A_1062 = tpu.vector_load %arg10[%get3A_1059, %get3A_1060, %get3A_1061] {strides = array<i32>} : memref<2x128x128xf32, #tpu.memory_space<vmem>>, vector<1x1x16xf32>,
          %get3A_1063 = vector.shape_cast %get3A_1062 : vector<1x1x16xf32> to vector<16xf32>
          %mul3A_1064 = arith.mulf %get3A_1063, %broadcast_in_dim3A_1053 : vector<16xf32>
          %swap3A_1065 = arith.constant 0 : i32
          %swap3A_1066 = arith.index_cast %swap3A_1065 : i32 to index
          %swap3A_1067 = arith.index_cast %add3A_1057 : i32 to index
          %swap3A_1068 = arith.constant 0 : index
          %swap3A_1069 = tpu.vector_load %arg10[%swap3A_1066, %swap3A_1067, %swap3A_1068] {strides = array<i32>} : memref<2x128x128xf32, #tpu.memory_space<vmem>>, vector<1x1x16xf32>,
          %swap3A_1070 = vector.shape_cast %swap3A_1069 : vector<1x1x16xf32> to vector<16xf32>
          %swap3A_1071 = vector.shape_cast %mul3A_1064 : vector<16xf32> to vector<1x1x16xf32>
          tpu.vector_store %arg10[%swap3A_1066, %swap3A_1067, %swap3A_1068], %swap3A_1071 {strides = array<i32>} : memref<2x128x128xf32, #tpu.memory_space<vmem>>, vector<1x1x16xf32>,
          %get3A_1072 = arith.constant 0 : i32
          %get3A_1073 = arith.index_cast %get3A_1072 : i32 to index
          %get3A_1074 = arith.index_cast %add3A_1057 : i32 to index
          %get3A_1075 = arith.constant 16 : index
          %get3A_1076 = tpu.vector_load %arg10[%get3A_1073, %get3A_1074, %get3A_1075] {strides = array<i32>} : memref<2x128x128xf32, #tpu.memory_space<vmem>>, vector<1x1x16xf32>,
          %get3A_1077 = vector.shape_cast %get3A_1076 : vector<1x1x16xf32> to vector<16xf32>
          %mul3A_1078 = arith.mulf %get3A_1077, %broadcast_in_dim3A_1053 : vector<16xf32>
          %swap3A_1079 = arith.constant 0 : i32
          %swap3A_1080 = arith.index_cast %swap3A_1079 : i32 to index
          %swap3A_1081 = arith.index_cast %add3A_1057 : i32 to index
          %swap3A_1082 = arith.constant 16 : index
          %swap3A_1083 = tpu.vector_load %arg10[%swap3A_1080, %swap3A_1081, %swap3A_1082] {strides = array<i32>} : memref<2x128x128xf32, #tpu.memory_space<vmem>>, vector<1x1x16xf32>,
          %swap3A_1084 = vector.shape_cast %swap3A_1083 : vector<1x1x16xf32> to vector<16xf32>
          %swap3A_1085 = vector.shape_cast %mul3A_1078 : vector<16xf32> to vector<1x1x16xf32>
          tpu.vector_store %arg10[%swap3A_1080, %swap3A_1081, %swap3A_1082], %swap3A_1085 {strides = array<i32>} : memref<2x128x128xf32, #tpu.memory_space<vmem>>, vector<1x1x16xf32>,
          %get3A_1086 = arith.constant 0 : i32
          %get3A_1087 = arith.index_cast %get3A_1086 : i32 to index
          %get3A_1088 = arith.index_cast %add3A_1057 : i32 to index
          %get3A_1089 = arith.constant 32 : index
          %get3A_1090 = tpu.vector_load %arg10[%get3A_1087, %get3A_1088, %get3A_1089] {strides = array<i32>} : memref<2x128x128xf32, #tpu.memory_space<vmem>>, vector<1x1x16xf32>,
          %get3A_1091 = vector.shape_cast %get3A_1090 : vector<1x1x16xf32> to vector<16xf32>
          %mul3A_1092 = arith.mulf %get3A_1091, %broadcast_in_dim3A_1053 : vector<16xf32>
          %swap3A_1093 = arith.constant 0 : i32
          %swap3A_1094 = arith.index_cast %swap3A_1093 : i32 to index
          %swap3A_1095 = arith.index_cast %add3A_1057 : i32 to index
          %swap3A_1096 = arith.constant 32 : index
          %swap3A_1097 = tpu.vector_load %arg10[%swap3A_1094, %swap3A_1095, %swap3A_1096] {strides = array<i32>} : memref<2x128x128xf32, #tpu.memory_space<vmem>>, vector<1x1x16xf32>,
          %swap3A_1098 = vector.shape_cast %swap3A_1097 : vector<1x1x16xf32> to vector<16xf32>
          %swap3A_1099 = vector.shape_cast %mul3A_1092 : vector<16xf32> to vector<1x1x16xf32>
          tpu.vector_store %arg10[%swap3A_1094, %swap3A_1095, %swap3A_1096], %swap3A_1099 {strides = array<i32>} : memref<2x128x128xf32, #tpu.memory_space<vmem>>, vector<1x1x16xf32>,
          %get3A_1100 = arith.constant 0 : i32
          %get3A_1101 = arith.index_cast %get3A_1100 : i32 to index
          %get3A_1102 = arith.index_cast %add3A_1057 : i32 to index
          %get3A_1103 = arith.constant 48 : index
          %get3A_1104 = tpu.vector_load %arg10[%get3A_1101, %get3A_1102, %get3A_1103] {strides = array<i32>} : memref<2x128x128xf32, #tpu.memory_space<vmem>>, vector<1x1x16xf32>,
          %get3A_1105 = vector.shape_cast %get3A_1104 : vector<1x1x16xf32> to vector<16xf32>
          %mul3A_1106 = arith.mulf %get3A_1105, %broadcast_in_dim3A_1053 : vector<16xf32>
          %swap3A_1107 = arith.constant 0 : i32
          %swap3A_1108 = arith.index_cast %swap3A_1107 : i32 to index
          %swap3A_1109 = arith.index_cast %add3A_1057 : i32 to index
          %swap3A_1110 = arith.constant 48 : index
          %swap3A_1111 = tpu.vector_load %arg10[%swap3A_1108, %swap3A_1109, %swap3A_1110] {strides = array<i32>} : memref<2x128x128xf32, #tpu.memory_space<vmem>>, vector<1x1x16xf32>,
          %swap3A_1112 = vector.shape_cast %swap3A_1111 : vector<1x1x16xf32> to vector<16xf32>
          %swap3A_1113 = vector.shape_cast %mul3A_1106 : vector<16xf32> to vector<1x1x16xf32>
          tpu.vector_store %arg10[%swap3A_1108, %swap3A_1109, %swap3A_1110], %swap3A_1113 {strides = array<i32>} : memref<2x128x128xf32, #tpu.memory_space<vmem>>, vector<1x1x16xf32>,
          %get3A_1114 = arith.constant 0 : i32
          %get3A_1115 = arith.index_cast %get3A_1114 : i32 to index
          %get3A_1116 = arith.index_cast %add3A_1057 : i32 to index
          %get3A_1117 = arith.constant 64 : index
          %get3A_1118 = tpu.vector_load %arg10[%get3A_1115, %get3A_1116, %get3A_1117] {strides = array<i32>} : memref<2x128x128xf32, #tpu.memory_space<vmem>>, vector<1x1x16xf32>,
          %get3A_1119 = vector.shape_cast %get3A_1118 : vector<1x1x16xf32> to vector<16xf32>
          %mul3A_1120 = arith.mulf %get3A_1119, %broadcast_in_dim3A_1053 : vector<16xf32>
          %swap3A_1121 = arith.constant 0 : i32
          %swap3A_1122 = arith.index_cast %swap3A_1121 : i32 to index
          %swap3A_1123 = arith.index_cast %add3A_1057 : i32 to index
          %swap3A_1124 = arith.constant 64 : index
          %swap3A_1125 = tpu.vector_load %arg10[%swap3A_1122, %swap3A_1123, %swap3A_1124] {strides = array<i32>} : memref<2x128x128xf32, #tpu.memory_space<vmem>>, vector<1x1x16xf32>,
          %swap3A_1126 = vector.shape_cast %swap3A_1125 : vector<1x1x16xf32> to vector<16xf32>
          %swap3A_1127 = vector.shape_cast %mul3A_1120 : vector<16xf32> to vector<1x1x16xf32>
          tpu.vector_store %arg10[%swap3A_1122, %swap3A_1123, %swap3A_1124], %swap3A_1127 {strides = array<i32>} : memref<2x128x128xf32, #tpu.memory_space<vmem>>, vector<1x1x16xf32>,
          %get3A_1128 = arith.constant 0 : i32
          %get3A_1129 = arith.index_cast %get3A_1128 : i32 to index
          %get3A_1130 = arith.index_cast %add3A_1057 : i32 to index
          %get3A_1131 = arith.constant 80 : index
          %get3A_1132 = tpu.vector_load %arg10[%get3A_1129, %get3A_1130, %get3A_1131] {strides = array<i32>} : memref<2x128x128xf32, #tpu.memory_space<vmem>>, vector<1x1x16xf32>,
          %get3A_1133 = vector.shape_cast %get3A_1132 : vector<1x1x16xf32> to vector<16xf32>
          %mul3A_1134 = arith.mulf %get3A_1133, %broadcast_in_dim3A_1053 : vector<16xf32>
          %swap3A_1135 = arith.constant 0 : i32
          %swap3A_1136 = arith.index_cast %swap3A_1135 : i32 to index
          %swap3A_1137 = arith.index_cast %add3A_1057 : i32 to index
          %swap3A_1138 = arith.constant 80 : index
          %swap3A_1139 = tpu.vector_load %arg10[%swap3A_1136, %swap3A_1137, %swap3A_1138] {strides = array<i32>} : memref<2x128x128xf32, #tpu.memory_space<vmem>>, vector<1x1x16xf32>,
          %swap3A_1140 = vector.shape_cast %swap3A_1139 : vector<1x1x16xf32> to vector<16xf32>
          %swap3A_1141 = vector.shape_cast %mul3A_1134 : vector<16xf32> to vector<1x1x16xf32>
          tpu.vector_store %arg10[%swap3A_1136, %swap3A_1137, %swap3A_1138], %swap3A_1141 {strides = array<i32>} : memref<2x128x128xf32, #tpu.memory_space<vmem>>, vector<1x1x16xf32>,
          %get3A_1142 = arith.constant 0 : i32
          %get3A_1143 = arith.index_cast %get3A_1142 : i32 to index
          %get3A_1144 = arith.index_cast %add3A_1057 : i32 to index
          %get3A_1145 = arith.constant 96 : index
          %get3A_1146 = tpu.vector_load %arg10[%get3A_1143, %get3A_1144, %get3A_1145] {strides = array<i32>} : memref<2x128x128xf32, #tpu.memory_space<vmem>>, vector<1x1x16xf32>,
          %get3A_1147 = vector.shape_cast %get3A_1146 : vector<1x1x16xf32> to vector<16xf32>
          %mul3A_1148 = arith.mulf %get3A_1147, %broadcast_in_dim3A_1053 : vector<16xf32>
          %swap3A_1149 = arith.constant 0 : i32
          %swap3A_1150 = arith.index_cast %swap3A_1149 : i32 to index
          %swap3A_1151 = arith.index_cast %add3A_1057 : i32 to index
          %swap3A_1152 = arith.constant 96 : index
          %swap3A_1153 = tpu.vector_load %arg10[%swap3A_1150, %swap3A_1151, %swap3A_1152] {strides = array<i32>} : memref<2x128x128xf32, #tpu.memory_space<vmem>>, vector<1x1x16xf32>,
          %swap3A_1154 = vector.shape_cast %swap3A_1153 : vector<1x1x16xf32> to vector<16xf32>
          %swap3A_1155 = vector.shape_cast %mul3A_1148 : vector<16xf32> to vector<1x1x16xf32>
          tpu.vector_store %arg10[%swap3A_1150, %swap3A_1151, %swap3A_1152], %swap3A_1155 {strides = array<i32>} : memref<2x128x128xf32, #tpu.memory_space<vmem>>, vector<1x1x16xf32>,
          %get3A_1156 = arith.constant 0 : i32
          %get3A_1157 = arith.index_cast %get3A_1156 : i32 to index
          %get3A_1158 = arith.index_cast %add3A_1057 : i32 to index
          %get3A_1159 = arith.constant 112 : index
          %get3A_1160 = tpu.vector_load %arg10[%get3A_1157, %get3A_1158, %get3A_1159] {strides = array<i32>} : memref<2x128x128xf32, #tpu.memory_space<vmem>>, vector<1x1x16xf32>,
          %get3A_1161 = vector.shape_cast %get3A_1160 : vector<1x1x16xf32> to vector<16xf32>
          %mul3A_1162 = arith.mulf %get3A_1161, %broadcast_in_dim3A_1053 : vector<16xf32>
          %swap3A_1163 = arith.constant 0 : i32
          %swap3A_1164 = arith.index_cast %swap3A_1163 : i32 to index
          %swap3A_1165 = arith.index_cast %add3A_1057 : i32 to index
          %swap3A_1166 = arith.constant 112 : index
          %swap3A_1167 = tpu.vector_load %arg10[%swap3A_1164, %swap3A_1165, %swap3A_1166] {strides = array<i32>} : memref<2x128x128xf32, #tpu.memory_space<vmem>>, vector<1x1x16xf32>,
          %swap3A_1168 = vector.shape_cast %swap3A_1167 : vector<1x1x16xf32> to vector<16xf32>
          %swap3A_1169 = vector.shape_cast %mul3A_1162 : vector<16xf32> to vector<1x1x16xf32>
          tpu.vector_store %arg10[%swap3A_1164, %swap3A_1165, %swap3A_1166], %swap3A_1169 {strides = array<i32>} : memref<2x128x128xf32, #tpu.memory_space<vmem>>, vector<1x1x16xf32>,
          %slice3A_1170 = vector.extract_strided_slice %get3A_221 {offsets = [8], sizes = [1], strides = [1]} : vector<16xf32> to vector<1xf32>
          %squeeze3A_1171 = vector.extract %slice3A_1170[0] : f32 from vector<1xf32>
          %broadcast_in_dim3A_1172 = vector.broadcast %squeeze3A_1171 : f32 to vector<16xf32>
          %mul3A_1173 = arith.constant 16 : i32
          %mul3A_1174 = arith.muli %scan3A_214, %mul3A_1173 : i32
          %add3A_1175 = arith.constant 8 : i32
          %add3A_1176 = arith.addi %mul3A_1174, %add3A_1175 : i32
          %get3A_1177 = arith.constant 0 : i32
          %get3A_1178 = arith.index_cast %get3A_1177 : i32 to index
          %get3A_1179 = arith.index_cast %add3A_1176 : i32 to index
          %get3A_1180 = arith.constant 0 : index
          %get3A_1181 = tpu.vector_load %arg10[%get3A_1178, %get3A_1179, %get3A_1180] {strides = array<i32>} : memref<2x128x128xf32, #tpu.memory_space<vmem>>, vector<1x1x16xf32>,
          %get3A_1182 = vector.shape_cast %get3A_1181 : vector<1x1x16xf32> to vector<16xf32>
          %mul3A_1183 = arith.mulf %get3A_1182, %broadcast_in_dim3A_1172 : vector<16xf32>
          %swap3A_1184 = arith.constant 0 : i32
          %swap3A_1185 = arith.index_cast %swap3A_1184 : i32 to index
          %swap3A_1186 = arith.index_cast %add3A_1176 : i32 to index
          %swap3A_1187 = arith.constant 0 : index
          %swap3A_1188 = tpu.vector_load %arg10[%swap3A_1185, %swap3A_1186, %swap3A_1187] {strides = array<i32>} : memref<2x128x128xf32, #tpu.memory_space<vmem>>, vector<1x1x16xf32>,
          %swap3A_1189 = vector.shape_cast %swap3A_1188 : vector<1x1x16xf32> to vector<16xf32>
          %swap3A_1190 = vector.shape_cast %mul3A_1183 : vector<16xf32> to vector<1x1x16xf32>
          tpu.vector_store %arg10[%swap3A_1185, %swap3A_1186, %swap3A_1187], %swap3A_1190 {strides = array<i32>} : memref<2x128x128xf32, #tpu.memory_space<vmem>>, vector<1x1x16xf32>,
          %get3A_1191 = arith.constant 0 : i32
          %get3A_1192 = arith.index_cast %get3A_1191 : i32 to index
          %get3A_1193 = arith.index_cast %add3A_1176 : i32 to index
          %get3A_1194 = arith.constant 16 : index
          %get3A_1195 = tpu.vector_load %arg10[%get3A_1192, %get3A_1193, %get3A_1194] {strides = array<i32>} : memref<2x128x128xf32, #tpu.memory_space<vmem>>, vector<1x1x16xf32>,
          %get3A_1196 = vector.shape_cast %get3A_1195 : vector<1x1x16xf32> to vector<16xf32>
          %mul3A_1197 = arith.mulf %get3A_1196, %broadcast_in_dim3A_1172 : vector<16xf32>
          %swap3A_1198 = arith.constant 0 : i32
          %swap3A_1199 = arith.index_cast %swap3A_1198 : i32 to index
          %swap3A_1200 = arith.index_cast %add3A_1176 : i32 to index
          %swap3A_1201 = arith.constant 16 : index
          %swap3A_1202 = tpu.vector_load %arg10[%swap3A_1199, %swap3A_1200, %swap3A_1201] {strides = array<i32>} : memref<2x128x128xf32, #tpu.memory_space<vmem>>, vector<1x1x16xf32>,
          %swap3A_1203 = vector.shape_cast %swap3A_1202 : vector<1x1x16xf32> to vector<16xf32>
          %swap3A_1204 = vector.shape_cast %mul3A_1197 : vector<16xf32> to vector<1x1x16xf32>
          tpu.vector_store %arg10[%swap3A_1199, %swap3A_1200, %swap3A_1201], %swap3A_1204 {strides = array<i32>} : memref<2x128x128xf32, #tpu.memory_space<vmem>>, vector<1x1x16xf32>,
          %get3A_1205 = arith.constant 0 : i32
          %get3A_1206 = arith.index_cast %get3A_1205 : i32 to index
          %get3A_1207 = arith.index_cast %add3A_1176 : i32 to index
          %get3A_1208 = arith.constant 32 : index
          %get3A_1209 = tpu.vector_load %arg10[%get3A_1206, %get3A_1207, %get3A_1208] {strides = array<i32>} : memref<2x128x128xf32, #tpu.memory_space<vmem>>, vector<1x1x16xf32>,
          %get3A_1210 = vector.shape_cast %get3A_1209 : vector<1x1x16xf32> to vector<16xf32>
          %mul3A_1211 = arith.mulf %get3A_1210, %broadcast_in_dim3A_1172 : vector<16xf32>
          %swap3A_1212 = arith.constant 0 : i32
          %swap3A_1213 = arith.index_cast %swap3A_1212 : i32 to index
          %swap3A_1214 = arith.index_cast %add3A_1176 : i32 to index
          %swap3A_1215 = arith.constant 32 : index
          %swap3A_1216 = tpu.vector_load %arg10[%swap3A_1213, %swap3A_1214, %swap3A_1215] {strides = array<i32>} : memref<2x128x128xf32, #tpu.memory_space<vmem>>, vector<1x1x16xf32>,
          %swap3A_1217 = vector.shape_cast %swap3A_1216 : vector<1x1x16xf32> to vector<16xf32>
          %swap3A_1218 = vector.shape_cast %mul3A_1211 : vector<16xf32> to vector<1x1x16xf32>
          tpu.vector_store %arg10[%swap3A_1213, %swap3A_1214, %swap3A_1215], %swap3A_1218 {strides = array<i32>} : memref<2x128x128xf32, #tpu.memory_space<vmem>>, vector<1x1x16xf32>,
          %get3A_1219 = arith.constant 0 : i32
          %get3A_1220 = arith.index_cast %get3A_1219 : i32 to index
          %get3A_1221 = arith.index_cast %add3A_1176 : i32 to index
          %get3A_1222 = arith.constant 48 : index
          %get3A_1223 = tpu.vector_load %arg10[%get3A_1220, %get3A_1221, %get3A_1222] {strides = array<i32>} : memref<2x128x128xf32, #tpu.memory_space<vmem>>, vector<1x1x16xf32>,
          %get3A_1224 = vector.shape_cast %get3A_1223 : vector<1x1x16xf32> to vector<16xf32>
          %mul3A_1225 = arith.mulf %get3A_1224, %broadcast_in_dim3A_1172 : vector<16xf32>
          %swap3A_1226 = arith.constant 0 : i32
          %swap3A_1227 = arith.index_cast %swap3A_1226 : i32 to index
          %swap3A_1228 = arith.index_cast %add3A_1176 : i32 to index
          %swap3A_1229 = arith.constant 48 : index
          %swap3A_1230 = tpu.vector_load %arg10[%swap3A_1227, %swap3A_1228, %swap3A_1229] {strides = array<i32>} : memref<2x128x128xf32, #tpu.memory_space<vmem>>, vector<1x1x16xf32>,
          %swap3A_1231 = vector.shape_cast %swap3A_1230 : vector<1x1x16xf32> to vector<16xf32>
          %swap3A_1232 = vector.shape_cast %mul3A_1225 : vector<16xf32> to vector<1x1x16xf32>
          tpu.vector_store %arg10[%swap3A_1227, %swap3A_1228, %swap3A_1229], %swap3A_1232 {strides = array<i32>} : memref<2x128x128xf32, #tpu.memory_space<vmem>>, vector<1x1x16xf32>,
          %get3A_1233 = arith.constant 0 : i32
          %get3A_1234 = arith.index_cast %get3A_1233 : i32 to index
          %get3A_1235 = arith.index_cast %add3A_1176 : i32 to index
          %get3A_1236 = arith.constant 64 : index
          %get3A_1237 = tpu.vector_load %arg10[%get3A_1234, %get3A_1235, %get3A_1236] {strides = array<i32>} : memref<2x128x128xf32, #tpu.memory_space<vmem>>, vector<1x1x16xf32>,
          %get3A_1238 = vector.shape_cast %get3A_1237 : vector<1x1x16xf32> to vector<16xf32>
          %mul3A_1239 = arith.mulf %get3A_1238, %broadcast_in_dim3A_1172 : vector<16xf32>
          %swap3A_1240 = arith.constant 0 : i32
          %swap3A_1241 = arith.index_cast %swap3A_1240 : i32 to index
          %swap3A_1242 = arith.index_cast %add3A_1176 : i32 to index
          %swap3A_1243 = arith.constant 64 : index
          %swap3A_1244 = tpu.vector_load %arg10[%swap3A_1241, %swap3A_1242, %swap3A_1243] {strides = array<i32>} : memref<2x128x128xf32, #tpu.memory_space<vmem>>, vector<1x1x16xf32>,
          %swap3A_1245 = vector.shape_cast %swap3A_1244 : vector<1x1x16xf32> to vector<16xf32>
          %swap3A_1246 = vector.shape_cast %mul3A_1239 : vector<16xf32> to vector<1x1x16xf32>
          tpu.vector_store %arg10[%swap3A_1241, %swap3A_1242, %swap3A_1243], %swap3A_1246 {strides = array<i32>} : memref<2x128x128xf32, #tpu.memory_space<vmem>>, vector<1x1x16xf32>,
          %get3A_1247 = arith.constant 0 : i32
          %get3A_1248 = arith.index_cast %get3A_1247 : i32 to index
          %get3A_1249 = arith.index_cast %add3A_1176 : i32 to index
          %get3A_1250 = arith.constant 80 : index
          %get3A_1251 = tpu.vector_load %arg10[%get3A_1248, %get3A_1249, %get3A_1250] {strides = array<i32>} : memref<2x128x128xf32, #tpu.memory_space<vmem>>, vector<1x1x16xf32>,
          %get3A_1252 = vector.shape_cast %get3A_1251 : vector<1x1x16xf32> to vector<16xf32>
          %mul3A_1253 = arith.mulf %get3A_1252, %broadcast_in_dim3A_1172 : vector<16xf32>
          %swap3A_1254 = arith.constant 0 : i32
          %swap3A_1255 = arith.index_cast %swap3A_1254 : i32 to index
          %swap3A_1256 = arith.index_cast %add3A_1176 : i32 to index
          %swap3A_1257 = arith.constant 80 : index
          %swap3A_1258 = tpu.vector_load %arg10[%swap3A_1255, %swap3A_1256, %swap3A_1257] {strides = array<i32>} : memref<2x128x128xf32, #tpu.memory_space<vmem>>, vector<1x1x16xf32>,
          %swap3A_1259 = vector.shape_cast %swap3A_1258 : vector<1x1x16xf32> to vector<16xf32>
          %swap3A_1260 = vector.shape_cast %mul3A_1253 : vector<16xf32> to vector<1x1x16xf32>
          tpu.vector_store %arg10[%swap3A_1255, %swap3A_1256, %swap3A_1257], %swap3A_1260 {strides = array<i32>} : memref<2x128x128xf32, #tpu.memory_space<vmem>>, vector<1x1x16xf32>,
          %get3A_1261 = arith.constant 0 : i32
          %get3A_1262 = arith.index_cast %get3A_1261 : i32 to index
          %get3A_1263 = arith.index_cast %add3A_1176 : i32 to index
          %get3A_1264 = arith.constant 96 : index
          %get3A_1265 = tpu.vector_load %arg10[%get3A_1262, %get3A_1263, %get3A_1264] {strides = array<i32>} : memref<2x128x128xf32, #tpu.memory_space<vmem>>, vector<1x1x16xf32>,
          %get3A_1266 = vector.shape_cast %get3A_1265 : vector<1x1x16xf32> to vector<16xf32>
          %mul3A_1267 = arith.mulf %get3A_1266, %broadcast_in_dim3A_1172 : vector<16xf32>
          %swap3A_1268 = arith.constant 0 : i32
          %swap3A_1269 = arith.index_cast %swap3A_1268 : i32 to index
          %swap3A_1270 = arith.index_cast %add3A_1176 : i32 to index
          %swap3A_1271 = arith.constant 96 : index
          %swap3A_1272 = tpu.vector_load %arg10[%swap3A_1269, %swap3A_1270, %swap3A_1271] {strides = array<i32>} : memref<2x128x128xf32, #tpu.memory_space<vmem>>, vector<1x1x16xf32>,
          %swap3A_1273 = vector.shape_cast %swap3A_1272 : vector<1x1x16xf32> to vector<16xf32>
          %swap3A_1274 = vector.shape_cast %mul3A_1267 : vector<16xf32> to vector<1x1x16xf32>
          tpu.vector_store %arg10[%swap3A_1269, %swap3A_1270, %swap3A_1271], %swap3A_1274 {strides = array<i32>} : memref<2x128x128xf32, #tpu.memory_space<vmem>>, vector<1x1x16xf32>,
          %get3A_1275 = arith.constant 0 : i32
          %get3A_1276 = arith.index_cast %get3A_1275 : i32 to index
          %get3A_1277 = arith.index_cast %add3A_1176 : i32 to index
          %get3A_1278 = arith.constant 112 : index
          %get3A_1279 = tpu.vector_load %arg10[%get3A_1276, %get3A_1277, %get3A_1278] {strides = array<i32>} : memref<2x128x128xf32, #tpu.memory_space<vmem>>, vector<1x1x16xf32>,
          %get3A_1280 = vector.shape_cast %get3A_1279 : vector<1x1x16xf32> to vector<16xf32>
          %mul3A_1281 = arith.mulf %get3A_1280, %broadcast_in_dim3A_1172 : vector<16xf32>
          %swap3A_1282 = arith.constant 0 : i32
          %swap3A_1283 = arith.index_cast %swap3A_1282 : i32 to index
          %swap3A_1284 = arith.index_cast %add3A_1176 : i32 to index
          %swap3A_1285 = arith.constant 112 : index
          %swap3A_1286 = tpu.vector_load %arg10[%swap3A_1283, %swap3A_1284, %swap3A_1285] {strides = array<i32>} : memref<2x128x128xf32, #tpu.memory_space<vmem>>, vector<1x1x16xf32>,
          %swap3A_1287 = vector.shape_cast %swap3A_1286 : vector<1x1x16xf32> to vector<16xf32>
          %swap3A_1288 = vector.shape_cast %mul3A_1281 : vector<16xf32> to vector<1x1x16xf32>
          tpu.vector_store %arg10[%swap3A_1283, %swap3A_1284, %swap3A_1285], %swap3A_1288 {strides = array<i32>} : memref<2x128x128xf32, #tpu.memory_space<vmem>>, vector<1x1x16xf32>,
          %slice3A_1289 = vector.extract_strided_slice %get3A_221 {offsets = [9], sizes = [1], strides = [1]} : vector<16xf32> to vector<1xf32>
          %squeeze3A_1290 = vector.extract %slice3A_1289[0] : f32 from vector<1xf32>
          %broadcast_in_dim3A_1291 = vector.broadcast %squeeze3A_1290 : f32 to vector<16xf32>
          %mul3A_1292 = arith.constant 16 : i32
          %mul3A_1293 = arith.muli %scan3A_214, %mul3A_1292 : i32
          %add3A_1294 = arith.constant 9 : i32
          %add3A_1295 = arith.addi %mul3A_1293, %add3A_1294 : i32
          %get3A_1296 = arith.constant 0 : i32
          %get3A_1297 = arith.index_cast %get3A_1296 : i32 to index
          %get3A_1298 = arith.index_cast %add3A_1295 : i32 to index
          %get3A_1299 = arith.constant 0 : index
          %get3A_1300 = tpu.vector_load %arg10[%get3A_1297, %get3A_1298, %get3A_1299] {strides = array<i32>} : memref<2x128x128xf32, #tpu.memory_space<vmem>>, vector<1x1x16xf32>,
          %get3A_1301 = vector.shape_cast %get3A_1300 : vector<1x1x16xf32> to vector<16xf32>
          %mul3A_1302 = arith.mulf %get3A_1301, %broadcast_in_dim3A_1291 : vector<16xf32>
          %swap3A_1303 = arith.constant 0 : i32
          %swap3A_1304 = arith.index_cast %swap3A_1303 : i32 to index
          %swap3A_1305 = arith.index_cast %add3A_1295 : i32 to index
          %swap3A_1306 = arith.constant 0 : index
          %swap3A_1307 = tpu.vector_load %arg10[%swap3A_1304, %swap3A_1305, %swap3A_1306] {strides = array<i32>} : memref<2x128x128xf32, #tpu.memory_space<vmem>>, vector<1x1x16xf32>,
          %swap3A_1308 = vector.shape_cast %swap3A_1307 : vector<1x1x16xf32> to vector<16xf32>
          %swap3A_1309 = vector.shape_cast %mul3A_1302 : vector<16xf32> to vector<1x1x16xf32>
          tpu.vector_store %arg10[%swap3A_1304, %swap3A_1305, %swap3A_1306], %swap3A_1309 {strides = array<i32>} : memref<2x128x128xf32, #tpu.memory_space<vmem>>, vector<1x1x16xf32>,
          %get3A_1310 = arith.constant 0 : i32
          %get3A_1311 = arith.index_cast %get3A_1310 : i32 to index
          %get3A_1312 = arith.index_cast %add3A_1295 : i32 to index
          %get3A_1313 = arith.constant 16 : index
          %get3A_1314 = tpu.vector_load %arg10[%get3A_1311, %get3A_1312, %get3A_1313] {strides = array<i32>} : memref<2x128x128xf32, #tpu.memory_space<vmem>>, vector<1x1x16xf32>,
          %get3A_1315 = vector.shape_cast %get3A_1314 : vector<1x1x16xf32> to vector<16xf32>
          %mul3A_1316 = arith.mulf %get3A_1315, %broadcast_in_dim3A_1291 : vector<16xf32>
          %swap3A_1317 = arith.constant 0 : i32
          %swap3A_1318 = arith.index_cast %swap3A_1317 : i32 to index
          %swap3A_1319 = arith.index_cast %add3A_1295 : i32 to index
          %swap3A_1320 = arith.constant 16 : index
          %swap3A_1321 = tpu.vector_load %arg10[%swap3A_1318, %swap3A_1319, %swap3A_1320] {strides = array<i32>} : memref<2x128x128xf32, #tpu.memory_space<vmem>>, vector<1x1x16xf32>,
          %swap3A_1322 = vector.shape_cast %swap3A_1321 : vector<1x1x16xf32> to vector<16xf32>
          %swap3A_1323 = vector.shape_cast %mul3A_1316 : vector<16xf32> to vector<1x1x16xf32>
          tpu.vector_store %arg10[%swap3A_1318, %swap3A_1319, %swap3A_1320], %swap3A_1323 {strides = array<i32>} : memref<2x128x128xf32, #tpu.memory_space<vmem>>, vector<1x1x16xf32>,
          %get3A_1324 = arith.constant 0 : i32
          %get3A_1325 = arith.index_cast %get3A_1324 : i32 to index
          %get3A_1326 = arith.index_cast %add3A_1295 : i32 to index
          %get3A_1327 = arith.constant 32 : index
          %get3A_1328 = tpu.vector_load %arg10[%get3A_1325, %get3A_1326, %get3A_1327] {strides = array<i32>} : memref<2x128x128xf32, #tpu.memory_space<vmem>>, vector<1x1x16xf32>,
          %get3A_1329 = vector.shape_cast %get3A_1328 : vector<1x1x16xf32> to vector<16xf32>
          %mul3A_1330 = arith.mulf %get3A_1329, %broadcast_in_dim3A_1291 : vector<16xf32>
          %swap3A_1331 = arith.constant 0 : i32
          %swap3A_1332 = arith.index_cast %swap3A_1331 : i32 to index
          %swap3A_1333 = arith.index_cast %add3A_1295 : i32 to index
          %swap3A_1334 = arith.constant 32 : index
          %swap3A_1335 = tpu.vector_load %arg10[%swap3A_1332, %swap3A_1333, %swap3A_1334] {strides = array<i32>} : memref<2x128x128xf32, #tpu.memory_space<vmem>>, vector<1x1x16xf32>,
          %swap3A_1336 = vector.shape_cast %swap3A_1335 : vector<1x1x16xf32> to vector<16xf32>
          %swap3A_1337 = vector.shape_cast %mul3A_1330 : vector<16xf32> to vector<1x1x16xf32>
          tpu.vector_store %arg10[%swap3A_1332, %swap3A_1333, %swap3A_1334], %swap3A_1337 {strides = array<i32>} : memref<2x128x128xf32, #tpu.memory_space<vmem>>, vector<1x1x16xf32>,
          %get3A_1338 = arith.constant 0 : i32
          %get3A_1339 = arith.index_cast %get3A_1338 : i32 to index
          %get3A_1340 = arith.index_cast %add3A_1295 : i32 to index
          %get3A_1341 = arith.constant 48 : index
          %get3A_1342 = tpu.vector_load %arg10[%get3A_1339, %get3A_1340, %get3A_1341] {strides = array<i32>} : memref<2x128x128xf32, #tpu.memory_space<vmem>>, vector<1x1x16xf32>,
          %get3A_1343 = vector.shape_cast %get3A_1342 : vector<1x1x16xf32> to vector<16xf32>
          %mul3A_1344 = arith.mulf %get3A_1343, %broadcast_in_dim3A_1291 : vector<16xf32>
          %swap3A_1345 = arith.constant 0 : i32
          %swap3A_1346 = arith.index_cast %swap3A_1345 : i32 to index
          %swap3A_1347 = arith.index_cast %add3A_1295 : i32 to index
          %swap3A_1348 = arith.constant 48 : index
          %swap3A_1349 = tpu.vector_load %arg10[%swap3A_1346, %swap3A_1347, %swap3A_1348] {strides = array<i32>} : memref<2x128x128xf32, #tpu.memory_space<vmem>>, vector<1x1x16xf32>,
          %swap3A_1350 = vector.shape_cast %swap3A_1349 : vector<1x1x16xf32> to vector<16xf32>
          %swap3A_1351 = vector.shape_cast %mul3A_1344 : vector<16xf32> to vector<1x1x16xf32>
          tpu.vector_store %arg10[%swap3A_1346, %swap3A_1347, %swap3A_1348], %swap3A_1351 {strides = array<i32>} : memref<2x128x128xf32, #tpu.memory_space<vmem>>, vector<1x1x16xf32>,
          %get3A_1352 = arith.constant 0 : i32
          %get3A_1353 = arith.index_cast %get3A_1352 : i32 to index
          %get3A_1354 = arith.index_cast %add3A_1295 : i32 to index
          %get3A_1355 = arith.constant 64 : index
          %get3A_1356 = tpu.vector_load %arg10[%get3A_1353, %get3A_1354, %get3A_1355] {strides = array<i32>} : memref<2x128x128xf32, #tpu.memory_space<vmem>>, vector<1x1x16xf32>,
          %get3A_1357 = vector.shape_cast %get3A_1356 : vector<1x1x16xf32> to vector<16xf32>
          %mul3A_1358 = arith.mulf %get3A_1357, %broadcast_in_dim3A_1291 : vector<16xf32>
          %swap3A_1359 = arith.constant 0 : i32
          %swap3A_1360 = arith.index_cast %swap3A_1359 : i32 to index
          %swap3A_1361 = arith.index_cast %add3A_1295 : i32 to index
          %swap3A_1362 = arith.constant 64 : index
          %swap3A_1363 = tpu.vector_load %arg10[%swap3A_1360, %swap3A_1361, %swap3A_1362] {strides = array<i32>} : memref<2x128x128xf32, #tpu.memory_space<vmem>>, vector<1x1x16xf32>,
          %swap3A_1364 = vector.shape_cast %swap3A_1363 : vector<1x1x16xf32> to vector<16xf32>
          %swap3A_1365 = vector.shape_cast %mul3A_1358 : vector<16xf32> to vector<1x1x16xf32>
          tpu.vector_store %arg10[%swap3A_1360, %swap3A_1361, %swap3A_1362], %swap3A_1365 {strides = array<i32>} : memref<2x128x128xf32, #tpu.memory_space<vmem>>, vector<1x1x16xf32>,
          %get3A_1366 = arith.constant 0 : i32
          %get3A_1367 = arith.index_cast %get3A_1366 : i32 to index
          %get3A_1368 = arith.index_cast %add3A_1295 : i32 to index
          %get3A_1369 = arith.constant 80 : index
          %get3A_1370 = tpu.vector_load %arg10[%get3A_1367, %get3A_1368, %get3A_1369] {strides = array<i32>} : memref<2x128x128xf32, #tpu.memory_space<vmem>>, vector<1x1x16xf32>,
          %get3A_1371 = vector.shape_cast %get3A_1370 : vector<1x1x16xf32> to vector<16xf32>
          %mul3A_1372 = arith.mulf %get3A_1371, %broadcast_in_dim3A_1291 : vector<16xf32>
          %swap3A_1373 = arith.constant 0 : i32
          %swap3A_1374 = arith.index_cast %swap3A_1373 : i32 to index
          %swap3A_1375 = arith.index_cast %add3A_1295 : i32 to index
          %swap3A_1376 = arith.constant 80 : index
          %swap3A_1377 = tpu.vector_load %arg10[%swap3A_1374, %swap3A_1375, %swap3A_1376] {strides = array<i32>} : memref<2x128x128xf32, #tpu.memory_space<vmem>>, vector<1x1x16xf32>,
          %swap3A_1378 = vector.shape_cast %swap3A_1377 : vector<1x1x16xf32> to vector<16xf32>
          %swap3A_1379 = vector.shape_cast %mul3A_1372 : vector<16xf32> to vector<1x1x16xf32>
          tpu.vector_store %arg10[%swap3A_1374, %swap3A_1375, %swap3A_1376], %swap3A_1379 {strides = array<i32>} : memref<2x128x128xf32, #tpu.memory_space<vmem>>, vector<1x1x16xf32>,
          %get3A_1380 = arith.constant 0 : i32
          %get3A_1381 = arith.index_cast %get3A_1380 : i32 to index
          %get3A_1382 = arith.index_cast %add3A_1295 : i32 to index
          %get3A_1383 = arith.constant 96 : index
          %get3A_1384 = tpu.vector_load %arg10[%get3A_1381, %get3A_1382, %get3A_1383] {strides = array<i32>} : memref<2x128x128xf32, #tpu.memory_space<vmem>>, vector<1x1x16xf32>,
          %get3A_1385 = vector.shape_cast %get3A_1384 : vector<1x1x16xf32> to vector<16xf32>
          %mul3A_1386 = arith.mulf %get3A_1385, %broadcast_in_dim3A_1291 : vector<16xf32>
          %swap3A_1387 = arith.constant 0 : i32
          %swap3A_1388 = arith.index_cast %swap3A_1387 : i32 to index
          %swap3A_1389 = arith.index_cast %add3A_1295 : i32 to index
          %swap3A_1390 = arith.constant 96 : index
          %swap3A_1391 = tpu.vector_load %arg10[%swap3A_1388, %swap3A_1389, %swap3A_1390] {strides = array<i32>} : memref<2x128x128xf32, #tpu.memory_space<vmem>>, vector<1x1x16xf32>,
          %swap3A_1392 = vector.shape_cast %swap3A_1391 : vector<1x1x16xf32> to vector<16xf32>
          %swap3A_1393 = vector.shape_cast %mul3A_1386 : vector<16xf32> to vector<1x1x16xf32>
          tpu.vector_store %arg10[%swap3A_1388, %swap3A_1389, %swap3A_1390], %swap3A_1393 {strides = array<i32>} : memref<2x128x128xf32, #tpu.memory_space<vmem>>, vector<1x1x16xf32>,
          %get3A_1394 = arith.constant 0 : i32
          %get3A_1395 = arith.index_cast %get3A_1394 : i32 to index
          %get3A_1396 = arith.index_cast %add3A_1295 : i32 to index
          %get3A_1397 = arith.constant 112 : index
          %get3A_1398 = tpu.vector_load %arg10[%get3A_1395, %get3A_1396, %get3A_1397] {strides = array<i32>} : memref<2x128x128xf32, #tpu.memory_space<vmem>>, vector<1x1x16xf32>,
          %get3A_1399 = vector.shape_cast %get3A_1398 : vector<1x1x16xf32> to vector<16xf32>
          %mul3A_1400 = arith.mulf %get3A_1399, %broadcast_in_dim3A_1291 : vector<16xf32>
          %swap3A_1401 = arith.constant 0 : i32
          %swap3A_1402 = arith.index_cast %swap3A_1401 : i32 to index
          %swap3A_1403 = arith.index_cast %add3A_1295 : i32 to index
          %swap3A_1404 = arith.constant 112 : index
          %swap3A_1405 = tpu.vector_load %arg10[%swap3A_1402, %swap3A_1403, %swap3A_1404] {strides = array<i32>} : memref<2x128x128xf32, #tpu.memory_space<vmem>>, vector<1x1x16xf32>,
          %swap3A_1406 = vector.shape_cast %swap3A_1405 : vector<1x1x16xf32> to vector<16xf32>
          %swap3A_1407 = vector.shape_cast %mul3A_1400 : vector<16xf32> to vector<1x1x16xf32>
          tpu.vector_store %arg10[%swap3A_1402, %swap3A_1403, %swap3A_1404], %swap3A_1407 {strides = array<i32>} : memref<2x128x128xf32, #tpu.memory_space<vmem>>, vector<1x1x16xf32>,
          %slice3A_1408 = vector.extract_strided_slice %get3A_221 {offsets = [10], sizes = [1], strides = [1]} : vector<16xf32> to vector<1xf32>
          %squeeze3A_1409 = vector.extract %slice3A_1408[0] : f32 from vector<1xf32>
          %broadcast_in_dim3A_1410 = vector.broadcast %squeeze3A_1409 : f32 to vector<16xf32>
          %mul3A_1411 = arith.constant 16 : i32
          %mul3A_1412 = arith.muli %scan3A_214, %mul3A_1411 : i32
          %add3A_1413 = arith.constant 10 : i32
          %add3A_1414 = arith.addi %mul3A_1412, %add3A_1413 : i32
          %get3A_1415 = arith.constant 0 : i32
          %get3A_1416 = arith.index_cast %get3A_1415 : i32 to index
          %get3A_1417 = arith.index_cast %add3A_1414 : i32 to index
          %get3A_1418 = arith.constant 0 : index
          %get3A_1419 = tpu.vector_load %arg10[%get3A_1416, %get3A_1417, %get3A_1418] {strides = array<i32>} : memref<2x128x128xf32, #tpu.memory_space<vmem>>, vector<1x1x16xf32>,
          %get3A_1420 = vector.shape_cast %get3A_1419 : vector<1x1x16xf32> to vector<16xf32>
          %mul3A_1421 = arith.mulf %get3A_1420, %broadcast_in_dim3A_1410 : vector<16xf32>
          %swap3A_1422 = arith.constant 0 : i32
          %swap3A_1423 = arith.index_cast %swap3A_1422 : i32 to index
          %swap3A_1424 = arith.index_cast %add3A_1414 : i32 to index
          %swap3A_1425 = arith.constant 0 : index
          %swap3A_1426 = tpu.vector_load %arg10[%swap3A_1423, %swap3A_1424, %swap3A_1425] {strides = array<i32>} : memref<2x128x128xf32, #tpu.memory_space<vmem>>, vector<1x1x16xf32>,
          %swap3A_1427 = vector.shape_cast %swap3A_1426 : vector<1x1x16xf32> to vector<16xf32>
          %swap3A_1428 = vector.shape_cast %mul3A_1421 : vector<16xf32> to vector<1x1x16xf32>
          tpu.vector_store %arg10[%swap3A_1423, %swap3A_1424, %swap3A_1425], %swap3A_1428 {strides = array<i32>} : memref<2x128x128xf32, #tpu.memory_space<vmem>>, vector<1x1x16xf32>,
          %get3A_1429 = arith.constant 0 : i32
          %get3A_1430 = arith.index_cast %get3A_1429 : i32 to index
          %get3A_1431 = arith.index_cast %add3A_1414 : i32 to index
          %get3A_1432 = arith.constant 16 : index
          %get3A_1433 = tpu.vector_load %arg10[%get3A_1430, %get3A_1431, %get3A_1432] {strides = array<i32>} : memref<2x128x128xf32, #tpu.memory_space<vmem>>, vector<1x1x16xf32>,
          %get3A_1434 = vector.shape_cast %get3A_1433 : vector<1x1x16xf32> to vector<16xf32>
          %mul3A_1435 = arith.mulf %get3A_1434, %broadcast_in_dim3A_1410 : vector<16xf32>
          %swap3A_1436 = arith.constant 0 : i32
          %swap3A_1437 = arith.index_cast %swap3A_1436 : i32 to index
          %swap3A_1438 = arith.index_cast %add3A_1414 : i32 to index
          %swap3A_1439 = arith.constant 16 : index
          %swap3A_1440 = tpu.vector_load %arg10[%swap3A_1437, %swap3A_1438, %swap3A_1439] {strides = array<i32>} : memref<2x128x128xf32, #tpu.memory_space<vmem>>, vector<1x1x16xf32>,
          %swap3A_1441 = vector.shape_cast %swap3A_1440 : vector<1x1x16xf32> to vector<16xf32>
          %swap3A_1442 = vector.shape_cast %mul3A_1435 : vector<16xf32> to vector<1x1x16xf32>
          tpu.vector_store %arg10[%swap3A_1437, %swap3A_1438, %swap3A_1439], %swap3A_1442 {strides = array<i32>} : memref<2x128x128xf32, #tpu.memory_space<vmem>>, vector<1x1x16xf32>,
          %get3A_1443 = arith.constant 0 : i32
          %get3A_1444 = arith.index_cast %get3A_1443 : i32 to index
          %get3A_1445 = arith.index_cast %add3A_1414 : i32 to index
          %get3A_1446 = arith.constant 32 : index
          %get3A_1447 = tpu.vector_load %arg10[%get3A_1444, %get3A_1445, %get3A_1446] {strides = array<i32>} : memref<2x128x128xf32, #tpu.memory_space<vmem>>, vector<1x1x16xf32>,
          %get3A_1448 = vector.shape_cast %get3A_1447 : vector<1x1x16xf32> to vector<16xf32>
          %mul3A_1449 = arith.mulf %get3A_1448, %broadcast_in_dim3A_1410 : vector<16xf32>
          %swap3A_1450 = arith.constant 0 : i32
          %swap3A_1451 = arith.index_cast %swap3A_1450 : i32 to index
          %swap3A_1452 = arith.index_cast %add3A_1414 : i32 to index
          %swap3A_1453 = arith.constant 32 : index
          %swap3A_1454 = tpu.vector_load %arg10[%swap3A_1451, %swap3A_1452, %swap3A_1453] {strides = array<i32>} : memref<2x128x128xf32, #tpu.memory_space<vmem>>, vector<1x1x16xf32>,
          %swap3A_1455 = vector.shape_cast %swap3A_1454 : vector<1x1x16xf32> to vector<16xf32>
          %swap3A_1456 = vector.shape_cast %mul3A_1449 : vector<16xf32> to vector<1x1x16xf32>
          tpu.vector_store %arg10[%swap3A_1451, %swap3A_1452, %swap3A_1453], %swap3A_1456 {strides = array<i32>} : memref<2x128x128xf32, #tpu.memory_space<vmem>>, vector<1x1x16xf32>,
          %get3A_1457 = arith.constant 0 : i32
          %get3A_1458 = arith.index_cast %get3A_1457 : i32 to index
          %get3A_1459 = arith.index_cast %add3A_1414 : i32 to index
          %get3A_1460 = arith.constant 48 : index
          %get3A_1461 = tpu.vector_load %arg10[%get3A_1458, %get3A_1459, %get3A_1460] {strides = array<i32>} : memref<2x128x128xf32, #tpu.memory_space<vmem>>, vector<1x1x16xf32>,
          %get3A_1462 = vector.shape_cast %get3A_1461 : vector<1x1x16xf32> to vector<16xf32>
          %mul3A_1463 = arith.mulf %get3A_1462, %broadcast_in_dim3A_1410 : vector<16xf32>
          %swap3A_1464 = arith.constant 0 : i32
          %swap3A_1465 = arith.index_cast %swap3A_1464 : i32 to index
          %swap3A_1466 = arith.index_cast %add3A_1414 : i32 to index
          %swap3A_1467 = arith.constant 48 : index
          %swap3A_1468 = tpu.vector_load %arg10[%swap3A_1465, %swap3A_1466, %swap3A_1467] {strides = array<i32>} : memref<2x128x128xf32, #tpu.memory_space<vmem>>, vector<1x1x16xf32>,
          %swap3A_1469 = vector.shape_cast %swap3A_1468 : vector<1x1x16xf32> to vector<16xf32>
          %swap3A_1470 = vector.shape_cast %mul3A_1463 : vector<16xf32> to vector<1x1x16xf32>
          tpu.vector_store %arg10[%swap3A_1465, %swap3A_1466, %swap3A_1467], %swap3A_1470 {strides = array<i32>} : memref<2x128x128xf32, #tpu.memory_space<vmem>>, vector<1x1x16xf32>,
          %get3A_1471 = arith.constant 0 : i32
          %get3A_1472 = arith.index_cast %get3A_1471 : i32 to index
          %get3A_1473 = arith.index_cast %add3A_1414 : i32 to index
          %get3A_1474 = arith.constant 64 : index
          %get3A_1475 = tpu.vector_load %arg10[%get3A_1472, %get3A_1473, %get3A_1474] {strides = array<i32>} : memref<2x128x128xf32, #tpu.memory_space<vmem>>, vector<1x1x16xf32>,
          %get3A_1476 = vector.shape_cast %get3A_1475 : vector<1x1x16xf32> to vector<16xf32>
          %mul3A_1477 = arith.mulf %get3A_1476, %broadcast_in_dim3A_1410 : vector<16xf32>
          %swap3A_1478 = arith.constant 0 : i32
          %swap3A_1479 = arith.index_cast %swap3A_1478 : i32 to index
          %swap3A_1480 = arith.index_cast %add3A_1414 : i32 to index
          %swap3A_1481 = arith.constant 64 : index
          %swap3A_1482 = tpu.vector_load %arg10[%swap3A_1479, %swap3A_1480, %swap3A_1481] {strides = array<i32>} : memref<2x128x128xf32, #tpu.memory_space<vmem>>, vector<1x1x16xf32>,
          %swap3A_1483 = vector.shape_cast %swap3A_1482 : vector<1x1x16xf32> to vector<16xf32>
          %swap3A_1484 = vector.shape_cast %mul3A_1477 : vector<16xf32> to vector<1x1x16xf32>
          tpu.vector_store %arg10[%swap3A_1479, %swap3A_1480, %swap3A_1481], %swap3A_1484 {strides = array<i32>} : memref<2x128x128xf32, #tpu.memory_space<vmem>>, vector<1x1x16xf32>,
          %get3A_1485 = arith.constant 0 : i32
          %get3A_1486 = arith.index_cast %get3A_1485 : i32 to index
          %get3A_1487 = arith.index_cast %add3A_1414 : i32 to index
          %get3A_1488 = arith.constant 80 : index
          %get3A_1489 = tpu.vector_load %arg10[%get3A_1486, %get3A_1487, %get3A_1488] {strides = array<i32>} : memref<2x128x128xf32, #tpu.memory_space<vmem>>, vector<1x1x16xf32>,
          %get3A_1490 = vector.shape_cast %get3A_1489 : vector<1x1x16xf32> to vector<16xf32>
          %mul3A_1491 = arith.mulf %get3A_1490, %broadcast_in_dim3A_1410 : vector<16xf32>
          %swap3A_1492 = arith.constant 0 : i32
          %swap3A_1493 = arith.index_cast %swap3A_1492 : i32 to index
          %swap3A_1494 = arith.index_cast %add3A_1414 : i32 to index
          %swap3A_1495 = arith.constant 80 : index
          %swap3A_1496 = tpu.vector_load %arg10[%swap3A_1493, %swap3A_1494, %swap3A_1495] {strides = array<i32>} : memref<2x128x128xf32, #tpu.memory_space<vmem>>, vector<1x1x16xf32>,
          %swap3A_1497 = vector.shape_cast %swap3A_1496 : vector<1x1x16xf32> to vector<16xf32>
          %swap3A_1498 = vector.shape_cast %mul3A_1491 : vector<16xf32> to vector<1x1x16xf32>
          tpu.vector_store %arg10[%swap3A_1493, %swap3A_1494, %swap3A_1495], %swap3A_1498 {strides = array<i32>} : memref<2x128x128xf32, #tpu.memory_space<vmem>>, vector<1x1x16xf32>,
          %get3A_1499 = arith.constant 0 : i32
          %get3A_1500 = arith.index_cast %get3A_1499 : i32 to index
          %get3A_1501 = arith.index_cast %add3A_1414 : i32 to index
          %get3A_1502 = arith.constant 96 : index
          %get3A_1503 = tpu.vector_load %arg10[%get3A_1500, %get3A_1501, %get3A_1502] {strides = array<i32>} : memref<2x128x128xf32, #tpu.memory_space<vmem>>, vector<1x1x16xf32>,
          %get3A_1504 = vector.shape_cast %get3A_1503 : vector<1x1x16xf32> to vector<16xf32>
          %mul3A_1505 = arith.mulf %get3A_1504, %broadcast_in_dim3A_1410 : vector<16xf32>
          %swap3A_1506 = arith.constant 0 : i32
          %swap3A_1507 = arith.index_cast %swap3A_1506 : i32 to index
          %swap3A_1508 = arith.index_cast %add3A_1414 : i32 to index
          %swap3A_1509 = arith.constant 96 : index
          %swap3A_1510 = tpu.vector_load %arg10[%swap3A_1507, %swap3A_1508, %swap3A_1509] {strides = array<i32>} : memref<2x128x128xf32, #tpu.memory_space<vmem>>, vector<1x1x16xf32>,
          %swap3A_1511 = vector.shape_cast %swap3A_1510 : vector<1x1x16xf32> to vector<16xf32>
          %swap3A_1512 = vector.shape_cast %mul3A_1505 : vector<16xf32> to vector<1x1x16xf32>
          tpu.vector_store %arg10[%swap3A_1507, %swap3A_1508, %swap3A_1509], %swap3A_1512 {strides = array<i32>} : memref<2x128x128xf32, #tpu.memory_space<vmem>>, vector<1x1x16xf32>,
          %get3A_1513 = arith.constant 0 : i32
          %get3A_1514 = arith.index_cast %get3A_1513 : i32 to index
          %get3A_1515 = arith.index_cast %add3A_1414 : i32 to index
          %get3A_1516 = arith.constant 112 : index
          %get3A_1517 = tpu.vector_load %arg10[%get3A_1514, %get3A_1515, %get3A_1516] {strides = array<i32>} : memref<2x128x128xf32, #tpu.memory_space<vmem>>, vector<1x1x16xf32>,
          %get3A_1518 = vector.shape_cast %get3A_1517 : vector<1x1x16xf32> to vector<16xf32>
          %mul3A_1519 = arith.mulf %get3A_1518, %broadcast_in_dim3A_1410 : vector<16xf32>
          %swap3A_1520 = arith.constant 0 : i32
          %swap3A_1521 = arith.index_cast %swap3A_1520 : i32 to index
          %swap3A_1522 = arith.index_cast %add3A_1414 : i32 to index
          %swap3A_1523 = arith.constant 112 : index
          %swap3A_1524 = tpu.vector_load %arg10[%swap3A_1521, %swap3A_1522, %swap3A_1523] {strides = array<i32>} : memref<2x128x128xf32, #tpu.memory_space<vmem>>, vector<1x1x16xf32>,
          %swap3A_1525 = vector.shape_cast %swap3A_1524 : vector<1x1x16xf32> to vector<16xf32>
          %swap3A_1526 = vector.shape_cast %mul3A_1519 : vector<16xf32> to vector<1x1x16xf32>
          tpu.vector_store %arg10[%swap3A_1521, %swap3A_1522, %swap3A_1523], %swap3A_1526 {strides = array<i32>} : memref<2x128x128xf32, #tpu.memory_space<vmem>>, vector<1x1x16xf32>,
          %slice3A_1527 = vector.extract_strided_slice %get3A_221 {offsets = [11], sizes = [1], strides = [1]} : vector<16xf32> to vector<1xf32>
          %squeeze3A_1528 = vector.extract %slice3A_1527[0] : f32 from vector<1xf32>
          %broadcast_in_dim3A_1529 = vector.broadcast %squeeze3A_1528 : f32 to vector<16xf32>
          %mul3A_1530 = arith.constant 16 : i32
          %mul3A_1531 = arith.muli %scan3A_214, %mul3A_1530 : i32
          %add3A_1532 = arith.constant 11 : i32
          %add3A_1533 = arith.addi %mul3A_1531, %add3A_1532 : i32
          %get3A_1534 = arith.constant 0 : i32
          %get3A_1535 = arith.index_cast %get3A_1534 : i32 to index
          %get3A_1536 = arith.index_cast %add3A_1533 : i32 to index
          %get3A_1537 = arith.constant 0 : index
          %get3A_1538 = tpu.vector_load %arg10[%get3A_1535, %get3A_1536, %get3A_1537] {strides = array<i32>} : memref<2x128x128xf32, #tpu.memory_space<vmem>>, vector<1x1x16xf32>,
          %get3A_1539 = vector.shape_cast %get3A_1538 : vector<1x1x16xf32> to vector<16xf32>
          %mul3A_1540 = arith.mulf %get3A_1539, %broadcast_in_dim3A_1529 : vector<16xf32>
          %swap3A_1541 = arith.constant 0 : i32
          %swap3A_1542 = arith.index_cast %swap3A_1541 : i32 to index
          %swap3A_1543 = arith.index_cast %add3A_1533 : i32 to index
          %swap3A_1544 = arith.constant 0 : index
          %swap3A_1545 = tpu.vector_load %arg10[%swap3A_1542, %swap3A_1543, %swap3A_1544] {strides = array<i32>} : memref<2x128x128xf32, #tpu.memory_space<vmem>>, vector<1x1x16xf32>,
          %swap3A_1546 = vector.shape_cast %swap3A_1545 : vector<1x1x16xf32> to vector<16xf32>
          %swap3A_1547 = vector.shape_cast %mul3A_1540 : vector<16xf32> to vector<1x1x16xf32>
          tpu.vector_store %arg10[%swap3A_1542, %swap3A_1543, %swap3A_1544], %swap3A_1547 {strides = array<i32>} : memref<2x128x128xf32, #tpu.memory_space<vmem>>, vector<1x1x16xf32>,
          %get3A_1548 = arith.constant 0 : i32
          %get3A_1549 = arith.index_cast %get3A_1548 : i32 to index
          %get3A_1550 = arith.index_cast %add3A_1533 : i32 to index
          %get3A_1551 = arith.constant 16 : index
          %get3A_1552 = tpu.vector_load %arg10[%get3A_1549, %get3A_1550, %get3A_1551] {strides = array<i32>} : memref<2x128x128xf32, #tpu.memory_space<vmem>>, vector<1x1x16xf32>,
          %get3A_1553 = vector.shape_cast %get3A_1552 : vector<1x1x16xf32> to vector<16xf32>
          %mul3A_1554 = arith.mulf %get3A_1553, %broadcast_in_dim3A_1529 : vector<16xf32>
          %swap3A_1555 = arith.constant 0 : i32
          %swap3A_1556 = arith.index_cast %swap3A_1555 : i32 to index
          %swap3A_1557 = arith.index_cast %add3A_1533 : i32 to index
          %swap3A_1558 = arith.constant 16 : index
          %swap3A_1559 = tpu.vector_load %arg10[%swap3A_1556, %swap3A_1557, %swap3A_1558] {strides = array<i32>} : memref<2x128x128xf32, #tpu.memory_space<vmem>>, vector<1x1x16xf32>,
          %swap3A_1560 = vector.shape_cast %swap3A_1559 : vector<1x1x16xf32> to vector<16xf32>
          %swap3A_1561 = vector.shape_cast %mul3A_1554 : vector<16xf32> to vector<1x1x16xf32>
          tpu.vector_store %arg10[%swap3A_1556, %swap3A_1557, %swap3A_1558], %swap3A_1561 {strides = array<i32>} : memref<2x128x128xf32, #tpu.memory_space<vmem>>, vector<1x1x16xf32>,
          %get3A_1562 = arith.constant 0 : i32
          %get3A_1563 = arith.index_cast %get3A_1562 : i32 to index
          %get3A_1564 = arith.index_cast %add3A_1533 : i32 to index
          %get3A_1565 = arith.constant 32 : index
          %get3A_1566 = tpu.vector_load %arg10[%get3A_1563, %get3A_1564, %get3A_1565] {strides = array<i32>} : memref<2x128x128xf32, #tpu.memory_space<vmem>>, vector<1x1x16xf32>,
          %get3A_1567 = vector.shape_cast %get3A_1566 : vector<1x1x16xf32> to vector<16xf32>
          %mul3A_1568 = arith.mulf %get3A_1567, %broadcast_in_dim3A_1529 : vector<16xf32>
          %swap3A_1569 = arith.constant 0 : i32
          %swap3A_1570 = arith.index_cast %swap3A_1569 : i32 to index
          %swap3A_1571 = arith.index_cast %add3A_1533 : i32 to index
          %swap3A_1572 = arith.constant 32 : index
          %swap3A_1573 = tpu.vector_load %arg10[%swap3A_1570, %swap3A_1571, %swap3A_1572] {strides = array<i32>} : memref<2x128x128xf32, #tpu.memory_space<vmem>>, vector<1x1x16xf32>,
          %swap3A_1574 = vector.shape_cast %swap3A_1573 : vector<1x1x16xf32> to vector<16xf32>
          %swap3A_1575 = vector.shape_cast %mul3A_1568 : vector<16xf32> to vector<1x1x16xf32>
          tpu.vector_store %arg10[%swap3A_1570, %swap3A_1571, %swap3A_1572], %swap3A_1575 {strides = array<i32>} : memref<2x128x128xf32, #tpu.memory_space<vmem>>, vector<1x1x16xf32>,
          %get3A_1576 = arith.constant 0 : i32
          %get3A_1577 = arith.index_cast %get3A_1576 : i32 to index
          %get3A_1578 = arith.index_cast %add3A_1533 : i32 to index
          %get3A_1579 = arith.constant 48 : index
          %get3A_1580 = tpu.vector_load %arg10[%get3A_1577, %get3A_1578, %get3A_1579] {strides = array<i32>} : memref<2x128x128xf32, #tpu.memory_space<vmem>>, vector<1x1x16xf32>,
          %get3A_1581 = vector.shape_cast %get3A_1580 : vector<1x1x16xf32> to vector<16xf32>
          %mul3A_1582 = arith.mulf %get3A_1581, %broadcast_in_dim3A_1529 : vector<16xf32>
          %swap3A_1583 = arith.constant 0 : i32
          %swap3A_1584 = arith.index_cast %swap3A_1583 : i32 to index
          %swap3A_1585 = arith.index_cast %add3A_1533 : i32 to index
          %swap3A_1586 = arith.constant 48 : index
          %swap3A_1587 = tpu.vector_load %arg10[%swap3A_1584, %swap3A_1585, %swap3A_1586] {strides = array<i32>} : memref<2x128x128xf32, #tpu.memory_space<vmem>>, vector<1x1x16xf32>,
          %swap3A_1588 = vector.shape_cast %swap3A_1587 : vector<1x1x16xf32> to vector<16xf32>
          %swap3A_1589 = vector.shape_cast %mul3A_1582 : vector<16xf32> to vector<1x1x16xf32>
          tpu.vector_store %arg10[%swap3A_1584, %swap3A_1585, %swap3A_1586], %swap3A_1589 {strides = array<i32>} : memref<2x128x128xf32, #tpu.memory_space<vmem>>, vector<1x1x16xf32>,
          %get3A_1590 = arith.constant 0 : i32
          %get3A_1591 = arith.index_cast %get3A_1590 : i32 to index
          %get3A_1592 = arith.index_cast %add3A_1533 : i32 to index
          %get3A_1593 = arith.constant 64 : index
          %get3A_1594 = tpu.vector_load %arg10[%get3A_1591, %get3A_1592, %get3A_1593] {strides = array<i32>} : memref<2x128x128xf32, #tpu.memory_space<vmem>>, vector<1x1x16xf32>,
          %get3A_1595 = vector.shape_cast %get3A_1594 : vector<1x1x16xf32> to vector<16xf32>
          %mul3A_1596 = arith.mulf %get3A_1595, %broadcast_in_dim3A_1529 : vector<16xf32>
          %swap3A_1597 = arith.constant 0 : i32
          %swap3A_1598 = arith.index_cast %swap3A_1597 : i32 to index
          %swap3A_1599 = arith.index_cast %add3A_1533 : i32 to index
          %swap3A_1600 = arith.constant 64 : index
          %swap3A_1601 = tpu.vector_load %arg10[%swap3A_1598, %swap3A_1599, %swap3A_1600] {strides = array<i32>} : memref<2x128x128xf32, #tpu.memory_space<vmem>>, vector<1x1x16xf32>,
          %swap3A_1602 = vector.shape_cast %swap3A_1601 : vector<1x1x16xf32> to vector<16xf32>
          %swap3A_1603 = vector.shape_cast %mul3A_1596 : vector<16xf32> to vector<1x1x16xf32>
          tpu.vector_store %arg10[%swap3A_1598, %swap3A_1599, %swap3A_1600], %swap3A_1603 {strides = array<i32>} : memref<2x128x128xf32, #tpu.memory_space<vmem>>, vector<1x1x16xf32>,
          %get3A_1604 = arith.constant 0 : i32
          %get3A_1605 = arith.index_cast %get3A_1604 : i32 to index
          %get3A_1606 = arith.index_cast %add3A_1533 : i32 to index
          %get3A_1607 = arith.constant 80 : index
          %get3A_1608 = tpu.vector_load %arg10[%get3A_1605, %get3A_1606, %get3A_1607] {strides = array<i32>} : memref<2x128x128xf32, #tpu.memory_space<vmem>>, vector<1x1x16xf32>,
          %get3A_1609 = vector.shape_cast %get3A_1608 : vector<1x1x16xf32> to vector<16xf32>
          %mul3A_1610 = arith.mulf %get3A_1609, %broadcast_in_dim3A_1529 : vector<16xf32>
          %swap3A_1611 = arith.constant 0 : i32
          %swap3A_1612 = arith.index_cast %swap3A_1611 : i32 to index
          %swap3A_1613 = arith.index_cast %add3A_1533 : i32 to index
          %swap3A_1614 = arith.constant 80 : index
          %swap3A_1615 = tpu.vector_load %arg10[%swap3A_1612, %swap3A_1613, %swap3A_1614] {strides = array<i32>} : memref<2x128x128xf32, #tpu.memory_space<vmem>>, vector<1x1x16xf32>,
          %swap3A_1616 = vector.shape_cast %swap3A_1615 : vector<1x1x16xf32> to vector<16xf32>
          %swap3A_1617 = vector.shape_cast %mul3A_1610 : vector<16xf32> to vector<1x1x16xf32>
          tpu.vector_store %arg10[%swap3A_1612, %swap3A_1613, %swap3A_1614], %swap3A_1617 {strides = array<i32>} : memref<2x128x128xf32, #tpu.memory_space<vmem>>, vector<1x1x16xf32>,
          %get3A_1618 = arith.constant 0 : i32
          %get3A_1619 = arith.index_cast %get3A_1618 : i32 to index
          %get3A_1620 = arith.index_cast %add3A_1533 : i32 to index
          %get3A_1621 = arith.constant 96 : index
          %get3A_1622 = tpu.vector_load %arg10[%get3A_1619, %get3A_1620, %get3A_1621] {strides = array<i32>} : memref<2x128x128xf32, #tpu.memory_space<vmem>>, vector<1x1x16xf32>,
          %get3A_1623 = vector.shape_cast %get3A_1622 : vector<1x1x16xf32> to vector<16xf32>
          %mul3A_1624 = arith.mulf %get3A_1623, %broadcast_in_dim3A_1529 : vector<16xf32>
          %swap3A_1625 = arith.constant 0 : i32
          %swap3A_1626 = arith.index_cast %swap3A_1625 : i32 to index
          %swap3A_1627 = arith.index_cast %add3A_1533 : i32 to index
          %swap3A_1628 = arith.constant 96 : index
          %swap3A_1629 = tpu.vector_load %arg10[%swap3A_1626, %swap3A_1627, %swap3A_1628] {strides = array<i32>} : memref<2x128x128xf32, #tpu.memory_space<vmem>>, vector<1x1x16xf32>,
          %swap3A_1630 = vector.shape_cast %swap3A_1629 : vector<1x1x16xf32> to vector<16xf32>
          %swap3A_1631 = vector.shape_cast %mul3A_1624 : vector<16xf32> to vector<1x1x16xf32>
          tpu.vector_store %arg10[%swap3A_1626, %swap3A_1627, %swap3A_1628], %swap3A_1631 {strides = array<i32>} : memref<2x128x128xf32, #tpu.memory_space<vmem>>, vector<1x1x16xf32>,
          %get3A_1632 = arith.constant 0 : i32
          %get3A_1633 = arith.index_cast %get3A_1632 : i32 to index
          %get3A_1634 = arith.index_cast %add3A_1533 : i32 to index
          %get3A_1635 = arith.constant 112 : index
          %get3A_1636 = tpu.vector_load %arg10[%get3A_1633, %get3A_1634, %get3A_1635] {strides = array<i32>} : memref<2x128x128xf32, #tpu.memory_space<vmem>>, vector<1x1x16xf32>,
          %get3A_1637 = vector.shape_cast %get3A_1636 : vector<1x1x16xf32> to vector<16xf32>
          %mul3A_1638 = arith.mulf %get3A_1637, %broadcast_in_dim3A_1529 : vector<16xf32>
          %swap3A_1639 = arith.constant 0 : i32
          %swap3A_1640 = arith.index_cast %swap3A_1639 : i32 to index
          %swap3A_1641 = arith.index_cast %add3A_1533 : i32 to index
          %swap3A_1642 = arith.constant 112 : index
          %swap3A_1643 = tpu.vector_load %arg10[%swap3A_1640, %swap3A_1641, %swap3A_1642] {strides = array<i32>} : memref<2x128x128xf32, #tpu.memory_space<vmem>>, vector<1x1x16xf32>,
          %swap3A_1644 = vector.shape_cast %swap3A_1643 : vector<1x1x16xf32> to vector<16xf32>
          %swap3A_1645 = vector.shape_cast %mul3A_1638 : vector<16xf32> to vector<1x1x16xf32>
          tpu.vector_store %arg10[%swap3A_1640, %swap3A_1641, %swap3A_1642], %swap3A_1645 {strides = array<i32>} : memref<2x128x128xf32, #tpu.memory_space<vmem>>, vector<1x1x16xf32>,
          %slice3A_1646 = vector.extract_strided_slice %get3A_221 {offsets = [12], sizes = [1], strides = [1]} : vector<16xf32> to vector<1xf32>
          %squeeze3A_1647 = vector.extract %slice3A_1646[0] : f32 from vector<1xf32>
          %broadcast_in_dim3A_1648 = vector.broadcast %squeeze3A_1647 : f32 to vector<16xf32>
          %mul3A_1649 = arith.constant 16 : i32
          %mul3A_1650 = arith.muli %scan3A_214, %mul3A_1649 : i32
          %add3A_1651 = arith.constant 12 : i32
          %add3A_1652 = arith.addi %mul3A_1650, %add3A_1651 : i32
          %get3A_1653 = arith.constant 0 : i32
          %get3A_1654 = arith.index_cast %get3A_1653 : i32 to index
          %get3A_1655 = arith.index_cast %add3A_1652 : i32 to index
          %get3A_1656 = arith.constant 0 : index
          %get3A_1657 = tpu.vector_load %arg10[%get3A_1654, %get3A_1655, %get3A_1656] {strides = array<i32>} : memref<2x128x128xf32, #tpu.memory_space<vmem>>, vector<1x1x16xf32>,
          %get3A_1658 = vector.shape_cast %get3A_1657 : vector<1x1x16xf32> to vector<16xf32>
          %mul3A_1659 = arith.mulf %get3A_1658, %broadcast_in_dim3A_1648 : vector<16xf32>
          %swap3A_1660 = arith.constant 0 : i32
          %swap3A_1661 = arith.index_cast %swap3A_1660 : i32 to index
          %swap3A_1662 = arith.index_cast %add3A_1652 : i32 to index
          %swap3A_1663 = arith.constant 0 : index
          %swap3A_1664 = tpu.vector_load %arg10[%swap3A_1661, %swap3A_1662, %swap3A_1663] {strides = array<i32>} : memref<2x128x128xf32, #tpu.memory_space<vmem>>, vector<1x1x16xf32>,
          %swap3A_1665 = vector.shape_cast %swap3A_1664 : vector<1x1x16xf32> to vector<16xf32>
          %swap3A_1666 = vector.shape_cast %mul3A_1659 : vector<16xf32> to vector<1x1x16xf32>
          tpu.vector_store %arg10[%swap3A_1661, %swap3A_1662, %swap3A_1663], %swap3A_1666 {strides = array<i32>} : memref<2x128x128xf32, #tpu.memory_space<vmem>>, vector<1x1x16xf32>,
          %get3A_1667 = arith.constant 0 : i32
          %get3A_1668 = arith.index_cast %get3A_1667 : i32 to index
          %get3A_1669 = arith.index_cast %add3A_1652 : i32 to index
          %get3A_1670 = arith.constant 16 : index
          %get3A_1671 = tpu.vector_load %arg10[%get3A_1668, %get3A_1669, %get3A_1670] {strides = array<i32>} : memref<2x128x128xf32, #tpu.memory_space<vmem>>, vector<1x1x16xf32>,
          %get3A_1672 = vector.shape_cast %get3A_1671 : vector<1x1x16xf32> to vector<16xf32>
          %mul3A_1673 = arith.mulf %get3A_1672, %broadcast_in_dim3A_1648 : vector<16xf32>
          %swap3A_1674 = arith.constant 0 : i32
          %swap3A_1675 = arith.index_cast %swap3A_1674 : i32 to index
          %swap3A_1676 = arith.index_cast %add3A_1652 : i32 to index
          %swap3A_1677 = arith.constant 16 : index
          %swap3A_1678 = tpu.vector_load %arg10[%swap3A_1675, %swap3A_1676, %swap3A_1677] {strides = array<i32>} : memref<2x128x128xf32, #tpu.memory_space<vmem>>, vector<1x1x16xf32>,
          %swap3A_1679 = vector.shape_cast %swap3A_1678 : vector<1x1x16xf32> to vector<16xf32>
          %swap3A_1680 = vector.shape_cast %mul3A_1673 : vector<16xf32> to vector<1x1x16xf32>
          tpu.vector_store %arg10[%swap3A_1675, %swap3A_1676, %swap3A_1677], %swap3A_1680 {strides = array<i32>} : memref<2x128x128xf32, #tpu.memory_space<vmem>>, vector<1x1x16xf32>,
          %get3A_1681 = arith.constant 0 : i32
          %get3A_1682 = arith.index_cast %get3A_1681 : i32 to index
          %get3A_1683 = arith.index_cast %add3A_1652 : i32 to index
          %get3A_1684 = arith.constant 32 : index
          %get3A_1685 = tpu.vector_load %arg10[%get3A_1682, %get3A_1683, %get3A_1684] {strides = array<i32>} : memref<2x128x128xf32, #tpu.memory_space<vmem>>, vector<1x1x16xf32>,
          %get3A_1686 = vector.shape_cast %get3A_1685 : vector<1x1x16xf32> to vector<16xf32>
          %mul3A_1687 = arith.mulf %get3A_1686, %broadcast_in_dim3A_1648 : vector<16xf32>
          %swap3A_1688 = arith.constant 0 : i32
          %swap3A_1689 = arith.index_cast %swap3A_1688 : i32 to index
          %swap3A_1690 = arith.index_cast %add3A_1652 : i32 to index
          %swap3A_1691 = arith.constant 32 : index
          %swap3A_1692 = tpu.vector_load %arg10[%swap3A_1689, %swap3A_1690, %swap3A_1691] {strides = array<i32>} : memref<2x128x128xf32, #tpu.memory_space<vmem>>, vector<1x1x16xf32>,
          %swap3A_1693 = vector.shape_cast %swap3A_1692 : vector<1x1x16xf32> to vector<16xf32>
          %swap3A_1694 = vector.shape_cast %mul3A_1687 : vector<16xf32> to vector<1x1x16xf32>
          tpu.vector_store %arg10[%swap3A_1689, %swap3A_1690, %swap3A_1691], %swap3A_1694 {strides = array<i32>} : memref<2x128x128xf32, #tpu.memory_space<vmem>>, vector<1x1x16xf32>,
          %get3A_1695 = arith.constant 0 : i32
          %get3A_1696 = arith.index_cast %get3A_1695 : i32 to index
          %get3A_1697 = arith.index_cast %add3A_1652 : i32 to index
          %get3A_1698 = arith.constant 48 : index
          %get3A_1699 = tpu.vector_load %arg10[%get3A_1696, %get3A_1697, %get3A_1698] {strides = array<i32>} : memref<2x128x128xf32, #tpu.memory_space<vmem>>, vector<1x1x16xf32>,
          %get3A_1700 = vector.shape_cast %get3A_1699 : vector<1x1x16xf32> to vector<16xf32>
          %mul3A_1701 = arith.mulf %get3A_1700, %broadcast_in_dim3A_1648 : vector<16xf32>
          %swap3A_1702 = arith.constant 0 : i32
          %swap3A_1703 = arith.index_cast %swap3A_1702 : i32 to index
          %swap3A_1704 = arith.index_cast %add3A_1652 : i32 to index
          %swap3A_1705 = arith.constant 48 : index
          %swap3A_1706 = tpu.vector_load %arg10[%swap3A_1703, %swap3A_1704, %swap3A_1705] {strides = array<i32>} : memref<2x128x128xf32, #tpu.memory_space<vmem>>, vector<1x1x16xf32>,
          %swap3A_1707 = vector.shape_cast %swap3A_1706 : vector<1x1x16xf32> to vector<16xf32>
          %swap3A_1708 = vector.shape_cast %mul3A_1701 : vector<16xf32> to vector<1x1x16xf32>
          tpu.vector_store %arg10[%swap3A_1703, %swap3A_1704, %swap3A_1705], %swap3A_1708 {strides = array<i32>} : memref<2x128x128xf32, #tpu.memory_space<vmem>>, vector<1x1x16xf32>,
          %get3A_1709 = arith.constant 0 : i32
          %get3A_1710 = arith.index_cast %get3A_1709 : i32 to index
          %get3A_1711 = arith.index_cast %add3A_1652 : i32 to index
          %get3A_1712 = arith.constant 64 : index
          %get3A_1713 = tpu.vector_load %arg10[%get3A_1710, %get3A_1711, %get3A_1712] {strides = array<i32>} : memref<2x128x128xf32, #tpu.memory_space<vmem>>, vector<1x1x16xf32>,
          %get3A_1714 = vector.shape_cast %get3A_1713 : vector<1x1x16xf32> to vector<16xf32>
          %mul3A_1715 = arith.mulf %get3A_1714, %broadcast_in_dim3A_1648 : vector<16xf32>
          %swap3A_1716 = arith.constant 0 : i32
          %swap3A_1717 = arith.index_cast %swap3A_1716 : i32 to index
          %swap3A_1718 = arith.index_cast %add3A_1652 : i32 to index
          %swap3A_1719 = arith.constant 64 : index
          %swap3A_1720 = tpu.vector_load %arg10[%swap3A_1717, %swap3A_1718, %swap3A_1719] {strides = array<i32>} : memref<2x128x128xf32, #tpu.memory_space<vmem>>, vector<1x1x16xf32>,
          %swap3A_1721 = vector.shape_cast %swap3A_1720 : vector<1x1x16xf32> to vector<16xf32>
          %swap3A_1722 = vector.shape_cast %mul3A_1715 : vector<16xf32> to vector<1x1x16xf32>
          tpu.vector_store %arg10[%swap3A_1717, %swap3A_1718, %swap3A_1719], %swap3A_1722 {strides = array<i32>} : memref<2x128x128xf32, #tpu.memory_space<vmem>>, vector<1x1x16xf32>,
          %get3A_1723 = arith.constant 0 : i32
          %get3A_1724 = arith.index_cast %get3A_1723 : i32 to index
          %get3A_1725 = arith.index_cast %add3A_1652 : i32 to index
          %get3A_1726 = arith.constant 80 : index
          %get3A_1727 = tpu.vector_load %arg10[%get3A_1724, %get3A_1725, %get3A_1726] {strides = array<i32>} : memref<2x128x128xf32, #tpu.memory_space<vmem>>, vector<1x1x16xf32>,
          %get3A_1728 = vector.shape_cast %get3A_1727 : vector<1x1x16xf32> to vector<16xf32>
          %mul3A_1729 = arith.mulf %get3A_1728, %broadcast_in_dim3A_1648 : vector<16xf32>
          %swap3A_1730 = arith.constant 0 : i32
          %swap3A_1731 = arith.index_cast %swap3A_1730 : i32 to index
          %swap3A_1732 = arith.index_cast %add3A_1652 : i32 to index
          %swap3A_1733 = arith.constant 80 : index
          %swap3A_1734 = tpu.vector_load %arg10[%swap3A_1731, %swap3A_1732, %swap3A_1733] {strides = array<i32>} : memref<2x128x128xf32, #tpu.memory_space<vmem>>, vector<1x1x16xf32>,
          %swap3A_1735 = vector.shape_cast %swap3A_1734 : vector<1x1x16xf32> to vector<16xf32>
          %swap3A_1736 = vector.shape_cast %mul3A_1729 : vector<16xf32> to vector<1x1x16xf32>
          tpu.vector_store %arg10[%swap3A_1731, %swap3A_1732, %swap3A_1733], %swap3A_1736 {strides = array<i32>} : memref<2x128x128xf32, #tpu.memory_space<vmem>>, vector<1x1x16xf32>,
          %get3A_1737 = arith.constant 0 : i32
          %get3A_1738 = arith.index_cast %get3A_1737 : i32 to index
          %get3A_1739 = arith.index_cast %add3A_1652 : i32 to index
          %get3A_1740 = arith.constant 96 : index
          %get3A_1741 = tpu.vector_load %arg10[%get3A_1738, %get3A_1739, %get3A_1740] {strides = array<i32>} : memref<2x128x128xf32, #tpu.memory_space<vmem>>, vector<1x1x16xf32>,
          %get3A_1742 = vector.shape_cast %get3A_1741 : vector<1x1x16xf32> to vector<16xf32>
          %mul3A_1743 = arith.mulf %get3A_1742, %broadcast_in_dim3A_1648 : vector<16xf32>
          %swap3A_1744 = arith.constant 0 : i32
          %swap3A_1745 = arith.index_cast %swap3A_1744 : i32 to index
          %swap3A_1746 = arith.index_cast %add3A_1652 : i32 to index
          %swap3A_1747 = arith.constant 96 : index
          %swap3A_1748 = tpu.vector_load %arg10[%swap3A_1745, %swap3A_1746, %swap3A_1747] {strides = array<i32>} : memref<2x128x128xf32, #tpu.memory_space<vmem>>, vector<1x1x16xf32>,
          %swap3A_1749 = vector.shape_cast %swap3A_1748 : vector<1x1x16xf32> to vector<16xf32>
          %swap3A_1750 = vector.shape_cast %mul3A_1743 : vector<16xf32> to vector<1x1x16xf32>
          tpu.vector_store %arg10[%swap3A_1745, %swap3A_1746, %swap3A_1747], %swap3A_1750 {strides = array<i32>} : memref<2x128x128xf32, #tpu.memory_space<vmem>>, vector<1x1x16xf32>,
          %get3A_1751 = arith.constant 0 : i32
          %get3A_1752 = arith.index_cast %get3A_1751 : i32 to index
          %get3A_1753 = arith.index_cast %add3A_1652 : i32 to index
          %get3A_1754 = arith.constant 112 : index
          %get3A_1755 = tpu.vector_load %arg10[%get3A_1752, %get3A_1753, %get3A_1754] {strides = array<i32>} : memref<2x128x128xf32, #tpu.memory_space<vmem>>, vector<1x1x16xf32>,
          %get3A_1756 = vector.shape_cast %get3A_1755 : vector<1x1x16xf32> to vector<16xf32>
          %mul3A_1757 = arith.mulf %get3A_1756, %broadcast_in_dim3A_1648 : vector<16xf32>
          %swap3A_1758 = arith.constant 0 : i32
          %swap3A_1759 = arith.index_cast %swap3A_1758 : i32 to index
          %swap3A_1760 = arith.index_cast %add3A_1652 : i32 to index
          %swap3A_1761 = arith.constant 112 : index
          %swap3A_1762 = tpu.vector_load %arg10[%swap3A_1759, %swap3A_1760, %swap3A_1761] {strides = array<i32>} : memref<2x128x128xf32, #tpu.memory_space<vmem>>, vector<1x1x16xf32>,
          %swap3A_1763 = vector.shape_cast %swap3A_1762 : vector<1x1x16xf32> to vector<16xf32>
          %swap3A_1764 = vector.shape_cast %mul3A_1757 : vector<16xf32> to vector<1x1x16xf32>
          tpu.vector_store %arg10[%swap3A_1759, %swap3A_1760, %swap3A_1761], %swap3A_1764 {strides = array<i32>} : memref<2x128x128xf32, #tpu.memory_space<vmem>>, vector<1x1x16xf32>,
          %slice3A_1765 = vector.extract_strided_slice %get3A_221 {offsets = [13], sizes = [1], strides = [1]} : vector<16xf32> to vector<1xf32>
          %squeeze3A_1766 = vector.extract %slice3A_1765[0] : f32 from vector<1xf32>
          %broadcast_in_dim3A_1767 = vector.broadcast %squeeze3A_1766 : f32 to vector<16xf32>
          %mul3A_1768 = arith.constant 16 : i32
          %mul3A_1769 = arith.muli %scan3A_214, %mul3A_1768 : i32
          %add3A_1770 = arith.constant 13 : i32
          %add3A_1771 = arith.addi %mul3A_1769, %add3A_1770 : i32
          %get3A_1772 = arith.constant 0 : i32
          %get3A_1773 = arith.index_cast %get3A_1772 : i32 to index
          %get3A_1774 = arith.index_cast %add3A_1771 : i32 to index
          %get3A_1775 = arith.constant 0 : index
          %get3A_1776 = tpu.vector_load %arg10[%get3A_1773, %get3A_1774, %get3A_1775] {strides = array<i32>} : memref<2x128x128xf32, #tpu.memory_space<vmem>>, vector<1x1x16xf32>,
          %get3A_1777 = vector.shape_cast %get3A_1776 : vector<1x1x16xf32> to vector<16xf32>
          %mul3A_1778 = arith.mulf %get3A_1777, %broadcast_in_dim3A_1767 : vector<16xf32>
          %swap3A_1779 = arith.constant 0 : i32
          %swap3A_1780 = arith.index_cast %swap3A_1779 : i32 to index
          %swap3A_1781 = arith.index_cast %add3A_1771 : i32 to index
          %swap3A_1782 = arith.constant 0 : index
          %swap3A_1783 = tpu.vector_load %arg10[%swap3A_1780, %swap3A_1781, %swap3A_1782] {strides = array<i32>} : memref<2x128x128xf32, #tpu.memory_space<vmem>>, vector<1x1x16xf32>,
          %swap3A_1784 = vector.shape_cast %swap3A_1783 : vector<1x1x16xf32> to vector<16xf32>
          %swap3A_1785 = vector.shape_cast %mul3A_1778 : vector<16xf32> to vector<1x1x16xf32>
          tpu.vector_store %arg10[%swap3A_1780, %swap3A_1781, %swap3A_1782], %swap3A_1785 {strides = array<i32>} : memref<2x128x128xf32, #tpu.memory_space<vmem>>, vector<1x1x16xf32>,
          %get3A_1786 = arith.constant 0 : i32
          %get3A_1787 = arith.index_cast %get3A_1786 : i32 to index
          %get3A_1788 = arith.index_cast %add3A_1771 : i32 to index
          %get3A_1789 = arith.constant 16 : index
          %get3A_1790 = tpu.vector_load %arg10[%get3A_1787, %get3A_1788, %get3A_1789] {strides = array<i32>} : memref<2x128x128xf32, #tpu.memory_space<vmem>>, vector<1x1x16xf32>,
          %get3A_1791 = vector.shape_cast %get3A_1790 : vector<1x1x16xf32> to vector<16xf32>
          %mul3A_1792 = arith.mulf %get3A_1791, %broadcast_in_dim3A_1767 : vector<16xf32>
          %swap3A_1793 = arith.constant 0 : i32
          %swap3A_1794 = arith.index_cast %swap3A_1793 : i32 to index
          %swap3A_1795 = arith.index_cast %add3A_1771 : i32 to index
          %swap3A_1796 = arith.constant 16 : index
          %swap3A_1797 = tpu.vector_load %arg10[%swap3A_1794, %swap3A_1795, %swap3A_1796] {strides = array<i32>} : memref<2x128x128xf32, #tpu.memory_space<vmem>>, vector<1x1x16xf32>,
          %swap3A_1798 = vector.shape_cast %swap3A_1797 : vector<1x1x16xf32> to vector<16xf32>
          %swap3A_1799 = vector.shape_cast %mul3A_1792 : vector<16xf32> to vector<1x1x16xf32>
          tpu.vector_store %arg10[%swap3A_1794, %swap3A_1795, %swap3A_1796], %swap3A_1799 {strides = array<i32>} : memref<2x128x128xf32, #tpu.memory_space<vmem>>, vector<1x1x16xf32>,
          %get3A_1800 = arith.constant 0 : i32
          %get3A_1801 = arith.index_cast %get3A_1800 : i32 to index
          %get3A_1802 = arith.index_cast %add3A_1771 : i32 to index
          %get3A_1803 = arith.constant 32 : index
          %get3A_1804 = tpu.vector_load %arg10[%get3A_1801, %get3A_1802, %get3A_1803] {strides = array<i32>} : memref<2x128x128xf32, #tpu.memory_space<vmem>>, vector<1x1x16xf32>,
          %get3A_1805 = vector.shape_cast %get3A_1804 : vector<1x1x16xf32> to vector<16xf32>
          %mul3A_1806 = arith.mulf %get3A_1805, %broadcast_in_dim3A_1767 : vector<16xf32>
          %swap3A_1807 = arith.constant 0 : i32
          %swap3A_1808 = arith.index_cast %swap3A_1807 : i32 to index
          %swap3A_1809 = arith.index_cast %add3A_1771 : i32 to index
          %swap3A_1810 = arith.constant 32 : index
          %swap3A_1811 = tpu.vector_load %arg10[%swap3A_1808, %swap3A_1809, %swap3A_1810] {strides = array<i32>} : memref<2x128x128xf32, #tpu.memory_space<vmem>>, vector<1x1x16xf32>,
          %swap3A_1812 = vector.shape_cast %swap3A_1811 : vector<1x1x16xf32> to vector<16xf32>
          %swap3A_1813 = vector.shape_cast %mul3A_1806 : vector<16xf32> to vector<1x1x16xf32>
          tpu.vector_store %arg10[%swap3A_1808, %swap3A_1809, %swap3A_1810], %swap3A_1813 {strides = array<i32>} : memref<2x128x128xf32, #tpu.memory_space<vmem>>, vector<1x1x16xf32>,
          %get3A_1814 = arith.constant 0 : i32
          %get3A_1815 = arith.index_cast %get3A_1814 : i32 to index
          %get3A_1816 = arith.index_cast %add3A_1771 : i32 to index
          %get3A_1817 = arith.constant 48 : index
          %get3A_1818 = tpu.vector_load %arg10[%get3A_1815, %get3A_1816, %get3A_1817] {strides = array<i32>} : memref<2x128x128xf32, #tpu.memory_space<vmem>>, vector<1x1x16xf32>,
          %get3A_1819 = vector.shape_cast %get3A_1818 : vector<1x1x16xf32> to vector<16xf32>
          %mul3A_1820 = arith.mulf %get3A_1819, %broadcast_in_dim3A_1767 : vector<16xf32>
          %swap3A_1821 = arith.constant 0 : i32
          %swap3A_1822 = arith.index_cast %swap3A_1821 : i32 to index
          %swap3A_1823 = arith.index_cast %add3A_1771 : i32 to index
          %swap3A_1824 = arith.constant 48 : index
          %swap3A_1825 = tpu.vector_load %arg10[%swap3A_1822, %swap3A_1823, %swap3A_1824] {strides = array<i32>} : memref<2x128x128xf32, #tpu.memory_space<vmem>>, vector<1x1x16xf32>,
          %swap3A_1826 = vector.shape_cast %swap3A_1825 : vector<1x1x16xf32> to vector<16xf32>
          %swap3A_1827 = vector.shape_cast %mul3A_1820 : vector<16xf32> to vector<1x1x16xf32>
          tpu.vector_store %arg10[%swap3A_1822, %swap3A_1823, %swap3A_1824], %swap3A_1827 {strides = array<i32>} : memref<2x128x128xf32, #tpu.memory_space<vmem>>, vector<1x1x16xf32>,
          %get3A_1828 = arith.constant 0 : i32
          %get3A_1829 = arith.index_cast %get3A_1828 : i32 to index
          %get3A_1830 = arith.index_cast %add3A_1771 : i32 to index
          %get3A_1831 = arith.constant 64 : index
          %get3A_1832 = tpu.vector_load %arg10[%get3A_1829, %get3A_1830, %get3A_1831] {strides = array<i32>} : memref<2x128x128xf32, #tpu.memory_space<vmem>>, vector<1x1x16xf32>,
          %get3A_1833 = vector.shape_cast %get3A_1832 : vector<1x1x16xf32> to vector<16xf32>
          %mul3A_1834 = arith.mulf %get3A_1833, %broadcast_in_dim3A_1767 : vector<16xf32>
          %swap3A_1835 = arith.constant 0 : i32
          %swap3A_1836 = arith.index_cast %swap3A_1835 : i32 to index
          %swap3A_1837 = arith.index_cast %add3A_1771 : i32 to index
          %swap3A_1838 = arith.constant 64 : index
          %swap3A_1839 = tpu.vector_load %arg10[%swap3A_1836, %swap3A_1837, %swap3A_1838] {strides = array<i32>} : memref<2x128x128xf32, #tpu.memory_space<vmem>>, vector<1x1x16xf32>,
          %swap3A_1840 = vector.shape_cast %swap3A_1839 : vector<1x1x16xf32> to vector<16xf32>
          %swap3A_1841 = vector.shape_cast %mul3A_1834 : vector<16xf32> to vector<1x1x16xf32>
          tpu.vector_store %arg10[%swap3A_1836, %swap3A_1837, %swap3A_1838], %swap3A_1841 {strides = array<i32>} : memref<2x128x128xf32, #tpu.memory_space<vmem>>, vector<1x1x16xf32>,
          %get3A_1842 = arith.constant 0 : i32
          %get3A_1843 = arith.index_cast %get3A_1842 : i32 to index
          %get3A_1844 = arith.index_cast %add3A_1771 : i32 to index
          %get3A_1845 = arith.constant 80 : index
          %get3A_1846 = tpu.vector_load %arg10[%get3A_1843, %get3A_1844, %get3A_1845] {strides = array<i32>} : memref<2x128x128xf32, #tpu.memory_space<vmem>>, vector<1x1x16xf32>,
          %get3A_1847 = vector.shape_cast %get3A_1846 : vector<1x1x16xf32> to vector<16xf32>
          %mul3A_1848 = arith.mulf %get3A_1847, %broadcast_in_dim3A_1767 : vector<16xf32>
          %swap3A_1849 = arith.constant 0 : i32
          %swap3A_1850 = arith.index_cast %swap3A_1849 : i32 to index
          %swap3A_1851 = arith.index_cast %add3A_1771 : i32 to index
          %swap3A_1852 = arith.constant 80 : index
          %swap3A_1853 = tpu.vector_load %arg10[%swap3A_1850, %swap3A_1851, %swap3A_1852] {strides = array<i32>} : memref<2x128x128xf32, #tpu.memory_space<vmem>>, vector<1x1x16xf32>,
          %swap3A_1854 = vector.shape_cast %swap3A_1853 : vector<1x1x16xf32> to vector<16xf32>
          %swap3A_1855 = vector.shape_cast %mul3A_1848 : vector<16xf32> to vector<1x1x16xf32>
          tpu.vector_store %arg10[%swap3A_1850, %swap3A_1851, %swap3A_1852], %swap3A_1855 {strides = array<i32>} : memref<2x128x128xf32, #tpu.memory_space<vmem>>, vector<1x1x16xf32>,
          %get3A_1856 = arith.constant 0 : i32
          %get3A_1857 = arith.index_cast %get3A_1856 : i32 to index
          %get3A_1858 = arith.index_cast %add3A_1771 : i32 to index
          %get3A_1859 = arith.constant 96 : index
          %get3A_1860 = tpu.vector_load %arg10[%get3A_1857, %get3A_1858, %get3A_1859] {strides = array<i32>} : memref<2x128x128xf32, #tpu.memory_space<vmem>>, vector<1x1x16xf32>,
          %get3A_1861 = vector.shape_cast %get3A_1860 : vector<1x1x16xf32> to vector<16xf32>
          %mul3A_1862 = arith.mulf %get3A_1861, %broadcast_in_dim3A_1767 : vector<16xf32>
          %swap3A_1863 = arith.constant 0 : i32
          %swap3A_1864 = arith.index_cast %swap3A_1863 : i32 to index
          %swap3A_1865 = arith.index_cast %add3A_1771 : i32 to index
          %swap3A_1866 = arith.constant 96 : index
          %swap3A_1867 = tpu.vector_load %arg10[%swap3A_1864, %swap3A_1865, %swap3A_1866] {strides = array<i32>} : memref<2x128x128xf32, #tpu.memory_space<vmem>>, vector<1x1x16xf32>,
          %swap3A_1868 = vector.shape_cast %swap3A_1867 : vector<1x1x16xf32> to vector<16xf32>
          %swap3A_1869 = vector.shape_cast %mul3A_1862 : vector<16xf32> to vector<1x1x16xf32>
          tpu.vector_store %arg10[%swap3A_1864, %swap3A_1865, %swap3A_1866], %swap3A_1869 {strides = array<i32>} : memref<2x128x128xf32, #tpu.memory_space<vmem>>, vector<1x1x16xf32>,
          %get3A_1870 = arith.constant 0 : i32
          %get3A_1871 = arith.index_cast %get3A_1870 : i32 to index
          %get3A_1872 = arith.index_cast %add3A_1771 : i32 to index
          %get3A_1873 = arith.constant 112 : index
          %get3A_1874 = tpu.vector_load %arg10[%get3A_1871, %get3A_1872, %get3A_1873] {strides = array<i32>} : memref<2x128x128xf32, #tpu.memory_space<vmem>>, vector<1x1x16xf32>,
          %get3A_1875 = vector.shape_cast %get3A_1874 : vector<1x1x16xf32> to vector<16xf32>
          %mul3A_1876 = arith.mulf %get3A_1875, %broadcast_in_dim3A_1767 : vector<16xf32>
          %swap3A_1877 = arith.constant 0 : i32
          %swap3A_1878 = arith.index_cast %swap3A_1877 : i32 to index
          %swap3A_1879 = arith.index_cast %add3A_1771 : i32 to index
          %swap3A_1880 = arith.constant 112 : index
          %swap3A_1881 = tpu.vector_load %arg10[%swap3A_1878, %swap3A_1879, %swap3A_1880] {strides = array<i32>} : memref<2x128x128xf32, #tpu.memory_space<vmem>>, vector<1x1x16xf32>,
          %swap3A_1882 = vector.shape_cast %swap3A_1881 : vector<1x1x16xf32> to vector<16xf32>
          %swap3A_1883 = vector.shape_cast %mul3A_1876 : vector<16xf32> to vector<1x1x16xf32>
          tpu.vector_store %arg10[%swap3A_1878, %swap3A_1879, %swap3A_1880], %swap3A_1883 {strides = array<i32>} : memref<2x128x128xf32, #tpu.memory_space<vmem>>, vector<1x1x16xf32>,
          %slice3A_1884 = vector.extract_strided_slice %get3A_221 {offsets = [14], sizes = [1], strides = [1]} : vector<16xf32> to vector<1xf32>
          %squeeze3A_1885 = vector.extract %slice3A_1884[0] : f32 from vector<1xf32>
          %broadcast_in_dim3A_1886 = vector.broadcast %squeeze3A_1885 : f32 to vector<16xf32>
          %mul3A_1887 = arith.constant 16 : i32
          %mul3A_1888 = arith.muli %scan3A_214, %mul3A_1887 : i32
          %add3A_1889 = arith.constant 14 : i32
          %add3A_1890 = arith.addi %mul3A_1888, %add3A_1889 : i32
          %get3A_1891 = arith.constant 0 : i32
          %get3A_1892 = arith.index_cast %get3A_1891 : i32 to index
          %get3A_1893 = arith.index_cast %add3A_1890 : i32 to index
          %get3A_1894 = arith.constant 0 : index
          %get3A_1895 = tpu.vector_load %arg10[%get3A_1892, %get3A_1893, %get3A_1894] {strides = array<i32>} : memref<2x128x128xf32, #tpu.memory_space<vmem>>, vector<1x1x16xf32>,
          %get3A_1896 = vector.shape_cast %get3A_1895 : vector<1x1x16xf32> to vector<16xf32>
          %mul3A_1897 = arith.mulf %get3A_1896, %broadcast_in_dim3A_1886 : vector<16xf32>
          %swap3A_1898 = arith.constant 0 : i32
          %swap3A_1899 = arith.index_cast %swap3A_1898 : i32 to index
          %swap3A_1900 = arith.index_cast %add3A_1890 : i32 to index
          %swap3A_1901 = arith.constant 0 : index
          %swap3A_1902 = tpu.vector_load %arg10[%swap3A_1899, %swap3A_1900, %swap3A_1901] {strides = array<i32>} : memref<2x128x128xf32, #tpu.memory_space<vmem>>, vector<1x1x16xf32>,
          %swap3A_1903 = vector.shape_cast %swap3A_1902 : vector<1x1x16xf32> to vector<16xf32>
          %swap3A_1904 = vector.shape_cast %mul3A_1897 : vector<16xf32> to vector<1x1x16xf32>
          tpu.vector_store %arg10[%swap3A_1899, %swap3A_1900, %swap3A_1901], %swap3A_1904 {strides = array<i32>} : memref<2x128x128xf32, #tpu.memory_space<vmem>>, vector<1x1x16xf32>,
          %get3A_1905 = arith.constant 0 : i32
          %get3A_1906 = arith.index_cast %get3A_1905 : i32 to index
          %get3A_1907 = arith.index_cast %add3A_1890 : i32 to index
          %get3A_1908 = arith.constant 16 : index
          %get3A_1909 = tpu.vector_load %arg10[%get3A_1906, %get3A_1907, %get3A_1908] {strides = array<i32>} : memref<2x128x128xf32, #tpu.memory_space<vmem>>, vector<1x1x16xf32>,
          %get3A_1910 = vector.shape_cast %get3A_1909 : vector<1x1x16xf32> to vector<16xf32>
          %mul3A_1911 = arith.mulf %get3A_1910, %broadcast_in_dim3A_1886 : vector<16xf32>
          %swap3A_1912 = arith.constant 0 : i32
          %swap3A_1913 = arith.index_cast %swap3A_1912 : i32 to index
          %swap3A_1914 = arith.index_cast %add3A_1890 : i32 to index
          %swap3A_1915 = arith.constant 16 : index
          %swap3A_1916 = tpu.vector_load %arg10[%swap3A_1913, %swap3A_1914, %swap3A_1915] {strides = array<i32>} : memref<2x128x128xf32, #tpu.memory_space<vmem>>, vector<1x1x16xf32>,
          %swap3A_1917 = vector.shape_cast %swap3A_1916 : vector<1x1x16xf32> to vector<16xf32>
          %swap3A_1918 = vector.shape_cast %mul3A_1911 : vector<16xf32> to vector<1x1x16xf32>
          tpu.vector_store %arg10[%swap3A_1913, %swap3A_1914, %swap3A_1915], %swap3A_1918 {strides = array<i32>} : memref<2x128x128xf32, #tpu.memory_space<vmem>>, vector<1x1x16xf32>,
          %get3A_1919 = arith.constant 0 : i32
          %get3A_1920 = arith.index_cast %get3A_1919 : i32 to index
          %get3A_1921 = arith.index_cast %add3A_1890 : i32 to index
          %get3A_1922 = arith.constant 32 : index
          %get3A_1923 = tpu.vector_load %arg10[%get3A_1920, %get3A_1921, %get3A_1922] {strides = array<i32>} : memref<2x128x128xf32, #tpu.memory_space<vmem>>, vector<1x1x16xf32>,
          %get3A_1924 = vector.shape_cast %get3A_1923 : vector<1x1x16xf32> to vector<16xf32>
          %mul3A_1925 = arith.mulf %get3A_1924, %broadcast_in_dim3A_1886 : vector<16xf32>
          %swap3A_1926 = arith.constant 0 : i32
          %swap3A_1927 = arith.index_cast %swap3A_1926 : i32 to index
          %swap3A_1928 = arith.index_cast %add3A_1890 : i32 to index
          %swap3A_1929 = arith.constant 32 : index
          %swap3A_1930 = tpu.vector_load %arg10[%swap3A_1927, %swap3A_1928, %swap3A_1929] {strides = array<i32>} : memref<2x128x128xf32, #tpu.memory_space<vmem>>, vector<1x1x16xf32>,
          %swap3A_1931 = vector.shape_cast %swap3A_1930 : vector<1x1x16xf32> to vector<16xf32>
          %swap3A_1932 = vector.shape_cast %mul3A_1925 : vector<16xf32> to vector<1x1x16xf32>
          tpu.vector_store %arg10[%swap3A_1927, %swap3A_1928, %swap3A_1929], %swap3A_1932 {strides = array<i32>} : memref<2x128x128xf32, #tpu.memory_space<vmem>>, vector<1x1x16xf32>,
          %get3A_1933 = arith.constant 0 : i32
          %get3A_1934 = arith.index_cast %get3A_1933 : i32 to index
          %get3A_1935 = arith.index_cast %add3A_1890 : i32 to index
          %get3A_1936 = arith.constant 48 : index
          %get3A_1937 = tpu.vector_load %arg10[%get3A_1934, %get3A_1935, %get3A_1936] {strides = array<i32>} : memref<2x128x128xf32, #tpu.memory_space<vmem>>, vector<1x1x16xf32>,
          %get3A_1938 = vector.shape_cast %get3A_1937 : vector<1x1x16xf32> to vector<16xf32>
          %mul3A_1939 = arith.mulf %get3A_1938, %broadcast_in_dim3A_1886 : vector<16xf32>
          %swap3A_1940 = arith.constant 0 : i32
          %swap3A_1941 = arith.index_cast %swap3A_1940 : i32 to index
          %swap3A_1942 = arith.index_cast %add3A_1890 : i32 to index
          %swap3A_1943 = arith.constant 48 : index
          %swap3A_1944 = tpu.vector_load %arg10[%swap3A_1941, %swap3A_1942, %swap3A_1943] {strides = array<i32>} : memref<2x128x128xf32, #tpu.memory_space<vmem>>, vector<1x1x16xf32>,
          %swap3A_1945 = vector.shape_cast %swap3A_1944 : vector<1x1x16xf32> to vector<16xf32>
          %swap3A_1946 = vector.shape_cast %mul3A_1939 : vector<16xf32> to vector<1x1x16xf32>
          tpu.vector_store %arg10[%swap3A_1941, %swap3A_1942, %swap3A_1943], %swap3A_1946 {strides = array<i32>} : memref<2x128x128xf32, #tpu.memory_space<vmem>>, vector<1x1x16xf32>,
          %get3A_1947 = arith.constant 0 : i32
          %get3A_1948 = arith.index_cast %get3A_1947 : i32 to index
          %get3A_1949 = arith.index_cast %add3A_1890 : i32 to index
          %get3A_1950 = arith.constant 64 : index
          %get3A_1951 = tpu.vector_load %arg10[%get3A_1948, %get3A_1949, %get3A_1950] {strides = array<i32>} : memref<2x128x128xf32, #tpu.memory_space<vmem>>, vector<1x1x16xf32>,
          %get3A_1952 = vector.shape_cast %get3A_1951 : vector<1x1x16xf32> to vector<16xf32>
          %mul3A_1953 = arith.mulf %get3A_1952, %broadcast_in_dim3A_1886 : vector<16xf32>
          %swap3A_1954 = arith.constant 0 : i32
          %swap3A_1955 = arith.index_cast %swap3A_1954 : i32 to index
          %swap3A_1956 = arith.index_cast %add3A_1890 : i32 to index
          %swap3A_1957 = arith.constant 64 : index
          %swap3A_1958 = tpu.vector_load %arg10[%swap3A_1955, %swap3A_1956, %swap3A_1957] {strides = array<i32>} : memref<2x128x128xf32, #tpu.memory_space<vmem>>, vector<1x1x16xf32>,
          %swap3A_1959 = vector.shape_cast %swap3A_1958 : vector<1x1x16xf32> to vector<16xf32>
          %swap3A_1960 = vector.shape_cast %mul3A_1953 : vector<16xf32> to vector<1x1x16xf32>
          tpu.vector_store %arg10[%swap3A_1955, %swap3A_1956, %swap3A_1957], %swap3A_1960 {strides = array<i32>} : memref<2x128x128xf32, #tpu.memory_space<vmem>>, vector<1x1x16xf32>,
          %get3A_1961 = arith.constant 0 : i32
          %get3A_1962 = arith.index_cast %get3A_1961 : i32 to index
          %get3A_1963 = arith.index_cast %add3A_1890 : i32 to index
          %get3A_1964 = arith.constant 80 : index
          %get3A_1965 = tpu.vector_load %arg10[%get3A_1962, %get3A_1963, %get3A_1964] {strides = array<i32>} : memref<2x128x128xf32, #tpu.memory_space<vmem>>, vector<1x1x16xf32>,
          %get3A_1966 = vector.shape_cast %get3A_1965 : vector<1x1x16xf32> to vector<16xf32>
          %mul3A_1967 = arith.mulf %get3A_1966, %broadcast_in_dim3A_1886 : vector<16xf32>
          %swap3A_1968 = arith.constant 0 : i32
          %swap3A_1969 = arith.index_cast %swap3A_1968 : i32 to index
          %swap3A_1970 = arith.index_cast %add3A_1890 : i32 to index
          %swap3A_1971 = arith.constant 80 : index
          %swap3A_1972 = tpu.vector_load %arg10[%swap3A_1969, %swap3A_1970, %swap3A_1971] {strides = array<i32>} : memref<2x128x128xf32, #tpu.memory_space<vmem>>, vector<1x1x16xf32>,
          %swap3A_1973 = vector.shape_cast %swap3A_1972 : vector<1x1x16xf32> to vector<16xf32>
          %swap3A_1974 = vector.shape_cast %mul3A_1967 : vector<16xf32> to vector<1x1x16xf32>
          tpu.vector_store %arg10[%swap3A_1969, %swap3A_1970, %swap3A_1971], %swap3A_1974 {strides = array<i32>} : memref<2x128x128xf32, #tpu.memory_space<vmem>>, vector<1x1x16xf32>,
          %get3A_1975 = arith.constant 0 : i32
          %get3A_1976 = arith.index_cast %get3A_1975 : i32 to index
          %get3A_1977 = arith.index_cast %add3A_1890 : i32 to index
          %get3A_1978 = arith.constant 96 : index
          %get3A_1979 = tpu.vector_load %arg10[%get3A_1976, %get3A_1977, %get3A_1978] {strides = array<i32>} : memref<2x128x128xf32, #tpu.memory_space<vmem>>, vector<1x1x16xf32>,
          %get3A_1980 = vector.shape_cast %get3A_1979 : vector<1x1x16xf32> to vector<16xf32>
          %mul3A_1981 = arith.mulf %get3A_1980, %broadcast_in_dim3A_1886 : vector<16xf32>
          %swap3A_1982 = arith.constant 0 : i32
          %swap3A_1983 = arith.index_cast %swap3A_1982 : i32 to index
          %swap3A_1984 = arith.index_cast %add3A_1890 : i32 to index
          %swap3A_1985 = arith.constant 96 : index
          %swap3A_1986 = tpu.vector_load %arg10[%swap3A_1983, %swap3A_1984, %swap3A_1985] {strides = array<i32>} : memref<2x128x128xf32, #tpu.memory_space<vmem>>, vector<1x1x16xf32>,
          %swap3A_1987 = vector.shape_cast %swap3A_1986 : vector<1x1x16xf32> to vector<16xf32>
          %swap3A_1988 = vector.shape_cast %mul3A_1981 : vector<16xf32> to vector<1x1x16xf32>
          tpu.vector_store %arg10[%swap3A_1983, %swap3A_1984, %swap3A_1985], %swap3A_1988 {strides = array<i32>} : memref<2x128x128xf32, #tpu.memory_space<vmem>>, vector<1x1x16xf32>,
          %get3A_1989 = arith.constant 0 : i32
          %get3A_1990 = arith.index_cast %get3A_1989 : i32 to index
          %get3A_1991 = arith.index_cast %add3A_1890 : i32 to index
          %get3A_1992 = arith.constant 112 : index
          %get3A_1993 = tpu.vector_load %arg10[%get3A_1990, %get3A_1991, %get3A_1992] {strides = array<i32>} : memref<2x128x128xf32, #tpu.memory_space<vmem>>, vector<1x1x16xf32>,
          %get3A_1994 = vector.shape_cast %get3A_1993 : vector<1x1x16xf32> to vector<16xf32>
          %mul3A_1995 = arith.mulf %get3A_1994, %broadcast_in_dim3A_1886 : vector<16xf32>
          %swap3A_1996 = arith.constant 0 : i32
          %swap3A_1997 = arith.index_cast %swap3A_1996 : i32 to index
          %swap3A_1998 = arith.index_cast %add3A_1890 : i32 to index
          %swap3A_1999 = arith.constant 112 : index
          %swap3A_2000 = tpu.vector_load %arg10[%swap3A_1997, %swap3A_1998, %swap3A_1999] {strides = array<i32>} : memref<2x128x128xf32, #tpu.memory_space<vmem>>, vector<1x1x16xf32>,
          %swap3A_2001 = vector.shape_cast %swap3A_2000 : vector<1x1x16xf32> to vector<16xf32>
          %swap3A_2002 = vector.shape_cast %mul3A_1995 : vector<16xf32> to vector<1x1x16xf32>
          tpu.vector_store %arg10[%swap3A_1997, %swap3A_1998, %swap3A_1999], %swap3A_2002 {strides = array<i32>} : memref<2x128x128xf32, #tpu.memory_space<vmem>>, vector<1x1x16xf32>,
          %slice3A_2003 = vector.extract_strided_slice %get3A_221 {offsets = [15], sizes = [1], strides = [1]} : vector<16xf32> to vector<1xf32>
          %squeeze3A_2004 = vector.extract %slice3A_2003[0] : f32 from vector<1xf32>
          %broadcast_in_dim3A_2005 = vector.broadcast %squeeze3A_2004 : f32 to vector<16xf32>
          %mul3A_2006 = arith.constant 16 : i32
          %mul3A_2007 = arith.muli %scan3A_214, %mul3A_2006 : i32
          %add3A_2008 = arith.constant 15 : i32
          %add3A_2009 = arith.addi %mul3A_2007, %add3A_2008 : i32
          %get3A_2010 = arith.constant 0 : i32
          %get3A_2011 = arith.index_cast %get3A_2010 : i32 to index
          %get3A_2012 = arith.index_cast %add3A_2009 : i32 to index
          %get3A_2013 = arith.constant 0 : index
          %get3A_2014 = tpu.vector_load %arg10[%get3A_2011, %get3A_2012, %get3A_2013] {strides = array<i32>} : memref<2x128x128xf32, #tpu.memory_space<vmem>>, vector<1x1x16xf32>,
          %get3A_2015 = vector.shape_cast %get3A_2014 : vector<1x1x16xf32> to vector<16xf32>
          %mul3A_2016 = arith.mulf %get3A_2015, %broadcast_in_dim3A_2005 : vector<16xf32>
          %swap3A_2017 = arith.constant 0 : i32
          %swap3A_2018 = arith.index_cast %swap3A_2017 : i32 to index
          %swap3A_2019 = arith.index_cast %add3A_2009 : i32 to index
          %swap3A_2020 = arith.constant 0 : index
          %swap3A_2021 = tpu.vector_load %arg10[%swap3A_2018, %swap3A_2019, %swap3A_2020] {strides = array<i32>} : memref<2x128x128xf32, #tpu.memory_space<vmem>>, vector<1x1x16xf32>,
          %swap3A_2022 = vector.shape_cast %swap3A_2021 : vector<1x1x16xf32> to vector<16xf32>
          %swap3A_2023 = vector.shape_cast %mul3A_2016 : vector<16xf32> to vector<1x1x16xf32>
          tpu.vector_store %arg10[%swap3A_2018, %swap3A_2019, %swap3A_2020], %swap3A_2023 {strides = array<i32>} : memref<2x128x128xf32, #tpu.memory_space<vmem>>, vector<1x1x16xf32>,
          %get3A_2024 = arith.constant 0 : i32
          %get3A_2025 = arith.index_cast %get3A_2024 : i32 to index
          %get3A_2026 = arith.index_cast %add3A_2009 : i32 to index
          %get3A_2027 = arith.constant 16 : index
          %get3A_2028 = tpu.vector_load %arg10[%get3A_2025, %get3A_2026, %get3A_2027] {strides = array<i32>} : memref<2x128x128xf32, #tpu.memory_space<vmem>>, vector<1x1x16xf32>,
          %get3A_2029 = vector.shape_cast %get3A_2028 : vector<1x1x16xf32> to vector<16xf32>
          %mul3A_2030 = arith.mulf %get3A_2029, %broadcast_in_dim3A_2005 : vector<16xf32>
          %swap3A_2031 = arith.constant 0 : i32
          %swap3A_2032 = arith.index_cast %swap3A_2031 : i32 to index
          %swap3A_2033 = arith.index_cast %add3A_2009 : i32 to index
          %swap3A_2034 = arith.constant 16 : index
          %swap3A_2035 = tpu.vector_load %arg10[%swap3A_2032, %swap3A_2033, %swap3A_2034] {strides = array<i32>} : memref<2x128x128xf32, #tpu.memory_space<vmem>>, vector<1x1x16xf32>,
          %swap3A_2036 = vector.shape_cast %swap3A_2035 : vector<1x1x16xf32> to vector<16xf32>
          %swap3A_2037 = vector.shape_cast %mul3A_2030 : vector<16xf32> to vector<1x1x16xf32>
          tpu.vector_store %arg10[%swap3A_2032, %swap3A_2033, %swap3A_2034], %swap3A_2037 {strides = array<i32>} : memref<2x128x128xf32, #tpu.memory_space<vmem>>, vector<1x1x16xf32>,
          %get3A_2038 = arith.constant 0 : i32
          %get3A_2039 = arith.index_cast %get3A_2038 : i32 to index
          %get3A_2040 = arith.index_cast %add3A_2009 : i32 to index
          %get3A_2041 = arith.constant 32 : index
          %get3A_2042 = tpu.vector_load %arg10[%get3A_2039, %get3A_2040, %get3A_2041] {strides = array<i32>} : memref<2x128x128xf32, #tpu.memory_space<vmem>>, vector<1x1x16xf32>,
          %get3A_2043 = vector.shape_cast %get3A_2042 : vector<1x1x16xf32> to vector<16xf32>
          %mul3A_2044 = arith.mulf %get3A_2043, %broadcast_in_dim3A_2005 : vector<16xf32>
          %swap3A_2045 = arith.constant 0 : i32
          %swap3A_2046 = arith.index_cast %swap3A_2045 : i32 to index
          %swap3A_2047 = arith.index_cast %add3A_2009 : i32 to index
          %swap3A_2048 = arith.constant 32 : index
          %swap3A_2049 = tpu.vector_load %arg10[%swap3A_2046, %swap3A_2047, %swap3A_2048] {strides = array<i32>} : memref<2x128x128xf32, #tpu.memory_space<vmem>>, vector<1x1x16xf32>,
          %swap3A_2050 = vector.shape_cast %swap3A_2049 : vector<1x1x16xf32> to vector<16xf32>
          %swap3A_2051 = vector.shape_cast %mul3A_2044 : vector<16xf32> to vector<1x1x16xf32>
          tpu.vector_store %arg10[%swap3A_2046, %swap3A_2047, %swap3A_2048], %swap3A_2051 {strides = array<i32>} : memref<2x128x128xf32, #tpu.memory_space<vmem>>, vector<1x1x16xf32>,
          %get3A_2052 = arith.constant 0 : i32
          %get3A_2053 = arith.index_cast %get3A_2052 : i32 to index
          %get3A_2054 = arith.index_cast %add3A_2009 : i32 to index
          %get3A_2055 = arith.constant 48 : index
          %get3A_2056 = tpu.vector_load %arg10[%get3A_2053, %get3A_2054, %get3A_2055] {strides = array<i32>} : memref<2x128x128xf32, #tpu.memory_space<vmem>>, vector<1x1x16xf32>,
          %get3A_2057 = vector.shape_cast %get3A_2056 : vector<1x1x16xf32> to vector<16xf32>
          %mul3A_2058 = arith.mulf %get3A_2057, %broadcast_in_dim3A_2005 : vector<16xf32>
          %swap3A_2059 = arith.constant 0 : i32
          %swap3A_2060 = arith.index_cast %swap3A_2059 : i32 to index
          %swap3A_2061 = arith.index_cast %add3A_2009 : i32 to index
          %swap3A_2062 = arith.constant 48 : index
          %swap3A_2063 = tpu.vector_load %arg10[%swap3A_2060, %swap3A_2061, %swap3A_2062] {strides = array<i32>} : memref<2x128x128xf32, #tpu.memory_space<vmem>>, vector<1x1x16xf32>,
          %swap3A_2064 = vector.shape_cast %swap3A_2063 : vector<1x1x16xf32> to vector<16xf32>
          %swap3A_2065 = vector.shape_cast %mul3A_2058 : vector<16xf32> to vector<1x1x16xf32>
          tpu.vector_store %arg10[%swap3A_2060, %swap3A_2061, %swap3A_2062], %swap3A_2065 {strides = array<i32>} : memref<2x128x128xf32, #tpu.memory_space<vmem>>, vector<1x1x16xf32>,
          %get3A_2066 = arith.constant 0 : i32
          %get3A_2067 = arith.index_cast %get3A_2066 : i32 to index
          %get3A_2068 = arith.index_cast %add3A_2009 : i32 to index
          %get3A_2069 = arith.constant 64 : index
          %get3A_2070 = tpu.vector_load %arg10[%get3A_2067, %get3A_2068, %get3A_2069] {strides = array<i32>} : memref<2x128x128xf32, #tpu.memory_space<vmem>>, vector<1x1x16xf32>,
          %get3A_2071 = vector.shape_cast %get3A_2070 : vector<1x1x16xf32> to vector<16xf32>
          %mul3A_2072 = arith.mulf %get3A_2071, %broadcast_in_dim3A_2005 : vector<16xf32>
          %swap3A_2073 = arith.constant 0 : i32
          %swap3A_2074 = arith.index_cast %swap3A_2073 : i32 to index
          %swap3A_2075 = arith.index_cast %add3A_2009 : i32 to index
          %swap3A_2076 = arith.constant 64 : index
          %swap3A_2077 = tpu.vector_load %arg10[%swap3A_2074, %swap3A_2075, %swap3A_2076] {strides = array<i32>} : memref<2x128x128xf32, #tpu.memory_space<vmem>>, vector<1x1x16xf32>,
          %swap3A_2078 = vector.shape_cast %swap3A_2077 : vector<1x1x16xf32> to vector<16xf32>
          %swap3A_2079 = vector.shape_cast %mul3A_2072 : vector<16xf32> to vector<1x1x16xf32>
          tpu.vector_store %arg10[%swap3A_2074, %swap3A_2075, %swap3A_2076], %swap3A_2079 {strides = array<i32>} : memref<2x128x128xf32, #tpu.memory_space<vmem>>, vector<1x1x16xf32>,
          %get3A_2080 = arith.constant 0 : i32
          %get3A_2081 = arith.index_cast %get3A_2080 : i32 to index
          %get3A_2082 = arith.index_cast %add3A_2009 : i32 to index
          %get3A_2083 = arith.constant 80 : index
          %get3A_2084 = tpu.vector_load %arg10[%get3A_2081, %get3A_2082, %get3A_2083] {strides = array<i32>} : memref<2x128x128xf32, #tpu.memory_space<vmem>>, vector<1x1x16xf32>,
          %get3A_2085 = vector.shape_cast %get3A_2084 : vector<1x1x16xf32> to vector<16xf32>
          %mul3A_2086 = arith.mulf %get3A_2085, %broadcast_in_dim3A_2005 : vector<16xf32>
          %swap3A_2087 = arith.constant 0 : i32
          %swap3A_2088 = arith.index_cast %swap3A_2087 : i32 to index
          %swap3A_2089 = arith.index_cast %add3A_2009 : i32 to index
          %swap3A_2090 = arith.constant 80 : index
          %swap3A_2091 = tpu.vector_load %arg10[%swap3A_2088, %swap3A_2089, %swap3A_2090] {strides = array<i32>} : memref<2x128x128xf32, #tpu.memory_space<vmem>>, vector<1x1x16xf32>,
          %swap3A_2092 = vector.shape_cast %swap3A_2091 : vector<1x1x16xf32> to vector<16xf32>
          %swap3A_2093 = vector.shape_cast %mul3A_2086 : vector<16xf32> to vector<1x1x16xf32>
          tpu.vector_store %arg10[%swap3A_2088, %swap3A_2089, %swap3A_2090], %swap3A_2093 {strides = array<i32>} : memref<2x128x128xf32, #tpu.memory_space<vmem>>, vector<1x1x16xf32>,
          %get3A_2094 = arith.constant 0 : i32
          %get3A_2095 = arith.index_cast %get3A_2094 : i32 to index
          %get3A_2096 = arith.index_cast %add3A_2009 : i32 to index
          %get3A_2097 = arith.constant 96 : index
          %get3A_2098 = tpu.vector_load %arg10[%get3A_2095, %get3A_2096, %get3A_2097] {strides = array<i32>} : memref<2x128x128xf32, #tpu.memory_space<vmem>>, vector<1x1x16xf32>,
          %get3A_2099 = vector.shape_cast %get3A_2098 : vector<1x1x16xf32> to vector<16xf32>
          %mul3A_2100 = arith.mulf %get3A_2099, %broadcast_in_dim3A_2005 : vector<16xf32>
          %swap3A_2101 = arith.constant 0 : i32
          %swap3A_2102 = arith.index_cast %swap3A_2101 : i32 to index
          %swap3A_2103 = arith.index_cast %add3A_2009 : i32 to index
          %swap3A_2104 = arith.constant 96 : index
          %swap3A_2105 = tpu.vector_load %arg10[%swap3A_2102, %swap3A_2103, %swap3A_2104] {strides = array<i32>} : memref<2x128x128xf32, #tpu.memory_space<vmem>>, vector<1x1x16xf32>,
          %swap3A_2106 = vector.shape_cast %swap3A_2105 : vector<1x1x16xf32> to vector<16xf32>
          %swap3A_2107 = vector.shape_cast %mul3A_2100 : vector<16xf32> to vector<1x1x16xf32>
          tpu.vector_store %arg10[%swap3A_2102, %swap3A_2103, %swap3A_2104], %swap3A_2107 {strides = array<i32>} : memref<2x128x128xf32, #tpu.memory_space<vmem>>, vector<1x1x16xf32>,
          %get3A_2108 = arith.constant 0 : i32
          %get3A_2109 = arith.index_cast %get3A_2108 : i32 to index
          %get3A_2110 = arith.index_cast %add3A_2009 : i32 to index
          %get3A_2111 = arith.constant 112 : index
          %get3A_2112 = tpu.vector_load %arg10[%get3A_2109, %get3A_2110, %get3A_2111] {strides = array<i32>} : memref<2x128x128xf32, #tpu.memory_space<vmem>>, vector<1x1x16xf32>,
          %get3A_2113 = vector.shape_cast %get3A_2112 : vector<1x1x16xf32> to vector<16xf32>
          %mul3A_2114 = arith.mulf %get3A_2113, %broadcast_in_dim3A_2005 : vector<16xf32>
          %swap3A_2115 = arith.constant 0 : i32
          %swap3A_2116 = arith.index_cast %swap3A_2115 : i32 to index
          %swap3A_2117 = arith.index_cast %add3A_2009 : i32 to index
          %swap3A_2118 = arith.constant 112 : index
          %swap3A_2119 = tpu.vector_load %arg10[%swap3A_2116, %swap3A_2117, %swap3A_2118] {strides = array<i32>} : memref<2x128x128xf32, #tpu.memory_space<vmem>>, vector<1x1x16xf32>,
          %swap3A_2120 = vector.shape_cast %swap3A_2119 : vector<1x1x16xf32> to vector<16xf32>
          %swap3A_2121 = vector.shape_cast %mul3A_2114 : vector<16xf32> to vector<1x1x16xf32>
          tpu.vector_store %arg10[%swap3A_2116, %swap3A_2117, %swap3A_2118], %swap3A_2121 {strides = array<i32>} : memref<2x128x128xf32, #tpu.memory_space<vmem>>, vector<1x1x16xf32>,
        }
        %scan3A_127 = arith.constant 8 : i32
        %dma_start3A_128 = arith.constant 0 : i32
        %dma_start3A_129 = arith.constant 0 : i32
        %dma_start3A_130 = arith.constant 0 : i32
        %dma_start3A_131 = arith.constant 0 : i32
        %dma_start3A_132 = tpu.memref_slice %arg10[%dma_start3A_128, %dma_start3A_130, %dma_start3A_131] : memref<2x128x128xf32, #tpu.memory_space<vmem>> -> memref<1x128x128xf32, #tpu.memory_space<vmem>>
        %dma_start3A_133 = tpu.memref_squeeze %dma_start3A_132 : memref<1x128x128xf32, #tpu.memory_space<vmem>> -> memref<128x128xf32, #tpu.memory_space<vmem>>
        %dma_start3A_134 = arith.constant 0 : i32
        %dma_start3A_135 = arith.constant 0 : i32
        %dma_start3A_136 = tpu.memref_slice %arg8[%dma_start3A_129, %dma_start3A_134, %dma_start3A_135] : memref<1x8x128xi32, #tpu.memory_space<vmem>> -> memref<1x8x128xi32, #tpu.memory_space<vmem>>
        %dma_start3A_137 = tpu.memref_squeeze %dma_start3A_136 : memref<1x8x128xi32, #tpu.memory_space<vmem>> -> memref<8x128xi32, #tpu.memory_space<vmem>>
        %dma_start3A_138 = arith.constant 0 : i32
        %dma_start3A_139 = tpu.memref_slice %dma_start3A_137[%mul3A_71, %dma_start3A_138] : memref<8x128xi32, #tpu.memory_space<vmem>> -> memref<1x128xi32, #tpu.memory_space<vmem>>
        %dma_start3A_140 = tpu.memref_squeeze %dma_start3A_139 : memref<1x128xi32, #tpu.memory_space<vmem>> -> memref<128xi32, #tpu.memory_space<vmem>>
        %dma_start3A_141 = arith.constant 0 : i32
        %dma_start3A_142 = arith.constant 0 : i32
        %dma_start3A_143 = tpu.memref_slice %arg11[%dma_start3A_141, %dma_start3A_142] : memref<10240x128xf32, #tpu.memory_space<vmem_shared>> -> memref<10240x128xf32, #tpu.memory_space<vmem_shared>>
        tpu.enqueue_indirect_dma source(%dma_start3A_133 : memref<128x128xf32, #tpu.memory_space<vmem>>) target(%dma_start3A_143 : memref<10240x128xf32, #tpu.memory_space<vmem_shared>>) offsets(%dma_start3A_140 : memref<128xi32, #tpu.memory_space<vmem>>) semaphore(%arg14 : memref<!tpu.dma_semaphore, #tpu.memory_space<semaphore_mem>>) {add = true}
        %dma_wait3A_144 = arith.constant 0 : i32
        %dma_wait3A_145 = arith.constant 1 : i32
        %dma_wait3A_146 = arith.constant 0 : i32
        %dma_wait3A_147 = arith.constant 0 : i32
        %dma_wait3A_148 = tpu.memref_slice %arg10[%dma_wait3A_145, %dma_wait3A_146, %dma_wait3A_147] : memref<2x128x128xf32, #tpu.memory_space<vmem>> -> memref<1x128x128xf32, #tpu.memory_space<vmem>>
        %dma_wait3A_149 = tpu.memref_squeeze %dma_wait3A_148 : memref<1x128x128xf32, #tpu.memory_space<vmem>> -> memref<128x128xf32, #tpu.memory_space<vmem>>
        %dma_wait3A_150 = arith.constant 0 : i32
        %dma_wait3A_151 = arith.constant 0 : i32
        %dma_wait3A_152 = tpu.memref_slice %arg7[%dma_wait3A_144, %dma_wait3A_150, %dma_wait3A_151] : memref<1x8x128xi32, #tpu.memory_space<vmem>> -> memref<1x8x128xi32, #tpu.memory_space<vmem>>
        %dma_wait3A_153 = tpu.memref_squeeze %dma_wait3A_152 : memref<1x8x128xi32, #tpu.memory_space<vmem>> -> memref<8x128xi32, #tpu.memory_space<vmem>>
        %dma_wait3A_154 = arith.constant 0 : i32
        %dma_wait3A_155 = tpu.memref_slice %dma_wait3A_153[%add3A_75, %dma_wait3A_154] : memref<8x128xi32, #tpu.memory_space<vmem>> -> memref<1x128xi32, #tpu.memory_space<vmem>>
        %dma_wait3A_156 = tpu.memref_squeeze %dma_wait3A_155 : memref<1x128xi32, #tpu.memory_space<vmem>> -> memref<128xi32, #tpu.memory_space<vmem>>
        %dma_wait3A_157 = arith.constant 0 : i32
        %dma_wait3A_158 = arith.constant 0 : i32
        %dma_wait3A_159 = tpu.memref_slice %arg2[%dma_wait3A_157, %dma_wait3A_158] : memref<10000x128xf32, #tpu.memory_space<hbm>> -> memref<10000x128xf32, #tpu.memory_space<hbm>>
        tpu.wait_indirect_dma semaphore(%arg13 : memref<!tpu.dma_semaphore, #tpu.memory_space<semaphore_mem>>) src(%dma_wait3A_159 : memref<10000x128xf32, #tpu.memory_space<hbm>>) dst(%dma_wait3A_149 : memref<128x128xf32, #tpu.memory_space<vmem>>)
        %scan3A_160 = arith.constant 0 : i32
        %scan3A_161 = arith.constant 0 : i32
        %scan3A_162 = arith.constant 8 : i32
        %scan3A_163 = arith.addi %scan3A_161, %scan3A_162 : i32
        %scan3A_164 = arith.constant 1 : i32
        scf.for %scan3A_214 = %scan3A_161 to %scan3A_163 step %scan3A_164  : i32 {
          %mul3A_215 = arith.constant 16 : i32
          %mul3A_216 = arith.muli %scan3A_214, %mul3A_215 : i32
          %get3A = arith.constant 0 : i32
          %get3A_217 = arith.index_cast %get3A : i32 to index
          %get3A_218 = arith.index_cast %add3A_75 : i32 to index
          %get3A_219 = arith.index_cast %mul3A_216 : i32 to index
          %get3A_220 = tpu.vector_load %arg9[%get3A_217, %get3A_218, %get3A_219] {strides = array<i32>} : memref<1x8x128xf32, #tpu.memory_space<vmem>>, vector<1x1x16xf32>,
          %get3A_221 = vector.shape_cast %get3A_220 : vector<1x1x16xf32> to vector<16xf32>
          %slice3A = vector.extract_strided_slice %get3A_221 {offsets = [0], sizes = [1], strides = [1]} : vector<16xf32> to vector<1xf32>
          %squeeze3A = vector.extract %slice3A[0] : f32 from vector<1xf32>
          %broadcast_in_dim3A = vector.broadcast %squeeze3A : f32 to vector<16xf32>
          %mul3A_222 = arith.constant 16 : i32
          %mul3A_223 = arith.muli %scan3A_214, %mul3A_222 : i32
          %add3A_224 = arith.constant 0 : i32
          %add3A_225 = arith.addi %mul3A_223, %add3A_224 : i32
          %get3A_226 = arith.constant 1 : i32
          %get3A_227 = arith.index_cast %get3A_226 : i32 to index
          %get3A_228 = arith.index_cast %add3A_225 : i32 to index
          %get3A_229 = arith.constant 0 : index
          %get3A_230 = tpu.vector_load %arg10[%get3A_227, %get3A_228, %get3A_229] {strides = array<i32>} : memref<2x128x128xf32, #tpu.memory_space<vmem>>, vector<1x1x16xf32>,
          %get3A_231 = vector.shape_cast %get3A_230 : vector<1x1x16xf32> to vector<16xf32>
          %mul3A_232 = arith.mulf %get3A_231, %broadcast_in_dim3A : vector<16xf32>
          %swap3A = arith.constant 1 : i32
          %swap3A_233 = arith.index_cast %swap3A : i32 to index
          %swap3A_234 = arith.index_cast %add3A_225 : i32 to index
          %swap3A_235 = arith.constant 0 : index
          %swap3A_236 = tpu.vector_load %arg10[%swap3A_233, %swap3A_234, %swap3A_235] {strides = array<i32>} : memref<2x128x128xf32, #tpu.memory_space<vmem>>, vector<1x1x16xf32>,
          %swap3A_237 = vector.shape_cast %swap3A_236 : vector<1x1x16xf32> to vector<16xf32>
          %swap3A_238 = vector.shape_cast %mul3A_232 : vector<16xf32> to vector<1x1x16xf32>
          tpu.vector_store %arg10[%swap3A_233, %swap3A_234, %swap3A_235], %swap3A_238 {strides = array<i32>} : memref<2x128x128xf32, #tpu.memory_space<vmem>>, vector<1x1x16xf32>,
          %get3A_239 = arith.constant 1 : i32
          %get3A_240 = arith.index_cast %get3A_239 : i32 to index
          %get3A_241 = arith.index_cast %add3A_225 : i32 to index
          %get3A_242 = arith.constant 16 : index
          %get3A_243 = tpu.vector_load %arg10[%get3A_240, %get3A_241, %get3A_242] {strides = array<i32>} : memref<2x128x128xf32, #tpu.memory_space<vmem>>, vector<1x1x16xf32>,
          %get3A_244 = vector.shape_cast %get3A_243 : vector<1x1x16xf32> to vector<16xf32>
          %mul3A_245 = arith.mulf %get3A_244, %broadcast_in_dim3A : vector<16xf32>
          %swap3A_246 = arith.constant 1 : i32
          %swap3A_247 = arith.index_cast %swap3A_246 : i32 to index
          %swap3A_248 = arith.index_cast %add3A_225 : i32 to index
          %swap3A_249 = arith.constant 16 : index
          %swap3A_250 = tpu.vector_load %arg10[%swap3A_247, %swap3A_248, %swap3A_249] {strides = array<i32>} : memref<2x128x128xf32, #tpu.memory_space<vmem>>, vector<1x1x16xf32>,
          %swap3A_251 = vector.shape_cast %swap3A_250 : vector<1x1x16xf32> to vector<16xf32>
          %swap3A_252 = vector.shape_cast %mul3A_245 : vector<16xf32> to vector<1x1x16xf32>
          tpu.vector_store %arg10[%swap3A_247, %swap3A_248, %swap3A_249], %swap3A_252 {strides = array<i32>} : memref<2x128x128xf32, #tpu.memory_space<vmem>>, vector<1x1x16xf32>,
          %get3A_253 = arith.constant 1 : i32
          %get3A_254 = arith.index_cast %get3A_253 : i32 to index
          %get3A_255 = arith.index_cast %add3A_225 : i32 to index
          %get3A_256 = arith.constant 32 : index
          %get3A_257 = tpu.vector_load %arg10[%get3A_254, %get3A_255, %get3A_256] {strides = array<i32>} : memref<2x128x128xf32, #tpu.memory_space<vmem>>, vector<1x1x16xf32>,
          %get3A_258 = vector.shape_cast %get3A_257 : vector<1x1x16xf32> to vector<16xf32>
          %mul3A_259 = arith.mulf %get3A_258, %broadcast_in_dim3A : vector<16xf32>
          %swap3A_260 = arith.constant 1 : i32
          %swap3A_261 = arith.index_cast %swap3A_260 : i32 to index
          %swap3A_262 = arith.index_cast %add3A_225 : i32 to index
          %swap3A_263 = arith.constant 32 : index
          %swap3A_264 = tpu.vector_load %arg10[%swap3A_261, %swap3A_262, %swap3A_263] {strides = array<i32>} : memref<2x128x128xf32, #tpu.memory_space<vmem>>, vector<1x1x16xf32>,
          %swap3A_265 = vector.shape_cast %swap3A_264 : vector<1x1x16xf32> to vector<16xf32>
          %swap3A_266 = vector.shape_cast %mul3A_259 : vector<16xf32> to vector<1x1x16xf32>
          tpu.vector_store %arg10[%swap3A_261, %swap3A_262, %swap3A_263], %swap3A_266 {strides = array<i32>} : memref<2x128x128xf32, #tpu.memory_space<vmem>>, vector<1x1x16xf32>,
          %get3A_267 = arith.constant 1 : i32
          %get3A_268 = arith.index_cast %get3A_267 : i32 to index
          %get3A_269 = arith.index_cast %add3A_225 : i32 to index
          %get3A_270 = arith.constant 48 : index
          %get3A_271 = tpu.vector_load %arg10[%get3A_268, %get3A_269, %get3A_270] {strides = array<i32>} : memref<2x128x128xf32, #tpu.memory_space<vmem>>, vector<1x1x16xf32>,
          %get3A_272 = vector.shape_cast %get3A_271 : vector<1x1x16xf32> to vector<16xf32>
          %mul3A_273 = arith.mulf %get3A_272, %broadcast_in_dim3A : vector<16xf32>
          %swap3A_274 = arith.constant 1 : i32
          %swap3A_275 = arith.index_cast %swap3A_274 : i32 to index
          %swap3A_276 = arith.index_cast %add3A_225 : i32 to index
          %swap3A_277 = arith.constant 48 : index
          %swap3A_278 = tpu.vector_load %arg10[%swap3A_275, %swap3A_276, %swap3A_277] {strides = array<i32>} : memref<2x128x128xf32, #tpu.memory_space<vmem>>, vector<1x1x16xf32>,
          %swap3A_279 = vector.shape_cast %swap3A_278 : vector<1x1x16xf32> to vector<16xf32>
          %swap3A_280 = vector.shape_cast %mul3A_273 : vector<16xf32> to vector<1x1x16xf32>
          tpu.vector_store %arg10[%swap3A_275, %swap3A_276, %swap3A_277], %swap3A_280 {strides = array<i32>} : memref<2x128x128xf32, #tpu.memory_space<vmem>>, vector<1x1x16xf32>,
          %get3A_281 = arith.constant 1 : i32
          %get3A_282 = arith.index_cast %get3A_281 : i32 to index
          %get3A_283 = arith.index_cast %add3A_225 : i32 to index
          %get3A_284 = arith.constant 64 : index
          %get3A_285 = tpu.vector_load %arg10[%get3A_282, %get3A_283, %get3A_284] {strides = array<i32>} : memref<2x128x128xf32, #tpu.memory_space<vmem>>, vector<1x1x16xf32>,
          %get3A_286 = vector.shape_cast %get3A_285 : vector<1x1x16xf32> to vector<16xf32>
          %mul3A_287 = arith.mulf %get3A_286, %broadcast_in_dim3A : vector<16xf32>
          %swap3A_288 = arith.constant 1 : i32
          %swap3A_289 = arith.index_cast %swap3A_288 : i32 to index
          %swap3A_290 = arith.index_cast %add3A_225 : i32 to index
          %swap3A_291 = arith.constant 64 : index
          %swap3A_292 = tpu.vector_load %arg10[%swap3A_289, %swap3A_290, %swap3A_291] {strides = array<i32>} : memref<2x128x128xf32, #tpu.memory_space<vmem>>, vector<1x1x16xf32>,
          %swap3A_293 = vector.shape_cast %swap3A_292 : vector<1x1x16xf32> to vector<16xf32>
          %swap3A_294 = vector.shape_cast %mul3A_287 : vector<16xf32> to vector<1x1x16xf32>
          tpu.vector_store %arg10[%swap3A_289, %swap3A_290, %swap3A_291], %swap3A_294 {strides = array<i32>} : memref<2x128x128xf32, #tpu.memory_space<vmem>>, vector<1x1x16xf32>,
          %get3A_295 = arith.constant 1 : i32
          %get3A_296 = arith.index_cast %get3A_295 : i32 to index
          %get3A_297 = arith.index_cast %add3A_225 : i32 to index
          %get3A_298 = arith.constant 80 : index
          %get3A_299 = tpu.vector_load %arg10[%get3A_296, %get3A_297, %get3A_298] {strides = array<i32>} : memref<2x128x128xf32, #tpu.memory_space<vmem>>, vector<1x1x16xf32>,
          %get3A_300 = vector.shape_cast %get3A_299 : vector<1x1x16xf32> to vector<16xf32>
          %mul3A_301 = arith.mulf %get3A_300, %broadcast_in_dim3A : vector<16xf32>
          %swap3A_302 = arith.constant 1 : i32
          %swap3A_303 = arith.index_cast %swap3A_302 : i32 to index
          %swap3A_304 = arith.index_cast %add3A_225 : i32 to index
          %swap3A_305 = arith.constant 80 : index
          %swap3A_306 = tpu.vector_load %arg10[%swap3A_303, %swap3A_304, %swap3A_305] {strides = array<i32>} : memref<2x128x128xf32, #tpu.memory_space<vmem>>, vector<1x1x16xf32>,
          %swap3A_307 = vector.shape_cast %swap3A_306 : vector<1x1x16xf32> to vector<16xf32>
          %swap3A_308 = vector.shape_cast %mul3A_301 : vector<16xf32> to vector<1x1x16xf32>
          tpu.vector_store %arg10[%swap3A_303, %swap3A_304, %swap3A_305], %swap3A_308 {strides = array<i32>} : memref<2x128x128xf32, #tpu.memory_space<vmem>>, vector<1x1x16xf32>,
          %get3A_309 = arith.constant 1 : i32
          %get3A_310 = arith.index_cast %get3A_309 : i32 to index
          %get3A_311 = arith.index_cast %add3A_225 : i32 to index
          %get3A_312 = arith.constant 96 : index
          %get3A_313 = tpu.vector_load %arg10[%get3A_310, %get3A_311, %get3A_312] {strides = array<i32>} : memref<2x128x128xf32, #tpu.memory_space<vmem>>, vector<1x1x16xf32>,
          %get3A_314 = vector.shape_cast %get3A_313 : vector<1x1x16xf32> to vector<16xf32>
          %mul3A_315 = arith.mulf %get3A_314, %broadcast_in_dim3A : vector<16xf32>
          %swap3A_316 = arith.constant 1 : i32
          %swap3A_317 = arith.index_cast %swap3A_316 : i32 to index
          %swap3A_318 = arith.index_cast %add3A_225 : i32 to index
          %swap3A_319 = arith.constant 96 : index
          %swap3A_320 = tpu.vector_load %arg10[%swap3A_317, %swap3A_318, %swap3A_319] {strides = array<i32>} : memref<2x128x128xf32, #tpu.memory_space<vmem>>, vector<1x1x16xf32>,
          %swap3A_321 = vector.shape_cast %swap3A_320 : vector<1x1x16xf32> to vector<16xf32>
          %swap3A_322 = vector.shape_cast %mul3A_315 : vector<16xf32> to vector<1x1x16xf32>
          tpu.vector_store %arg10[%swap3A_317, %swap3A_318, %swap3A_319], %swap3A_322 {strides = array<i32>} : memref<2x128x128xf32, #tpu.memory_space<vmem>>, vector<1x1x16xf32>,
          %get3A_323 = arith.constant 1 : i32
          %get3A_324 = arith.index_cast %get3A_323 : i32 to index
          %get3A_325 = arith.index_cast %add3A_225 : i32 to index
          %get3A_326 = arith.constant 112 : index
          %get3A_327 = tpu.vector_load %arg10[%get3A_324, %get3A_325, %get3A_326] {strides = array<i32>} : memref<2x128x128xf32, #tpu.memory_space<vmem>>, vector<1x1x16xf32>,
          %get3A_328 = vector.shape_cast %get3A_327 : vector<1x1x16xf32> to vector<16xf32>
          %mul3A_329 = arith.mulf %get3A_328, %broadcast_in_dim3A : vector<16xf32>
          %swap3A_330 = arith.constant 1 : i32
          %swap3A_331 = arith.index_cast %swap3A_330 : i32 to index
          %swap3A_332 = arith.index_cast %add3A_225 : i32 to index
          %swap3A_333 = arith.constant 112 : index
          %swap3A_334 = tpu.vector_load %arg10[%swap3A_331, %swap3A_332, %swap3A_333] {strides = array<i32>} : memref<2x128x128xf32, #tpu.memory_space<vmem>>, vector<1x1x16xf32>,
          %swap3A_335 = vector.shape_cast %swap3A_334 : vector<1x1x16xf32> to vector<16xf32>
          %swap3A_336 = vector.shape_cast %mul3A_329 : vector<16xf32> to vector<1x1x16xf32>
          tpu.vector_store %arg10[%swap3A_331, %swap3A_332, %swap3A_333], %swap3A_336 {strides = array<i32>} : memref<2x128x128xf32, #tpu.memory_space<vmem>>, vector<1x1x16xf32>,
          %slice3A_337 = vector.extract_strided_slice %get3A_221 {offsets = [1], sizes = [1], strides = [1]} : vector<16xf32> to vector<1xf32>
          %squeeze3A_338 = vector.extract %slice3A_337[0] : f32 from vector<1xf32>
          %broadcast_in_dim3A_339 = vector.broadcast %squeeze3A_338 : f32 to vector<16xf32>
          %mul3A_340 = arith.constant 16 : i32
          %mul3A_341 = arith.muli %scan3A_214, %mul3A_340 : i32
          %add3A_342 = arith.constant 1 : i32
          %add3A_343 = arith.addi %mul3A_341, %add3A_342 : i32
          %get3A_344 = arith.constant 1 : i32
          %get3A_345 = arith.index_cast %get3A_344 : i32 to index
          %get3A_346 = arith.index_cast %add3A_343 : i32 to index
          %get3A_347 = arith.constant 0 : index
          %get3A_348 = tpu.vector_load %arg10[%get3A_345, %get3A_346, %get3A_347] {strides = array<i32>} : memref<2x128x128xf32, #tpu.memory_space<vmem>>, vector<1x1x16xf32>,
          %get3A_349 = vector.shape_cast %get3A_348 : vector<1x1x16xf32> to vector<16xf32>
          %mul3A_350 = arith.mulf %get3A_349, %broadcast_in_dim3A_339 : vector<16xf32>
          %swap3A_351 = arith.constant 1 : i32
          %swap3A_352 = arith.index_cast %swap3A_351 : i32 to index
          %swap3A_353 = arith.index_cast %add3A_343 : i32 to index
          %swap3A_354 = arith.constant 0 : index
          %swap3A_355 = tpu.vector_load %arg10[%swap3A_352, %swap3A_353, %swap3A_354] {strides = array<i32>} : memref<2x128x128xf32, #tpu.memory_space<vmem>>, vector<1x1x16xf32>,
          %swap3A_356 = vector.shape_cast %swap3A_355 : vector<1x1x16xf32> to vector<16xf32>
          %swap3A_357 = vector.shape_cast %mul3A_350 : vector<16xf32> to vector<1x1x16xf32>
          tpu.vector_store %arg10[%swap3A_352, %swap3A_353, %swap3A_354], %swap3A_357 {strides = array<i32>} : memref<2x128x128xf32, #tpu.memory_space<vmem>>, vector<1x1x16xf32>,
          %get3A_358 = arith.constant 1 : i32
          %get3A_359 = arith.index_cast %get3A_358 : i32 to index
          %get3A_360 = arith.index_cast %add3A_343 : i32 to index
          %get3A_361 = arith.constant 16 : index
          %get3A_362 = tpu.vector_load %arg10[%get3A_359, %get3A_360, %get3A_361] {strides = array<i32>} : memref<2x128x128xf32, #tpu.memory_space<vmem>>, vector<1x1x16xf32>,
          %get3A_363 = vector.shape_cast %get3A_362 : vector<1x1x16xf32> to vector<16xf32>
          %mul3A_364 = arith.mulf %get3A_363, %broadcast_in_dim3A_339 : vector<16xf32>
          %swap3A_365 = arith.constant 1 : i32
          %swap3A_366 = arith.index_cast %swap3A_365 : i32 to index
          %swap3A_367 = arith.index_cast %add3A_343 : i32 to index
          %swap3A_368 = arith.constant 16 : index
          %swap3A_369 = tpu.vector_load %arg10[%swap3A_366, %swap3A_367, %swap3A_368] {strides = array<i32>} : memref<2x128x128xf32, #tpu.memory_space<vmem>>, vector<1x1x16xf32>,
          %swap3A_370 = vector.shape_cast %swap3A_369 : vector<1x1x16xf32> to vector<16xf32>
          %swap3A_371 = vector.shape_cast %mul3A_364 : vector<16xf32> to vector<1x1x16xf32>
          tpu.vector_store %arg10[%swap3A_366, %swap3A_367, %swap3A_368], %swap3A_371 {strides = array<i32>} : memref<2x128x128xf32, #tpu.memory_space<vmem>>, vector<1x1x16xf32>,
          %get3A_372 = arith.constant 1 : i32
          %get3A_373 = arith.index_cast %get3A_372 : i32 to index
          %get3A_374 = arith.index_cast %add3A_343 : i32 to index
          %get3A_375 = arith.constant 32 : index
          %get3A_376 = tpu.vector_load %arg10[%get3A_373, %get3A_374, %get3A_375] {strides = array<i32>} : memref<2x128x128xf32, #tpu.memory_space<vmem>>, vector<1x1x16xf32>,
          %get3A_377 = vector.shape_cast %get3A_376 : vector<1x1x16xf32> to vector<16xf32>
          %mul3A_378 = arith.mulf %get3A_377, %broadcast_in_dim3A_339 : vector<16xf32>
          %swap3A_379 = arith.constant 1 : i32
          %swap3A_380 = arith.index_cast %swap3A_379 : i32 to index
          %swap3A_381 = arith.index_cast %add3A_343 : i32 to index
          %swap3A_382 = arith.constant 32 : index
          %swap3A_383 = tpu.vector_load %arg10[%swap3A_380, %swap3A_381, %swap3A_382] {strides = array<i32>} : memref<2x128x128xf32, #tpu.memory_space<vmem>>, vector<1x1x16xf32>,
          %swap3A_384 = vector.shape_cast %swap3A_383 : vector<1x1x16xf32> to vector<16xf32>
          %swap3A_385 = vector.shape_cast %mul3A_378 : vector<16xf32> to vector<1x1x16xf32>
          tpu.vector_store %arg10[%swap3A_380, %swap3A_381, %swap3A_382], %swap3A_385 {strides = array<i32>} : memref<2x128x128xf32, #tpu.memory_space<vmem>>, vector<1x1x16xf32>,
          %get3A_386 = arith.constant 1 : i32
          %get3A_387 = arith.index_cast %get3A_386 : i32 to index
          %get3A_388 = arith.index_cast %add3A_343 : i32 to index
          %get3A_389 = arith.constant 48 : index
          %get3A_390 = tpu.vector_load %arg10[%get3A_387, %get3A_388, %get3A_389] {strides = array<i32>} : memref<2x128x128xf32, #tpu.memory_space<vmem>>, vector<1x1x16xf32>,
          %get3A_391 = vector.shape_cast %get3A_390 : vector<1x1x16xf32> to vector<16xf32>
          %mul3A_392 = arith.mulf %get3A_391, %broadcast_in_dim3A_339 : vector<16xf32>
          %swap3A_393 = arith.constant 1 : i32
          %swap3A_394 = arith.index_cast %swap3A_393 : i32 to index
          %swap3A_395 = arith.index_cast %add3A_343 : i32 to index
          %swap3A_396 = arith.constant 48 : index
          %swap3A_397 = tpu.vector_load %arg10[%swap3A_394, %swap3A_395, %swap3A_396] {strides = array<i32>} : memref<2x128x128xf32, #tpu.memory_space<vmem>>, vector<1x1x16xf32>,
          %swap3A_398 = vector.shape_cast %swap3A_397 : vector<1x1x16xf32> to vector<16xf32>
          %swap3A_399 = vector.shape_cast %mul3A_392 : vector<16xf32> to vector<1x1x16xf32>
          tpu.vector_store %arg10[%swap3A_394, %swap3A_395, %swap3A_396], %swap3A_399 {strides = array<i32>} : memref<2x128x128xf32, #tpu.memory_space<vmem>>, vector<1x1x16xf32>,
          %get3A_400 = arith.constant 1 : i32
          %get3A_401 = arith.index_cast %get3A_400 : i32 to index
          %get3A_402 = arith.index_cast %add3A_343 : i32 to index
          %get3A_403 = arith.constant 64 : index
          %get3A_404 = tpu.vector_load %arg10[%get3A_401, %get3A_402, %get3A_403] {strides = array<i32>} : memref<2x128x128xf32, #tpu.memory_space<vmem>>, vector<1x1x16xf32>,
          %get3A_405 = vector.shape_cast %get3A_404 : vector<1x1x16xf32> to vector<16xf32>
          %mul3A_406 = arith.mulf %get3A_405, %broadcast_in_dim3A_339 : vector<16xf32>
          %swap3A_407 = arith.constant 1 : i32
          %swap3A_408 = arith.index_cast %swap3A_407 : i32 to index
          %swap3A_409 = arith.index_cast %add3A_343 : i32 to index
          %swap3A_410 = arith.constant 64 : index
          %swap3A_411 = tpu.vector_load %arg10[%swap3A_408, %swap3A_409, %swap3A_410] {strides = array<i32>} : memref<2x128x128xf32, #tpu.memory_space<vmem>>, vector<1x1x16xf32>,
          %swap3A_412 = vector.shape_cast %swap3A_411 : vector<1x1x16xf32> to vector<16xf32>
          %swap3A_413 = vector.shape_cast %mul3A_406 : vector<16xf32> to vector<1x1x16xf32>
          tpu.vector_store %arg10[%swap3A_408, %swap3A_409, %swap3A_410], %swap3A_413 {strides = array<i32>} : memref<2x128x128xf32, #tpu.memory_space<vmem>>, vector<1x1x16xf32>,
          %get3A_414 = arith.constant 1 : i32
          %get3A_415 = arith.index_cast %get3A_414 : i32 to index
          %get3A_416 = arith.index_cast %add3A_343 : i32 to index
          %get3A_417 = arith.constant 80 : index
          %get3A_418 = tpu.vector_load %arg10[%get3A_415, %get3A_416, %get3A_417] {strides = array<i32>} : memref<2x128x128xf32, #tpu.memory_space<vmem>>, vector<1x1x16xf32>,
          %get3A_419 = vector.shape_cast %get3A_418 : vector<1x1x16xf32> to vector<16xf32>
          %mul3A_420 = arith.mulf %get3A_419, %broadcast_in_dim3A_339 : vector<16xf32>
          %swap3A_421 = arith.constant 1 : i32
          %swap3A_422 = arith.index_cast %swap3A_421 : i32 to index
          %swap3A_423 = arith.index_cast %add3A_343 : i32 to index
          %swap3A_424 = arith.constant 80 : index
          %swap3A_425 = tpu.vector_load %arg10[%swap3A_422, %swap3A_423, %swap3A_424] {strides = array<i32>} : memref<2x128x128xf32, #tpu.memory_space<vmem>>, vector<1x1x16xf32>,
          %swap3A_426 = vector.shape_cast %swap3A_425 : vector<1x1x16xf32> to vector<16xf32>
          %swap3A_427 = vector.shape_cast %mul3A_420 : vector<16xf32> to vector<1x1x16xf32>
          tpu.vector_store %arg10[%swap3A_422, %swap3A_423, %swap3A_424], %swap3A_427 {strides = array<i32>} : memref<2x128x128xf32, #tpu.memory_space<vmem>>, vector<1x1x16xf32>,
          %get3A_428 = arith.constant 1 : i32
          %get3A_429 = arith.index_cast %get3A_428 : i32 to index
          %get3A_430 = arith.index_cast %add3A_343 : i32 to index
          %get3A_431 = arith.constant 96 : index
          %get3A_432 = tpu.vector_load %arg10[%get3A_429, %get3A_430, %get3A_431] {strides = array<i32>} : memref<2x128x128xf32, #tpu.memory_space<vmem>>, vector<1x1x16xf32>,
          %get3A_433 = vector.shape_cast %get3A_432 : vector<1x1x16xf32> to vector<16xf32>
          %mul3A_434 = arith.mulf %get3A_433, %broadcast_in_dim3A_339 : vector<16xf32>
          %swap3A_435 = arith.constant 1 : i32
          %swap3A_436 = arith.index_cast %swap3A_435 : i32 to index
          %swap3A_437 = arith.index_cast %add3A_343 : i32 to index
          %swap3A_438 = arith.constant 96 : index
          %swap3A_439 = tpu.vector_load %arg10[%swap3A_436, %swap3A_437, %swap3A_438] {strides = array<i32>} : memref<2x128x128xf32, #tpu.memory_space<vmem>>, vector<1x1x16xf32>,
          %swap3A_440 = vector.shape_cast %swap3A_439 : vector<1x1x16xf32> to vector<16xf32>
          %swap3A_441 = vector.shape_cast %mul3A_434 : vector<16xf32> to vector<1x1x16xf32>
          tpu.vector_store %arg10[%swap3A_436, %swap3A_437, %swap3A_438], %swap3A_441 {strides = array<i32>} : memref<2x128x128xf32, #tpu.memory_space<vmem>>, vector<1x1x16xf32>,
          %get3A_442 = arith.constant 1 : i32
          %get3A_443 = arith.index_cast %get3A_442 : i32 to index
          %get3A_444 = arith.index_cast %add3A_343 : i32 to index
          %get3A_445 = arith.constant 112 : index
          %get3A_446 = tpu.vector_load %arg10[%get3A_443, %get3A_444, %get3A_445] {strides = array<i32>} : memref<2x128x128xf32, #tpu.memory_space<vmem>>, vector<1x1x16xf32>,
          %get3A_447 = vector.shape_cast %get3A_446 : vector<1x1x16xf32> to vector<16xf32>
          %mul3A_448 = arith.mulf %get3A_447, %broadcast_in_dim3A_339 : vector<16xf32>
          %swap3A_449 = arith.constant 1 : i32
          %swap3A_450 = arith.index_cast %swap3A_449 : i32 to index
          %swap3A_451 = arith.index_cast %add3A_343 : i32 to index
          %swap3A_452 = arith.constant 112 : index
          %swap3A_453 = tpu.vector_load %arg10[%swap3A_450, %swap3A_451, %swap3A_452] {strides = array<i32>} : memref<2x128x128xf32, #tpu.memory_space<vmem>>, vector<1x1x16xf32>,
          %swap3A_454 = vector.shape_cast %swap3A_453 : vector<1x1x16xf32> to vector<16xf32>
          %swap3A_455 = vector.shape_cast %mul3A_448 : vector<16xf32> to vector<1x1x16xf32>
          tpu.vector_store %arg10[%swap3A_450, %swap3A_451, %swap3A_452], %swap3A_455 {strides = array<i32>} : memref<2x128x128xf32, #tpu.memory_space<vmem>>, vector<1x1x16xf32>,
          %slice3A_456 = vector.extract_strided_slice %get3A_221 {offsets = [2], sizes = [1], strides = [1]} : vector<16xf32> to vector<1xf32>
          %squeeze3A_457 = vector.extract %slice3A_456[0] : f32 from vector<1xf32>
          %broadcast_in_dim3A_458 = vector.broadcast %squeeze3A_457 : f32 to vector<16xf32>
          %mul3A_459 = arith.constant 16 : i32
          %mul3A_460 = arith.muli %scan3A_214, %mul3A_459 : i32
          %add3A_461 = arith.constant 2 : i32
          %add3A_462 = arith.addi %mul3A_460, %add3A_461 : i32
          %get3A_463 = arith.constant 1 : i32
          %get3A_464 = arith.index_cast %get3A_463 : i32 to index
          %get3A_465 = arith.index_cast %add3A_462 : i32 to index
          %get3A_466 = arith.constant 0 : index
          %get3A_467 = tpu.vector_load %arg10[%get3A_464, %get3A_465, %get3A_466] {strides = array<i32>} : memref<2x128x128xf32, #tpu.memory_space<vmem>>, vector<1x1x16xf32>,
          %get3A_468 = vector.shape_cast %get3A_467 : vector<1x1x16xf32> to vector<16xf32>
          %mul3A_469 = arith.mulf %get3A_468, %broadcast_in_dim3A_458 : vector<16xf32>
          %swap3A_470 = arith.constant 1 : i32
          %swap3A_471 = arith.index_cast %swap3A_470 : i32 to index
          %swap3A_472 = arith.index_cast %add3A_462 : i32 to index
          %swap3A_473 = arith.constant 0 : index
          %swap3A_474 = tpu.vector_load %arg10[%swap3A_471, %swap3A_472, %swap3A_473] {strides = array<i32>} : memref<2x128x128xf32, #tpu.memory_space<vmem>>, vector<1x1x16xf32>,
          %swap3A_475 = vector.shape_cast %swap3A_474 : vector<1x1x16xf32> to vector<16xf32>
          %swap3A_476 = vector.shape_cast %mul3A_469 : vector<16xf32> to vector<1x1x16xf32>
          tpu.vector_store %arg10[%swap3A_471, %swap3A_472, %swap3A_473], %swap3A_476 {strides = array<i32>} : memref<2x128x128xf32, #tpu.memory_space<vmem>>, vector<1x1x16xf32>,
          %get3A_477 = arith.constant 1 : i32
          %get3A_478 = arith.index_cast %get3A_477 : i32 to index
          %get3A_479 = arith.index_cast %add3A_462 : i32 to index
          %get3A_480 = arith.constant 16 : index
          %get3A_481 = tpu.vector_load %arg10[%get3A_478, %get3A_479, %get3A_480] {strides = array<i32>} : memref<2x128x128xf32, #tpu.memory_space<vmem>>, vector<1x1x16xf32>,
          %get3A_482 = vector.shape_cast %get3A_481 : vector<1x1x16xf32> to vector<16xf32>
          %mul3A_483 = arith.mulf %get3A_482, %broadcast_in_dim3A_458 : vector<16xf32>
          %swap3A_484 = arith.constant 1 : i32
          %swap3A_485 = arith.index_cast %swap3A_484 : i32 to index
          %swap3A_486 = arith.index_cast %add3A_462 : i32 to index
          %swap3A_487 = arith.constant 16 : index
          %swap3A_488 = tpu.vector_load %arg10[%swap3A_485, %swap3A_486, %swap3A_487] {strides = array<i32>} : memref<2x128x128xf32, #tpu.memory_space<vmem>>, vector<1x1x16xf32>,
          %swap3A_489 = vector.shape_cast %swap3A_488 : vector<1x1x16xf32> to vector<16xf32>
          %swap3A_490 = vector.shape_cast %mul3A_483 : vector<16xf32> to vector<1x1x16xf32>
          tpu.vector_store %arg10[%swap3A_485, %swap3A_486, %swap3A_487], %swap3A_490 {strides = array<i32>} : memref<2x128x128xf32, #tpu.memory_space<vmem>>, vector<1x1x16xf32>,
          %get3A_491 = arith.constant 1 : i32
          %get3A_492 = arith.index_cast %get3A_491 : i32 to index
          %get3A_493 = arith.index_cast %add3A_462 : i32 to index
          %get3A_494 = arith.constant 32 : index
          %get3A_495 = tpu.vector_load %arg10[%get3A_492, %get3A_493, %get3A_494] {strides = array<i32>} : memref<2x128x128xf32, #tpu.memory_space<vmem>>, vector<1x1x16xf32>,
          %get3A_496 = vector.shape_cast %get3A_495 : vector<1x1x16xf32> to vector<16xf32>
          %mul3A_497 = arith.mulf %get3A_496, %broadcast_in_dim3A_458 : vector<16xf32>
          %swap3A_498 = arith.constant 1 : i32
          %swap3A_499 = arith.index_cast %swap3A_498 : i32 to index
          %swap3A_500 = arith.index_cast %add3A_462 : i32 to index
          %swap3A_501 = arith.constant 32 : index
          %swap3A_502 = tpu.vector_load %arg10[%swap3A_499, %swap3A_500, %swap3A_501] {strides = array<i32>} : memref<2x128x128xf32, #tpu.memory_space<vmem>>, vector<1x1x16xf32>,
          %swap3A_503 = vector.shape_cast %swap3A_502 : vector<1x1x16xf32> to vector<16xf32>
          %swap3A_504 = vector.shape_cast %mul3A_497 : vector<16xf32> to vector<1x1x16xf32>
          tpu.vector_store %arg10[%swap3A_499, %swap3A_500, %swap3A_501], %swap3A_504 {strides = array<i32>} : memref<2x128x128xf32, #tpu.memory_space<vmem>>, vector<1x1x16xf32>,
          %get3A_505 = arith.constant 1 : i32
          %get3A_506 = arith.index_cast %get3A_505 : i32 to index
          %get3A_507 = arith.index_cast %add3A_462 : i32 to index
          %get3A_508 = arith.constant 48 : index
          %get3A_509 = tpu.vector_load %arg10[%get3A_506, %get3A_507, %get3A_508] {strides = array<i32>} : memref<2x128x128xf32, #tpu.memory_space<vmem>>, vector<1x1x16xf32>,
          %get3A_510 = vector.shape_cast %get3A_509 : vector<1x1x16xf32> to vector<16xf32>
          %mul3A_511 = arith.mulf %get3A_510, %broadcast_in_dim3A_458 : vector<16xf32>
          %swap3A_512 = arith.constant 1 : i32
          %swap3A_513 = arith.index_cast %swap3A_512 : i32 to index
          %swap3A_514 = arith.index_cast %add3A_462 : i32 to index
          %swap3A_515 = arith.constant 48 : index
          %swap3A_516 = tpu.vector_load %arg10[%swap3A_513, %swap3A_514, %swap3A_515] {strides = array<i32>} : memref<2x128x128xf32, #tpu.memory_space<vmem>>, vector<1x1x16xf32>,
          %swap3A_517 = vector.shape_cast %swap3A_516 : vector<1x1x16xf32> to vector<16xf32>
          %swap3A_518 = vector.shape_cast %mul3A_511 : vector<16xf32> to vector<1x1x16xf32>
          tpu.vector_store %arg10[%swap3A_513, %swap3A_514, %swap3A_515], %swap3A_518 {strides = array<i32>} : memref<2x128x128xf32, #tpu.memory_space<vmem>>, vector<1x1x16xf32>,
          %get3A_519 = arith.constant 1 : i32
          %get3A_520 = arith.index_cast %get3A_519 : i32 to index
          %get3A_521 = arith.index_cast %add3A_462 : i32 to index
          %get3A_522 = arith.constant 64 : index
          %get3A_523 = tpu.vector_load %arg10[%get3A_520, %get3A_521, %get3A_522] {strides = array<i32>} : memref<2x128x128xf32, #tpu.memory_space<vmem>>, vector<1x1x16xf32>,
          %get3A_524 = vector.shape_cast %get3A_523 : vector<1x1x16xf32> to vector<16xf32>
          %mul3A_525 = arith.mulf %get3A_524, %broadcast_in_dim3A_458 : vector<16xf32>
          %swap3A_526 = arith.constant 1 : i32
          %swap3A_527 = arith.index_cast %swap3A_526 : i32 to index
          %swap3A_528 = arith.index_cast %add3A_462 : i32 to index
          %swap3A_529 = arith.constant 64 : index
          %swap3A_530 = tpu.vector_load %arg10[%swap3A_527, %swap3A_528, %swap3A_529] {strides = array<i32>} : memref<2x128x128xf32, #tpu.memory_space<vmem>>, vector<1x1x16xf32>,
          %swap3A_531 = vector.shape_cast %swap3A_530 : vector<1x1x16xf32> to vector<16xf32>
          %swap3A_532 = vector.shape_cast %mul3A_525 : vector<16xf32> to vector<1x1x16xf32>
          tpu.vector_store %arg10[%swap3A_527, %swap3A_528, %swap3A_529], %swap3A_532 {strides = array<i32>} : memref<2x128x128xf32, #tpu.memory_space<vmem>>, vector<1x1x16xf32>,
          %get3A_533 = arith.constant 1 : i32
          %get3A_534 = arith.index_cast %get3A_533 : i32 to index
          %get3A_535 = arith.index_cast %add3A_462 : i32 to index
          %get3A_536 = arith.constant 80 : index
          %get3A_537 = tpu.vector_load %arg10[%get3A_534, %get3A_535, %get3A_536] {strides = array<i32>} : memref<2x128x128xf32, #tpu.memory_space<vmem>>, vector<1x1x16xf32>,
          %get3A_538 = vector.shape_cast %get3A_537 : vector<1x1x16xf32> to vector<16xf32>
          %mul3A_539 = arith.mulf %get3A_538, %broadcast_in_dim3A_458 : vector<16xf32>
          %swap3A_540 = arith.constant 1 : i32
          %swap3A_541 = arith.index_cast %swap3A_540 : i32 to index
          %swap3A_542 = arith.index_cast %add3A_462 : i32 to index
          %swap3A_543 = arith.constant 80 : index
          %swap3A_544 = tpu.vector_load %arg10[%swap3A_541, %swap3A_542, %swap3A_543] {strides = array<i32>} : memref<2x128x128xf32, #tpu.memory_space<vmem>>, vector<1x1x16xf32>,
          %swap3A_545 = vector.shape_cast %swap3A_544 : vector<1x1x16xf32> to vector<16xf32>
          %swap3A_546 = vector.shape_cast %mul3A_539 : vector<16xf32> to vector<1x1x16xf32>
          tpu.vector_store %arg10[%swap3A_541, %swap3A_542, %swap3A_543], %swap3A_546 {strides = array<i32>} : memref<2x128x128xf32, #tpu.memory_space<vmem>>, vector<1x1x16xf32>,
          %get3A_547 = arith.constant 1 : i32
          %get3A_548 = arith.index_cast %get3A_547 : i32 to index
          %get3A_549 = arith.index_cast %add3A_462 : i32 to index
          %get3A_550 = arith.constant 96 : index
          %get3A_551 = tpu.vector_load %arg10[%get3A_548, %get3A_549, %get3A_550] {strides = array<i32>} : memref<2x128x128xf32, #tpu.memory_space<vmem>>, vector<1x1x16xf32>,
          %get3A_552 = vector.shape_cast %get3A_551 : vector<1x1x16xf32> to vector<16xf32>
          %mul3A_553 = arith.mulf %get3A_552, %broadcast_in_dim3A_458 : vector<16xf32>
          %swap3A_554 = arith.constant 1 : i32
          %swap3A_555 = arith.index_cast %swap3A_554 : i32 to index
          %swap3A_556 = arith.index_cast %add3A_462 : i32 to index
          %swap3A_557 = arith.constant 96 : index
          %swap3A_558 = tpu.vector_load %arg10[%swap3A_555, %swap3A_556, %swap3A_557] {strides = array<i32>} : memref<2x128x128xf32, #tpu.memory_space<vmem>>, vector<1x1x16xf32>,
          %swap3A_559 = vector.shape_cast %swap3A_558 : vector<1x1x16xf32> to vector<16xf32>
          %swap3A_560 = vector.shape_cast %mul3A_553 : vector<16xf32> to vector<1x1x16xf32>
          tpu.vector_store %arg10[%swap3A_555, %swap3A_556, %swap3A_557], %swap3A_560 {strides = array<i32>} : memref<2x128x128xf32, #tpu.memory_space<vmem>>, vector<1x1x16xf32>,
          %get3A_561 = arith.constant 1 : i32
          %get3A_562 = arith.index_cast %get3A_561 : i32 to index
          %get3A_563 = arith.index_cast %add3A_462 : i32 to index
          %get3A_564 = arith.constant 112 : index
          %get3A_565 = tpu.vector_load %arg10[%get3A_562, %get3A_563, %get3A_564] {strides = array<i32>} : memref<2x128x128xf32, #tpu.memory_space<vmem>>, vector<1x1x16xf32>,
          %get3A_566 = vector.shape_cast %get3A_565 : vector<1x1x16xf32> to vector<16xf32>
          %mul3A_567 = arith.mulf %get3A_566, %broadcast_in_dim3A_458 : vector<16xf32>
          %swap3A_568 = arith.constant 1 : i32
          %swap3A_569 = arith.index_cast %swap3A_568 : i32 to index
          %swap3A_570 = arith.index_cast %add3A_462 : i32 to index
          %swap3A_571 = arith.constant 112 : index
          %swap3A_572 = tpu.vector_load %arg10[%swap3A_569, %swap3A_570, %swap3A_571] {strides = array<i32>} : memref<2x128x128xf32, #tpu.memory_space<vmem>>, vector<1x1x16xf32>,
          %swap3A_573 = vector.shape_cast %swap3A_572 : vector<1x1x16xf32> to vector<16xf32>
          %swap3A_574 = vector.shape_cast %mul3A_567 : vector<16xf32> to vector<1x1x16xf32>
          tpu.vector_store %arg10[%swap3A_569, %swap3A_570, %swap3A_571], %swap3A_574 {strides = array<i32>} : memref<2x128x128xf32, #tpu.memory_space<vmem>>, vector<1x1x16xf32>,
          %slice3A_575 = vector.extract_strided_slice %get3A_221 {offsets = [3], sizes = [1], strides = [1]} : vector<16xf32> to vector<1xf32>
          %squeeze3A_576 = vector.extract %slice3A_575[0] : f32 from vector<1xf32>
          %broadcast_in_dim3A_577 = vector.broadcast %squeeze3A_576 : f32 to vector<16xf32>
          %mul3A_578 = arith.constant 16 : i32
          %mul3A_579 = arith.muli %scan3A_214, %mul3A_578 : i32
          %add3A_580 = arith.constant 3 : i32
          %add3A_581 = arith.addi %mul3A_579, %add3A_580 : i32
          %get3A_582 = arith.constant 1 : i32
          %get3A_583 = arith.index_cast %get3A_582 : i32 to index
          %get3A_584 = arith.index_cast %add3A_581 : i32 to index
          %get3A_585 = arith.constant 0 : index
          %get3A_586 = tpu.vector_load %arg10[%get3A_583, %get3A_584, %get3A_585] {strides = array<i32>} : memref<2x128x128xf32, #tpu.memory_space<vmem>>, vector<1x1x16xf32>,
          %get3A_587 = vector.shape_cast %get3A_586 : vector<1x1x16xf32> to vector<16xf32>
          %mul3A_588 = arith.mulf %get3A_587, %broadcast_in_dim3A_577 : vector<16xf32>
          %swap3A_589 = arith.constant 1 : i32
          %swap3A_590 = arith.index_cast %swap3A_589 : i32 to index
          %swap3A_591 = arith.index_cast %add3A_581 : i32 to index
          %swap3A_592 = arith.constant 0 : index
          %swap3A_593 = tpu.vector_load %arg10[%swap3A_590, %swap3A_591, %swap3A_592] {strides = array<i32>} : memref<2x128x128xf32, #tpu.memory_space<vmem>>, vector<1x1x16xf32>,
          %swap3A_594 = vector.shape_cast %swap3A_593 : vector<1x1x16xf32> to vector<16xf32>
          %swap3A_595 = vector.shape_cast %mul3A_588 : vector<16xf32> to vector<1x1x16xf32>
          tpu.vector_store %arg10[%swap3A_590, %swap3A_591, %swap3A_592], %swap3A_595 {strides = array<i32>} : memref<2x128x128xf32, #tpu.memory_space<vmem>>, vector<1x1x16xf32>,
          %get3A_596 = arith.constant 1 : i32
          %get3A_597 = arith.index_cast %get3A_596 : i32 to index
          %get3A_598 = arith.index_cast %add3A_581 : i32 to index
          %get3A_599 = arith.constant 16 : index
          %get3A_600 = tpu.vector_load %arg10[%get3A_597, %get3A_598, %get3A_599] {strides = array<i32>} : memref<2x128x128xf32, #tpu.memory_space<vmem>>, vector<1x1x16xf32>,
          %get3A_601 = vector.shape_cast %get3A_600 : vector<1x1x16xf32> to vector<16xf32>
          %mul3A_602 = arith.mulf %get3A_601, %broadcast_in_dim3A_577 : vector<16xf32>
          %swap3A_603 = arith.constant 1 : i32
          %swap3A_604 = arith.index_cast %swap3A_603 : i32 to index
          %swap3A_605 = arith.index_cast %add3A_581 : i32 to index
          %swap3A_606 = arith.constant 16 : index
          %swap3A_607 = tpu.vector_load %arg10[%swap3A_604, %swap3A_605, %swap3A_606] {strides = array<i32>} : memref<2x128x128xf32, #tpu.memory_space<vmem>>, vector<1x1x16xf32>,
          %swap3A_608 = vector.shape_cast %swap3A_607 : vector<1x1x16xf32> to vector<16xf32>
          %swap3A_609 = vector.shape_cast %mul3A_602 : vector<16xf32> to vector<1x1x16xf32>
          tpu.vector_store %arg10[%swap3A_604, %swap3A_605, %swap3A_606], %swap3A_609 {strides = array<i32>} : memref<2x128x128xf32, #tpu.memory_space<vmem>>, vector<1x1x16xf32>,
          %get3A_610 = arith.constant 1 : i32
          %get3A_611 = arith.index_cast %get3A_610 : i32 to index
          %get3A_612 = arith.index_cast %add3A_581 : i32 to index
          %get3A_613 = arith.constant 32 : index
          %get3A_614 = tpu.vector_load %arg10[%get3A_611, %get3A_612, %get3A_613] {strides = array<i32>} : memref<2x128x128xf32, #tpu.memory_space<vmem>>, vector<1x1x16xf32>,
          %get3A_615 = vector.shape_cast %get3A_614 : vector<1x1x16xf32> to vector<16xf32>
          %mul3A_616 = arith.mulf %get3A_615, %broadcast_in_dim3A_577 : vector<16xf32>
          %swap3A_617 = arith.constant 1 : i32
          %swap3A_618 = arith.index_cast %swap3A_617 : i32 to index
          %swap3A_619 = arith.index_cast %add3A_581 : i32 to index
          %swap3A_620 = arith.constant 32 : index
          %swap3A_621 = tpu.vector_load %arg10[%swap3A_618, %swap3A_619, %swap3A_620] {strides = array<i32>} : memref<2x128x128xf32, #tpu.memory_space<vmem>>, vector<1x1x16xf32>,
          %swap3A_622 = vector.shape_cast %swap3A_621 : vector<1x1x16xf32> to vector<16xf32>
          %swap3A_623 = vector.shape_cast %mul3A_616 : vector<16xf32> to vector<1x1x16xf32>
          tpu.vector_store %arg10[%swap3A_618, %swap3A_619, %swap3A_620], %swap3A_623 {strides = array<i32>} : memref<2x128x128xf32, #tpu.memory_space<vmem>>, vector<1x1x16xf32>,
          %get3A_624 = arith.constant 1 : i32
          %get3A_625 = arith.index_cast %get3A_624 : i32 to index
          %get3A_626 = arith.index_cast %add3A_581 : i32 to index
          %get3A_627 = arith.constant 48 : index
          %get3A_628 = tpu.vector_load %arg10[%get3A_625, %get3A_626, %get3A_627] {strides = array<i32>} : memref<2x128x128xf32, #tpu.memory_space<vmem>>, vector<1x1x16xf32>,
          %get3A_629 = vector.shape_cast %get3A_628 : vector<1x1x16xf32> to vector<16xf32>
          %mul3A_630 = arith.mulf %get3A_629, %broadcast_in_dim3A_577 : vector<16xf32>
          %swap3A_631 = arith.constant 1 : i32
          %swap3A_632 = arith.index_cast %swap3A_631 : i32 to index
          %swap3A_633 = arith.index_cast %add3A_581 : i32 to index
          %swap3A_634 = arith.constant 48 : index
          %swap3A_635 = tpu.vector_load %arg10[%swap3A_632, %swap3A_633, %swap3A_634] {strides = array<i32>} : memref<2x128x128xf32, #tpu.memory_space<vmem>>, vector<1x1x16xf32>,
          %swap3A_636 = vector.shape_cast %swap3A_635 : vector<1x1x16xf32> to vector<16xf32>
          %swap3A_637 = vector.shape_cast %mul3A_630 : vector<16xf32> to vector<1x1x16xf32>
          tpu.vector_store %arg10[%swap3A_632, %swap3A_633, %swap3A_634], %swap3A_637 {strides = array<i32>} : memref<2x128x128xf32, #tpu.memory_space<vmem>>, vector<1x1x16xf32>,
          %get3A_638 = arith.constant 1 : i32
          %get3A_639 = arith.index_cast %get3A_638 : i32 to index
          %get3A_640 = arith.index_cast %add3A_581 : i32 to index
          %get3A_641 = arith.constant 64 : index
          %get3A_642 = tpu.vector_load %arg10[%get3A_639, %get3A_640, %get3A_641] {strides = array<i32>} : memref<2x128x128xf32, #tpu.memory_space<vmem>>, vector<1x1x16xf32>,
          %get3A_643 = vector.shape_cast %get3A_642 : vector<1x1x16xf32> to vector<16xf32>
          %mul3A_644 = arith.mulf %get3A_643, %broadcast_in_dim3A_577 : vector<16xf32>
          %swap3A_645 = arith.constant 1 : i32
          %swap3A_646 = arith.index_cast %swap3A_645 : i32 to index
          %swap3A_647 = arith.index_cast %add3A_581 : i32 to index
          %swap3A_648 = arith.constant 64 : index
          %swap3A_649 = tpu.vector_load %arg10[%swap3A_646, %swap3A_647, %swap3A_648] {strides = array<i32>} : memref<2x128x128xf32, #tpu.memory_space<vmem>>, vector<1x1x16xf32>,
          %swap3A_650 = vector.shape_cast %swap3A_649 : vector<1x1x16xf32> to vector<16xf32>
          %swap3A_651 = vector.shape_cast %mul3A_644 : vector<16xf32> to vector<1x1x16xf32>
          tpu.vector_store %arg10[%swap3A_646, %swap3A_647, %swap3A_648], %swap3A_651 {strides = array<i32>} : memref<2x128x128xf32, #tpu.memory_space<vmem>>, vector<1x1x16xf32>,
          %get3A_652 = arith.constant 1 : i32
          %get3A_653 = arith.index_cast %get3A_652 : i32 to index
          %get3A_654 = arith.index_cast %add3A_581 : i32 to index
          %get3A_655 = arith.constant 80 : index
          %get3A_656 = tpu.vector_load %arg10[%get3A_653, %get3A_654, %get3A_655] {strides = array<i32>} : memref<2x128x128xf32, #tpu.memory_space<vmem>>, vector<1x1x16xf32>,
          %get3A_657 = vector.shape_cast %get3A_656 : vector<1x1x16xf32> to vector<16xf32>
          %mul3A_658 = arith.mulf %get3A_657, %broadcast_in_dim3A_577 : vector<16xf32>
          %swap3A_659 = arith.constant 1 : i32
          %swap3A_660 = arith.index_cast %swap3A_659 : i32 to index
          %swap3A_661 = arith.index_cast %add3A_581 : i32 to index
          %swap3A_662 = arith.constant 80 : index
          %swap3A_663 = tpu.vector_load %arg10[%swap3A_660, %swap3A_661, %swap3A_662] {strides = array<i32>} : memref<2x128x128xf32, #tpu.memory_space<vmem>>, vector<1x1x16xf32>,
          %swap3A_664 = vector.shape_cast %swap3A_663 : vector<1x1x16xf32> to vector<16xf32>
          %swap3A_665 = vector.shape_cast %mul3A_658 : vector<16xf32> to vector<1x1x16xf32>
          tpu.vector_store %arg10[%swap3A_660, %swap3A_661, %swap3A_662], %swap3A_665 {strides = array<i32>} : memref<2x128x128xf32, #tpu.memory_space<vmem>>, vector<1x1x16xf32>,
          %get3A_666 = arith.constant 1 : i32
          %get3A_667 = arith.index_cast %get3A_666 : i32 to index
          %get3A_668 = arith.index_cast %add3A_581 : i32 to index
          %get3A_669 = arith.constant 96 : index
          %get3A_670 = tpu.vector_load %arg10[%get3A_667, %get3A_668, %get3A_669] {strides = array<i32>} : memref<2x128x128xf32, #tpu.memory_space<vmem>>, vector<1x1x16xf32>,
          %get3A_671 = vector.shape_cast %get3A_670 : vector<1x1x16xf32> to vector<16xf32>
          %mul3A_672 = arith.mulf %get3A_671, %broadcast_in_dim3A_577 : vector<16xf32>
          %swap3A_673 = arith.constant 1 : i32
          %swap3A_674 = arith.index_cast %swap3A_673 : i32 to index
          %swap3A_675 = arith.index_cast %add3A_581 : i32 to index
          %swap3A_676 = arith.constant 96 : index
          %swap3A_677 = tpu.vector_load %arg10[%swap3A_674, %swap3A_675, %swap3A_676] {strides = array<i32>} : memref<2x128x128xf32, #tpu.memory_space<vmem>>, vector<1x1x16xf32>,
          %swap3A_678 = vector.shape_cast %swap3A_677 : vector<1x1x16xf32> to vector<16xf32>
          %swap3A_679 = vector.shape_cast %mul3A_672 : vector<16xf32> to vector<1x1x16xf32>
          tpu.vector_store %arg10[%swap3A_674, %swap3A_675, %swap3A_676], %swap3A_679 {strides = array<i32>} : memref<2x128x128xf32, #tpu.memory_space<vmem>>, vector<1x1x16xf32>,
          %get3A_680 = arith.constant 1 : i32
          %get3A_681 = arith.index_cast %get3A_680 : i32 to index
          %get3A_682 = arith.index_cast %add3A_581 : i32 to index
          %get3A_683 = arith.constant 112 : index
          %get3A_684 = tpu.vector_load %arg10[%get3A_681, %get3A_682, %get3A_683] {strides = array<i32>} : memref<2x128x128xf32, #tpu.memory_space<vmem>>, vector<1x1x16xf32>,
          %get3A_685 = vector.shape_cast %get3A_684 : vector<1x1x16xf32> to vector<16xf32>
          %mul3A_686 = arith.mulf %get3A_685, %broadcast_in_dim3A_577 : vector<16xf32>
          %swap3A_687 = arith.constant 1 : i32
          %swap3A_688 = arith.index_cast %swap3A_687 : i32 to index
          %swap3A_689 = arith.index_cast %add3A_581 : i32 to index
          %swap3A_690 = arith.constant 112 : index
          %swap3A_691 = tpu.vector_load %arg10[%swap3A_688, %swap3A_689, %swap3A_690] {strides = array<i32>} : memref<2x128x128xf32, #tpu.memory_space<vmem>>, vector<1x1x16xf32>,
          %swap3A_692 = vector.shape_cast %swap3A_691 : vector<1x1x16xf32> to vector<16xf32>
          %swap3A_693 = vector.shape_cast %mul3A_686 : vector<16xf32> to vector<1x1x16xf32>
          tpu.vector_store %arg10[%swap3A_688, %swap3A_689, %swap3A_690], %swap3A_693 {strides = array<i32>} : memref<2x128x128xf32, #tpu.memory_space<vmem>>, vector<1x1x16xf32>,
          %slice3A_694 = vector.extract_strided_slice %get3A_221 {offsets = [4], sizes = [1], strides = [1]} : vector<16xf32> to vector<1xf32>
          %squeeze3A_695 = vector.extract %slice3A_694[0] : f32 from vector<1xf32>
          %broadcast_in_dim3A_696 = vector.broadcast %squeeze3A_695 : f32 to vector<16xf32>
          %mul3A_697 = arith.constant 16 : i32
          %mul3A_698 = arith.muli %scan3A_214, %mul3A_697 : i32
          %add3A_699 = arith.constant 4 : i32
          %add3A_700 = arith.addi %mul3A_698, %add3A_699 : i32
          %get3A_701 = arith.constant 1 : i32
          %get3A_702 = arith.index_cast %get3A_701 : i32 to index
          %get3A_703 = arith.index_cast %add3A_700 : i32 to index
          %get3A_704 = arith.constant 0 : index
          %get3A_705 = tpu.vector_load %arg10[%get3A_702, %get3A_703, %get3A_704] {strides = array<i32>} : memref<2x128x128xf32, #tpu.memory_space<vmem>>, vector<1x1x16xf32>,
          %get3A_706 = vector.shape_cast %get3A_705 : vector<1x1x16xf32> to vector<16xf32>
          %mul3A_707 = arith.mulf %get3A_706, %broadcast_in_dim3A_696 : vector<16xf32>
          %swap3A_708 = arith.constant 1 : i32
          %swap3A_709 = arith.index_cast %swap3A_708 : i32 to index
          %swap3A_710 = arith.index_cast %add3A_700 : i32 to index
          %swap3A_711 = arith.constant 0 : index
          %swap3A_712 = tpu.vector_load %arg10[%swap3A_709, %swap3A_710, %swap3A_711] {strides = array<i32>} : memref<2x128x128xf32, #tpu.memory_space<vmem>>, vector<1x1x16xf32>,
          %swap3A_713 = vector.shape_cast %swap3A_712 : vector<1x1x16xf32> to vector<16xf32>
          %swap3A_714 = vector.shape_cast %mul3A_707 : vector<16xf32> to vector<1x1x16xf32>
          tpu.vector_store %arg10[%swap3A_709, %swap3A_710, %swap3A_711], %swap3A_714 {strides = array<i32>} : memref<2x128x128xf32, #tpu.memory_space<vmem>>, vector<1x1x16xf32>,
          %get3A_715 = arith.constant 1 : i32
          %get3A_716 = arith.index_cast %get3A_715 : i32 to index
          %get3A_717 = arith.index_cast %add3A_700 : i32 to index
          %get3A_718 = arith.constant 16 : index
          %get3A_719 = tpu.vector_load %arg10[%get3A_716, %get3A_717, %get3A_718] {strides = array<i32>} : memref<2x128x128xf32, #tpu.memory_space<vmem>>, vector<1x1x16xf32>,
          %get3A_720 = vector.shape_cast %get3A_719 : vector<1x1x16xf32> to vector<16xf32>
          %mul3A_721 = arith.mulf %get3A_720, %broadcast_in_dim3A_696 : vector<16xf32>
          %swap3A_722 = arith.constant 1 : i32
          %swap3A_723 = arith.index_cast %swap3A_722 : i32 to index
          %swap3A_724 = arith.index_cast %add3A_700 : i32 to index
          %swap3A_725 = arith.constant 16 : index
          %swap3A_726 = tpu.vector_load %arg10[%swap3A_723, %swap3A_724, %swap3A_725] {strides = array<i32>} : memref<2x128x128xf32, #tpu.memory_space<vmem>>, vector<1x1x16xf32>,
          %swap3A_727 = vector.shape_cast %swap3A_726 : vector<1x1x16xf32> to vector<16xf32>
          %swap3A_728 = vector.shape_cast %mul3A_721 : vector<16xf32> to vector<1x1x16xf32>
          tpu.vector_store %arg10[%swap3A_723, %swap3A_724, %swap3A_725], %swap3A_728 {strides = array<i32>} : memref<2x128x128xf32, #tpu.memory_space<vmem>>, vector<1x1x16xf32>,
          %get3A_729 = arith.constant 1 : i32
          %get3A_730 = arith.index_cast %get3A_729 : i32 to index
          %get3A_731 = arith.index_cast %add3A_700 : i32 to index
          %get3A_732 = arith.constant 32 : index
          %get3A_733 = tpu.vector_load %arg10[%get3A_730, %get3A_731, %get3A_732] {strides = array<i32>} : memref<2x128x128xf32, #tpu.memory_space<vmem>>, vector<1x1x16xf32>,
          %get3A_734 = vector.shape_cast %get3A_733 : vector<1x1x16xf32> to vector<16xf32>
          %mul3A_735 = arith.mulf %get3A_734, %broadcast_in_dim3A_696 : vector<16xf32>
          %swap3A_736 = arith.constant 1 : i32
          %swap3A_737 = arith.index_cast %swap3A_736 : i32 to index
          %swap3A_738 = arith.index_cast %add3A_700 : i32 to index
          %swap3A_739 = arith.constant 32 : index
          %swap3A_740 = tpu.vector_load %arg10[%swap3A_737, %swap3A_738, %swap3A_739] {strides = array<i32>} : memref<2x128x128xf32, #tpu.memory_space<vmem>>, vector<1x1x16xf32>,
          %swap3A_741 = vector.shape_cast %swap3A_740 : vector<1x1x16xf32> to vector<16xf32>
          %swap3A_742 = vector.shape_cast %mul3A_735 : vector<16xf32> to vector<1x1x16xf32>
          tpu.vector_store %arg10[%swap3A_737, %swap3A_738, %swap3A_739], %swap3A_742 {strides = array<i32>} : memref<2x128x128xf32, #tpu.memory_space<vmem>>, vector<1x1x16xf32>,
          %get3A_743 = arith.constant 1 : i32
          %get3A_744 = arith.index_cast %get3A_743 : i32 to index
          %get3A_745 = arith.index_cast %add3A_700 : i32 to index
          %get3A_746 = arith.constant 48 : index
          %get3A_747 = tpu.vector_load %arg10[%get3A_744, %get3A_745, %get3A_746] {strides = array<i32>} : memref<2x128x128xf32, #tpu.memory_space<vmem>>, vector<1x1x16xf32>,
          %get3A_748 = vector.shape_cast %get3A_747 : vector<1x1x16xf32> to vector<16xf32>
          %mul3A_749 = arith.mulf %get3A_748, %broadcast_in_dim3A_696 : vector<16xf32>
          %swap3A_750 = arith.constant 1 : i32
          %swap3A_751 = arith.index_cast %swap3A_750 : i32 to index
          %swap3A_752 = arith.index_cast %add3A_700 : i32 to index
          %swap3A_753 = arith.constant 48 : index
          %swap3A_754 = tpu.vector_load %arg10[%swap3A_751, %swap3A_752, %swap3A_753] {strides = array<i32>} : memref<2x128x128xf32, #tpu.memory_space<vmem>>, vector<1x1x16xf32>,
          %swap3A_755 = vector.shape_cast %swap3A_754 : vector<1x1x16xf32> to vector<16xf32>
          %swap3A_756 = vector.shape_cast %mul3A_749 : vector<16xf32> to vector<1x1x16xf32>
          tpu.vector_store %arg10[%swap3A_751, %swap3A_752, %swap3A_753], %swap3A_756 {strides = array<i32>} : memref<2x128x128xf32, #tpu.memory_space<vmem>>, vector<1x1x16xf32>,
          %get3A_757 = arith.constant 1 : i32
          %get3A_758 = arith.index_cast %get3A_757 : i32 to index
          %get3A_759 = arith.index_cast %add3A_700 : i32 to index
          %get3A_760 = arith.constant 64 : index
          %get3A_761 = tpu.vector_load %arg10[%get3A_758, %get3A_759, %get3A_760] {strides = array<i32>} : memref<2x128x128xf32, #tpu.memory_space<vmem>>, vector<1x1x16xf32>,
          %get3A_762 = vector.shape_cast %get3A_761 : vector<1x1x16xf32> to vector<16xf32>
          %mul3A_763 = arith.mulf %get3A_762, %broadcast_in_dim3A_696 : vector<16xf32>
          %swap3A_764 = arith.constant 1 : i32
          %swap3A_765 = arith.index_cast %swap3A_764 : i32 to index
          %swap3A_766 = arith.index_cast %add3A_700 : i32 to index
          %swap3A_767 = arith.constant 64 : index
          %swap3A_768 = tpu.vector_load %arg10[%swap3A_765, %swap3A_766, %swap3A_767] {strides = array<i32>} : memref<2x128x128xf32, #tpu.memory_space<vmem>>, vector<1x1x16xf32>,
          %swap3A_769 = vector.shape_cast %swap3A_768 : vector<1x1x16xf32> to vector<16xf32>
          %swap3A_770 = vector.shape_cast %mul3A_763 : vector<16xf32> to vector<1x1x16xf32>
          tpu.vector_store %arg10[%swap3A_765, %swap3A_766, %swap3A_767], %swap3A_770 {strides = array<i32>} : memref<2x128x128xf32, #tpu.memory_space<vmem>>, vector<1x1x16xf32>,
          %get3A_771 = arith.constant 1 : i32
          %get3A_772 = arith.index_cast %get3A_771 : i32 to index
          %get3A_773 = arith.index_cast %add3A_700 : i32 to index
          %get3A_774 = arith.constant 80 : index
          %get3A_775 = tpu.vector_load %arg10[%get3A_772, %get3A_773, %get3A_774] {strides = array<i32>} : memref<2x128x128xf32, #tpu.memory_space<vmem>>, vector<1x1x16xf32>,
          %get3A_776 = vector.shape_cast %get3A_775 : vector<1x1x16xf32> to vector<16xf32>
          %mul3A_777 = arith.mulf %get3A_776, %broadcast_in_dim3A_696 : vector<16xf32>
          %swap3A_778 = arith.constant 1 : i32
          %swap3A_779 = arith.index_cast %swap3A_778 : i32 to index
          %swap3A_780 = arith.index_cast %add3A_700 : i32 to index
          %swap3A_781 = arith.constant 80 : index
          %swap3A_782 = tpu.vector_load %arg10[%swap3A_779, %swap3A_780, %swap3A_781] {strides = array<i32>} : memref<2x128x128xf32, #tpu.memory_space<vmem>>, vector<1x1x16xf32>,
          %swap3A_783 = vector.shape_cast %swap3A_782 : vector<1x1x16xf32> to vector<16xf32>
          %swap3A_784 = vector.shape_cast %mul3A_777 : vector<16xf32> to vector<1x1x16xf32>
          tpu.vector_store %arg10[%swap3A_779, %swap3A_780, %swap3A_781], %swap3A_784 {strides = array<i32>} : memref<2x128x128xf32, #tpu.memory_space<vmem>>, vector<1x1x16xf32>,
          %get3A_785 = arith.constant 1 : i32
          %get3A_786 = arith.index_cast %get3A_785 : i32 to index
          %get3A_787 = arith.index_cast %add3A_700 : i32 to index
          %get3A_788 = arith.constant 96 : index
          %get3A_789 = tpu.vector_load %arg10[%get3A_786, %get3A_787, %get3A_788] {strides = array<i32>} : memref<2x128x128xf32, #tpu.memory_space<vmem>>, vector<1x1x16xf32>,
          %get3A_790 = vector.shape_cast %get3A_789 : vector<1x1x16xf32> to vector<16xf32>
          %mul3A_791 = arith.mulf %get3A_790, %broadcast_in_dim3A_696 : vector<16xf32>
          %swap3A_792 = arith.constant 1 : i32
          %swap3A_793 = arith.index_cast %swap3A_792 : i32 to index
          %swap3A_794 = arith.index_cast %add3A_700 : i32 to index
          %swap3A_795 = arith.constant 96 : index
          %swap3A_796 = tpu.vector_load %arg10[%swap3A_793, %swap3A_794, %swap3A_795] {strides = array<i32>} : memref<2x128x128xf32, #tpu.memory_space<vmem>>, vector<1x1x16xf32>,
          %swap3A_797 = vector.shape_cast %swap3A_796 : vector<1x1x16xf32> to vector<16xf32>
          %swap3A_798 = vector.shape_cast %mul3A_791 : vector<16xf32> to vector<1x1x16xf32>
          tpu.vector_store %arg10[%swap3A_793, %swap3A_794, %swap3A_795], %swap3A_798 {strides = array<i32>} : memref<2x128x128xf32, #tpu.memory_space<vmem>>, vector<1x1x16xf32>,
          %get3A_799 = arith.constant 1 : i32
          %get3A_800 = arith.index_cast %get3A_799 : i32 to index
          %get3A_801 = arith.index_cast %add3A_700 : i32 to index
          %get3A_802 = arith.constant 112 : index
          %get3A_803 = tpu.vector_load %arg10[%get3A_800, %get3A_801, %get3A_802] {strides = array<i32>} : memref<2x128x128xf32, #tpu.memory_space<vmem>>, vector<1x1x16xf32>,
          %get3A_804 = vector.shape_cast %get3A_803 : vector<1x1x16xf32> to vector<16xf32>
          %mul3A_805 = arith.mulf %get3A_804, %broadcast_in_dim3A_696 : vector<16xf32>
          %swap3A_806 = arith.constant 1 : i32
          %swap3A_807 = arith.index_cast %swap3A_806 : i32 to index
          %swap3A_808 = arith.index_cast %add3A_700 : i32 to index
          %swap3A_809 = arith.constant 112 : index
          %swap3A_810 = tpu.vector_load %arg10[%swap3A_807, %swap3A_808, %swap3A_809] {strides = array<i32>} : memref<2x128x128xf32, #tpu.memory_space<vmem>>, vector<1x1x16xf32>,
          %swap3A_811 = vector.shape_cast %swap3A_810 : vector<1x1x16xf32> to vector<16xf32>
          %swap3A_812 = vector.shape_cast %mul3A_805 : vector<16xf32> to vector<1x1x16xf32>
          tpu.vector_store %arg10[%swap3A_807, %swap3A_808, %swap3A_809], %swap3A_812 {strides = array<i32>} : memref<2x128x128xf32, #tpu.memory_space<vmem>>, vector<1x1x16xf32>,
          %slice3A_813 = vector.extract_strided_slice %get3A_221 {offsets = [5], sizes = [1], strides = [1]} : vector<16xf32> to vector<1xf32>
          %squeeze3A_814 = vector.extract %slice3A_813[0] : f32 from vector<1xf32>
          %broadcast_in_dim3A_815 = vector.broadcast %squeeze3A_814 : f32 to vector<16xf32>
          %mul3A_816 = arith.constant 16 : i32
          %mul3A_817 = arith.muli %scan3A_214, %mul3A_816 : i32
          %add3A_818 = arith.constant 5 : i32
          %add3A_819 = arith.addi %mul3A_817, %add3A_818 : i32
          %get3A_820 = arith.constant 1 : i32
          %get3A_821 = arith.index_cast %get3A_820 : i32 to index
          %get3A_822 = arith.index_cast %add3A_819 : i32 to index
          %get3A_823 = arith.constant 0 : index
          %get3A_824 = tpu.vector_load %arg10[%get3A_821, %get3A_822, %get3A_823] {strides = array<i32>} : memref<2x128x128xf32, #tpu.memory_space<vmem>>, vector<1x1x16xf32>,
          %get3A_825 = vector.shape_cast %get3A_824 : vector<1x1x16xf32> to vector<16xf32>
          %mul3A_826 = arith.mulf %get3A_825, %broadcast_in_dim3A_815 : vector<16xf32>
          %swap3A_827 = arith.constant 1 : i32
          %swap3A_828 = arith.index_cast %swap3A_827 : i32 to index
          %swap3A_829 = arith.index_cast %add3A_819 : i32 to index
          %swap3A_830 = arith.constant 0 : index
          %swap3A_831 = tpu.vector_load %arg10[%swap3A_828, %swap3A_829, %swap3A_830] {strides = array<i32>} : memref<2x128x128xf32, #tpu.memory_space<vmem>>, vector<1x1x16xf32>,
          %swap3A_832 = vector.shape_cast %swap3A_831 : vector<1x1x16xf32> to vector<16xf32>
          %swap3A_833 = vector.shape_cast %mul3A_826 : vector<16xf32> to vector<1x1x16xf32>
          tpu.vector_store %arg10[%swap3A_828, %swap3A_829, %swap3A_830], %swap3A_833 {strides = array<i32>} : memref<2x128x128xf32, #tpu.memory_space<vmem>>, vector<1x1x16xf32>,
          %get3A_834 = arith.constant 1 : i32
          %get3A_835 = arith.index_cast %get3A_834 : i32 to index
          %get3A_836 = arith.index_cast %add3A_819 : i32 to index
          %get3A_837 = arith.constant 16 : index
          %get3A_838 = tpu.vector_load %arg10[%get3A_835, %get3A_836, %get3A_837] {strides = array<i32>} : memref<2x128x128xf32, #tpu.memory_space<vmem>>, vector<1x1x16xf32>,
          %get3A_839 = vector.shape_cast %get3A_838 : vector<1x1x16xf32> to vector<16xf32>
          %mul3A_840 = arith.mulf %get3A_839, %broadcast_in_dim3A_815 : vector<16xf32>
          %swap3A_841 = arith.constant 1 : i32
          %swap3A_842 = arith.index_cast %swap3A_841 : i32 to index
          %swap3A_843 = arith.index_cast %add3A_819 : i32 to index
          %swap3A_844 = arith.constant 16 : index
          %swap3A_845 = tpu.vector_load %arg10[%swap3A_842, %swap3A_843, %swap3A_844] {strides = array<i32>} : memref<2x128x128xf32, #tpu.memory_space<vmem>>, vector<1x1x16xf32>,
          %swap3A_846 = vector.shape_cast %swap3A_845 : vector<1x1x16xf32> to vector<16xf32>
          %swap3A_847 = vector.shape_cast %mul3A_840 : vector<16xf32> to vector<1x1x16xf32>
          tpu.vector_store %arg10[%swap3A_842, %swap3A_843, %swap3A_844], %swap3A_847 {strides = array<i32>} : memref<2x128x128xf32, #tpu.memory_space<vmem>>, vector<1x1x16xf32>,
          %get3A_848 = arith.constant 1 : i32
          %get3A_849 = arith.index_cast %get3A_848 : i32 to index
          %get3A_850 = arith.index_cast %add3A_819 : i32 to index
          %get3A_851 = arith.constant 32 : index
          %get3A_852 = tpu.vector_load %arg10[%get3A_849, %get3A_850, %get3A_851] {strides = array<i32>} : memref<2x128x128xf32, #tpu.memory_space<vmem>>, vector<1x1x16xf32>,
          %get3A_853 = vector.shape_cast %get3A_852 : vector<1x1x16xf32> to vector<16xf32>
          %mul3A_854 = arith.mulf %get3A_853, %broadcast_in_dim3A_815 : vector<16xf32>
          %swap3A_855 = arith.constant 1 : i32
          %swap3A_856 = arith.index_cast %swap3A_855 : i32 to index
          %swap3A_857 = arith.index_cast %add3A_819 : i32 to index
          %swap3A_858 = arith.constant 32 : index
          %swap3A_859 = tpu.vector_load %arg10[%swap3A_856, %swap3A_857, %swap3A_858] {strides = array<i32>} : memref<2x128x128xf32, #tpu.memory_space<vmem>>, vector<1x1x16xf32>,
          %swap3A_860 = vector.shape_cast %swap3A_859 : vector<1x1x16xf32> to vector<16xf32>
          %swap3A_861 = vector.shape_cast %mul3A_854 : vector<16xf32> to vector<1x1x16xf32>
          tpu.vector_store %arg10[%swap3A_856, %swap3A_857, %swap3A_858], %swap3A_861 {strides = array<i32>} : memref<2x128x128xf32, #tpu.memory_space<vmem>>, vector<1x1x16xf32>,
          %get3A_862 = arith.constant 1 : i32
          %get3A_863 = arith.index_cast %get3A_862 : i32 to index
          %get3A_864 = arith.index_cast %add3A_819 : i32 to index
          %get3A_865 = arith.constant 48 : index
          %get3A_866 = tpu.vector_load %arg10[%get3A_863, %get3A_864, %get3A_865] {strides = array<i32>} : memref<2x128x128xf32, #tpu.memory_space<vmem>>, vector<1x1x16xf32>,
          %get3A_867 = vector.shape_cast %get3A_866 : vector<1x1x16xf32> to vector<16xf32>
          %mul3A_868 = arith.mulf %get3A_867, %broadcast_in_dim3A_815 : vector<16xf32>
          %swap3A_869 = arith.constant 1 : i32
          %swap3A_870 = arith.index_cast %swap3A_869 : i32 to index
          %swap3A_871 = arith.index_cast %add3A_819 : i32 to index
          %swap3A_872 = arith.constant 48 : index
          %swap3A_873 = tpu.vector_load %arg10[%swap3A_870, %swap3A_871, %swap3A_872] {strides = array<i32>} : memref<2x128x128xf32, #tpu.memory_space<vmem>>, vector<1x1x16xf32>,
          %swap3A_874 = vector.shape_cast %swap3A_873 : vector<1x1x16xf32> to vector<16xf32>
          %swap3A_875 = vector.shape_cast %mul3A_868 : vector<16xf32> to vector<1x1x16xf32>
          tpu.vector_store %arg10[%swap3A_870, %swap3A_871, %swap3A_872], %swap3A_875 {strides = array<i32>} : memref<2x128x128xf32, #tpu.memory_space<vmem>>, vector<1x1x16xf32>,
          %get3A_876 = arith.constant 1 : i32
          %get3A_877 = arith.index_cast %get3A_876 : i32 to index
          %get3A_878 = arith.index_cast %add3A_819 : i32 to index
          %get3A_879 = arith.constant 64 : index
          %get3A_880 = tpu.vector_load %arg10[%get3A_877, %get3A_878, %get3A_879] {strides = array<i32>} : memref<2x128x128xf32, #tpu.memory_space<vmem>>, vector<1x1x16xf32>,
          %get3A_881 = vector.shape_cast %get3A_880 : vector<1x1x16xf32> to vector<16xf32>
          %mul3A_882 = arith.mulf %get3A_881, %broadcast_in_dim3A_815 : vector<16xf32>
          %swap3A_883 = arith.constant 1 : i32
          %swap3A_884 = arith.index_cast %swap3A_883 : i32 to index
          %swap3A_885 = arith.index_cast %add3A_819 : i32 to index
          %swap3A_886 = arith.constant 64 : index
          %swap3A_887 = tpu.vector_load %arg10[%swap3A_884, %swap3A_885, %swap3A_886] {strides = array<i32>} : memref<2x128x128xf32, #tpu.memory_space<vmem>>, vector<1x1x16xf32>,
          %swap3A_888 = vector.shape_cast %swap3A_887 : vector<1x1x16xf32> to vector<16xf32>
          %swap3A_889 = vector.shape_cast %mul3A_882 : vector<16xf32> to vector<1x1x16xf32>
          tpu.vector_store %arg10[%swap3A_884, %swap3A_885, %swap3A_886], %swap3A_889 {strides = array<i32>} : memref<2x128x128xf32, #tpu.memory_space<vmem>>, vector<1x1x16xf32>,
          %get3A_890 = arith.constant 1 : i32
          %get3A_891 = arith.index_cast %get3A_890 : i32 to index
          %get3A_892 = arith.index_cast %add3A_819 : i32 to index
          %get3A_893 = arith.constant 80 : index
          %get3A_894 = tpu.vector_load %arg10[%get3A_891, %get3A_892, %get3A_893] {strides = array<i32>} : memref<2x128x128xf32, #tpu.memory_space<vmem>>, vector<1x1x16xf32>,
          %get3A_895 = vector.shape_cast %get3A_894 : vector<1x1x16xf32> to vector<16xf32>
          %mul3A_896 = arith.mulf %get3A_895, %broadcast_in_dim3A_815 : vector<16xf32>
          %swap3A_897 = arith.constant 1 : i32
          %swap3A_898 = arith.index_cast %swap3A_897 : i32 to index
          %swap3A_899 = arith.index_cast %add3A_819 : i32 to index
          %swap3A_900 = arith.constant 80 : index
          %swap3A_901 = tpu.vector_load %arg10[%swap3A_898, %swap3A_899, %swap3A_900] {strides = array<i32>} : memref<2x128x128xf32, #tpu.memory_space<vmem>>, vector<1x1x16xf32>,
          %swap3A_902 = vector.shape_cast %swap3A_901 : vector<1x1x16xf32> to vector<16xf32>
          %swap3A_903 = vector.shape_cast %mul3A_896 : vector<16xf32> to vector<1x1x16xf32>
          tpu.vector_store %arg10[%swap3A_898, %swap3A_899, %swap3A_900], %swap3A_903 {strides = array<i32>} : memref<2x128x128xf32, #tpu.memory_space<vmem>>, vector<1x1x16xf32>,
          %get3A_904 = arith.constant 1 : i32
          %get3A_905 = arith.index_cast %get3A_904 : i32 to index
          %get3A_906 = arith.index_cast %add3A_819 : i32 to index
          %get3A_907 = arith.constant 96 : index
          %get3A_908 = tpu.vector_load %arg10[%get3A_905, %get3A_906, %get3A_907] {strides = array<i32>} : memref<2x128x128xf32, #tpu.memory_space<vmem>>, vector<1x1x16xf32>,
          %get3A_909 = vector.shape_cast %get3A_908 : vector<1x1x16xf32> to vector<16xf32>
          %mul3A_910 = arith.mulf %get3A_909, %broadcast_in_dim3A_815 : vector<16xf32>
          %swap3A_911 = arith.constant 1 : i32
          %swap3A_912 = arith.index_cast %swap3A_911 : i32 to index
          %swap3A_913 = arith.index_cast %add3A_819 : i32 to index
          %swap3A_914 = arith.constant 96 : index
          %swap3A_915 = tpu.vector_load %arg10[%swap3A_912, %swap3A_913, %swap3A_914] {strides = array<i32>} : memref<2x128x128xf32, #tpu.memory_space<vmem>>, vector<1x1x16xf32>,
          %swap3A_916 = vector.shape_cast %swap3A_915 : vector<1x1x16xf32> to vector<16xf32>
          %swap3A_917 = vector.shape_cast %mul3A_910 : vector<16xf32> to vector<1x1x16xf32>
          tpu.vector_store %arg10[%swap3A_912, %swap3A_913, %swap3A_914], %swap3A_917 {strides = array<i32>} : memref<2x128x128xf32, #tpu.memory_space<vmem>>, vector<1x1x16xf32>,
          %get3A_918 = arith.constant 1 : i32
          %get3A_919 = arith.index_cast %get3A_918 : i32 to index
          %get3A_920 = arith.index_cast %add3A_819 : i32 to index
          %get3A_921 = arith.constant 112 : index
          %get3A_922 = tpu.vector_load %arg10[%get3A_919, %get3A_920, %get3A_921] {strides = array<i32>} : memref<2x128x128xf32, #tpu.memory_space<vmem>>, vector<1x1x16xf32>,
          %get3A_923 = vector.shape_cast %get3A_922 : vector<1x1x16xf32> to vector<16xf32>
          %mul3A_924 = arith.mulf %get3A_923, %broadcast_in_dim3A_815 : vector<16xf32>
          %swap3A_925 = arith.constant 1 : i32
          %swap3A_926 = arith.index_cast %swap3A_925 : i32 to index
          %swap3A_927 = arith.index_cast %add3A_819 : i32 to index
          %swap3A_928 = arith.constant 112 : index
          %swap3A_929 = tpu.vector_load %arg10[%swap3A_926, %swap3A_927, %swap3A_928] {strides = array<i32>} : memref<2x128x128xf32, #tpu.memory_space<vmem>>, vector<1x1x16xf32>,
          %swap3A_930 = vector.shape_cast %swap3A_929 : vector<1x1x16xf32> to vector<16xf32>
          %swap3A_931 = vector.shape_cast %mul3A_924 : vector<16xf32> to vector<1x1x16xf32>
          tpu.vector_store %arg10[%swap3A_926, %swap3A_927, %swap3A_928], %swap3A_931 {strides = array<i32>} : memref<2x128x128xf32, #tpu.memory_space<vmem>>, vector<1x1x16xf32>,
          %slice3A_932 = vector.extract_strided_slice %get3A_221 {offsets = [6], sizes = [1], strides = [1]} : vector<16xf32> to vector<1xf32>
          %squeeze3A_933 = vector.extract %slice3A_932[0] : f32 from vector<1xf32>
          %broadcast_in_dim3A_934 = vector.broadcast %squeeze3A_933 : f32 to vector<16xf32>
          %mul3A_935 = arith.constant 16 : i32
          %mul3A_936 = arith.muli %scan3A_214, %mul3A_935 : i32
          %add3A_937 = arith.constant 6 : i32
          %add3A_938 = arith.addi %mul3A_936, %add3A_937 : i32
          %get3A_939 = arith.constant 1 : i32
          %get3A_940 = arith.index_cast %get3A_939 : i32 to index
          %get3A_941 = arith.index_cast %add3A_938 : i32 to index
          %get3A_942 = arith.constant 0 : index
          %get3A_943 = tpu.vector_load %arg10[%get3A_940, %get3A_941, %get3A_942] {strides = array<i32>} : memref<2x128x128xf32, #tpu.memory_space<vmem>>, vector<1x1x16xf32>,
          %get3A_944 = vector.shape_cast %get3A_943 : vector<1x1x16xf32> to vector<16xf32>
          %mul3A_945 = arith.mulf %get3A_944, %broadcast_in_dim3A_934 : vector<16xf32>
          %swap3A_946 = arith.constant 1 : i32
          %swap3A_947 = arith.index_cast %swap3A_946 : i32 to index
          %swap3A_948 = arith.index_cast %add3A_938 : i32 to index
          %swap3A_949 = arith.constant 0 : index
          %swap3A_950 = tpu.vector_load %arg10[%swap3A_947, %swap3A_948, %swap3A_949] {strides = array<i32>} : memref<2x128x128xf32, #tpu.memory_space<vmem>>, vector<1x1x16xf32>,
          %swap3A_951 = vector.shape_cast %swap3A_950 : vector<1x1x16xf32> to vector<16xf32>
          %swap3A_952 = vector.shape_cast %mul3A_945 : vector<16xf32> to vector<1x1x16xf32>
          tpu.vector_store %arg10[%swap3A_947, %swap3A_948, %swap3A_949], %swap3A_952 {strides = array<i32>} : memref<2x128x128xf32, #tpu.memory_space<vmem>>, vector<1x1x16xf32>,
          %get3A_953 = arith.constant 1 : i32
          %get3A_954 = arith.index_cast %get3A_953 : i32 to index
          %get3A_955 = arith.index_cast %add3A_938 : i32 to index
          %get3A_956 = arith.constant 16 : index
          %get3A_957 = tpu.vector_load %arg10[%get3A_954, %get3A_955, %get3A_956] {strides = array<i32>} : memref<2x128x128xf32, #tpu.memory_space<vmem>>, vector<1x1x16xf32>,
          %get3A_958 = vector.shape_cast %get3A_957 : vector<1x1x16xf32> to vector<16xf32>
          %mul3A_959 = arith.mulf %get3A_958, %broadcast_in_dim3A_934 : vector<16xf32>
          %swap3A_960 = arith.constant 1 : i32
          %swap3A_961 = arith.index_cast %swap3A_960 : i32 to index
          %swap3A_962 = arith.index_cast %add3A_938 : i32 to index
          %swap3A_963 = arith.constant 16 : index
          %swap3A_964 = tpu.vector_load %arg10[%swap3A_961, %swap3A_962, %swap3A_963] {strides = array<i32>} : memref<2x128x128xf32, #tpu.memory_space<vmem>>, vector<1x1x16xf32>,
          %swap3A_965 = vector.shape_cast %swap3A_964 : vector<1x1x16xf32> to vector<16xf32>
          %swap3A_966 = vector.shape_cast %mul3A_959 : vector<16xf32> to vector<1x1x16xf32>
          tpu.vector_store %arg10[%swap3A_961, %swap3A_962, %swap3A_963], %swap3A_966 {strides = array<i32>} : memref<2x128x128xf32, #tpu.memory_space<vmem>>, vector<1x1x16xf32>,
          %get3A_967 = arith.constant 1 : i32
          %get3A_968 = arith.index_cast %get3A_967 : i32 to index
          %get3A_969 = arith.index_cast %add3A_938 : i32 to index
          %get3A_970 = arith.constant 32 : index
          %get3A_971 = tpu.vector_load %arg10[%get3A_968, %get3A_969, %get3A_970] {strides = array<i32>} : memref<2x128x128xf32, #tpu.memory_space<vmem>>, vector<1x1x16xf32>,
          %get3A_972 = vector.shape_cast %get3A_971 : vector<1x1x16xf32> to vector<16xf32>
          %mul3A_973 = arith.mulf %get3A_972, %broadcast_in_dim3A_934 : vector<16xf32>
          %swap3A_974 = arith.constant 1 : i32
          %swap3A_975 = arith.index_cast %swap3A_974 : i32 to index
          %swap3A_976 = arith.index_cast %add3A_938 : i32 to index
          %swap3A_977 = arith.constant 32 : index
          %swap3A_978 = tpu.vector_load %arg10[%swap3A_975, %swap3A_976, %swap3A_977] {strides = array<i32>} : memref<2x128x128xf32, #tpu.memory_space<vmem>>, vector<1x1x16xf32>,
          %swap3A_979 = vector.shape_cast %swap3A_978 : vector<1x1x16xf32> to vector<16xf32>
          %swap3A_980 = vector.shape_cast %mul3A_973 : vector<16xf32> to vector<1x1x16xf32>
          tpu.vector_store %arg10[%swap3A_975, %swap3A_976, %swap3A_977], %swap3A_980 {strides = array<i32>} : memref<2x128x128xf32, #tpu.memory_space<vmem>>, vector<1x1x16xf32>,
          %get3A_981 = arith.constant 1 : i32
          %get3A_982 = arith.index_cast %get3A_981 : i32 to index
          %get3A_983 = arith.index_cast %add3A_938 : i32 to index
          %get3A_984 = arith.constant 48 : index
          %get3A_985 = tpu.vector_load %arg10[%get3A_982, %get3A_983, %get3A_984] {strides = array<i32>} : memref<2x128x128xf32, #tpu.memory_space<vmem>>, vector<1x1x16xf32>,
          %get3A_986 = vector.shape_cast %get3A_985 : vector<1x1x16xf32> to vector<16xf32>
          %mul3A_987 = arith.mulf %get3A_986, %broadcast_in_dim3A_934 : vector<16xf32>
          %swap3A_988 = arith.constant 1 : i32
          %swap3A_989 = arith.index_cast %swap3A_988 : i32 to index
          %swap3A_990 = arith.index_cast %add3A_938 : i32 to index
          %swap3A_991 = arith.constant 48 : index
          %swap3A_992 = tpu.vector_load %arg10[%swap3A_989, %swap3A_990, %swap3A_991] {strides = array<i32>} : memref<2x128x128xf32, #tpu.memory_space<vmem>>, vector<1x1x16xf32>,
          %swap3A_993 = vector.shape_cast %swap3A_992 : vector<1x1x16xf32> to vector<16xf32>
          %swap3A_994 = vector.shape_cast %mul3A_987 : vector<16xf32> to vector<1x1x16xf32>
          tpu.vector_store %arg10[%swap3A_989, %swap3A_990, %swap3A_991], %swap3A_994 {strides = array<i32>} : memref<2x128x128xf32, #tpu.memory_space<vmem>>, vector<1x1x16xf32>,
          %get3A_995 = arith.constant 1 : i32
          %get3A_996 = arith.index_cast %get3A_995 : i32 to index
          %get3A_997 = arith.index_cast %add3A_938 : i32 to index
          %get3A_998 = arith.constant 64 : index
          %get3A_999 = tpu.vector_load %arg10[%get3A_996, %get3A_997, %get3A_998] {strides = array<i32>} : memref<2x128x128xf32, #tpu.memory_space<vmem>>, vector<1x1x16xf32>,
          %get3A_1000 = vector.shape_cast %get3A_999 : vector<1x1x16xf32> to vector<16xf32>
          %mul3A_1001 = arith.mulf %get3A_1000, %broadcast_in_dim3A_934 : vector<16xf32>
          %swap3A_1002 = arith.constant 1 : i32
          %swap3A_1003 = arith.index_cast %swap3A_1002 : i32 to index
          %swap3A_1004 = arith.index_cast %add3A_938 : i32 to index
          %swap3A_1005 = arith.constant 64 : index
          %swap3A_1006 = tpu.vector_load %arg10[%swap3A_1003, %swap3A_1004, %swap3A_1005] {strides = array<i32>} : memref<2x128x128xf32, #tpu.memory_space<vmem>>, vector<1x1x16xf32>,
          %swap3A_1007 = vector.shape_cast %swap3A_1006 : vector<1x1x16xf32> to vector<16xf32>
          %swap3A_1008 = vector.shape_cast %mul3A_1001 : vector<16xf32> to vector<1x1x16xf32>
          tpu.vector_store %arg10[%swap3A_1003, %swap3A_1004, %swap3A_1005], %swap3A_1008 {strides = array<i32>} : memref<2x128x128xf32, #tpu.memory_space<vmem>>, vector<1x1x16xf32>,
          %get3A_1009 = arith.constant 1 : i32
          %get3A_1010 = arith.index_cast %get3A_1009 : i32 to index
          %get3A_1011 = arith.index_cast %add3A_938 : i32 to index
          %get3A_1012 = arith.constant 80 : index
          %get3A_1013 = tpu.vector_load %arg10[%get3A_1010, %get3A_1011, %get3A_1012] {strides = array<i32>} : memref<2x128x128xf32, #tpu.memory_space<vmem>>, vector<1x1x16xf32>,
          %get3A_1014 = vector.shape_cast %get3A_1013 : vector<1x1x16xf32> to vector<16xf32>
          %mul3A_1015 = arith.mulf %get3A_1014, %broadcast_in_dim3A_934 : vector<16xf32>
          %swap3A_1016 = arith.constant 1 : i32
          %swap3A_1017 = arith.index_cast %swap3A_1016 : i32 to index
          %swap3A_1018 = arith.index_cast %add3A_938 : i32 to index
          %swap3A_1019 = arith.constant 80 : index
          %swap3A_1020 = tpu.vector_load %arg10[%swap3A_1017, %swap3A_1018, %swap3A_1019] {strides = array<i32>} : memref<2x128x128xf32, #tpu.memory_space<vmem>>, vector<1x1x16xf32>,
          %swap3A_1021 = vector.shape_cast %swap3A_1020 : vector<1x1x16xf32> to vector<16xf32>
          %swap3A_1022 = vector.shape_cast %mul3A_1015 : vector<16xf32> to vector<1x1x16xf32>
          tpu.vector_store %arg10[%swap3A_1017, %swap3A_1018, %swap3A_1019], %swap3A_1022 {strides = array<i32>} : memref<2x128x128xf32, #tpu.memory_space<vmem>>, vector<1x1x16xf32>,
          %get3A_1023 = arith.constant 1 : i32
          %get3A_1024 = arith.index_cast %get3A_1023 : i32 to index
          %get3A_1025 = arith.index_cast %add3A_938 : i32 to index
          %get3A_1026 = arith.constant 96 : index
          %get3A_1027 = tpu.vector_load %arg10[%get3A_1024, %get3A_1025, %get3A_1026] {strides = array<i32>} : memref<2x128x128xf32, #tpu.memory_space<vmem>>, vector<1x1x16xf32>,
          %get3A_1028 = vector.shape_cast %get3A_1027 : vector<1x1x16xf32> to vector<16xf32>
          %mul3A_1029 = arith.mulf %get3A_1028, %broadcast_in_dim3A_934 : vector<16xf32>
          %swap3A_1030 = arith.constant 1 : i32
          %swap3A_1031 = arith.index_cast %swap3A_1030 : i32 to index
          %swap3A_1032 = arith.index_cast %add3A_938 : i32 to index
          %swap3A_1033 = arith.constant 96 : index
          %swap3A_1034 = tpu.vector_load %arg10[%swap3A_1031, %swap3A_1032, %swap3A_1033] {strides = array<i32>} : memref<2x128x128xf32, #tpu.memory_space<vmem>>, vector<1x1x16xf32>,
          %swap3A_1035 = vector.shape_cast %swap3A_1034 : vector<1x1x16xf32> to vector<16xf32>
          %swap3A_1036 = vector.shape_cast %mul3A_1029 : vector<16xf32> to vector<1x1x16xf32>
          tpu.vector_store %arg10[%swap3A_1031, %swap3A_1032, %swap3A_1033], %swap3A_1036 {strides = array<i32>} : memref<2x128x128xf32, #tpu.memory_space<vmem>>, vector<1x1x16xf32>,
          %get3A_1037 = arith.constant 1 : i32
          %get3A_1038 = arith.index_cast %get3A_1037 : i32 to index
          %get3A_1039 = arith.index_cast %add3A_938 : i32 to index
          %get3A_1040 = arith.constant 112 : index
          %get3A_1041 = tpu.vector_load %arg10[%get3A_1038, %get3A_1039, %get3A_1040] {strides = array<i32>} : memref<2x128x128xf32, #tpu.memory_space<vmem>>, vector<1x1x16xf32>,
          %get3A_1042 = vector.shape_cast %get3A_1041 : vector<1x1x16xf32> to vector<16xf32>
          %mul3A_1043 = arith.mulf %get3A_1042, %broadcast_in_dim3A_934 : vector<16xf32>
          %swap3A_1044 = arith.constant 1 : i32
          %swap3A_1045 = arith.index_cast %swap3A_1044 : i32 to index
          %swap3A_1046 = arith.index_cast %add3A_938 : i32 to index
          %swap3A_1047 = arith.constant 112 : index
          %swap3A_1048 = tpu.vector_load %arg10[%swap3A_1045, %swap3A_1046, %swap3A_1047] {strides = array<i32>} : memref<2x128x128xf32, #tpu.memory_space<vmem>>, vector<1x1x16xf32>,
          %swap3A_1049 = vector.shape_cast %swap3A_1048 : vector<1x1x16xf32> to vector<16xf32>
          %swap3A_1050 = vector.shape_cast %mul3A_1043 : vector<16xf32> to vector<1x1x16xf32>
          tpu.vector_store %arg10[%swap3A_1045, %swap3A_1046, %swap3A_1047], %swap3A_1050 {strides = array<i32>} : memref<2x128x128xf32, #tpu.memory_space<vmem>>, vector<1x1x16xf32>,
          %slice3A_1051 = vector.extract_strided_slice %get3A_221 {offsets = [7], sizes = [1], strides = [1]} : vector<16xf32> to vector<1xf32>
          %squeeze3A_1052 = vector.extract %slice3A_1051[0] : f32 from vector<1xf32>
          %broadcast_in_dim3A_1053 = vector.broadcast %squeeze3A_1052 : f32 to vector<16xf32>
          %mul3A_1054 = arith.constant 16 : i32
          %mul3A_1055 = arith.muli %scan3A_214, %mul3A_1054 : i32
          %add3A_1056 = arith.constant 7 : i32
          %add3A_1057 = arith.addi %mul3A_1055, %add3A_1056 : i32
          %get3A_1058 = arith.constant 1 : i32
          %get3A_1059 = arith.index_cast %get3A_1058 : i32 to index
          %get3A_1060 = arith.index_cast %add3A_1057 : i32 to index
          %get3A_1061 = arith.constant 0 : index
          %get3A_1062 = tpu.vector_load %arg10[%get3A_1059, %get3A_1060, %get3A_1061] {strides = array<i32>} : memref<2x128x128xf32, #tpu.memory_space<vmem>>, vector<1x1x16xf32>,
          %get3A_1063 = vector.shape_cast %get3A_1062 : vector<1x1x16xf32> to vector<16xf32>
          %mul3A_1064 = arith.mulf %get3A_1063, %broadcast_in_dim3A_1053 : vector<16xf32>
          %swap3A_1065 = arith.constant 1 : i32
          %swap3A_1066 = arith.index_cast %swap3A_1065 : i32 to index
          %swap3A_1067 = arith.index_cast %add3A_1057 : i32 to index
          %swap3A_1068 = arith.constant 0 : index
          %swap3A_1069 = tpu.vector_load %arg10[%swap3A_1066, %swap3A_1067, %swap3A_1068] {strides = array<i32>} : memref<2x128x128xf32, #tpu.memory_space<vmem>>, vector<1x1x16xf32>,
          %swap3A_1070 = vector.shape_cast %swap3A_1069 : vector<1x1x16xf32> to vector<16xf32>
          %swap3A_1071 = vector.shape_cast %mul3A_1064 : vector<16xf32> to vector<1x1x16xf32>
          tpu.vector_store %arg10[%swap3A_1066, %swap3A_1067, %swap3A_1068], %swap3A_1071 {strides = array<i32>} : memref<2x128x128xf32, #tpu.memory_space<vmem>>, vector<1x1x16xf32>,
          %get3A_1072 = arith.constant 1 : i32
          %get3A_1073 = arith.index_cast %get3A_1072 : i32 to index
          %get3A_1074 = arith.index_cast %add3A_1057 : i32 to index
          %get3A_1075 = arith.constant 16 : index
          %get3A_1076 = tpu.vector_load %arg10[%get3A_1073, %get3A_1074, %get3A_1075] {strides = array<i32>} : memref<2x128x128xf32, #tpu.memory_space<vmem>>, vector<1x1x16xf32>,
          %get3A_1077 = vector.shape_cast %get3A_1076 : vector<1x1x16xf32> to vector<16xf32>
          %mul3A_1078 = arith.mulf %get3A_1077, %broadcast_in_dim3A_1053 : vector<16xf32>
          %swap3A_1079 = arith.constant 1 : i32
          %swap3A_1080 = arith.index_cast %swap3A_1079 : i32 to index
          %swap3A_1081 = arith.index_cast %add3A_1057 : i32 to index
          %swap3A_1082 = arith.constant 16 : index
          %swap3A_1083 = tpu.vector_load %arg10[%swap3A_1080, %swap3A_1081, %swap3A_1082] {strides = array<i32>} : memref<2x128x128xf32, #tpu.memory_space<vmem>>, vector<1x1x16xf32>,
          %swap3A_1084 = vector.shape_cast %swap3A_1083 : vector<1x1x16xf32> to vector<16xf32>
          %swap3A_1085 = vector.shape_cast %mul3A_1078 : vector<16xf32> to vector<1x1x16xf32>
          tpu.vector_store %arg10[%swap3A_1080, %swap3A_1081, %swap3A_1082], %swap3A_1085 {strides = array<i32>} : memref<2x128x128xf32, #tpu.memory_space<vmem>>, vector<1x1x16xf32>,
          %get3A_1086 = arith.constant 1 : i32
          %get3A_1087 = arith.index_cast %get3A_1086 : i32 to index
          %get3A_1088 = arith.index_cast %add3A_1057 : i32 to index
          %get3A_1089 = arith.constant 32 : index
          %get3A_1090 = tpu.vector_load %arg10[%get3A_1087, %get3A_1088, %get3A_1089] {strides = array<i32>} : memref<2x128x128xf32, #tpu.memory_space<vmem>>, vector<1x1x16xf32>,
          %get3A_1091 = vector.shape_cast %get3A_1090 : vector<1x1x16xf32> to vector<16xf32>
          %mul3A_1092 = arith.mulf %get3A_1091, %broadcast_in_dim3A_1053 : vector<16xf32>
          %swap3A_1093 = arith.constant 1 : i32
          %swap3A_1094 = arith.index_cast %swap3A_1093 : i32 to index
          %swap3A_1095 = arith.index_cast %add3A_1057 : i32 to index
          %swap3A_1096 = arith.constant 32 : index
          %swap3A_1097 = tpu.vector_load %arg10[%swap3A_1094, %swap3A_1095, %swap3A_1096] {strides = array<i32>} : memref<2x128x128xf32, #tpu.memory_space<vmem>>, vector<1x1x16xf32>,
          %swap3A_1098 = vector.shape_cast %swap3A_1097 : vector<1x1x16xf32> to vector<16xf32>
          %swap3A_1099 = vector.shape_cast %mul3A_1092 : vector<16xf32> to vector<1x1x16xf32>
          tpu.vector_store %arg10[%swap3A_1094, %swap3A_1095, %swap3A_1096], %swap3A_1099 {strides = array<i32>} : memref<2x128x128xf32, #tpu.memory_space<vmem>>, vector<1x1x16xf32>,
          %get3A_1100 = arith.constant 1 : i32
          %get3A_1101 = arith.index_cast %get3A_1100 : i32 to index
          %get3A_1102 = arith.index_cast %add3A_1057 : i32 to index
          %get3A_1103 = arith.constant 48 : index
          %get3A_1104 = tpu.vector_load %arg10[%get3A_1101, %get3A_1102, %get3A_1103] {strides = array<i32>} : memref<2x128x128xf32, #tpu.memory_space<vmem>>, vector<1x1x16xf32>,
          %get3A_1105 = vector.shape_cast %get3A_1104 : vector<1x1x16xf32> to vector<16xf32>
          %mul3A_1106 = arith.mulf %get3A_1105, %broadcast_in_dim3A_1053 : vector<16xf32>
          %swap3A_1107 = arith.constant 1 : i32
          %swap3A_1108 = arith.index_cast %swap3A_1107 : i32 to index
          %swap3A_1109 = arith.index_cast %add3A_1057 : i32 to index
          %swap3A_1110 = arith.constant 48 : index
          %swap3A_1111 = tpu.vector_load %arg10[%swap3A_1108, %swap3A_1109, %swap3A_1110] {strides = array<i32>} : memref<2x128x128xf32, #tpu.memory_space<vmem>>, vector<1x1x16xf32>,
          %swap3A_1112 = vector.shape_cast %swap3A_1111 : vector<1x1x16xf32> to vector<16xf32>
          %swap3A_1113 = vector.shape_cast %mul3A_1106 : vector<16xf32> to vector<1x1x16xf32>
          tpu.vector_store %arg10[%swap3A_1108, %swap3A_1109, %swap3A_1110], %swap3A_1113 {strides = array<i32>} : memref<2x128x128xf32, #tpu.memory_space<vmem>>, vector<1x1x16xf32>,
          %get3A_1114 = arith.constant 1 : i32
          %get3A_1115 = arith.index_cast %get3A_1114 : i32 to index
          %get3A_1116 = arith.index_cast %add3A_1057 : i32 to index
          %get3A_1117 = arith.constant 64 : index
          %get3A_1118 = tpu.vector_load %arg10[%get3A_1115, %get3A_1116, %get3A_1117] {strides = array<i32>} : memref<2x128x128xf32, #tpu.memory_space<vmem>>, vector<1x1x16xf32>,
          %get3A_1119 = vector.shape_cast %get3A_1118 : vector<1x1x16xf32> to vector<16xf32>
          %mul3A_1120 = arith.mulf %get3A_1119, %broadcast_in_dim3A_1053 : vector<16xf32>
          %swap3A_1121 = arith.constant 1 : i32
          %swap3A_1122 = arith.index_cast %swap3A_1121 : i32 to index
          %swap3A_1123 = arith.index_cast %add3A_1057 : i32 to index
          %swap3A_1124 = arith.constant 64 : index
          %swap3A_1125 = tpu.vector_load %arg10[%swap3A_1122, %swap3A_1123, %swap3A_1124] {strides = array<i32>} : memref<2x128x128xf32, #tpu.memory_space<vmem>>, vector<1x1x16xf32>,
          %swap3A_1126 = vector.shape_cast %swap3A_1125 : vector<1x1x16xf32> to vector<16xf32>
          %swap3A_1127 = vector.shape_cast %mul3A_1120 : vector<16xf32> to vector<1x1x16xf32>
          tpu.vector_store %arg10[%swap3A_1122, %swap3A_1123, %swap3A_1124], %swap3A_1127 {strides = array<i32>} : memref<2x128x128xf32, #tpu.memory_space<vmem>>, vector<1x1x16xf32>,
          %get3A_1128 = arith.constant 1 : i32
          %get3A_1129 = arith.index_cast %get3A_1128 : i32 to index
          %get3A_1130 = arith.index_cast %add3A_1057 : i32 to index
          %get3A_1131 = arith.constant 80 : index
          %get3A_1132 = tpu.vector_load %arg10[%get3A_1129, %get3A_1130, %get3A_1131] {strides = array<i32>} : memref<2x128x128xf32, #tpu.memory_space<vmem>>, vector<1x1x16xf32>,
          %get3A_1133 = vector.shape_cast %get3A_1132 : vector<1x1x16xf32> to vector<16xf32>
          %mul3A_1134 = arith.mulf %get3A_1133, %broadcast_in_dim3A_1053 : vector<16xf32>
          %swap3A_1135 = arith.constant 1 : i32
          %swap3A_1136 = arith.index_cast %swap3A_1135 : i32 to index
          %swap3A_1137 = arith.index_cast %add3A_1057 : i32 to index
          %swap3A_1138 = arith.constant 80 : index
          %swap3A_1139 = tpu.vector_load %arg10[%swap3A_1136, %swap3A_1137, %swap3A_1138] {strides = array<i32>} : memref<2x128x128xf32, #tpu.memory_space<vmem>>, vector<1x1x16xf32>,
          %swap3A_1140 = vector.shape_cast %swap3A_1139 : vector<1x1x16xf32> to vector<16xf32>
          %swap3A_1141 = vector.shape_cast %mul3A_1134 : vector<16xf32> to vector<1x1x16xf32>
          tpu.vector_store %arg10[%swap3A_1136, %swap3A_1137, %swap3A_1138], %swap3A_1141 {strides = array<i32>} : memref<2x128x128xf32, #tpu.memory_space<vmem>>, vector<1x1x16xf32>,
          %get3A_1142 = arith.constant 1 : i32
          %get3A_1143 = arith.index_cast %get3A_1142 : i32 to index
          %get3A_1144 = arith.index_cast %add3A_1057 : i32 to index
          %get3A_1145 = arith.constant 96 : index
          %get3A_1146 = tpu.vector_load %arg10[%get3A_1143, %get3A_1144, %get3A_1145] {strides = array<i32>} : memref<2x128x128xf32, #tpu.memory_space<vmem>>, vector<1x1x16xf32>,
          %get3A_1147 = vector.shape_cast %get3A_1146 : vector<1x1x16xf32> to vector<16xf32>
          %mul3A_1148 = arith.mulf %get3A_1147, %broadcast_in_dim3A_1053 : vector<16xf32>
          %swap3A_1149 = arith.constant 1 : i32
          %swap3A_1150 = arith.index_cast %swap3A_1149 : i32 to index
          %swap3A_1151 = arith.index_cast %add3A_1057 : i32 to index
          %swap3A_1152 = arith.constant 96 : index
          %swap3A_1153 = tpu.vector_load %arg10[%swap3A_1150, %swap3A_1151, %swap3A_1152] {strides = array<i32>} : memref<2x128x128xf32, #tpu.memory_space<vmem>>, vector<1x1x16xf32>,
          %swap3A_1154 = vector.shape_cast %swap3A_1153 : vector<1x1x16xf32> to vector<16xf32>
          %swap3A_1155 = vector.shape_cast %mul3A_1148 : vector<16xf32> to vector<1x1x16xf32>
          tpu.vector_store %arg10[%swap3A_1150, %swap3A_1151, %swap3A_1152], %swap3A_1155 {strides = array<i32>} : memref<2x128x128xf32, #tpu.memory_space<vmem>>, vector<1x1x16xf32>,
          %get3A_1156 = arith.constant 1 : i32
          %get3A_1157 = arith.index_cast %get3A_1156 : i32 to index
          %get3A_1158 = arith.index_cast %add3A_1057 : i32 to index
          %get3A_1159 = arith.constant 112 : index
          %get3A_1160 = tpu.vector_load %arg10[%get3A_1157, %get3A_1158, %get3A_1159] {strides = array<i32>} : memref<2x128x128xf32, #tpu.memory_space<vmem>>, vector<1x1x16xf32>,
          %get3A_1161 = vector.shape_cast %get3A_1160 : vector<1x1x16xf32> to vector<16xf32>
          %mul3A_1162 = arith.mulf %get3A_1161, %broadcast_in_dim3A_1053 : vector<16xf32>
          %swap3A_1163 = arith.constant 1 : i32
          %swap3A_1164 = arith.index_cast %swap3A_1163 : i32 to index
          %swap3A_1165 = arith.index_cast %add3A_1057 : i32 to index
          %swap3A_1166 = arith.constant 112 : index
          %swap3A_1167 = tpu.vector_load %arg10[%swap3A_1164, %swap3A_1165, %swap3A_1166] {strides = array<i32>} : memref<2x128x128xf32, #tpu.memory_space<vmem>>, vector<1x1x16xf32>,
          %swap3A_1168 = vector.shape_cast %swap3A_1167 : vector<1x1x16xf32> to vector<16xf32>
          %swap3A_1169 = vector.shape_cast %mul3A_1162 : vector<16xf32> to vector<1x1x16xf32>
          tpu.vector_store %arg10[%swap3A_1164, %swap3A_1165, %swap3A_1166], %swap3A_1169 {strides = array<i32>} : memref<2x128x128xf32, #tpu.memory_space<vmem>>, vector<1x1x16xf32>,
          %slice3A_1170 = vector.extract_strided_slice %get3A_221 {offsets = [8], sizes = [1], strides = [1]} : vector<16xf32> to vector<1xf32>
          %squeeze3A_1171 = vector.extract %slice3A_1170[0] : f32 from vector<1xf32>
          %broadcast_in_dim3A_1172 = vector.broadcast %squeeze3A_1171 : f32 to vector<16xf32>
          %mul3A_1173 = arith.constant 16 : i32
          %mul3A_1174 = arith.muli %scan3A_214, %mul3A_1173 : i32
          %add3A_1175 = arith.constant 8 : i32
          %add3A_1176 = arith.addi %mul3A_1174, %add3A_1175 : i32
          %get3A_1177 = arith.constant 1 : i32
          %get3A_1178 = arith.index_cast %get3A_1177 : i32 to index
          %get3A_1179 = arith.index_cast %add3A_1176 : i32 to index
          %get3A_1180 = arith.constant 0 : index
          %get3A_1181 = tpu.vector_load %arg10[%get3A_1178, %get3A_1179, %get3A_1180] {strides = array<i32>} : memref<2x128x128xf32, #tpu.memory_space<vmem>>, vector<1x1x16xf32>,
          %get3A_1182 = vector.shape_cast %get3A_1181 : vector<1x1x16xf32> to vector<16xf32>
          %mul3A_1183 = arith.mulf %get3A_1182, %broadcast_in_dim3A_1172 : vector<16xf32>
          %swap3A_1184 = arith.constant 1 : i32
          %swap3A_1185 = arith.index_cast %swap3A_1184 : i32 to index
          %swap3A_1186 = arith.index_cast %add3A_1176 : i32 to index
          %swap3A_1187 = arith.constant 0 : index
          %swap3A_1188 = tpu.vector_load %arg10[%swap3A_1185, %swap3A_1186, %swap3A_1187] {strides = array<i32>} : memref<2x128x128xf32, #tpu.memory_space<vmem>>, vector<1x1x16xf32>,
          %swap3A_1189 = vector.shape_cast %swap3A_1188 : vector<1x1x16xf32> to vector<16xf32>
          %swap3A_1190 = vector.shape_cast %mul3A_1183 : vector<16xf32> to vector<1x1x16xf32>
          tpu.vector_store %arg10[%swap3A_1185, %swap3A_1186, %swap3A_1187], %swap3A_1190 {strides = array<i32>} : memref<2x128x128xf32, #tpu.memory_space<vmem>>, vector<1x1x16xf32>,
          %get3A_1191 = arith.constant 1 : i32
          %get3A_1192 = arith.index_cast %get3A_1191 : i32 to index
          %get3A_1193 = arith.index_cast %add3A_1176 : i32 to index
          %get3A_1194 = arith.constant 16 : index
          %get3A_1195 = tpu.vector_load %arg10[%get3A_1192, %get3A_1193, %get3A_1194] {strides = array<i32>} : memref<2x128x128xf32, #tpu.memory_space<vmem>>, vector<1x1x16xf32>,
          %get3A_1196 = vector.shape_cast %get3A_1195 : vector<1x1x16xf32> to vector<16xf32>
          %mul3A_1197 = arith.mulf %get3A_1196, %broadcast_in_dim3A_1172 : vector<16xf32>
          %swap3A_1198 = arith.constant 1 : i32
          %swap3A_1199 = arith.index_cast %swap3A_1198 : i32 to index
          %swap3A_1200 = arith.index_cast %add3A_1176 : i32 to index
          %swap3A_1201 = arith.constant 16 : index
          %swap3A_1202 = tpu.vector_load %arg10[%swap3A_1199, %swap3A_1200, %swap3A_1201] {strides = array<i32>} : memref<2x128x128xf32, #tpu.memory_space<vmem>>, vector<1x1x16xf32>,
          %swap3A_1203 = vector.shape_cast %swap3A_1202 : vector<1x1x16xf32> to vector<16xf32>
          %swap3A_1204 = vector.shape_cast %mul3A_1197 : vector<16xf32> to vector<1x1x16xf32>
          tpu.vector_store %arg10[%swap3A_1199, %swap3A_1200, %swap3A_1201], %swap3A_1204 {strides = array<i32>} : memref<2x128x128xf32, #tpu.memory_space<vmem>>, vector<1x1x16xf32>,
          %get3A_1205 = arith.constant 1 : i32
          %get3A_1206 = arith.index_cast %get3A_1205 : i32 to index
          %get3A_1207 = arith.index_cast %add3A_1176 : i32 to index
          %get3A_1208 = arith.constant 32 : index
          %get3A_1209 = tpu.vector_load %arg10[%get3A_1206, %get3A_1207, %get3A_1208] {strides = array<i32>} : memref<2x128x128xf32, #tpu.memory_space<vmem>>, vector<1x1x16xf32>,
          %get3A_1210 = vector.shape_cast %get3A_1209 : vector<1x1x16xf32> to vector<16xf32>
          %mul3A_1211 = arith.mulf %get3A_1210, %broadcast_in_dim3A_1172 : vector<16xf32>
          %swap3A_1212 = arith.constant 1 : i32
          %swap3A_1213 = arith.index_cast %swap3A_1212 : i32 to index
          %swap3A_1214 = arith.index_cast %add3A_1176 : i32 to index
          %swap3A_1215 = arith.constant 32 : index
          %swap3A_1216 = tpu.vector_load %arg10[%swap3A_1213, %swap3A_1214, %swap3A_1215] {strides = array<i32>} : memref<2x128x128xf32, #tpu.memory_space<vmem>>, vector<1x1x16xf32>,
          %swap3A_1217 = vector.shape_cast %swap3A_1216 : vector<1x1x16xf32> to vector<16xf32>
          %swap3A_1218 = vector.shape_cast %mul3A_1211 : vector<16xf32> to vector<1x1x16xf32>
          tpu.vector_store %arg10[%swap3A_1213, %swap3A_1214, %swap3A_1215], %swap3A_1218 {strides = array<i32>} : memref<2x128x128xf32, #tpu.memory_space<vmem>>, vector<1x1x16xf32>,
          %get3A_1219 = arith.constant 1 : i32
          %get3A_1220 = arith.index_cast %get3A_1219 : i32 to index
          %get3A_1221 = arith.index_cast %add3A_1176 : i32 to index
          %get3A_1222 = arith.constant 48 : index
          %get3A_1223 = tpu.vector_load %arg10[%get3A_1220, %get3A_1221, %get3A_1222] {strides = array<i32>} : memref<2x128x128xf32, #tpu.memory_space<vmem>>, vector<1x1x16xf32>,
          %get3A_1224 = vector.shape_cast %get3A_1223 : vector<1x1x16xf32> to vector<16xf32>
          %mul3A_1225 = arith.mulf %get3A_1224, %broadcast_in_dim3A_1172 : vector<16xf32>
          %swap3A_1226 = arith.constant 1 : i32
          %swap3A_1227 = arith.index_cast %swap3A_1226 : i32 to index
          %swap3A_1228 = arith.index_cast %add3A_1176 : i32 to index
          %swap3A_1229 = arith.constant 48 : index
          %swap3A_1230 = tpu.vector_load %arg10[%swap3A_1227, %swap3A_1228, %swap3A_1229] {strides = array<i32>} : memref<2x128x128xf32, #tpu.memory_space<vmem>>, vector<1x1x16xf32>,
          %swap3A_1231 = vector.shape_cast %swap3A_1230 : vector<1x1x16xf32> to vector<16xf32>
          %swap3A_1232 = vector.shape_cast %mul3A_1225 : vector<16xf32> to vector<1x1x16xf32>
          tpu.vector_store %arg10[%swap3A_1227, %swap3A_1228, %swap3A_1229], %swap3A_1232 {strides = array<i32>} : memref<2x128x128xf32, #tpu.memory_space<vmem>>, vector<1x1x16xf32>,
          %get3A_1233 = arith.constant 1 : i32
          %get3A_1234 = arith.index_cast %get3A_1233 : i32 to index
          %get3A_1235 = arith.index_cast %add3A_1176 : i32 to index
          %get3A_1236 = arith.constant 64 : index
          %get3A_1237 = tpu.vector_load %arg10[%get3A_1234, %get3A_1235, %get3A_1236] {strides = array<i32>} : memref<2x128x128xf32, #tpu.memory_space<vmem>>, vector<1x1x16xf32>,
          %get3A_1238 = vector.shape_cast %get3A_1237 : vector<1x1x16xf32> to vector<16xf32>
          %mul3A_1239 = arith.mulf %get3A_1238, %broadcast_in_dim3A_1172 : vector<16xf32>
          %swap3A_1240 = arith.constant 1 : i32
          %swap3A_1241 = arith.index_cast %swap3A_1240 : i32 to index
          %swap3A_1242 = arith.index_cast %add3A_1176 : i32 to index
          %swap3A_1243 = arith.constant 64 : index
          %swap3A_1244 = tpu.vector_load %arg10[%swap3A_1241, %swap3A_1242, %swap3A_1243] {strides = array<i32>} : memref<2x128x128xf32, #tpu.memory_space<vmem>>, vector<1x1x16xf32>,
          %swap3A_1245 = vector.shape_cast %swap3A_1244 : vector<1x1x16xf32> to vector<16xf32>
          %swap3A_1246 = vector.shape_cast %mul3A_1239 : vector<16xf32> to vector<1x1x16xf32>
          tpu.vector_store %arg10[%swap3A_1241, %swap3A_1242, %swap3A_1243], %swap3A_1246 {strides = array<i32>} : memref<2x128x128xf32, #tpu.memory_space<vmem>>, vector<1x1x16xf32>,
          %get3A_1247 = arith.constant 1 : i32
          %get3A_1248 = arith.index_cast %get3A_1247 : i32 to index
          %get3A_1249 = arith.index_cast %add3A_1176 : i32 to index
          %get3A_1250 = arith.constant 80 : index
          %get3A_1251 = tpu.vector_load %arg10[%get3A_1248, %get3A_1249, %get3A_1250] {strides = array<i32>} : memref<2x128x128xf32, #tpu.memory_space<vmem>>, vector<1x1x16xf32>,
          %get3A_1252 = vector.shape_cast %get3A_1251 : vector<1x1x16xf32> to vector<16xf32>
          %mul3A_1253 = arith.mulf %get3A_1252, %broadcast_in_dim3A_1172 : vector<16xf32>
          %swap3A_1254 = arith.constant 1 : i32
          %swap3A_1255 = arith.index_cast %swap3A_1254 : i32 to index
          %swap3A_1256 = arith.index_cast %add3A_1176 : i32 to index
          %swap3A_1257 = arith.constant 80 : index
          %swap3A_1258 = tpu.vector_load %arg10[%swap3A_1255, %swap3A_1256, %swap3A_1257] {strides = array<i32>} : memref<2x128x128xf32, #tpu.memory_space<vmem>>, vector<1x1x16xf32>,
          %swap3A_1259 = vector.shape_cast %swap3A_1258 : vector<1x1x16xf32> to vector<16xf32>
          %swap3A_1260 = vector.shape_cast %mul3A_1253 : vector<16xf32> to vector<1x1x16xf32>
          tpu.vector_store %arg10[%swap3A_1255, %swap3A_1256, %swap3A_1257], %swap3A_1260 {strides = array<i32>} : memref<2x128x128xf32, #tpu.memory_space<vmem>>, vector<1x1x16xf32>,
          %get3A_1261 = arith.constant 1 : i32
          %get3A_1262 = arith.index_cast %get3A_1261 : i32 to index
          %get3A_1263 = arith.index_cast %add3A_1176 : i32 to index
          %get3A_1264 = arith.constant 96 : index
          %get3A_1265 = tpu.vector_load %arg10[%get3A_1262, %get3A_1263, %get3A_1264] {strides = array<i32>} : memref<2x128x128xf32, #tpu.memory_space<vmem>>, vector<1x1x16xf32>,
          %get3A_1266 = vector.shape_cast %get3A_1265 : vector<1x1x16xf32> to vector<16xf32>
          %mul3A_1267 = arith.mulf %get3A_1266, %broadcast_in_dim3A_1172 : vector<16xf32>
          %swap3A_1268 = arith.constant 1 : i32
          %swap3A_1269 = arith.index_cast %swap3A_1268 : i32 to index
          %swap3A_1270 = arith.index_cast %add3A_1176 : i32 to index
          %swap3A_1271 = arith.constant 96 : index
          %swap3A_1272 = tpu.vector_load %arg10[%swap3A_1269, %swap3A_1270, %swap3A_1271] {strides = array<i32>} : memref<2x128x128xf32, #tpu.memory_space<vmem>>, vector<1x1x16xf32>,
          %swap3A_1273 = vector.shape_cast %swap3A_1272 : vector<1x1x16xf32> to vector<16xf32>
          %swap3A_1274 = vector.shape_cast %mul3A_1267 : vector<16xf32> to vector<1x1x16xf32>
          tpu.vector_store %arg10[%swap3A_1269, %swap3A_1270, %swap3A_1271], %swap3A_1274 {strides = array<i32>} : memref<2x128x128xf32, #tpu.memory_space<vmem>>, vector<1x1x16xf32>,
          %get3A_1275 = arith.constant 1 : i32
          %get3A_1276 = arith.index_cast %get3A_1275 : i32 to index
          %get3A_1277 = arith.index_cast %add3A_1176 : i32 to index
          %get3A_1278 = arith.constant 112 : index
          %get3A_1279 = tpu.vector_load %arg10[%get3A_1276, %get3A_1277, %get3A_1278] {strides = array<i32>} : memref<2x128x128xf32, #tpu.memory_space<vmem>>, vector<1x1x16xf32>,
          %get3A_1280 = vector.shape_cast %get3A_1279 : vector<1x1x16xf32> to vector<16xf32>
          %mul3A_1281 = arith.mulf %get3A_1280, %broadcast_in_dim3A_1172 : vector<16xf32>
          %swap3A_1282 = arith.constant 1 : i32
          %swap3A_1283 = arith.index_cast %swap3A_1282 : i32 to index
          %swap3A_1284 = arith.index_cast %add3A_1176 : i32 to index
          %swap3A_1285 = arith.constant 112 : index
          %swap3A_1286 = tpu.vector_load %arg10[%swap3A_1283, %swap3A_1284, %swap3A_1285] {strides = array<i32>} : memref<2x128x128xf32, #tpu.memory_space<vmem>>, vector<1x1x16xf32>,
          %swap3A_1287 = vector.shape_cast %swap3A_1286 : vector<1x1x16xf32> to vector<16xf32>
          %swap3A_1288 = vector.shape_cast %mul3A_1281 : vector<16xf32> to vector<1x1x16xf32>
          tpu.vector_store %arg10[%swap3A_1283, %swap3A_1284, %swap3A_1285], %swap3A_1288 {strides = array<i32>} : memref<2x128x128xf32, #tpu.memory_space<vmem>>, vector<1x1x16xf32>,
          %slice3A_1289 = vector.extract_strided_slice %get3A_221 {offsets = [9], sizes = [1], strides = [1]} : vector<16xf32> to vector<1xf32>
          %squeeze3A_1290 = vector.extract %slice3A_1289[0] : f32 from vector<1xf32>
          %broadcast_in_dim3A_1291 = vector.broadcast %squeeze3A_1290 : f32 to vector<16xf32>
          %mul3A_1292 = arith.constant 16 : i32
          %mul3A_1293 = arith.muli %scan3A_214, %mul3A_1292 : i32
          %add3A_1294 = arith.constant 9 : i32
          %add3A_1295 = arith.addi %mul3A_1293, %add3A_1294 : i32
          %get3A_1296 = arith.constant 1 : i32
          %get3A_1297 = arith.index_cast %get3A_1296 : i32 to index
          %get3A_1298 = arith.index_cast %add3A_1295 : i32 to index
          %get3A_1299 = arith.constant 0 : index
          %get3A_1300 = tpu.vector_load %arg10[%get3A_1297, %get3A_1298, %get3A_1299] {strides = array<i32>} : memref<2x128x128xf32, #tpu.memory_space<vmem>>, vector<1x1x16xf32>,
          %get3A_1301 = vector.shape_cast %get3A_1300 : vector<1x1x16xf32> to vector<16xf32>
          %mul3A_1302 = arith.mulf %get3A_1301, %broadcast_in_dim3A_1291 : vector<16xf32>
          %swap3A_1303 = arith.constant 1 : i32
          %swap3A_1304 = arith.index_cast %swap3A_1303 : i32 to index
          %swap3A_1305 = arith.index_cast %add3A_1295 : i32 to index
          %swap3A_1306 = arith.constant 0 : index
          %swap3A_1307 = tpu.vector_load %arg10[%swap3A_1304, %swap3A_1305, %swap3A_1306] {strides = array<i32>} : memref<2x128x128xf32, #tpu.memory_space<vmem>>, vector<1x1x16xf32>,
          %swap3A_1308 = vector.shape_cast %swap3A_1307 : vector<1x1x16xf32> to vector<16xf32>
          %swap3A_1309 = vector.shape_cast %mul3A_1302 : vector<16xf32> to vector<1x1x16xf32>
          tpu.vector_store %arg10[%swap3A_1304, %swap3A_1305, %swap3A_1306], %swap3A_1309 {strides = array<i32>} : memref<2x128x128xf32, #tpu.memory_space<vmem>>, vector<1x1x16xf32>,
          %get3A_1310 = arith.constant 1 : i32
          %get3A_1311 = arith.index_cast %get3A_1310 : i32 to index
          %get3A_1312 = arith.index_cast %add3A_1295 : i32 to index
          %get3A_1313 = arith.constant 16 : index
          %get3A_1314 = tpu.vector_load %arg10[%get3A_1311, %get3A_1312, %get3A_1313] {strides = array<i32>} : memref<2x128x128xf32, #tpu.memory_space<vmem>>, vector<1x1x16xf32>,
          %get3A_1315 = vector.shape_cast %get3A_1314 : vector<1x1x16xf32> to vector<16xf32>
          %mul3A_1316 = arith.mulf %get3A_1315, %broadcast_in_dim3A_1291 : vector<16xf32>
          %swap3A_1317 = arith.constant 1 : i32
          %swap3A_1318 = arith.index_cast %swap3A_1317 : i32 to index
          %swap3A_1319 = arith.index_cast %add3A_1295 : i32 to index
          %swap3A_1320 = arith.constant 16 : index
          %swap3A_1321 = tpu.vector_load %arg10[%swap3A_1318, %swap3A_1319, %swap3A_1320] {strides = array<i32>} : memref<2x128x128xf32, #tpu.memory_space<vmem>>, vector<1x1x16xf32>,
          %swap3A_1322 = vector.shape_cast %swap3A_1321 : vector<1x1x16xf32> to vector<16xf32>
          %swap3A_1323 = vector.shape_cast %mul3A_1316 : vector<16xf32> to vector<1x1x16xf32>
          tpu.vector_store %arg10[%swap3A_1318, %swap3A_1319, %swap3A_1320], %swap3A_1323 {strides = array<i32>} : memref<2x128x128xf32, #tpu.memory_space<vmem>>, vector<1x1x16xf32>,
          %get3A_1324 = arith.constant 1 : i32
          %get3A_1325 = arith.index_cast %get3A_1324 : i32 to index
          %get3A_1326 = arith.index_cast %add3A_1295 : i32 to index
          %get3A_1327 = arith.constant 32 : index
          %get3A_1328 = tpu.vector_load %arg10[%get3A_1325, %get3A_1326, %get3A_1327] {strides = array<i32>} : memref<2x128x128xf32, #tpu.memory_space<vmem>>, vector<1x1x16xf32>,
          %get3A_1329 = vector.shape_cast %get3A_1328 : vector<1x1x16xf32> to vector<16xf32>
          %mul3A_1330 = arith.mulf %get3A_1329, %broadcast_in_dim3A_1291 : vector<16xf32>
          %swap3A_1331 = arith.constant 1 : i32
          %swap3A_1332 = arith.index_cast %swap3A_1331 : i32 to index
          %swap3A_1333 = arith.index_cast %add3A_1295 : i32 to index
          %swap3A_1334 = arith.constant 32 : index
          %swap3A_1335 = tpu.vector_load %arg10[%swap3A_1332, %swap3A_1333, %swap3A_1334] {strides = array<i32>} : memref<2x128x128xf32, #tpu.memory_space<vmem>>, vector<1x1x16xf32>,
          %swap3A_1336 = vector.shape_cast %swap3A_1335 : vector<1x1x16xf32> to vector<16xf32>
          %swap3A_1337 = vector.shape_cast %mul3A_1330 : vector<16xf32> to vector<1x1x16xf32>
          tpu.vector_store %arg10[%swap3A_1332, %swap3A_1333, %swap3A_1334], %swap3A_1337 {strides = array<i32>} : memref<2x128x128xf32, #tpu.memory_space<vmem>>, vector<1x1x16xf32>,
          %get3A_1338 = arith.constant 1 : i32
          %get3A_1339 = arith.index_cast %get3A_1338 : i32 to index
          %get3A_1340 = arith.index_cast %add3A_1295 : i32 to index
          %get3A_1341 = arith.constant 48 : index
          %get3A_1342 = tpu.vector_load %arg10[%get3A_1339, %get3A_1340, %get3A_1341] {strides = array<i32>} : memref<2x128x128xf32, #tpu.memory_space<vmem>>, vector<1x1x16xf32>,
          %get3A_1343 = vector.shape_cast %get3A_1342 : vector<1x1x16xf32> to vector<16xf32>
          %mul3A_1344 = arith.mulf %get3A_1343, %broadcast_in_dim3A_1291 : vector<16xf32>
          %swap3A_1345 = arith.constant 1 : i32
          %swap3A_1346 = arith.index_cast %swap3A_1345 : i32 to index
          %swap3A_1347 = arith.index_cast %add3A_1295 : i32 to index
          %swap3A_1348 = arith.constant 48 : index
          %swap3A_1349 = tpu.vector_load %arg10[%swap3A_1346, %swap3A_1347, %swap3A_1348] {strides = array<i32>} : memref<2x128x128xf32, #tpu.memory_space<vmem>>, vector<1x1x16xf32>,
          %swap3A_1350 = vector.shape_cast %swap3A_1349 : vector<1x1x16xf32> to vector<16xf32>
          %swap3A_1351 = vector.shape_cast %mul3A_1344 : vector<16xf32> to vector<1x1x16xf32>
          tpu.vector_store %arg10[%swap3A_1346, %swap3A_1347, %swap3A_1348], %swap3A_1351 {strides = array<i32>} : memref<2x128x128xf32, #tpu.memory_space<vmem>>, vector<1x1x16xf32>,
          %get3A_1352 = arith.constant 1 : i32
          %get3A_1353 = arith.index_cast %get3A_1352 : i32 to index
          %get3A_1354 = arith.index_cast %add3A_1295 : i32 to index
          %get3A_1355 = arith.constant 64 : index
          %get3A_1356 = tpu.vector_load %arg10[%get3A_1353, %get3A_1354, %get3A_1355] {strides = array<i32>} : memref<2x128x128xf32, #tpu.memory_space<vmem>>, vector<1x1x16xf32>,
          %get3A_1357 = vector.shape_cast %get3A_1356 : vector<1x1x16xf32> to vector<16xf32>
          %mul3A_1358 = arith.mulf %get3A_1357, %broadcast_in_dim3A_1291 : vector<16xf32>
          %swap3A_1359 = arith.constant 1 : i32
          %swap3A_1360 = arith.index_cast %swap3A_1359 : i32 to index
          %swap3A_1361 = arith.index_cast %add3A_1295 : i32 to index
          %swap3A_1362 = arith.constant 64 : index
          %swap3A_1363 = tpu.vector_load %arg10[%swap3A_1360, %swap3A_1361, %swap3A_1362] {strides = array<i32>} : memref<2x128x128xf32, #tpu.memory_space<vmem>>, vector<1x1x16xf32>,
          %swap3A_1364 = vector.shape_cast %swap3A_1363 : vector<1x1x16xf32> to vector<16xf32>
          %swap3A_1365 = vector.shape_cast %mul3A_1358 : vector<16xf32> to vector<1x1x16xf32>
          tpu.vector_store %arg10[%swap3A_1360, %swap3A_1361, %swap3A_1362], %swap3A_1365 {strides = array<i32>} : memref<2x128x128xf32, #tpu.memory_space<vmem>>, vector<1x1x16xf32>,
          %get3A_1366 = arith.constant 1 : i32
          %get3A_1367 = arith.index_cast %get3A_1366 : i32 to index
          %get3A_1368 = arith.index_cast %add3A_1295 : i32 to index
          %get3A_1369 = arith.constant 80 : index
          %get3A_1370 = tpu.vector_load %arg10[%get3A_1367, %get3A_1368, %get3A_1369] {strides = array<i32>} : memref<2x128x128xf32, #tpu.memory_space<vmem>>, vector<1x1x16xf32>,
          %get3A_1371 = vector.shape_cast %get3A_1370 : vector<1x1x16xf32> to vector<16xf32>
          %mul3A_1372 = arith.mulf %get3A_1371, %broadcast_in_dim3A_1291 : vector<16xf32>
          %swap3A_1373 = arith.constant 1 : i32
          %swap3A_1374 = arith.index_cast %swap3A_1373 : i32 to index
          %swap3A_1375 = arith.index_cast %add3A_1295 : i32 to index
          %swap3A_1376 = arith.constant 80 : index
          %swap3A_1377 = tpu.vector_load %arg10[%swap3A_1374, %swap3A_1375, %swap3A_1376] {strides = array<i32>} : memref<2x128x128xf32, #tpu.memory_space<vmem>>, vector<1x1x16xf32>,
          %swap3A_1378 = vector.shape_cast %swap3A_1377 : vector<1x1x16xf32> to vector<16xf32>
          %swap3A_1379 = vector.shape_cast %mul3A_1372 : vector<16xf32> to vector<1x1x16xf32>
          tpu.vector_store %arg10[%swap3A_1374, %swap3A_1375, %swap3A_1376], %swap3A_1379 {strides = array<i32>} : memref<2x128x128xf32, #tpu.memory_space<vmem>>, vector<1x1x16xf32>,
          %get3A_1380 = arith.constant 1 : i32
          %get3A_1381 = arith.index_cast %get3A_1380 : i32 to index
          %get3A_1382 = arith.index_cast %add3A_1295 : i32 to index
          %get3A_1383 = arith.constant 96 : index
          %get3A_1384 = tpu.vector_load %arg10[%get3A_1381, %get3A_1382, %get3A_1383] {strides = array<i32>} : memref<2x128x128xf32, #tpu.memory_space<vmem>>, vector<1x1x16xf32>,
          %get3A_1385 = vector.shape_cast %get3A_1384 : vector<1x1x16xf32> to vector<16xf32>
          %mul3A_1386 = arith.mulf %get3A_1385, %broadcast_in_dim3A_1291 : vector<16xf32>
          %swap3A_1387 = arith.constant 1 : i32
          %swap3A_1388 = arith.index_cast %swap3A_1387 : i32 to index
          %swap3A_1389 = arith.index_cast %add3A_1295 : i32 to index
          %swap3A_1390 = arith.constant 96 : index
          %swap3A_1391 = tpu.vector_load %arg10[%swap3A_1388, %swap3A_1389, %swap3A_1390] {strides = array<i32>} : memref<2x128x128xf32, #tpu.memory_space<vmem>>, vector<1x1x16xf32>,
          %swap3A_1392 = vector.shape_cast %swap3A_1391 : vector<1x1x16xf32> to vector<16xf32>
          %swap3A_1393 = vector.shape_cast %mul3A_1386 : vector<16xf32> to vector<1x1x16xf32>
          tpu.vector_store %arg10[%swap3A_1388, %swap3A_1389, %swap3A_1390], %swap3A_1393 {strides = array<i32>} : memref<2x128x128xf32, #tpu.memory_space<vmem>>, vector<1x1x16xf32>,
          %get3A_1394 = arith.constant 1 : i32
          %get3A_1395 = arith.index_cast %get3A_1394 : i32 to index
          %get3A_1396 = arith.index_cast %add3A_1295 : i32 to index
          %get3A_1397 = arith.constant 112 : index
          %get3A_1398 = tpu.vector_load %arg10[%get3A_1395, %get3A_1396, %get3A_1397] {strides = array<i32>} : memref<2x128x128xf32, #tpu.memory_space<vmem>>, vector<1x1x16xf32>,
          %get3A_1399 = vector.shape_cast %get3A_1398 : vector<1x1x16xf32> to vector<16xf32>
          %mul3A_1400 = arith.mulf %get3A_1399, %broadcast_in_dim3A_1291 : vector<16xf32>
          %swap3A_1401 = arith.constant 1 : i32
          %swap3A_1402 = arith.index_cast %swap3A_1401 : i32 to index
          %swap3A_1403 = arith.index_cast %add3A_1295 : i32 to index
          %swap3A_1404 = arith.constant 112 : index
          %swap3A_1405 = tpu.vector_load %arg10[%swap3A_1402, %swap3A_1403, %swap3A_1404] {strides = array<i32>} : memref<2x128x128xf32, #tpu.memory_space<vmem>>, vector<1x1x16xf32>,
          %swap3A_1406 = vector.shape_cast %swap3A_1405 : vector<1x1x16xf32> to vector<16xf32>
          %swap3A_1407 = vector.shape_cast %mul3A_1400 : vector<16xf32> to vector<1x1x16xf32>
          tpu.vector_store %arg10[%swap3A_1402, %swap3A_1403, %swap3A_1404], %swap3A_1407 {strides = array<i32>} : memref<2x128x128xf32, #tpu.memory_space<vmem>>, vector<1x1x16xf32>,
          %slice3A_1408 = vector.extract_strided_slice %get3A_221 {offsets = [10], sizes = [1], strides = [1]} : vector<16xf32> to vector<1xf32>
          %squeeze3A_1409 = vector.extract %slice3A_1408[0] : f32 from vector<1xf32>
          %broadcast_in_dim3A_1410 = vector.broadcast %squeeze3A_1409 : f32 to vector<16xf32>
          %mul3A_1411 = arith.constant 16 : i32
          %mul3A_1412 = arith.muli %scan3A_214, %mul3A_1411 : i32
          %add3A_1413 = arith.constant 10 : i32
          %add3A_1414 = arith.addi %mul3A_1412, %add3A_1413 : i32
          %get3A_1415 = arith.constant 1 : i32
          %get3A_1416 = arith.index_cast %get3A_1415 : i32 to index
          %get3A_1417 = arith.index_cast %add3A_1414 : i32 to index
          %get3A_1418 = arith.constant 0 : index
          %get3A_1419 = tpu.vector_load %arg10[%get3A_1416, %get3A_1417, %get3A_1418] {strides = array<i32>} : memref<2x128x128xf32, #tpu.memory_space<vmem>>, vector<1x1x16xf32>,
          %get3A_1420 = vector.shape_cast %get3A_1419 : vector<1x1x16xf32> to vector<16xf32>
          %mul3A_1421 = arith.mulf %get3A_1420, %broadcast_in_dim3A_1410 : vector<16xf32>
          %swap3A_1422 = arith.constant 1 : i32
          %swap3A_1423 = arith.index_cast %swap3A_1422 : i32 to index
          %swap3A_1424 = arith.index_cast %add3A_1414 : i32 to index
          %swap3A_1425 = arith.constant 0 : index
          %swap3A_1426 = tpu.vector_load %arg10[%swap3A_1423, %swap3A_1424, %swap3A_1425] {strides = array<i32>} : memref<2x128x128xf32, #tpu.memory_space<vmem>>, vector<1x1x16xf32>,
          %swap3A_1427 = vector.shape_cast %swap3A_1426 : vector<1x1x16xf32> to vector<16xf32>
          %swap3A_1428 = vector.shape_cast %mul3A_1421 : vector<16xf32> to vector<1x1x16xf32>
          tpu.vector_store %arg10[%swap3A_1423, %swap3A_1424, %swap3A_1425], %swap3A_1428 {strides = array<i32>} : memref<2x128x128xf32, #tpu.memory_space<vmem>>, vector<1x1x16xf32>,
          %get3A_1429 = arith.constant 1 : i32
          %get3A_1430 = arith.index_cast %get3A_1429 : i32 to index
          %get3A_1431 = arith.index_cast %add3A_1414 : i32 to index
          %get3A_1432 = arith.constant 16 : index
          %get3A_1433 = tpu.vector_load %arg10[%get3A_1430, %get3A_1431, %get3A_1432] {strides = array<i32>} : memref<2x128x128xf32, #tpu.memory_space<vmem>>, vector<1x1x16xf32>,
          %get3A_1434 = vector.shape_cast %get3A_1433 : vector<1x1x16xf32> to vector<16xf32>
          %mul3A_1435 = arith.mulf %get3A_1434, %broadcast_in_dim3A_1410 : vector<16xf32>
          %swap3A_1436 = arith.constant 1 : i32
          %swap3A_1437 = arith.index_cast %swap3A_1436 : i32 to index
          %swap3A_1438 = arith.index_cast %add3A_1414 : i32 to index
          %swap3A_1439 = arith.constant 16 : index
          %swap3A_1440 = tpu.vector_load %arg10[%swap3A_1437, %swap3A_1438, %swap3A_1439] {strides = array<i32>} : memref<2x128x128xf32, #tpu.memory_space<vmem>>, vector<1x1x16xf32>,
          %swap3A_1441 = vector.shape_cast %swap3A_1440 : vector<1x1x16xf32> to vector<16xf32>
          %swap3A_1442 = vector.shape_cast %mul3A_1435 : vector<16xf32> to vector<1x1x16xf32>
          tpu.vector_store %arg10[%swap3A_1437, %swap3A_1438, %swap3A_1439], %swap3A_1442 {strides = array<i32>} : memref<2x128x128xf32, #tpu.memory_space<vmem>>, vector<1x1x16xf32>,
          %get3A_1443 = arith.constant 1 : i32
          %get3A_1444 = arith.index_cast %get3A_1443 : i32 to index
          %get3A_1445 = arith.index_cast %add3A_1414 : i32 to index
          %get3A_1446 = arith.constant 32 : index
          %get3A_1447 = tpu.vector_load %arg10[%get3A_1444, %get3A_1445, %get3A_1446] {strides = array<i32>} : memref<2x128x128xf32, #tpu.memory_space<vmem>>, vector<1x1x16xf32>,
          %get3A_1448 = vector.shape_cast %get3A_1447 : vector<1x1x16xf32> to vector<16xf32>
          %mul3A_1449 = arith.mulf %get3A_1448, %broadcast_in_dim3A_1410 : vector<16xf32>
          %swap3A_1450 = arith.constant 1 : i32
          %swap3A_1451 = arith.index_cast %swap3A_1450 : i32 to index
          %swap3A_1452 = arith.index_cast %add3A_1414 : i32 to index
          %swap3A_1453 = arith.constant 32 : index
          %swap3A_1454 = tpu.vector_load %arg10[%swap3A_1451, %swap3A_1452, %swap3A_1453] {strides = array<i32>} : memref<2x128x128xf32, #tpu.memory_space<vmem>>, vector<1x1x16xf32>,
          %swap3A_1455 = vector.shape_cast %swap3A_1454 : vector<1x1x16xf32> to vector<16xf32>
          %swap3A_1456 = vector.shape_cast %mul3A_1449 : vector<16xf32> to vector<1x1x16xf32>
          tpu.vector_store %arg10[%swap3A_1451, %swap3A_1452, %swap3A_1453], %swap3A_1456 {strides = array<i32>} : memref<2x128x128xf32, #tpu.memory_space<vmem>>, vector<1x1x16xf32>,
          %get3A_1457 = arith.constant 1 : i32
          %get3A_1458 = arith.index_cast %get3A_1457 : i32 to index
          %get3A_1459 = arith.index_cast %add3A_1414 : i32 to index
          %get3A_1460 = arith.constant 48 : index
          %get3A_1461 = tpu.vector_load %arg10[%get3A_1458, %get3A_1459, %get3A_1460] {strides = array<i32>} : memref<2x128x128xf32, #tpu.memory_space<vmem>>, vector<1x1x16xf32>,
          %get3A_1462 = vector.shape_cast %get3A_1461 : vector<1x1x16xf32> to vector<16xf32>
          %mul3A_1463 = arith.mulf %get3A_1462, %broadcast_in_dim3A_1410 : vector<16xf32>
          %swap3A_1464 = arith.constant 1 : i32
          %swap3A_1465 = arith.index_cast %swap3A_1464 : i32 to index
          %swap3A_1466 = arith.index_cast %add3A_1414 : i32 to index
          %swap3A_1467 = arith.constant 48 : index
          %swap3A_1468 = tpu.vector_load %arg10[%swap3A_1465, %swap3A_1466, %swap3A_1467] {strides = array<i32>} : memref<2x128x128xf32, #tpu.memory_space<vmem>>, vector<1x1x16xf32>,
          %swap3A_1469 = vector.shape_cast %swap3A_1468 : vector<1x1x16xf32> to vector<16xf32>
          %swap3A_1470 = vector.shape_cast %mul3A_1463 : vector<16xf32> to vector<1x1x16xf32>
          tpu.vector_store %arg10[%swap3A_1465, %swap3A_1466, %swap3A_1467], %swap3A_1470 {strides = array<i32>} : memref<2x128x128xf32, #tpu.memory_space<vmem>>, vector<1x1x16xf32>,
          %get3A_1471 = arith.constant 1 : i32
          %get3A_1472 = arith.index_cast %get3A_1471 : i32 to index
          %get3A_1473 = arith.index_cast %add3A_1414 : i32 to index
          %get3A_1474 = arith.constant 64 : index
          %get3A_1475 = tpu.vector_load %arg10[%get3A_1472, %get3A_1473, %get3A_1474] {strides = array<i32>} : memref<2x128x128xf32, #tpu.memory_space<vmem>>, vector<1x1x16xf32>,
          %get3A_1476 = vector.shape_cast %get3A_1475 : vector<1x1x16xf32> to vector<16xf32>
          %mul3A_1477 = arith.mulf %get3A_1476, %broadcast_in_dim3A_1410 : vector<16xf32>
          %swap3A_1478 = arith.constant 1 : i32
          %swap3A_1479 = arith.index_cast %swap3A_1478 : i32 to index
          %swap3A_1480 = arith.index_cast %add3A_1414 : i32 to index
          %swap3A_1481 = arith.constant 64 : index
          %swap3A_1482 = tpu.vector_load %arg10[%swap3A_1479, %swap3A_1480, %swap3A_1481] {strides = array<i32>} : memref<2x128x128xf32, #tpu.memory_space<vmem>>, vector<1x1x16xf32>,
          %swap3A_1483 = vector.shape_cast %swap3A_1482 : vector<1x1x16xf32> to vector<16xf32>
          %swap3A_1484 = vector.shape_cast %mul3A_1477 : vector<16xf32> to vector<1x1x16xf32>
          tpu.vector_store %arg10[%swap3A_1479, %swap3A_1480, %swap3A_1481], %swap3A_1484 {strides = array<i32>} : memref<2x128x128xf32, #tpu.memory_space<vmem>>, vector<1x1x16xf32>,
          %get3A_1485 = arith.constant 1 : i32
          %get3A_1486 = arith.index_cast %get3A_1485 : i32 to index
          %get3A_1487 = arith.index_cast %add3A_1414 : i32 to index
          %get3A_1488 = arith.constant 80 : index
          %get3A_1489 = tpu.vector_load %arg10[%get3A_1486, %get3A_1487, %get3A_1488] {strides = array<i32>} : memref<2x128x128xf32, #tpu.memory_space<vmem>>, vector<1x1x16xf32>,
          %get3A_1490 = vector.shape_cast %get3A_1489 : vector<1x1x16xf32> to vector<16xf32>
          %mul3A_1491 = arith.mulf %get3A_1490, %broadcast_in_dim3A_1410 : vector<16xf32>
          %swap3A_1492 = arith.constant 1 : i32
          %swap3A_1493 = arith.index_cast %swap3A_1492 : i32 to index
          %swap3A_1494 = arith.index_cast %add3A_1414 : i32 to index
          %swap3A_1495 = arith.constant 80 : index
          %swap3A_1496 = tpu.vector_load %arg10[%swap3A_1493, %swap3A_1494, %swap3A_1495] {strides = array<i32>} : memref<2x128x128xf32, #tpu.memory_space<vmem>>, vector<1x1x16xf32>,
          %swap3A_1497 = vector.shape_cast %swap3A_1496 : vector<1x1x16xf32> to vector<16xf32>
          %swap3A_1498 = vector.shape_cast %mul3A_1491 : vector<16xf32> to vector<1x1x16xf32>
          tpu.vector_store %arg10[%swap3A_1493, %swap3A_1494, %swap3A_1495], %swap3A_1498 {strides = array<i32>} : memref<2x128x128xf32, #tpu.memory_space<vmem>>, vector<1x1x16xf32>,
          %get3A_1499 = arith.constant 1 : i32
          %get3A_1500 = arith.index_cast %get3A_1499 : i32 to index
          %get3A_1501 = arith.index_cast %add3A_1414 : i32 to index
          %get3A_1502 = arith.constant 96 : index
          %get3A_1503 = tpu.vector_load %arg10[%get3A_1500, %get3A_1501, %get3A_1502] {strides = array<i32>} : memref<2x128x128xf32, #tpu.memory_space<vmem>>, vector<1x1x16xf32>,
          %get3A_1504 = vector.shape_cast %get3A_1503 : vector<1x1x16xf32> to vector<16xf32>
          %mul3A_1505 = arith.mulf %get3A_1504, %broadcast_in_dim3A_1410 : vector<16xf32>
          %swap3A_1506 = arith.constant 1 : i32
          %swap3A_1507 = arith.index_cast %swap3A_1506 : i32 to index
          %swap3A_1508 = arith.index_cast %add3A_1414 : i32 to index
          %swap3A_1509 = arith.constant 96 : index
          %swap3A_1510 = tpu.vector_load %arg10[%swap3A_1507, %swap3A_1508, %swap3A_1509] {strides = array<i32>} : memref<2x128x128xf32, #tpu.memory_space<vmem>>, vector<1x1x16xf32>,
          %swap3A_1511 = vector.shape_cast %swap3A_1510 : vector<1x1x16xf32> to vector<16xf32>
          %swap3A_1512 = vector.shape_cast %mul3A_1505 : vector<16xf32> to vector<1x1x16xf32>
          tpu.vector_store %arg10[%swap3A_1507, %swap3A_1508, %swap3A_1509], %swap3A_1512 {strides = array<i32>} : memref<2x128x128xf32, #tpu.memory_space<vmem>>, vector<1x1x16xf32>,
          %get3A_1513 = arith.constant 1 : i32
          %get3A_1514 = arith.index_cast %get3A_1513 : i32 to index
          %get3A_1515 = arith.index_cast %add3A_1414 : i32 to index
          %get3A_1516 = arith.constant 112 : index
          %get3A_1517 = tpu.vector_load %arg10[%get3A_1514, %get3A_1515, %get3A_1516] {strides = array<i32>} : memref<2x128x128xf32, #tpu.memory_space<vmem>>, vector<1x1x16xf32>,
          %get3A_1518 = vector.shape_cast %get3A_1517 : vector<1x1x16xf32> to vector<16xf32>
          %mul3A_1519 = arith.mulf %get3A_1518, %broadcast_in_dim3A_1410 : vector<16xf32>
          %swap3A_1520 = arith.constant 1 : i32
          %swap3A_1521 = arith.index_cast %swap3A_1520 : i32 to index
          %swap3A_1522 = arith.index_cast %add3A_1414 : i32 to index
          %swap3A_1523 = arith.constant 112 : index
          %swap3A_1524 = tpu.vector_load %arg10[%swap3A_1521, %swap3A_1522, %swap3A_1523] {strides = array<i32>} : memref<2x128x128xf32, #tpu.memory_space<vmem>>, vector<1x1x16xf32>,
          %swap3A_1525 = vector.shape_cast %swap3A_1524 : vector<1x1x16xf32> to vector<16xf32>
          %swap3A_1526 = vector.shape_cast %mul3A_1519 : vector<16xf32> to vector<1x1x16xf32>
          tpu.vector_store %arg10[%swap3A_1521, %swap3A_1522, %swap3A_1523], %swap3A_1526 {strides = array<i32>} : memref<2x128x128xf32, #tpu.memory_space<vmem>>, vector<1x1x16xf32>,
          %slice3A_1527 = vector.extract_strided_slice %get3A_221 {offsets = [11], sizes = [1], strides = [1]} : vector<16xf32> to vector<1xf32>
          %squeeze3A_1528 = vector.extract %slice3A_1527[0] : f32 from vector<1xf32>
          %broadcast_in_dim3A_1529 = vector.broadcast %squeeze3A_1528 : f32 to vector<16xf32>
          %mul3A_1530 = arith.constant 16 : i32
          %mul3A_1531 = arith.muli %scan3A_214, %mul3A_1530 : i32
          %add3A_1532 = arith.constant 11 : i32
          %add3A_1533 = arith.addi %mul3A_1531, %add3A_1532 : i32
          %get3A_1534 = arith.constant 1 : i32
          %get3A_1535 = arith.index_cast %get3A_1534 : i32 to index
          %get3A_1536 = arith.index_cast %add3A_1533 : i32 to index
          %get3A_1537 = arith.constant 0 : index
          %get3A_1538 = tpu.vector_load %arg10[%get3A_1535, %get3A_1536, %get3A_1537] {strides = array<i32>} : memref<2x128x128xf32, #tpu.memory_space<vmem>>, vector<1x1x16xf32>,
          %get3A_1539 = vector.shape_cast %get3A_1538 : vector<1x1x16xf32> to vector<16xf32>
          %mul3A_1540 = arith.mulf %get3A_1539, %broadcast_in_dim3A_1529 : vector<16xf32>
          %swap3A_1541 = arith.constant 1 : i32
          %swap3A_1542 = arith.index_cast %swap3A_1541 : i32 to index
          %swap3A_1543 = arith.index_cast %add3A_1533 : i32 to index
          %swap3A_1544 = arith.constant 0 : index
          %swap3A_1545 = tpu.vector_load %arg10[%swap3A_1542, %swap3A_1543, %swap3A_1544] {strides = array<i32>} : memref<2x128x128xf32, #tpu.memory_space<vmem>>, vector<1x1x16xf32>,
          %swap3A_1546 = vector.shape_cast %swap3A_1545 : vector<1x1x16xf32> to vector<16xf32>
          %swap3A_1547 = vector.shape_cast %mul3A_1540 : vector<16xf32> to vector<1x1x16xf32>
          tpu.vector_store %arg10[%swap3A_1542, %swap3A_1543, %swap3A_1544], %swap3A_1547 {strides = array<i32>} : memref<2x128x128xf32, #tpu.memory_space<vmem>>, vector<1x1x16xf32>,
          %get3A_1548 = arith.constant 1 : i32
          %get3A_1549 = arith.index_cast %get3A_1548 : i32 to index
          %get3A_1550 = arith.index_cast %add3A_1533 : i32 to index
          %get3A_1551 = arith.constant 16 : index
          %get3A_1552 = tpu.vector_load %arg10[%get3A_1549, %get3A_1550, %get3A_1551] {strides = array<i32>} : memref<2x128x128xf32, #tpu.memory_space<vmem>>, vector<1x1x16xf32>,
          %get3A_1553 = vector.shape_cast %get3A_1552 : vector<1x1x16xf32> to vector<16xf32>
          %mul3A_1554 = arith.mulf %get3A_1553, %broadcast_in_dim3A_1529 : vector<16xf32>
          %swap3A_1555 = arith.constant 1 : i32
          %swap3A_1556 = arith.index_cast %swap3A_1555 : i32 to index
          %swap3A_1557 = arith.index_cast %add3A_1533 : i32 to index
          %swap3A_1558 = arith.constant 16 : index
          %swap3A_1559 = tpu.vector_load %arg10[%swap3A_1556, %swap3A_1557, %swap3A_1558] {strides = array<i32>} : memref<2x128x128xf32, #tpu.memory_space<vmem>>, vector<1x1x16xf32>,
          %swap3A_1560 = vector.shape_cast %swap3A_1559 : vector<1x1x16xf32> to vector<16xf32>
          %swap3A_1561 = vector.shape_cast %mul3A_1554 : vector<16xf32> to vector<1x1x16xf32>
          tpu.vector_store %arg10[%swap3A_1556, %swap3A_1557, %swap3A_1558], %swap3A_1561 {strides = array<i32>} : memref<2x128x128xf32, #tpu.memory_space<vmem>>, vector<1x1x16xf32>,
          %get3A_1562 = arith.constant 1 : i32
          %get3A_1563 = arith.index_cast %get3A_1562 : i32 to index
          %get3A_1564 = arith.index_cast %add3A_1533 : i32 to index
          %get3A_1565 = arith.constant 32 : index
          %get3A_1566 = tpu.vector_load %arg10[%get3A_1563, %get3A_1564, %get3A_1565] {strides = array<i32>} : memref<2x128x128xf32, #tpu.memory_space<vmem>>, vector<1x1x16xf32>,
          %get3A_1567 = vector.shape_cast %get3A_1566 : vector<1x1x16xf32> to vector<16xf32>
          %mul3A_1568 = arith.mulf %get3A_1567, %broadcast_in_dim3A_1529 : vector<16xf32>
          %swap3A_1569 = arith.constant 1 : i32
          %swap3A_1570 = arith.index_cast %swap3A_1569 : i32 to index
          %swap3A_1571 = arith.index_cast %add3A_1533 : i32 to index
          %swap3A_1572 = arith.constant 32 : index
          %swap3A_1573 = tpu.vector_load %arg10[%swap3A_1570, %swap3A_1571, %swap3A_1572] {strides = array<i32>} : memref<2x128x128xf32, #tpu.memory_space<vmem>>, vector<1x1x16xf32>,
          %swap3A_1574 = vector.shape_cast %swap3A_1573 : vector<1x1x16xf32> to vector<16xf32>
          %swap3A_1575 = vector.shape_cast %mul3A_1568 : vector<16xf32> to vector<1x1x16xf32>
          tpu.vector_store %arg10[%swap3A_1570, %swap3A_1571, %swap3A_1572], %swap3A_1575 {strides = array<i32>} : memref<2x128x128xf32, #tpu.memory_space<vmem>>, vector<1x1x16xf32>,
          %get3A_1576 = arith.constant 1 : i32
          %get3A_1577 = arith.index_cast %get3A_1576 : i32 to index
          %get3A_1578 = arith.index_cast %add3A_1533 : i32 to index
          %get3A_1579 = arith.constant 48 : index
          %get3A_1580 = tpu.vector_load %arg10[%get3A_1577, %get3A_1578, %get3A_1579] {strides = array<i32>} : memref<2x128x128xf32, #tpu.memory_space<vmem>>, vector<1x1x16xf32>,
          %get3A_1581 = vector.shape_cast %get3A_1580 : vector<1x1x16xf32> to vector<16xf32>
          %mul3A_1582 = arith.mulf %get3A_1581, %broadcast_in_dim3A_1529 : vector<16xf32>
          %swap3A_1583 = arith.constant 1 : i32
          %swap3A_1584 = arith.index_cast %swap3A_1583 : i32 to index
          %swap3A_1585 = arith.index_cast %add3A_1533 : i32 to index
          %swap3A_1586 = arith.constant 48 : index
          %swap3A_1587 = tpu.vector_load %arg10[%swap3A_1584, %swap3A_1585, %swap3A_1586] {strides = array<i32>} : memref<2x128x128xf32, #tpu.memory_space<vmem>>, vector<1x1x16xf32>,
          %swap3A_1588 = vector.shape_cast %swap3A_1587 : vector<1x1x16xf32> to vector<16xf32>
          %swap3A_1589 = vector.shape_cast %mul3A_1582 : vector<16xf32> to vector<1x1x16xf32>
          tpu.vector_store %arg10[%swap3A_1584, %swap3A_1585, %swap3A_1586], %swap3A_1589 {strides = array<i32>} : memref<2x128x128xf32, #tpu.memory_space<vmem>>, vector<1x1x16xf32>,
          %get3A_1590 = arith.constant 1 : i32
          %get3A_1591 = arith.index_cast %get3A_1590 : i32 to index
          %get3A_1592 = arith.index_cast %add3A_1533 : i32 to index
          %get3A_1593 = arith.constant 64 : index
          %get3A_1594 = tpu.vector_load %arg10[%get3A_1591, %get3A_1592, %get3A_1593] {strides = array<i32>} : memref<2x128x128xf32, #tpu.memory_space<vmem>>, vector<1x1x16xf32>,
          %get3A_1595 = vector.shape_cast %get3A_1594 : vector<1x1x16xf32> to vector<16xf32>
          %mul3A_1596 = arith.mulf %get3A_1595, %broadcast_in_dim3A_1529 : vector<16xf32>
          %swap3A_1597 = arith.constant 1 : i32
          %swap3A_1598 = arith.index_cast %swap3A_1597 : i32 to index
          %swap3A_1599 = arith.index_cast %add3A_1533 : i32 to index
          %swap3A_1600 = arith.constant 64 : index
          %swap3A_1601 = tpu.vector_load %arg10[%swap3A_1598, %swap3A_1599, %swap3A_1600] {strides = array<i32>} : memref<2x128x128xf32, #tpu.memory_space<vmem>>, vector<1x1x16xf32>,
          %swap3A_1602 = vector.shape_cast %swap3A_1601 : vector<1x1x16xf32> to vector<16xf32>
          %swap3A_1603 = vector.shape_cast %mul3A_1596 : vector<16xf32> to vector<1x1x16xf32>
          tpu.vector_store %arg10[%swap3A_1598, %swap3A_1599, %swap3A_1600], %swap3A_1603 {strides = array<i32>} : memref<2x128x128xf32, #tpu.memory_space<vmem>>, vector<1x1x16xf32>,
          %get3A_1604 = arith.constant 1 : i32
          %get3A_1605 = arith.index_cast %get3A_1604 : i32 to index
          %get3A_1606 = arith.index_cast %add3A_1533 : i32 to index
          %get3A_1607 = arith.constant 80 : index
          %get3A_1608 = tpu.vector_load %arg10[%get3A_1605, %get3A_1606, %get3A_1607] {strides = array<i32>} : memref<2x128x128xf32, #tpu.memory_space<vmem>>, vector<1x1x16xf32>,
          %get3A_1609 = vector.shape_cast %get3A_1608 : vector<1x1x16xf32> to vector<16xf32>
          %mul3A_1610 = arith.mulf %get3A_1609, %broadcast_in_dim3A_1529 : vector<16xf32>
          %swap3A_1611 = arith.constant 1 : i32
          %swap3A_1612 = arith.index_cast %swap3A_1611 : i32 to index
          %swap3A_1613 = arith.index_cast %add3A_1533 : i32 to index
          %swap3A_1614 = arith.constant 80 : index
          %swap3A_1615 = tpu.vector_load %arg10[%swap3A_1612, %swap3A_1613, %swap3A_1614] {strides = array<i32>} : memref<2x128x128xf32, #tpu.memory_space<vmem>>, vector<1x1x16xf32>,
          %swap3A_1616 = vector.shape_cast %swap3A_1615 : vector<1x1x16xf32> to vector<16xf32>
          %swap3A_1617 = vector.shape_cast %mul3A_1610 : vector<16xf32> to vector<1x1x16xf32>
          tpu.vector_store %arg10[%swap3A_1612, %swap3A_1613, %swap3A_1614], %swap3A_1617 {strides = array<i32>} : memref<2x128x128xf32, #tpu.memory_space<vmem>>, vector<1x1x16xf32>,
          %get3A_1618 = arith.constant 1 : i32
          %get3A_1619 = arith.index_cast %get3A_1618 : i32 to index
          %get3A_1620 = arith.index_cast %add3A_1533 : i32 to index
          %get3A_1621 = arith.constant 96 : index
          %get3A_1622 = tpu.vector_load %arg10[%get3A_1619, %get3A_1620, %get3A_1621] {strides = array<i32>} : memref<2x128x128xf32, #tpu.memory_space<vmem>>, vector<1x1x16xf32>,
          %get3A_1623 = vector.shape_cast %get3A_1622 : vector<1x1x16xf32> to vector<16xf32>
          %mul3A_1624 = arith.mulf %get3A_1623, %broadcast_in_dim3A_1529 : vector<16xf32>
          %swap3A_1625 = arith.constant 1 : i32
          %swap3A_1626 = arith.index_cast %swap3A_1625 : i32 to index
          %swap3A_1627 = arith.index_cast %add3A_1533 : i32 to index
          %swap3A_1628 = arith.constant 96 : index
          %swap3A_1629 = tpu.vector_load %arg10[%swap3A_1626, %swap3A_1627, %swap3A_1628] {strides = array<i32>} : memref<2x128x128xf32, #tpu.memory_space<vmem>>, vector<1x1x16xf32>,
          %swap3A_1630 = vector.shape_cast %swap3A_1629 : vector<1x1x16xf32> to vector<16xf32>
          %swap3A_1631 = vector.shape_cast %mul3A_1624 : vector<16xf32> to vector<1x1x16xf32>
          tpu.vector_store %arg10[%swap3A_1626, %swap3A_1627, %swap3A_1628], %swap3A_1631 {strides = array<i32>} : memref<2x128x128xf32, #tpu.memory_space<vmem>>, vector<1x1x16xf32>,
          %get3A_1632 = arith.constant 1 : i32
          %get3A_1633 = arith.index_cast %get3A_1632 : i32 to index
          %get3A_1634 = arith.index_cast %add3A_1533 : i32 to index
          %get3A_1635 = arith.constant 112 : index
          %get3A_1636 = tpu.vector_load %arg10[%get3A_1633, %get3A_1634, %get3A_1635] {strides = array<i32>} : memref<2x128x128xf32, #tpu.memory_space<vmem>>, vector<1x1x16xf32>,
          %get3A_1637 = vector.shape_cast %get3A_1636 : vector<1x1x16xf32> to vector<16xf32>
          %mul3A_1638 = arith.mulf %get3A_1637, %broadcast_in_dim3A_1529 : vector<16xf32>
          %swap3A_1639 = arith.constant 1 : i32
          %swap3A_1640 = arith.index_cast %swap3A_1639 : i32 to index
          %swap3A_1641 = arith.index_cast %add3A_1533 : i32 to index
          %swap3A_1642 = arith.constant 112 : index
          %swap3A_1643 = tpu.vector_load %arg10[%swap3A_1640, %swap3A_1641, %swap3A_1642] {strides = array<i32>} : memref<2x128x128xf32, #tpu.memory_space<vmem>>, vector<1x1x16xf32>,
          %swap3A_1644 = vector.shape_cast %swap3A_1643 : vector<1x1x16xf32> to vector<16xf32>
          %swap3A_1645 = vector.shape_cast %mul3A_1638 : vector<16xf32> to vector<1x1x16xf32>
          tpu.vector_store %arg10[%swap3A_1640, %swap3A_1641, %swap3A_1642], %swap3A_1645 {strides = array<i32>} : memref<2x128x128xf32, #tpu.memory_space<vmem>>, vector<1x1x16xf32>,
          %slice3A_1646 = vector.extract_strided_slice %get3A_221 {offsets = [12], sizes = [1], strides = [1]} : vector<16xf32> to vector<1xf32>
          %squeeze3A_1647 = vector.extract %slice3A_1646[0] : f32 from vector<1xf32>
          %broadcast_in_dim3A_1648 = vector.broadcast %squeeze3A_1647 : f32 to vector<16xf32>
          %mul3A_1649 = arith.constant 16 : i32
          %mul3A_1650 = arith.muli %scan3A_214, %mul3A_1649 : i32
          %add3A_1651 = arith.constant 12 : i32
          %add3A_1652 = arith.addi %mul3A_1650, %add3A_1651 : i32
          %get3A_1653 = arith.constant 1 : i32
          %get3A_1654 = arith.index_cast %get3A_1653 : i32 to index
          %get3A_1655 = arith.index_cast %add3A_1652 : i32 to index
          %get3A_1656 = arith.constant 0 : index
          %get3A_1657 = tpu.vector_load %arg10[%get3A_1654, %get3A_1655, %get3A_1656] {strides = array<i32>} : memref<2x128x128xf32, #tpu.memory_space<vmem>>, vector<1x1x16xf32>,
          %get3A_1658 = vector.shape_cast %get3A_1657 : vector<1x1x16xf32> to vector<16xf32>
          %mul3A_1659 = arith.mulf %get3A_1658, %broadcast_in_dim3A_1648 : vector<16xf32>
          %swap3A_1660 = arith.constant 1 : i32
          %swap3A_1661 = arith.index_cast %swap3A_1660 : i32 to index
          %swap3A_1662 = arith.index_cast %add3A_1652 : i32 to index
          %swap3A_1663 = arith.constant 0 : index
          %swap3A_1664 = tpu.vector_load %arg10[%swap3A_1661, %swap3A_1662, %swap3A_1663] {strides = array<i32>} : memref<2x128x128xf32, #tpu.memory_space<vmem>>, vector<1x1x16xf32>,
          %swap3A_1665 = vector.shape_cast %swap3A_1664 : vector<1x1x16xf32> to vector<16xf32>
          %swap3A_1666 = vector.shape_cast %mul3A_1659 : vector<16xf32> to vector<1x1x16xf32>
          tpu.vector_store %arg10[%swap3A_1661, %swap3A_1662, %swap3A_1663], %swap3A_1666 {strides = array<i32>} : memref<2x128x128xf32, #tpu.memory_space<vmem>>, vector<1x1x16xf32>,
          %get3A_1667 = arith.constant 1 : i32
          %get3A_1668 = arith.index_cast %get3A_1667 : i32 to index
          %get3A_1669 = arith.index_cast %add3A_1652 : i32 to index
          %get3A_1670 = arith.constant 16 : index
          %get3A_1671 = tpu.vector_load %arg10[%get3A_1668, %get3A_1669, %get3A_1670] {strides = array<i32>} : memref<2x128x128xf32, #tpu.memory_space<vmem>>, vector<1x1x16xf32>,
          %get3A_1672 = vector.shape_cast %get3A_1671 : vector<1x1x16xf32> to vector<16xf32>
          %mul3A_1673 = arith.mulf %get3A_1672, %broadcast_in_dim3A_1648 : vector<16xf32>
          %swap3A_1674 = arith.constant 1 : i32
          %swap3A_1675 = arith.index_cast %swap3A_1674 : i32 to index
          %swap3A_1676 = arith.index_cast %add3A_1652 : i32 to index
          %swap3A_1677 = arith.constant 16 : index
          %swap3A_1678 = tpu.vector_load %arg10[%swap3A_1675, %swap3A_1676, %swap3A_1677] {strides = array<i32>} : memref<2x128x128xf32, #tpu.memory_space<vmem>>, vector<1x1x16xf32>,
          %swap3A_1679 = vector.shape_cast %swap3A_1678 : vector<1x1x16xf32> to vector<16xf32>
          %swap3A_1680 = vector.shape_cast %mul3A_1673 : vector<16xf32> to vector<1x1x16xf32>
          tpu.vector_store %arg10[%swap3A_1675, %swap3A_1676, %swap3A_1677], %swap3A_1680 {strides = array<i32>} : memref<2x128x128xf32, #tpu.memory_space<vmem>>, vector<1x1x16xf32>,
          %get3A_1681 = arith.constant 1 : i32
          %get3A_1682 = arith.index_cast %get3A_1681 : i32 to index
          %get3A_1683 = arith.index_cast %add3A_1652 : i32 to index
          %get3A_1684 = arith.constant 32 : index
          %get3A_1685 = tpu.vector_load %arg10[%get3A_1682, %get3A_1683, %get3A_1684] {strides = array<i32>} : memref<2x128x128xf32, #tpu.memory_space<vmem>>, vector<1x1x16xf32>,
          %get3A_1686 = vector.shape_cast %get3A_1685 : vector<1x1x16xf32> to vector<16xf32>
          %mul3A_1687 = arith.mulf %get3A_1686, %broadcast_in_dim3A_1648 : vector<16xf32>
          %swap3A_1688 = arith.constant 1 : i32
          %swap3A_1689 = arith.index_cast %swap3A_1688 : i32 to index
          %swap3A_1690 = arith.index_cast %add3A_1652 : i32 to index
          %swap3A_1691 = arith.constant 32 : index
          %swap3A_1692 = tpu.vector_load %arg10[%swap3A_1689, %swap3A_1690, %swap3A_1691] {strides = array<i32>} : memref<2x128x128xf32, #tpu.memory_space<vmem>>, vector<1x1x16xf32>,
          %swap3A_1693 = vector.shape_cast %swap3A_1692 : vector<1x1x16xf32> to vector<16xf32>
          %swap3A_1694 = vector.shape_cast %mul3A_1687 : vector<16xf32> to vector<1x1x16xf32>
          tpu.vector_store %arg10[%swap3A_1689, %swap3A_1690, %swap3A_1691], %swap3A_1694 {strides = array<i32>} : memref<2x128x128xf32, #tpu.memory_space<vmem>>, vector<1x1x16xf32>,
          %get3A_1695 = arith.constant 1 : i32
          %get3A_1696 = arith.index_cast %get3A_1695 : i32 to index
          %get3A_1697 = arith.index_cast %add3A_1652 : i32 to index
          %get3A_1698 = arith.constant 48 : index
          %get3A_1699 = tpu.vector_load %arg10[%get3A_1696, %get3A_1697, %get3A_1698] {strides = array<i32>} : memref<2x128x128xf32, #tpu.memory_space<vmem>>, vector<1x1x16xf32>,
          %get3A_1700 = vector.shape_cast %get3A_1699 : vector<1x1x16xf32> to vector<16xf32>
          %mul3A_1701 = arith.mulf %get3A_1700, %broadcast_in_dim3A_1648 : vector<16xf32>
          %swap3A_1702 = arith.constant 1 : i32
          %swap3A_1703 = arith.index_cast %swap3A_1702 : i32 to index
          %swap3A_1704 = arith.index_cast %add3A_1652 : i32 to index
          %swap3A_1705 = arith.constant 48 : index
          %swap3A_1706 = tpu.vector_load %arg10[%swap3A_1703, %swap3A_1704, %swap3A_1705] {strides = array<i32>} : memref<2x128x128xf32, #tpu.memory_space<vmem>>, vector<1x1x16xf32>,
          %swap3A_1707 = vector.shape_cast %swap3A_1706 : vector<1x1x16xf32> to vector<16xf32>
          %swap3A_1708 = vector.shape_cast %mul3A_1701 : vector<16xf32> to vector<1x1x16xf32>
          tpu.vector_store %arg10[%swap3A_1703, %swap3A_1704, %swap3A_1705], %swap3A_1708 {strides = array<i32>} : memref<2x128x128xf32, #tpu.memory_space<vmem>>, vector<1x1x16xf32>,
          %get3A_1709 = arith.constant 1 : i32
          %get3A_1710 = arith.index_cast %get3A_1709 : i32 to index
          %get3A_1711 = arith.index_cast %add3A_1652 : i32 to index
          %get3A_1712 = arith.constant 64 : index
          %get3A_1713 = tpu.vector_load %arg10[%get3A_1710, %get3A_1711, %get3A_1712] {strides = array<i32>} : memref<2x128x128xf32, #tpu.memory_space<vmem>>, vector<1x1x16xf32>,
          %get3A_1714 = vector.shape_cast %get3A_1713 : vector<1x1x16xf32> to vector<16xf32>
          %mul3A_1715 = arith.mulf %get3A_1714, %broadcast_in_dim3A_1648 : vector<16xf32>
          %swap3A_1716 = arith.constant 1 : i32
          %swap3A_1717 = arith.index_cast %swap3A_1716 : i32 to index
          %swap3A_1718 = arith.index_cast %add3A_1652 : i32 to index
          %swap3A_1719 = arith.constant 64 : index
          %swap3A_1720 = tpu.vector_load %arg10[%swap3A_1717, %swap3A_1718, %swap3A_1719] {strides = array<i32>} : memref<2x128x128xf32, #tpu.memory_space<vmem>>, vector<1x1x16xf32>,
          %swap3A_1721 = vector.shape_cast %swap3A_1720 : vector<1x1x16xf32> to vector<16xf32>
          %swap3A_1722 = vector.shape_cast %mul3A_1715 : vector<16xf32> to vector<1x1x16xf32>
          tpu.vector_store %arg10[%swap3A_1717, %swap3A_1718, %swap3A_1719], %swap3A_1722 {strides = array<i32>} : memref<2x128x128xf32, #tpu.memory_space<vmem>>, vector<1x1x16xf32>,
          %get3A_1723 = arith.constant 1 : i32
          %get3A_1724 = arith.index_cast %get3A_1723 : i32 to index
          %get3A_1725 = arith.index_cast %add3A_1652 : i32 to index
          %get3A_1726 = arith.constant 80 : index
          %get3A_1727 = tpu.vector_load %arg10[%get3A_1724, %get3A_1725, %get3A_1726] {strides = array<i32>} : memref<2x128x128xf32, #tpu.memory_space<vmem>>, vector<1x1x16xf32>,
          %get3A_1728 = vector.shape_cast %get3A_1727 : vector<1x1x16xf32> to vector<16xf32>
          %mul3A_1729 = arith.mulf %get3A_1728, %broadcast_in_dim3A_1648 : vector<16xf32>
          %swap3A_1730 = arith.constant 1 : i32
          %swap3A_1731 = arith.index_cast %swap3A_1730 : i32 to index
          %swap3A_1732 = arith.index_cast %add3A_1652 : i32 to index
          %swap3A_1733 = arith.constant 80 : index
          %swap3A_1734 = tpu.vector_load %arg10[%swap3A_1731, %swap3A_1732, %swap3A_1733] {strides = array<i32>} : memref<2x128x128xf32, #tpu.memory_space<vmem>>, vector<1x1x16xf32>,
          %swap3A_1735 = vector.shape_cast %swap3A_1734 : vector<1x1x16xf32> to vector<16xf32>
          %swap3A_1736 = vector.shape_cast %mul3A_1729 : vector<16xf32> to vector<1x1x16xf32>
          tpu.vector_store %arg10[%swap3A_1731, %swap3A_1732, %swap3A_1733], %swap3A_1736 {strides = array<i32>} : memref<2x128x128xf32, #tpu.memory_space<vmem>>, vector<1x1x16xf32>,
          %get3A_1737 = arith.constant 1 : i32
          %get3A_1738 = arith.index_cast %get3A_1737 : i32 to index
          %get3A_1739 = arith.index_cast %add3A_1652 : i32 to index
          %get3A_1740 = arith.constant 96 : index
          %get3A_1741 = tpu.vector_load %arg10[%get3A_1738, %get3A_1739, %get3A_1740] {strides = array<i32>} : memref<2x128x128xf32, #tpu.memory_space<vmem>>, vector<1x1x16xf32>,
          %get3A_1742 = vector.shape_cast %get3A_1741 : vector<1x1x16xf32> to vector<16xf32>
          %mul3A_1743 = arith.mulf %get3A_1742, %broadcast_in_dim3A_1648 : vector<16xf32>
          %swap3A_1744 = arith.constant 1 : i32
          %swap3A_1745 = arith.index_cast %swap3A_1744 : i32 to index
          %swap3A_1746 = arith.index_cast %add3A_1652 : i32 to index
          %swap3A_1747 = arith.constant 96 : index
          %swap3A_1748 = tpu.vector_load %arg10[%swap3A_1745, %swap3A_1746, %swap3A_1747] {strides = array<i32>} : memref<2x128x128xf32, #tpu.memory_space<vmem>>, vector<1x1x16xf32>,
          %swap3A_1749 = vector.shape_cast %swap3A_1748 : vector<1x1x16xf32> to vector<16xf32>
          %swap3A_1750 = vector.shape_cast %mul3A_1743 : vector<16xf32> to vector<1x1x16xf32>
          tpu.vector_store %arg10[%swap3A_1745, %swap3A_1746, %swap3A_1747], %swap3A_1750 {strides = array<i32>} : memref<2x128x128xf32, #tpu.memory_space<vmem>>, vector<1x1x16xf32>,
          %get3A_1751 = arith.constant 1 : i32
          %get3A_1752 = arith.index_cast %get3A_1751 : i32 to index
          %get3A_1753 = arith.index_cast %add3A_1652 : i32 to index
          %get3A_1754 = arith.constant 112 : index
          %get3A_1755 = tpu.vector_load %arg10[%get3A_1752, %get3A_1753, %get3A_1754] {strides = array<i32>} : memref<2x128x128xf32, #tpu.memory_space<vmem>>, vector<1x1x16xf32>,
          %get3A_1756 = vector.shape_cast %get3A_1755 : vector<1x1x16xf32> to vector<16xf32>
          %mul3A_1757 = arith.mulf %get3A_1756, %broadcast_in_dim3A_1648 : vector<16xf32>
          %swap3A_1758 = arith.constant 1 : i32
          %swap3A_1759 = arith.index_cast %swap3A_1758 : i32 to index
          %swap3A_1760 = arith.index_cast %add3A_1652 : i32 to index
          %swap3A_1761 = arith.constant 112 : index
          %swap3A_1762 = tpu.vector_load %arg10[%swap3A_1759, %swap3A_1760, %swap3A_1761] {strides = array<i32>} : memref<2x128x128xf32, #tpu.memory_space<vmem>>, vector<1x1x16xf32>,
          %swap3A_1763 = vector.shape_cast %swap3A_1762 : vector<1x1x16xf32> to vector<16xf32>
          %swap3A_1764 = vector.shape_cast %mul3A_1757 : vector<16xf32> to vector<1x1x16xf32>
          tpu.vector_store %arg10[%swap3A_1759, %swap3A_1760, %swap3A_1761], %swap3A_1764 {strides = array<i32>} : memref<2x128x128xf32, #tpu.memory_space<vmem>>, vector<1x1x16xf32>,
          %slice3A_1765 = vector.extract_strided_slice %get3A_221 {offsets = [13], sizes = [1], strides = [1]} : vector<16xf32> to vector<1xf32>
          %squeeze3A_1766 = vector.extract %slice3A_1765[0] : f32 from vector<1xf32>
          %broadcast_in_dim3A_1767 = vector.broadcast %squeeze3A_1766 : f32 to vector<16xf32>
          %mul3A_1768 = arith.constant 16 : i32
          %mul3A_1769 = arith.muli %scan3A_214, %mul3A_1768 : i32
          %add3A_1770 = arith.constant 13 : i32
          %add3A_1771 = arith.addi %mul3A_1769, %add3A_1770 : i32
          %get3A_1772 = arith.constant 1 : i32
          %get3A_1773 = arith.index_cast %get3A_1772 : i32 to index
          %get3A_1774 = arith.index_cast %add3A_1771 : i32 to index
          %get3A_1775 = arith.constant 0 : index
          %get3A_1776 = tpu.vector_load %arg10[%get3A_1773, %get3A_1774, %get3A_1775] {strides = array<i32>} : memref<2x128x128xf32, #tpu.memory_space<vmem>>, vector<1x1x16xf32>,
          %get3A_1777 = vector.shape_cast %get3A_1776 : vector<1x1x16xf32> to vector<16xf32>
          %mul3A_1778 = arith.mulf %get3A_1777, %broadcast_in_dim3A_1767 : vector<16xf32>
          %swap3A_1779 = arith.constant 1 : i32
          %swap3A_1780 = arith.index_cast %swap3A_1779 : i32 to index
          %swap3A_1781 = arith.index_cast %add3A_1771 : i32 to index
          %swap3A_1782 = arith.constant 0 : index
          %swap3A_1783 = tpu.vector_load %arg10[%swap3A_1780, %swap3A_1781, %swap3A_1782] {strides = array<i32>} : memref<2x128x128xf32, #tpu.memory_space<vmem>>, vector<1x1x16xf32>,
          %swap3A_1784 = vector.shape_cast %swap3A_1783 : vector<1x1x16xf32> to vector<16xf32>
          %swap3A_1785 = vector.shape_cast %mul3A_1778 : vector<16xf32> to vector<1x1x16xf32>
          tpu.vector_store %arg10[%swap3A_1780, %swap3A_1781, %swap3A_1782], %swap3A_1785 {strides = array<i32>} : memref<2x128x128xf32, #tpu.memory_space<vmem>>, vector<1x1x16xf32>,
          %get3A_1786 = arith.constant 1 : i32
          %get3A_1787 = arith.index_cast %get3A_1786 : i32 to index
          %get3A_1788 = arith.index_cast %add3A_1771 : i32 to index
          %get3A_1789 = arith.constant 16 : index
          %get3A_1790 = tpu.vector_load %arg10[%get3A_1787, %get3A_1788, %get3A_1789] {strides = array<i32>} : memref<2x128x128xf32, #tpu.memory_space<vmem>>, vector<1x1x16xf32>,
          %get3A_1791 = vector.shape_cast %get3A_1790 : vector<1x1x16xf32> to vector<16xf32>
          %mul3A_1792 = arith.mulf %get3A_1791, %broadcast_in_dim3A_1767 : vector<16xf32>
          %swap3A_1793 = arith.constant 1 : i32
          %swap3A_1794 = arith.index_cast %swap3A_1793 : i32 to index
          %swap3A_1795 = arith.index_cast %add3A_1771 : i32 to index
          %swap3A_1796 = arith.constant 16 : index
          %swap3A_1797 = tpu.vector_load %arg10[%swap3A_1794, %swap3A_1795, %swap3A_1796] {strides = array<i32>} : memref<2x128x128xf32, #tpu.memory_space<vmem>>, vector<1x1x16xf32>,
          %swap3A_1798 = vector.shape_cast %swap3A_1797 : vector<1x1x16xf32> to vector<16xf32>
          %swap3A_1799 = vector.shape_cast %mul3A_1792 : vector<16xf32> to vector<1x1x16xf32>
          tpu.vector_store %arg10[%swap3A_1794, %swap3A_1795, %swap3A_1796], %swap3A_1799 {strides = array<i32>} : memref<2x128x128xf32, #tpu.memory_space<vmem>>, vector<1x1x16xf32>,
          %get3A_1800 = arith.constant 1 : i32
          %get3A_1801 = arith.index_cast %get3A_1800 : i32 to index
          %get3A_1802 = arith.index_cast %add3A_1771 : i32 to index
          %get3A_1803 = arith.constant 32 : index
          %get3A_1804 = tpu.vector_load %arg10[%get3A_1801, %get3A_1802, %get3A_1803] {strides = array<i32>} : memref<2x128x128xf32, #tpu.memory_space<vmem>>, vector<1x1x16xf32>,
          %get3A_1805 = vector.shape_cast %get3A_1804 : vector<1x1x16xf32> to vector<16xf32>
          %mul3A_1806 = arith.mulf %get3A_1805, %broadcast_in_dim3A_1767 : vector<16xf32>
          %swap3A_1807 = arith.constant 1 : i32
          %swap3A_1808 = arith.index_cast %swap3A_1807 : i32 to index
          %swap3A_1809 = arith.index_cast %add3A_1771 : i32 to index
          %swap3A_1810 = arith.constant 32 : index
          %swap3A_1811 = tpu.vector_load %arg10[%swap3A_1808, %swap3A_1809, %swap3A_1810] {strides = array<i32>} : memref<2x128x128xf32, #tpu.memory_space<vmem>>, vector<1x1x16xf32>,
          %swap3A_1812 = vector.shape_cast %swap3A_1811 : vector<1x1x16xf32> to vector<16xf32>
          %swap3A_1813 = vector.shape_cast %mul3A_1806 : vector<16xf32> to vector<1x1x16xf32>
          tpu.vector_store %arg10[%swap3A_1808, %swap3A_1809, %swap3A_1810], %swap3A_1813 {strides = array<i32>} : memref<2x128x128xf32, #tpu.memory_space<vmem>>, vector<1x1x16xf32>,
          %get3A_1814 = arith.constant 1 : i32
          %get3A_1815 = arith.index_cast %get3A_1814 : i32 to index
          %get3A_1816 = arith.index_cast %add3A_1771 : i32 to index
          %get3A_1817 = arith.constant 48 : index
          %get3A_1818 = tpu.vector_load %arg10[%get3A_1815, %get3A_1816, %get3A_1817] {strides = array<i32>} : memref<2x128x128xf32, #tpu.memory_space<vmem>>, vector<1x1x16xf32>,
          %get3A_1819 = vector.shape_cast %get3A_1818 : vector<1x1x16xf32> to vector<16xf32>
          %mul3A_1820 = arith.mulf %get3A_1819, %broadcast_in_dim3A_1767 : vector<16xf32>
          %swap3A_1821 = arith.constant 1 : i32
          %swap3A_1822 = arith.index_cast %swap3A_1821 : i32 to index
          %swap3A_1823 = arith.index_cast %add3A_1771 : i32 to index
          %swap3A_1824 = arith.constant 48 : index
          %swap3A_1825 = tpu.vector_load %arg10[%swap3A_1822, %swap3A_1823, %swap3A_1824] {strides = array<i32>} : memref<2x128x128xf32, #tpu.memory_space<vmem>>, vector<1x1x16xf32>,
          %swap3A_1826 = vector.shape_cast %swap3A_1825 : vector<1x1x16xf32> to vector<16xf32>
          %swap3A_1827 = vector.shape_cast %mul3A_1820 : vector<16xf32> to vector<1x1x16xf32>
          tpu.vector_store %arg10[%swap3A_1822, %swap3A_1823, %swap3A_1824], %swap3A_1827 {strides = array<i32>} : memref<2x128x128xf32, #tpu.memory_space<vmem>>, vector<1x1x16xf32>,
          %get3A_1828 = arith.constant 1 : i32
          %get3A_1829 = arith.index_cast %get3A_1828 : i32 to index
          %get3A_1830 = arith.index_cast %add3A_1771 : i32 to index
          %get3A_1831 = arith.constant 64 : index
          %get3A_1832 = tpu.vector_load %arg10[%get3A_1829, %get3A_1830, %get3A_1831] {strides = array<i32>} : memref<2x128x128xf32, #tpu.memory_space<vmem>>, vector<1x1x16xf32>,
          %get3A_1833 = vector.shape_cast %get3A_1832 : vector<1x1x16xf32> to vector<16xf32>
          %mul3A_1834 = arith.mulf %get3A_1833, %broadcast_in_dim3A_1767 : vector<16xf32>
          %swap3A_1835 = arith.constant 1 : i32
          %swap3A_1836 = arith.index_cast %swap3A_1835 : i32 to index
          %swap3A_1837 = arith.index_cast %add3A_1771 : i32 to index
          %swap3A_1838 = arith.constant 64 : index
          %swap3A_1839 = tpu.vector_load %arg10[%swap3A_1836, %swap3A_1837, %swap3A_1838] {strides = array<i32>} : memref<2x128x128xf32, #tpu.memory_space<vmem>>, vector<1x1x16xf32>,
          %swap3A_1840 = vector.shape_cast %swap3A_1839 : vector<1x1x16xf32> to vector<16xf32>
          %swap3A_1841 = vector.shape_cast %mul3A_1834 : vector<16xf32> to vector<1x1x16xf32>
          tpu.vector_store %arg10[%swap3A_1836, %swap3A_1837, %swap3A_1838], %swap3A_1841 {strides = array<i32>} : memref<2x128x128xf32, #tpu.memory_space<vmem>>, vector<1x1x16xf32>,
          %get3A_1842 = arith.constant 1 : i32
          %get3A_1843 = arith.index_cast %get3A_1842 : i32 to index
          %get3A_1844 = arith.index_cast %add3A_1771 : i32 to index
          %get3A_1845 = arith.constant 80 : index
          %get3A_1846 = tpu.vector_load %arg10[%get3A_1843, %get3A_1844, %get3A_1845] {strides = array<i32>} : memref<2x128x128xf32, #tpu.memory_space<vmem>>, vector<1x1x16xf32>,
          %get3A_1847 = vector.shape_cast %get3A_1846 : vector<1x1x16xf32> to vector<16xf32>
          %mul3A_1848 = arith.mulf %get3A_1847, %broadcast_in_dim3A_1767 : vector<16xf32>
          %swap3A_1849 = arith.constant 1 : i32
          %swap3A_1850 = arith.index_cast %swap3A_1849 : i32 to index
          %swap3A_1851 = arith.index_cast %add3A_1771 : i32 to index
          %swap3A_1852 = arith.constant 80 : index
          %swap3A_1853 = tpu.vector_load %arg10[%swap3A_1850, %swap3A_1851, %swap3A_1852] {strides = array<i32>} : memref<2x128x128xf32, #tpu.memory_space<vmem>>, vector<1x1x16xf32>,
          %swap3A_1854 = vector.shape_cast %swap3A_1853 : vector<1x1x16xf32> to vector<16xf32>
          %swap3A_1855 = vector.shape_cast %mul3A_1848 : vector<16xf32> to vector<1x1x16xf32>
          tpu.vector_store %arg10[%swap3A_1850, %swap3A_1851, %swap3A_1852], %swap3A_1855 {strides = array<i32>} : memref<2x128x128xf32, #tpu.memory_space<vmem>>, vector<1x1x16xf32>,
          %get3A_1856 = arith.constant 1 : i32
          %get3A_1857 = arith.index_cast %get3A_1856 : i32 to index
          %get3A_1858 = arith.index_cast %add3A_1771 : i32 to index
          %get3A_1859 = arith.constant 96 : index
          %get3A_1860 = tpu.vector_load %arg10[%get3A_1857, %get3A_1858, %get3A_1859] {strides = array<i32>} : memref<2x128x128xf32, #tpu.memory_space<vmem>>, vector<1x1x16xf32>,
          %get3A_1861 = vector.shape_cast %get3A_1860 : vector<1x1x16xf32> to vector<16xf32>
          %mul3A_1862 = arith.mulf %get3A_1861, %broadcast_in_dim3A_1767 : vector<16xf32>
          %swap3A_1863 = arith.constant 1 : i32
          %swap3A_1864 = arith.index_cast %swap3A_1863 : i32 to index
          %swap3A_1865 = arith.index_cast %add3A_1771 : i32 to index
          %swap3A_1866 = arith.constant 96 : index
          %swap3A_1867 = tpu.vector_load %arg10[%swap3A_1864, %swap3A_1865, %swap3A_1866] {strides = array<i32>} : memref<2x128x128xf32, #tpu.memory_space<vmem>>, vector<1x1x16xf32>,
          %swap3A_1868 = vector.shape_cast %swap3A_1867 : vector<1x1x16xf32> to vector<16xf32>
          %swap3A_1869 = vector.shape_cast %mul3A_1862 : vector<16xf32> to vector<1x1x16xf32>
          tpu.vector_store %arg10[%swap3A_1864, %swap3A_1865, %swap3A_1866], %swap3A_1869 {strides = array<i32>} : memref<2x128x128xf32, #tpu.memory_space<vmem>>, vector<1x1x16xf32>,
          %get3A_1870 = arith.constant 1 : i32
          %get3A_1871 = arith.index_cast %get3A_1870 : i32 to index
          %get3A_1872 = arith.index_cast %add3A_1771 : i32 to index
          %get3A_1873 = arith.constant 112 : index
          %get3A_1874 = tpu.vector_load %arg10[%get3A_1871, %get3A_1872, %get3A_1873] {strides = array<i32>} : memref<2x128x128xf32, #tpu.memory_space<vmem>>, vector<1x1x16xf32>,
          %get3A_1875 = vector.shape_cast %get3A_1874 : vector<1x1x16xf32> to vector<16xf32>
          %mul3A_1876 = arith.mulf %get3A_1875, %broadcast_in_dim3A_1767 : vector<16xf32>
          %swap3A_1877 = arith.constant 1 : i32
          %swap3A_1878 = arith.index_cast %swap3A_1877 : i32 to index
          %swap3A_1879 = arith.index_cast %add3A_1771 : i32 to index
          %swap3A_1880 = arith.constant 112 : index
          %swap3A_1881 = tpu.vector_load %arg10[%swap3A_1878, %swap3A_1879, %swap3A_1880] {strides = array<i32>} : memref<2x128x128xf32, #tpu.memory_space<vmem>>, vector<1x1x16xf32>,
          %swap3A_1882 = vector.shape_cast %swap3A_1881 : vector<1x1x16xf32> to vector<16xf32>
          %swap3A_1883 = vector.shape_cast %mul3A_1876 : vector<16xf32> to vector<1x1x16xf32>
          tpu.vector_store %arg10[%swap3A_1878, %swap3A_1879, %swap3A_1880], %swap3A_1883 {strides = array<i32>} : memref<2x128x128xf32, #tpu.memory_space<vmem>>, vector<1x1x16xf32>,
          %slice3A_1884 = vector.extract_strided_slice %get3A_221 {offsets = [14], sizes = [1], strides = [1]} : vector<16xf32> to vector<1xf32>
          %squeeze3A_1885 = vector.extract %slice3A_1884[0] : f32 from vector<1xf32>
          %broadcast_in_dim3A_1886 = vector.broadcast %squeeze3A_1885 : f32 to vector<16xf32>
          %mul3A_1887 = arith.constant 16 : i32
          %mul3A_1888 = arith.muli %scan3A_214, %mul3A_1887 : i32
          %add3A_1889 = arith.constant 14 : i32
          %add3A_1890 = arith.addi %mul3A_1888, %add3A_1889 : i32
          %get3A_1891 = arith.constant 1 : i32
          %get3A_1892 = arith.index_cast %get3A_1891 : i32 to index
          %get3A_1893 = arith.index_cast %add3A_1890 : i32 to index
          %get3A_1894 = arith.constant 0 : index
          %get3A_1895 = tpu.vector_load %arg10[%get3A_1892, %get3A_1893, %get3A_1894] {strides = array<i32>} : memref<2x128x128xf32, #tpu.memory_space<vmem>>, vector<1x1x16xf32>,
          %get3A_1896 = vector.shape_cast %get3A_1895 : vector<1x1x16xf32> to vector<16xf32>
          %mul3A_1897 = arith.mulf %get3A_1896, %broadcast_in_dim3A_1886 : vector<16xf32>
          %swap3A_1898 = arith.constant 1 : i32
          %swap3A_1899 = arith.index_cast %swap3A_1898 : i32 to index
          %swap3A_1900 = arith.index_cast %add3A_1890 : i32 to index
          %swap3A_1901 = arith.constant 0 : index
          %swap3A_1902 = tpu.vector_load %arg10[%swap3A_1899, %swap3A_1900, %swap3A_1901] {strides = array<i32>} : memref<2x128x128xf32, #tpu.memory_space<vmem>>, vector<1x1x16xf32>,
          %swap3A_1903 = vector.shape_cast %swap3A_1902 : vector<1x1x16xf32> to vector<16xf32>
          %swap3A_1904 = vector.shape_cast %mul3A_1897 : vector<16xf32> to vector<1x1x16xf32>
          tpu.vector_store %arg10[%swap3A_1899, %swap3A_1900, %swap3A_1901], %swap3A_1904 {strides = array<i32>} : memref<2x128x128xf32, #tpu.memory_space<vmem>>, vector<1x1x16xf32>,
          %get3A_1905 = arith.constant 1 : i32
          %get3A_1906 = arith.index_cast %get3A_1905 : i32 to index
          %get3A_1907 = arith.index_cast %add3A_1890 : i32 to index
          %get3A_1908 = arith.constant 16 : index
          %get3A_1909 = tpu.vector_load %arg10[%get3A_1906, %get3A_1907, %get3A_1908] {strides = array<i32>} : memref<2x128x128xf32, #tpu.memory_space<vmem>>, vector<1x1x16xf32>,
          %get3A_1910 = vector.shape_cast %get3A_1909 : vector<1x1x16xf32> to vector<16xf32>
          %mul3A_1911 = arith.mulf %get3A_1910, %broadcast_in_dim3A_1886 : vector<16xf32>
          %swap3A_1912 = arith.constant 1 : i32
          %swap3A_1913 = arith.index_cast %swap3A_1912 : i32 to index
          %swap3A_1914 = arith.index_cast %add3A_1890 : i32 to index
          %swap3A_1915 = arith.constant 16 : index
          %swap3A_1916 = tpu.vector_load %arg10[%swap3A_1913, %swap3A_1914, %swap3A_1915] {strides = array<i32>} : memref<2x128x128xf32, #tpu.memory_space<vmem>>, vector<1x1x16xf32>,
          %swap3A_1917 = vector.shape_cast %swap3A_1916 : vector<1x1x16xf32> to vector<16xf32>
          %swap3A_1918 = vector.shape_cast %mul3A_1911 : vector<16xf32> to vector<1x1x16xf32>
          tpu.vector_store %arg10[%swap3A_1913, %swap3A_1914, %swap3A_1915], %swap3A_1918 {strides = array<i32>} : memref<2x128x128xf32, #tpu.memory_space<vmem>>, vector<1x1x16xf32>,
          %get3A_1919 = arith.constant 1 : i32
          %get3A_1920 = arith.index_cast %get3A_1919 : i32 to index
          %get3A_1921 = arith.index_cast %add3A_1890 : i32 to index
          %get3A_1922 = arith.constant 32 : index
          %get3A_1923 = tpu.vector_load %arg10[%get3A_1920, %get3A_1921, %get3A_1922] {strides = array<i32>} : memref<2x128x128xf32, #tpu.memory_space<vmem>>, vector<1x1x16xf32>,
          %get3A_1924 = vector.shape_cast %get3A_1923 : vector<1x1x16xf32> to vector<16xf32>
          %mul3A_1925 = arith.mulf %get3A_1924, %broadcast_in_dim3A_1886 : vector<16xf32>
          %swap3A_1926 = arith.constant 1 : i32
          %swap3A_1927 = arith.index_cast %swap3A_1926 : i32 to index
          %swap3A_1928 = arith.index_cast %add3A_1890 : i32 to index
          %swap3A_1929 = arith.constant 32 : index
          %swap3A_1930 = tpu.vector_load %arg10[%swap3A_1927, %swap3A_1928, %swap3A_1929] {strides = array<i32>} : memref<2x128x128xf32, #tpu.memory_space<vmem>>, vector<1x1x16xf32>,
          %swap3A_1931 = vector.shape_cast %swap3A_1930 : vector<1x1x16xf32> to vector<16xf32>
          %swap3A_1932 = vector.shape_cast %mul3A_1925 : vector<16xf32> to vector<1x1x16xf32>
          tpu.vector_store %arg10[%swap3A_1927, %swap3A_1928, %swap3A_1929], %swap3A_1932 {strides = array<i32>} : memref<2x128x128xf32, #tpu.memory_space<vmem>>, vector<1x1x16xf32>,
          %get3A_1933 = arith.constant 1 : i32
          %get3A_1934 = arith.index_cast %get3A_1933 : i32 to index
          %get3A_1935 = arith.index_cast %add3A_1890 : i32 to index
          %get3A_1936 = arith.constant 48 : index
          %get3A_1937 = tpu.vector_load %arg10[%get3A_1934, %get3A_1935, %get3A_1936] {strides = array<i32>} : memref<2x128x128xf32, #tpu.memory_space<vmem>>, vector<1x1x16xf32>,
          %get3A_1938 = vector.shape_cast %get3A_1937 : vector<1x1x16xf32> to vector<16xf32>
          %mul3A_1939 = arith.mulf %get3A_1938, %broadcast_in_dim3A_1886 : vector<16xf32>
          %swap3A_1940 = arith.constant 1 : i32
          %swap3A_1941 = arith.index_cast %swap3A_1940 : i32 to index
          %swap3A_1942 = arith.index_cast %add3A_1890 : i32 to index
          %swap3A_1943 = arith.constant 48 : index
          %swap3A_1944 = tpu.vector_load %arg10[%swap3A_1941, %swap3A_1942, %swap3A_1943] {strides = array<i32>} : memref<2x128x128xf32, #tpu.memory_space<vmem>>, vector<1x1x16xf32>,
          %swap3A_1945 = vector.shape_cast %swap3A_1944 : vector<1x1x16xf32> to vector<16xf32>
          %swap3A_1946 = vector.shape_cast %mul3A_1939 : vector<16xf32> to vector<1x1x16xf32>
          tpu.vector_store %arg10[%swap3A_1941, %swap3A_1942, %swap3A_1943], %swap3A_1946 {strides = array<i32>} : memref<2x128x128xf32, #tpu.memory_space<vmem>>, vector<1x1x16xf32>,
          %get3A_1947 = arith.constant 1 : i32
          %get3A_1948 = arith.index_cast %get3A_1947 : i32 to index
          %get3A_1949 = arith.index_cast %add3A_1890 : i32 to index
          %get3A_1950 = arith.constant 64 : index
          %get3A_1951 = tpu.vector_load %arg10[%get3A_1948, %get3A_1949, %get3A_1950] {strides = array<i32>} : memref<2x128x128xf32, #tpu.memory_space<vmem>>, vector<1x1x16xf32>,
          %get3A_1952 = vector.shape_cast %get3A_1951 : vector<1x1x16xf32> to vector<16xf32>
          %mul3A_1953 = arith.mulf %get3A_1952, %broadcast_in_dim3A_1886 : vector<16xf32>
          %swap3A_1954 = arith.constant 1 : i32
          %swap3A_1955 = arith.index_cast %swap3A_1954 : i32 to index
          %swap3A_1956 = arith.index_cast %add3A_1890 : i32 to index
          %swap3A_1957 = arith.constant 64 : index
          %swap3A_1958 = tpu.vector_load %arg10[%swap3A_1955, %swap3A_1956, %swap3A_1957] {strides = array<i32>} : memref<2x128x128xf32, #tpu.memory_space<vmem>>, vector<1x1x16xf32>,
          %swap3A_1959 = vector.shape_cast %swap3A_1958 : vector<1x1x16xf32> to vector<16xf32>
          %swap3A_1960 = vector.shape_cast %mul3A_1953 : vector<16xf32> to vector<1x1x16xf32>
          tpu.vector_store %arg10[%swap3A_1955, %swap3A_1956, %swap3A_1957], %swap3A_1960 {strides = array<i32>} : memref<2x128x128xf32, #tpu.memory_space<vmem>>, vector<1x1x16xf32>,
          %get3A_1961 = arith.constant 1 : i32
          %get3A_1962 = arith.index_cast %get3A_1961 : i32 to index
          %get3A_1963 = arith.index_cast %add3A_1890 : i32 to index
          %get3A_1964 = arith.constant 80 : index
          %get3A_1965 = tpu.vector_load %arg10[%get3A_1962, %get3A_1963, %get3A_1964] {strides = array<i32>} : memref<2x128x128xf32, #tpu.memory_space<vmem>>, vector<1x1x16xf32>,
          %get3A_1966 = vector.shape_cast %get3A_1965 : vector<1x1x16xf32> to vector<16xf32>
          %mul3A_1967 = arith.mulf %get3A_1966, %broadcast_in_dim3A_1886 : vector<16xf32>
          %swap3A_1968 = arith.constant 1 : i32
          %swap3A_1969 = arith.index_cast %swap3A_1968 : i32 to index
          %swap3A_1970 = arith.index_cast %add3A_1890 : i32 to index
          %swap3A_1971 = arith.constant 80 : index
          %swap3A_1972 = tpu.vector_load %arg10[%swap3A_1969, %swap3A_1970, %swap3A_1971] {strides = array<i32>} : memref<2x128x128xf32, #tpu.memory_space<vmem>>, vector<1x1x16xf32>,
          %swap3A_1973 = vector.shape_cast %swap3A_1972 : vector<1x1x16xf32> to vector<16xf32>
          %swap3A_1974 = vector.shape_cast %mul3A_1967 : vector<16xf32> to vector<1x1x16xf32>
          tpu.vector_store %arg10[%swap3A_1969, %swap3A_1970, %swap3A_1971], %swap3A_1974 {strides = array<i32>} : memref<2x128x128xf32, #tpu.memory_space<vmem>>, vector<1x1x16xf32>,
          %get3A_1975 = arith.constant 1 : i32
          %get3A_1976 = arith.index_cast %get3A_1975 : i32 to index
          %get3A_1977 = arith.index_cast %add3A_1890 : i32 to index
          %get3A_1978 = arith.constant 96 : index
          %get3A_1979 = tpu.vector_load %arg10[%get3A_1976, %get3A_1977, %get3A_1978] {strides = array<i32>} : memref<2x128x128xf32, #tpu.memory_space<vmem>>, vector<1x1x16xf32>,
          %get3A_1980 = vector.shape_cast %get3A_1979 : vector<1x1x16xf32> to vector<16xf32>
          %mul3A_1981 = arith.mulf %get3A_1980, %broadcast_in_dim3A_1886 : vector<16xf32>
          %swap3A_1982 = arith.constant 1 : i32
          %swap3A_1983 = arith.index_cast %swap3A_1982 : i32 to index
          %swap3A_1984 = arith.index_cast %add3A_1890 : i32 to index
          %swap3A_1985 = arith.constant 96 : index
          %swap3A_1986 = tpu.vector_load %arg10[%swap3A_1983, %swap3A_1984, %swap3A_1985] {strides = array<i32>} : memref<2x128x128xf32, #tpu.memory_space<vmem>>, vector<1x1x16xf32>,
          %swap3A_1987 = vector.shape_cast %swap3A_1986 : vector<1x1x16xf32> to vector<16xf32>
          %swap3A_1988 = vector.shape_cast %mul3A_1981 : vector<16xf32> to vector<1x1x16xf32>
          tpu.vector_store %arg10[%swap3A_1983, %swap3A_1984, %swap3A_1985], %swap3A_1988 {strides = array<i32>} : memref<2x128x128xf32, #tpu.memory_space<vmem>>, vector<1x1x16xf32>,
          %get3A_1989 = arith.constant 1 : i32
          %get3A_1990 = arith.index_cast %get3A_1989 : i32 to index
          %get3A_1991 = arith.index_cast %add3A_1890 : i32 to index
          %get3A_1992 = arith.constant 112 : index
          %get3A_1993 = tpu.vector_load %arg10[%get3A_1990, %get3A_1991, %get3A_1992] {strides = array<i32>} : memref<2x128x128xf32, #tpu.memory_space<vmem>>, vector<1x1x16xf32>,
          %get3A_1994 = vector.shape_cast %get3A_1993 : vector<1x1x16xf32> to vector<16xf32>
          %mul3A_1995 = arith.mulf %get3A_1994, %broadcast_in_dim3A_1886 : vector<16xf32>
          %swap3A_1996 = arith.constant 1 : i32
          %swap3A_1997 = arith.index_cast %swap3A_1996 : i32 to index
          %swap3A_1998 = arith.index_cast %add3A_1890 : i32 to index
          %swap3A_1999 = arith.constant 112 : index
          %swap3A_2000 = tpu.vector_load %arg10[%swap3A_1997, %swap3A_1998, %swap3A_1999] {strides = array<i32>} : memref<2x128x128xf32, #tpu.memory_space<vmem>>, vector<1x1x16xf32>,
          %swap3A_2001 = vector.shape_cast %swap3A_2000 : vector<1x1x16xf32> to vector<16xf32>
          %swap3A_2002 = vector.shape_cast %mul3A_1995 : vector<16xf32> to vector<1x1x16xf32>
          tpu.vector_store %arg10[%swap3A_1997, %swap3A_1998, %swap3A_1999], %swap3A_2002 {strides = array<i32>} : memref<2x128x128xf32, #tpu.memory_space<vmem>>, vector<1x1x16xf32>,
          %slice3A_2003 = vector.extract_strided_slice %get3A_221 {offsets = [15], sizes = [1], strides = [1]} : vector<16xf32> to vector<1xf32>
          %squeeze3A_2004 = vector.extract %slice3A_2003[0] : f32 from vector<1xf32>
          %broadcast_in_dim3A_2005 = vector.broadcast %squeeze3A_2004 : f32 to vector<16xf32>
          %mul3A_2006 = arith.constant 16 : i32
          %mul3A_2007 = arith.muli %scan3A_214, %mul3A_2006 : i32
          %add3A_2008 = arith.constant 15 : i32
          %add3A_2009 = arith.addi %mul3A_2007, %add3A_2008 : i32
          %get3A_2010 = arith.constant 1 : i32
          %get3A_2011 = arith.index_cast %get3A_2010 : i32 to index
          %get3A_2012 = arith.index_cast %add3A_2009 : i32 to index
          %get3A_2013 = arith.constant 0 : index
          %get3A_2014 = tpu.vector_load %arg10[%get3A_2011, %get3A_2012, %get3A_2013] {strides = array<i32>} : memref<2x128x128xf32, #tpu.memory_space<vmem>>, vector<1x1x16xf32>,
          %get3A_2015 = vector.shape_cast %get3A_2014 : vector<1x1x16xf32> to vector<16xf32>
          %mul3A_2016 = arith.mulf %get3A_2015, %broadcast_in_dim3A_2005 : vector<16xf32>
          %swap3A_2017 = arith.constant 1 : i32
          %swap3A_2018 = arith.index_cast %swap3A_2017 : i32 to index
          %swap3A_2019 = arith.index_cast %add3A_2009 : i32 to index
          %swap3A_2020 = arith.constant 0 : index
          %swap3A_2021 = tpu.vector_load %arg10[%swap3A_2018, %swap3A_2019, %swap3A_2020] {strides = array<i32>} : memref<2x128x128xf32, #tpu.memory_space<vmem>>, vector<1x1x16xf32>,
          %swap3A_2022 = vector.shape_cast %swap3A_2021 : vector<1x1x16xf32> to vector<16xf32>
          %swap3A_2023 = vector.shape_cast %mul3A_2016 : vector<16xf32> to vector<1x1x16xf32>
          tpu.vector_store %arg10[%swap3A_2018, %swap3A_2019, %swap3A_2020], %swap3A_2023 {strides = array<i32>} : memref<2x128x128xf32, #tpu.memory_space<vmem>>, vector<1x1x16xf32>,
          %get3A_2024 = arith.constant 1 : i32
          %get3A_2025 = arith.index_cast %get3A_2024 : i32 to index
          %get3A_2026 = arith.index_cast %add3A_2009 : i32 to index
          %get3A_2027 = arith.constant 16 : index
          %get3A_2028 = tpu.vector_load %arg10[%get3A_2025, %get3A_2026, %get3A_2027] {strides = array<i32>} : memref<2x128x128xf32, #tpu.memory_space<vmem>>, vector<1x1x16xf32>,
          %get3A_2029 = vector.shape_cast %get3A_2028 : vector<1x1x16xf32> to vector<16xf32>
          %mul3A_2030 = arith.mulf %get3A_2029, %broadcast_in_dim3A_2005 : vector<16xf32>
          %swap3A_2031 = arith.constant 1 : i32
          %swap3A_2032 = arith.index_cast %swap3A_2031 : i32 to index
          %swap3A_2033 = arith.index_cast %add3A_2009 : i32 to index
          %swap3A_2034 = arith.constant 16 : index
          %swap3A_2035 = tpu.vector_load %arg10[%swap3A_2032, %swap3A_2033, %swap3A_2034] {strides = array<i32>} : memref<2x128x128xf32, #tpu.memory_space<vmem>>, vector<1x1x16xf32>,
          %swap3A_2036 = vector.shape_cast %swap3A_2035 : vector<1x1x16xf32> to vector<16xf32>
          %swap3A_2037 = vector.shape_cast %mul3A_2030 : vector<16xf32> to vector<1x1x16xf32>
          tpu.vector_store %arg10[%swap3A_2032, %swap3A_2033, %swap3A_2034], %swap3A_2037 {strides = array<i32>} : memref<2x128x128xf32, #tpu.memory_space<vmem>>, vector<1x1x16xf32>,
          %get3A_2038 = arith.constant 1 : i32
          %get3A_2039 = arith.index_cast %get3A_2038 : i32 to index
          %get3A_2040 = arith.index_cast %add3A_2009 : i32 to index
          %get3A_2041 = arith.constant 32 : index
          %get3A_2042 = tpu.vector_load %arg10[%get3A_2039, %get3A_2040, %get3A_2041] {strides = array<i32>} : memref<2x128x128xf32, #tpu.memory_space<vmem>>, vector<1x1x16xf32>,
          %get3A_2043 = vector.shape_cast %get3A_2042 : vector<1x1x16xf32> to vector<16xf32>
          %mul3A_2044 = arith.mulf %get3A_2043, %broadcast_in_dim3A_2005 : vector<16xf32>
          %swap3A_2045 = arith.constant 1 : i32
          %swap3A_2046 = arith.index_cast %swap3A_2045 : i32 to index
          %swap3A_2047 = arith.index_cast %add3A_2009 : i32 to index
          %swap3A_2048 = arith.constant 32 : index
          %swap3A_2049 = tpu.vector_load %arg10[%swap3A_2046, %swap3A_2047, %swap3A_2048] {strides = array<i32>} : memref<2x128x128xf32, #tpu.memory_space<vmem>>, vector<1x1x16xf32>,
          %swap3A_2050 = vector.shape_cast %swap3A_2049 : vector<1x1x16xf32> to vector<16xf32>
          %swap3A_2051 = vector.shape_cast %mul3A_2044 : vector<16xf32> to vector<1x1x16xf32>
          tpu.vector_store %arg10[%swap3A_2046, %swap3A_2047, %swap3A_2048], %swap3A_2051 {strides = array<i32>} : memref<2x128x128xf32, #tpu.memory_space<vmem>>, vector<1x1x16xf32>,
          %get3A_2052 = arith.constant 1 : i32
          %get3A_2053 = arith.index_cast %get3A_2052 : i32 to index
          %get3A_2054 = arith.index_cast %add3A_2009 : i32 to index
          %get3A_2055 = arith.constant 48 : index
          %get3A_2056 = tpu.vector_load %arg10[%get3A_2053, %get3A_2054, %get3A_2055] {strides = array<i32>} : memref<2x128x128xf32, #tpu.memory_space<vmem>>, vector<1x1x16xf32>,
          %get3A_2057 = vector.shape_cast %get3A_2056 : vector<1x1x16xf32> to vector<16xf32>
          %mul3A_2058 = arith.mulf %get3A_2057, %broadcast_in_dim3A_2005 : vector<16xf32>
          %swap3A_2059 = arith.constant 1 : i32
          %swap3A_2060 = arith.index_cast %swap3A_2059 : i32 to index
          %swap3A_2061 = arith.index_cast %add3A_2009 : i32 to index
          %swap3A_2062 = arith.constant 48 : index
          %swap3A_2063 = tpu.vector_load %arg10[%swap3A_2060, %swap3A_2061, %swap3A_2062] {strides = array<i32>} : memref<2x128x128xf32, #tpu.memory_space<vmem>>, vector<1x1x16xf32>,
          %swap3A_2064 = vector.shape_cast %swap3A_2063 : vector<1x1x16xf32> to vector<16xf32>
          %swap3A_2065 = vector.shape_cast %mul3A_2058 : vector<16xf32> to vector<1x1x16xf32>
          tpu.vector_store %arg10[%swap3A_2060, %swap3A_2061, %swap3A_2062], %swap3A_2065 {strides = array<i32>} : memref<2x128x128xf32, #tpu.memory_space<vmem>>, vector<1x1x16xf32>,
          %get3A_2066 = arith.constant 1 : i32
          %get3A_2067 = arith.index_cast %get3A_2066 : i32 to index
          %get3A_2068 = arith.index_cast %add3A_2009 : i32 to index
          %get3A_2069 = arith.constant 64 : index
          %get3A_2070 = tpu.vector_load %arg10[%get3A_2067, %get3A_2068, %get3A_2069] {strides = array<i32>} : memref<2x128x128xf32, #tpu.memory_space<vmem>>, vector<1x1x16xf32>,
          %get3A_2071 = vector.shape_cast %get3A_2070 : vector<1x1x16xf32> to vector<16xf32>
          %mul3A_2072 = arith.mulf %get3A_2071, %broadcast_in_dim3A_2005 : vector<16xf32>
          %swap3A_2073 = arith.constant 1 : i32
          %swap3A_2074 = arith.index_cast %swap3A_2073 : i32 to index
          %swap3A_2075 = arith.index_cast %add3A_2009 : i32 to index
          %swap3A_2076 = arith.constant 64 : index
          %swap3A_2077 = tpu.vector_load %arg10[%swap3A_2074, %swap3A_2075, %swap3A_2076] {strides = array<i32>} : memref<2x128x128xf32, #tpu.memory_space<vmem>>, vector<1x1x16xf32>,
          %swap3A_2078 = vector.shape_cast %swap3A_2077 : vector<1x1x16xf32> to vector<16xf32>
          %swap3A_2079 = vector.shape_cast %mul3A_2072 : vector<16xf32> to vector<1x1x16xf32>
          tpu.vector_store %arg10[%swap3A_2074, %swap3A_2075, %swap3A_2076], %swap3A_2079 {strides = array<i32>} : memref<2x128x128xf32, #tpu.memory_space<vmem>>, vector<1x1x16xf32>,
          %get3A_2080 = arith.constant 1 : i32
          %get3A_2081 = arith.index_cast %get3A_2080 : i32 to index
          %get3A_2082 = arith.index_cast %add3A_2009 : i32 to index
          %get3A_2083 = arith.constant 80 : index
          %get3A_2084 = tpu.vector_load %arg10[%get3A_2081, %get3A_2082, %get3A_2083] {strides = array<i32>} : memref<2x128x128xf32, #tpu.memory_space<vmem>>, vector<1x1x16xf32>,
          %get3A_2085 = vector.shape_cast %get3A_2084 : vector<1x1x16xf32> to vector<16xf32>
          %mul3A_2086 = arith.mulf %get3A_2085, %broadcast_in_dim3A_2005 : vector<16xf32>
          %swap3A_2087 = arith.constant 1 : i32
          %swap3A_2088 = arith.index_cast %swap3A_2087 : i32 to index
          %swap3A_2089 = arith.index_cast %add3A_2009 : i32 to index
          %swap3A_2090 = arith.constant 80 : index
          %swap3A_2091 = tpu.vector_load %arg10[%swap3A_2088, %swap3A_2089, %swap3A_2090] {strides = array<i32>} : memref<2x128x128xf32, #tpu.memory_space<vmem>>, vector<1x1x16xf32>,
          %swap3A_2092 = vector.shape_cast %swap3A_2091 : vector<1x1x16xf32> to vector<16xf32>
          %swap3A_2093 = vector.shape_cast %mul3A_2086 : vector<16xf32> to vector<1x1x16xf32>
          tpu.vector_store %arg10[%swap3A_2088, %swap3A_2089, %swap3A_2090], %swap3A_2093 {strides = array<i32>} : memref<2x128x128xf32, #tpu.memory_space<vmem>>, vector<1x1x16xf32>,
          %get3A_2094 = arith.constant 1 : i32
          %get3A_2095 = arith.index_cast %get3A_2094 : i32 to index
          %get3A_2096 = arith.index_cast %add3A_2009 : i32 to index
          %get3A_2097 = arith.constant 96 : index
          %get3A_2098 = tpu.vector_load %arg10[%get3A_2095, %get3A_2096, %get3A_2097] {strides = array<i32>} : memref<2x128x128xf32, #tpu.memory_space<vmem>>, vector<1x1x16xf32>,
          %get3A_2099 = vector.shape_cast %get3A_2098 : vector<1x1x16xf32> to vector<16xf32>
          %mul3A_2100 = arith.mulf %get3A_2099, %broadcast_in_dim3A_2005 : vector<16xf32>
          %swap3A_2101 = arith.constant 1 : i32
          %swap3A_2102 = arith.index_cast %swap3A_2101 : i32 to index
          %swap3A_2103 = arith.index_cast %add3A_2009 : i32 to index
          %swap3A_2104 = arith.constant 96 : index
          %swap3A_2105 = tpu.vector_load %arg10[%swap3A_2102, %swap3A_2103, %swap3A_2104] {strides = array<i32>} : memref<2x128x128xf32, #tpu.memory_space<vmem>>, vector<1x1x16xf32>,
          %swap3A_2106 = vector.shape_cast %swap3A_2105 : vector<1x1x16xf32> to vector<16xf32>
          %swap3A_2107 = vector.shape_cast %mul3A_2100 : vector<16xf32> to vector<1x1x16xf32>
          tpu.vector_store %arg10[%swap3A_2102, %swap3A_2103, %swap3A_2104], %swap3A_2107 {strides = array<i32>} : memref<2x128x128xf32, #tpu.memory_space<vmem>>, vector<1x1x16xf32>,
          %get3A_2108 = arith.constant 1 : i32
          %get3A_2109 = arith.index_cast %get3A_2108 : i32 to index
          %get3A_2110 = arith.index_cast %add3A_2009 : i32 to index
          %get3A_2111 = arith.constant 112 : index
          %get3A_2112 = tpu.vector_load %arg10[%get3A_2109, %get3A_2110, %get3A_2111] {strides = array<i32>} : memref<2x128x128xf32, #tpu.memory_space<vmem>>, vector<1x1x16xf32>,
          %get3A_2113 = vector.shape_cast %get3A_2112 : vector<1x1x16xf32> to vector<16xf32>
          %mul3A_2114 = arith.mulf %get3A_2113, %broadcast_in_dim3A_2005 : vector<16xf32>
          %swap3A_2115 = arith.constant 1 : i32
          %swap3A_2116 = arith.index_cast %swap3A_2115 : i32 to index
          %swap3A_2117 = arith.index_cast %add3A_2009 : i32 to index
          %swap3A_2118 = arith.constant 112 : index
          %swap3A_2119 = tpu.vector_load %arg10[%swap3A_2116, %swap3A_2117, %swap3A_2118] {strides = array<i32>} : memref<2x128x128xf32, #tpu.memory_space<vmem>>, vector<1x1x16xf32>,
          %swap3A_2120 = vector.shape_cast %swap3A_2119 : vector<1x1x16xf32> to vector<16xf32>
          %swap3A_2121 = vector.shape_cast %mul3A_2114 : vector<16xf32> to vector<1x1x16xf32>
          tpu.vector_store %arg10[%swap3A_2116, %swap3A_2117, %swap3A_2118], %swap3A_2121 {strides = array<i32>} : memref<2x128x128xf32, #tpu.memory_space<vmem>>, vector<1x1x16xf32>,
        }
        %scan3A_165 = arith.constant 8 : i32
        %dma_start3A_166 = arith.constant 1 : i32
        %dma_start3A_167 = arith.constant 0 : i32
        %dma_start3A_168 = arith.constant 0 : i32
        %dma_start3A_169 = arith.constant 0 : i32
        %dma_start3A_170 = tpu.memref_slice %arg10[%dma_start3A_166, %dma_start3A_168, %dma_start3A_169] : memref<2x128x128xf32, #tpu.memory_space<vmem>> -> memref<1x128x128xf32, #tpu.memory_space<vmem>>
        %dma_start3A_171 = tpu.memref_squeeze %dma_start3A_170 : memref<1x128x128xf32, #tpu.memory_space<vmem>> -> memref<128x128xf32, #tpu.memory_space<vmem>>
        %dma_start3A_172 = arith.constant 0 : i32
        %dma_start3A_173 = arith.constant 0 : i32
        %dma_start3A_174 = tpu.memref_slice %arg8[%dma_start3A_167, %dma_start3A_172, %dma_start3A_173] : memref<1x8x128xi32, #tpu.memory_space<vmem>> -> memref<1x8x128xi32, #tpu.memory_space<vmem>>
        %dma_start3A_175 = tpu.memref_squeeze %dma_start3A_174 : memref<1x8x128xi32, #tpu.memory_space<vmem>> -> memref<8x128xi32, #tpu.memory_space<vmem>>
        %dma_start3A_176 = arith.constant 0 : i32
        %dma_start3A_177 = tpu.memref_slice %dma_start3A_175[%add3A_75, %dma_start3A_176] : memref<8x128xi32, #tpu.memory_space<vmem>> -> memref<1x128xi32, #tpu.memory_space<vmem>>
        %dma_start3A_178 = tpu.memref_squeeze %dma_start3A_177 : memref<1x128xi32, #tpu.memory_space<vmem>> -> memref<128xi32, #tpu.memory_space<vmem>>
        %dma_start3A_179 = arith.constant 0 : i32
        %dma_start3A_180 = arith.constant 0 : i32
        %dma_start3A_181 = tpu.memref_slice %arg11[%dma_start3A_179, %dma_start3A_180] : memref<10240x128xf32, #tpu.memory_space<vmem_shared>> -> memref<10240x128xf32, #tpu.memory_space<vmem_shared>>
        tpu.enqueue_indirect_dma source(%dma_start3A_171 : memref<128x128xf32, #tpu.memory_space<vmem>>) target(%dma_start3A_181 : memref<10240x128xf32, #tpu.memory_space<vmem_shared>>) offsets(%dma_start3A_178 : memref<128xi32, #tpu.memory_space<vmem>>) semaphore(%arg15 : memref<!tpu.dma_semaphore, #tpu.memory_space<semaphore_mem>>) {add = true}
        %dma_wait3A_182 = arith.constant 0 : i32
        %dma_wait3A_183 = arith.constant 0 : i32
        %dma_wait3A_184 = arith.constant 0 : i32
        %dma_wait3A_185 = arith.constant 0 : i32
        %dma_wait3A_186 = tpu.memref_slice %arg10[%dma_wait3A_182, %dma_wait3A_184, %dma_wait3A_185] : memref<2x128x128xf32, #tpu.memory_space<vmem>> -> memref<1x128x128xf32, #tpu.memory_space<vmem>>
        %dma_wait3A_187 = tpu.memref_squeeze %dma_wait3A_186 : memref<1x128x128xf32, #tpu.memory_space<vmem>> -> memref<128x128xf32, #tpu.memory_space<vmem>>
        %dma_wait3A_188 = arith.constant 0 : i32
        %dma_wait3A_189 = arith.constant 0 : i32
        %dma_wait3A_190 = tpu.memref_slice %arg8[%dma_wait3A_183, %dma_wait3A_188, %dma_wait3A_189] : memref<1x8x128xi32, #tpu.memory_space<vmem>> -> memref<1x8x128xi32, #tpu.memory_space<vmem>>
        %dma_wait3A_191 = tpu.memref_squeeze %dma_wait3A_190 : memref<1x8x128xi32, #tpu.memory_space<vmem>> -> memref<8x128xi32, #tpu.memory_space<vmem>>
        %dma_wait3A_192 = arith.constant 0 : i32
        %dma_wait3A_193 = tpu.memref_slice %dma_wait3A_191[%mul3A_71, %dma_wait3A_192] : memref<8x128xi32, #tpu.memory_space<vmem>> -> memref<1x128xi32, #tpu.memory_space<vmem>>
        %dma_wait3A_194 = tpu.memref_squeeze %dma_wait3A_193 : memref<1x128xi32, #tpu.memory_space<vmem>> -> memref<128xi32, #tpu.memory_space<vmem>>
        %dma_wait3A_195 = arith.constant 0 : i32
        %dma_wait3A_196 = arith.constant 0 : i32
        %dma_wait3A_197 = tpu.memref_slice %arg11[%dma_wait3A_195, %dma_wait3A_196] : memref<10240x128xf32, #tpu.memory_space<vmem_shared>> -> memref<10240x128xf32, #tpu.memory_space<vmem_shared>>
        tpu.wait_indirect_dma semaphore(%arg14 : memref<!tpu.dma_semaphore, #tpu.memory_space<semaphore_mem>>) src(%dma_wait3A_187 : memref<128x128xf32, #tpu.memory_space<vmem>>) dst(%dma_wait3A_197 : memref<10240x128xf32, #tpu.memory_space<vmem_shared>>)
        %dma_wait3A_198 = arith.constant 1 : i32
        %dma_wait3A_199 = arith.constant 0 : i32
        %dma_wait3A_200 = arith.constant 0 : i32
        %dma_wait3A_201 = arith.constant 0 : i32
        %dma_wait3A_202 = tpu.memref_slice %arg10[%dma_wait3A_198, %dma_wait3A_200, %dma_wait3A_201] : memref<2x128x128xf32, #tpu.memory_space<vmem>> -> memref<1x128x128xf32, #tpu.memory_space<vmem>>
        %dma_wait3A_203 = tpu.memref_squeeze %dma_wait3A_202 : memref<1x128x128xf32, #tpu.memory_space<vmem>> -> memref<128x128xf32, #tpu.memory_space<vmem>>
        %dma_wait3A_204 = arith.constant 0 : i32
        %dma_wait3A_205 = arith.constant 0 : i32
        %dma_wait3A_206 = tpu.memref_slice %arg8[%dma_wait3A_199, %dma_wait3A_204, %dma_wait3A_205] : memref<1x8x128xi32, #tpu.memory_space<vmem>> -> memref<1x8x128xi32, #tpu.memory_space<vmem>>
        %dma_wait3A_207 = tpu.memref_squeeze %dma_wait3A_206 : memref<1x8x128xi32, #tpu.memory_space<vmem>> -> memref<8x128xi32, #tpu.memory_space<vmem>>
        %dma_wait3A_208 = arith.constant 0 : i32
        %dma_wait3A_209 = tpu.memref_slice %dma_wait3A_207[%add3A_75, %dma_wait3A_208] : memref<8x128xi32, #tpu.memory_space<vmem>> -> memref<1x128xi32, #tpu.memory_space<vmem>>
        %dma_wait3A_210 = tpu.memref_squeeze %dma_wait3A_209 : memref<1x128xi32, #tpu.memory_space<vmem>> -> memref<128xi32, #tpu.memory_space<vmem>>
        %dma_wait3A_211 = arith.constant 0 : i32
        %dma_wait3A_212 = arith.constant 0 : i32
        %dma_wait3A_213 = tpu.memref_slice %arg11[%dma_wait3A_211, %dma_wait3A_212] : memref<10240x128xf32, #tpu.memory_space<vmem_shared>> -> memref<10240x128xf32, #tpu.memory_space<vmem_shared>>
        tpu.wait_indirect_dma semaphore(%arg15 : memref<!tpu.dma_semaphore, #tpu.memory_space<semaphore_mem>>) src(%dma_wait3A_203 : memref<128x128xf32, #tpu.memory_space<vmem>>) dst(%dma_wait3A_213 : memref<10240x128xf32, #tpu.memory_space<vmem_shared>>)
      }
      %scan3A_68 = arith.constant 4 : i32
    }
    %scan3A_35 = arith.constant 10 : i32
    %barrier3A_36 = arith.constant 0 : index
    tpu.barrier barrier_id(%barrier3A_36)
    %mul3A_37 = arith.constant 640 : i32
    %mul3A_38 = arith.muli %arg1, %mul3A_37 : i32
    %add3A_39 = arith.constant 0 : i32
    %add3A_40 = arith.addi %mul3A_38, %add3A_39 : i32
    "tpu.region"() ({
      %run_scoped3A_57 = tpu.sem_alloc : memref<!tpu.dma_semaphore, #tpu.memory_space<semaphore_mem>>
      %dma_start3A = arith.constant 0 : i32
      %dma_start3A_58 = arith.constant 0 : i32
      %dma_start3A_59 = tpu.memref_slice %arg6[%arg0, %dma_start3A, %dma_start3A_58] : memref<2x10240x128xf32, #tpu.memory_space<hbm>> -> memref<1x10240x128xf32, #tpu.memory_space<hbm>>
      %dma_start3A_60 = tpu.memref_squeeze %dma_start3A_59 : memref<1x10240x128xf32, #tpu.memory_space<hbm>> -> memref<10240x128xf32, #tpu.memory_space<hbm>>
      %dma_start3A_61 = arith.constant 0 : i32
      %dma_start3A_62 = tpu.memref_slice %dma_start3A_60[%add3A_40, %dma_start3A_61] : memref<10240x128xf32, #tpu.memory_space<hbm>> -> memref<128x128xf32, #tpu.memory_space<hbm>>
      %dma_start3A_63 = arith.constant 0 : i32
      %dma_start3A_64 = tpu.memref_slice %arg11[%add3A_40, %dma_start3A_63] : memref<10240x128xf32, #tpu.memory_space<vmem_shared>> -> memref<128x128xf32, #tpu.memory_space<vmem_shared>>
      tpu.enqueue_dma source(%dma_start3A_64 : memref<128x128xf32, #tpu.memory_space<vmem_shared>>) target(%dma_start3A_62 : memref<128x128xf32, #tpu.memory_space<hbm>>) target_semaphore(%run_scoped3A_57 : memref<!tpu.dma_semaphore, #tpu.memory_space<semaphore_mem>>)
      %dma_wait3A = arith.constant 0 : i32
      %dma_wait3A_65 = arith.constant 0 : i32
      %dma_wait3A_66 = tpu.memref_slice %arg6[%arg0, %dma_wait3A, %dma_wait3A_65] : memref<2x10240x128xf32, #tpu.memory_space<hbm>> -> memref<1x10240x128xf32, #tpu.memory_space<hbm>>
      %dma_wait3A_67 = tpu.memref_squeeze %dma_wait3A_66 : memref<1x10240x128xf32, #tpu.memory_space<hbm>> -> memref<10240x128xf32, #tpu.memory_space<hbm>>
      %dma_wait3A_68 = arith.constant 0 : i32
      %dma_wait3A_69 = tpu.memref_slice %dma_wait3A_67[%add3A_40, %dma_wait3A_68] : memref<10240x128xf32, #tpu.memory_space<hbm>> -> memref<128x128xf32, #tpu.memory_space<hbm>>
      %dma_wait3A_70 = arith.constant 0 : i32
      %dma_wait3A_71 = tpu.memref_slice %arg11[%add3A_40, %dma_wait3A_70] : memref<10240x128xf32, #tpu.memory_space<vmem_shared>> -> memref<128x128xf32, #tpu.memory_space<vmem_shared>>
      tpu.wait_dma2 semaphore(%run_scoped3A_57 : memref<!tpu.dma_semaphore, #tpu.memory_space<semaphore_mem>>) src(%dma_wait3A_71 : memref<128x128xf32, #tpu.memory_space<vmem_shared>>) dst(%dma_wait3A_69 : memref<128x128xf32, #tpu.memory_space<hbm>>)
      tpu.yield
    }) : () -> ()
    %mul3A_41 = arith.constant 640 : i32
    %mul3A_42 = arith.muli %arg1, %mul3A_41 : i32
    %add3A_43 = arith.constant 128 : i32
    %add3A_44 = arith.addi %mul3A_42, %add3A_43 : i32
    "tpu.region"() ({
      %run_scoped3A_57 = tpu.sem_alloc : memref<!tpu.dma_semaphore, #tpu.memory_space<semaphore_mem>>
      %dma_start3A = arith.constant 0 : i32
      %dma_start3A_58 = arith.constant 0 : i32
      %dma_start3A_59 = tpu.memref_slice %arg6[%arg0, %dma_start3A, %dma_start3A_58] : memref<2x10240x128xf32, #tpu.memory_space<hbm>> -> memref<1x10240x128xf32, #tpu.memory_space<hbm>>
      %dma_start3A_60 = tpu.memref_squeeze %dma_start3A_59 : memref<1x10240x128xf32, #tpu.memory_space<hbm>> -> memref<10240x128xf32, #tpu.memory_space<hbm>>
      %dma_start3A_61 = arith.constant 0 : i32
      %dma_start3A_62 = tpu.memref_slice %dma_start3A_60[%add3A_44, %dma_start3A_61] : memref<10240x128xf32, #tpu.memory_space<hbm>> -> memref<128x128xf32, #tpu.memory_space<hbm>>
      %dma_start3A_63 = arith.constant 0 : i32
      %dma_start3A_64 = tpu.memref_slice %arg11[%add3A_44, %dma_start3A_63] : memref<10240x128xf32, #tpu.memory_space<vmem_shared>> -> memref<128x128xf32, #tpu.memory_space<vmem_shared>>
      tpu.enqueue_dma source(%dma_start3A_64 : memref<128x128xf32, #tpu.memory_space<vmem_shared>>) target(%dma_start3A_62 : memref<128x128xf32, #tpu.memory_space<hbm>>) target_semaphore(%run_scoped3A_57 : memref<!tpu.dma_semaphore, #tpu.memory_space<semaphore_mem>>)
      %dma_wait3A = arith.constant 0 : i32
      %dma_wait3A_65 = arith.constant 0 : i32
      %dma_wait3A_66 = tpu.memref_slice %arg6[%arg0, %dma_wait3A, %dma_wait3A_65] : memref<2x10240x128xf32, #tpu.memory_space<hbm>> -> memref<1x10240x128xf32, #tpu.memory_space<hbm>>
      %dma_wait3A_67 = tpu.memref_squeeze %dma_wait3A_66 : memref<1x10240x128xf32, #tpu.memory_space<hbm>> -> memref<10240x128xf32, #tpu.memory_space<hbm>>
      %dma_wait3A_68 = arith.constant 0 : i32
      %dma_wait3A_69 = tpu.memref_slice %dma_wait3A_67[%add3A_44, %dma_wait3A_68] : memref<10240x128xf32, #tpu.memory_space<hbm>> -> memref<128x128xf32, #tpu.memory_space<hbm>>
      %dma_wait3A_70 = arith.constant 0 : i32
      %dma_wait3A_71 = tpu.memref_slice %arg11[%add3A_44, %dma_wait3A_70] : memref<10240x128xf32, #tpu.memory_space<vmem_shared>> -> memref<128x128xf32, #tpu.memory_space<vmem_shared>>
      tpu.wait_dma2 semaphore(%run_scoped3A_57 : memref<!tpu.dma_semaphore, #tpu.memory_space<semaphore_mem>>) src(%dma_wait3A_71 : memref<128x128xf32, #tpu.memory_space<vmem_shared>>) dst(%dma_wait3A_69 : memref<128x128xf32, #tpu.memory_space<hbm>>)
      tpu.yield
    }) : () -> ()
    %mul3A_45 = arith.constant 640 : i32
    %mul3A_46 = arith.muli %arg1, %mul3A_45 : i32
    %add3A_47 = arith.constant 256 : i32
    %add3A_48 = arith.addi %mul3A_46, %add3A_47 : i32
    "tpu.region"() ({
      %run_scoped3A_57 = tpu.sem_alloc : memref<!tpu.dma_semaphore, #tpu.memory_space<semaphore_mem>>
      %dma_start3A = arith.constant 0 : i32
      %dma_start3A_58 = arith.constant 0 : i32
      %dma_start3A_59 = tpu.memref_slice %arg6[%arg0, %dma_start3A, %dma_start3A_58] : memref<2x10240x128xf32, #tpu.memory_space<hbm>> -> memref<1x10240x128xf32, #tpu.memory_space<hbm>>
      %dma_start3A_60 = tpu.memref_squeeze %dma_start3A_59 : memref<1x10240x128xf32, #tpu.memory_space<hbm>> -> memref<10240x128xf32, #tpu.memory_space<hbm>>
      %dma_start3A_61 = arith.constant 0 : i32
      %dma_start3A_62 = tpu.memref_slice %dma_start3A_60[%add3A_48, %dma_start3A_61] : memref<10240x128xf32, #tpu.memory_space<hbm>> -> memref<128x128xf32, #tpu.memory_space<hbm>>
      %dma_start3A_63 = arith.constant 0 : i32
      %dma_start3A_64 = tpu.memref_slice %arg11[%add3A_48, %dma_start3A_63] : memref<10240x128xf32, #tpu.memory_space<vmem_shared>> -> memref<128x128xf32, #tpu.memory_space<vmem_shared>>
      tpu.enqueue_dma source(%dma_start3A_64 : memref<128x128xf32, #tpu.memory_space<vmem_shared>>) target(%dma_start3A_62 : memref<128x128xf32, #tpu.memory_space<hbm>>) target_semaphore(%run_scoped3A_57 : memref<!tpu.dma_semaphore, #tpu.memory_space<semaphore_mem>>)
      %dma_wait3A = arith.constant 0 : i32
      %dma_wait3A_65 = arith.constant 0 : i32
      %dma_wait3A_66 = tpu.memref_slice %arg6[%arg0, %dma_wait3A, %dma_wait3A_65] : memref<2x10240x128xf32, #tpu.memory_space<hbm>> -> memref<1x10240x128xf32, #tpu.memory_space<hbm>>
      %dma_wait3A_67 = tpu.memref_squeeze %dma_wait3A_66 : memref<1x10240x128xf32, #tpu.memory_space<hbm>> -> memref<10240x128xf32, #tpu.memory_space<hbm>>
      %dma_wait3A_68 = arith.constant 0 : i32
      %dma_wait3A_69 = tpu.memref_slice %dma_wait3A_67[%add3A_48, %dma_wait3A_68] : memref<10240x128xf32, #tpu.memory_space<hbm>> -> memref<128x128xf32, #tpu.memory_space<hbm>>
      %dma_wait3A_70 = arith.constant 0 : i32
      %dma_wait3A_71 = tpu.memref_slice %arg11[%add3A_48, %dma_wait3A_70] : memref<10240x128xf32, #tpu.memory_space<vmem_shared>> -> memref<128x128xf32, #tpu.memory_space<vmem_shared>>
      tpu.wait_dma2 semaphore(%run_scoped3A_57 : memref<!tpu.dma_semaphore, #tpu.memory_space<semaphore_mem>>) src(%dma_wait3A_71 : memref<128x128xf32, #tpu.memory_space<vmem_shared>>) dst(%dma_wait3A_69 : memref<128x128xf32, #tpu.memory_space<hbm>>)
      tpu.yield
    }) : () -> ()
    %mul3A_49 = arith.constant 640 : i32
    %mul3A_50 = arith.muli %arg1, %mul3A_49 : i32
    %add3A_51 = arith.constant 384 : i32
    %add3A_52 = arith.addi %mul3A_50, %add3A_51 : i32
    "tpu.region"() ({
      %run_scoped3A_57 = tpu.sem_alloc : memref<!tpu.dma_semaphore, #tpu.memory_space<semaphore_mem>>
      %dma_start3A = arith.constant 0 : i32
      %dma_start3A_58 = arith.constant 0 : i32
      %dma_start3A_59 = tpu.memref_slice %arg6[%arg0, %dma_start3A, %dma_start3A_58] : memref<2x10240x128xf32, #tpu.memory_space<hbm>> -> memref<1x10240x128xf32, #tpu.memory_space<hbm>>
      %dma_start3A_60 = tpu.memref_squeeze %dma_start3A_59 : memref<1x10240x128xf32, #tpu.memory_space<hbm>> -> memref<10240x128xf32, #tpu.memory_space<hbm>>
      %dma_start3A_61 = arith.constant 0 : i32
      %dma_start3A_62 = tpu.memref_slice %dma_start3A_60[%add3A_52, %dma_start3A_61] : memref<10240x128xf32, #tpu.memory_space<hbm>> -> memref<128x128xf32, #tpu.memory_space<hbm>>
      %dma_start3A_63 = arith.constant 0 : i32
      %dma_start3A_64 = tpu.memref_slice %arg11[%add3A_52, %dma_start3A_63] : memref<10240x128xf32, #tpu.memory_space<vmem_shared>> -> memref<128x128xf32, #tpu.memory_space<vmem_shared>>
      tpu.enqueue_dma source(%dma_start3A_64 : memref<128x128xf32, #tpu.memory_space<vmem_shared>>) target(%dma_start3A_62 : memref<128x128xf32, #tpu.memory_space<hbm>>) target_semaphore(%run_scoped3A_57 : memref<!tpu.dma_semaphore, #tpu.memory_space<semaphore_mem>>)
      %dma_wait3A = arith.constant 0 : i32
      %dma_wait3A_65 = arith.constant 0 : i32
      %dma_wait3A_66 = tpu.memref_slice %arg6[%arg0, %dma_wait3A, %dma_wait3A_65] : memref<2x10240x128xf32, #tpu.memory_space<hbm>> -> memref<1x10240x128xf32, #tpu.memory_space<hbm>>
      %dma_wait3A_67 = tpu.memref_squeeze %dma_wait3A_66 : memref<1x10240x128xf32, #tpu.memory_space<hbm>> -> memref<10240x128xf32, #tpu.memory_space<hbm>>
      %dma_wait3A_68 = arith.constant 0 : i32
      %dma_wait3A_69 = tpu.memref_slice %dma_wait3A_67[%add3A_52, %dma_wait3A_68] : memref<10240x128xf32, #tpu.memory_space<hbm>> -> memref<128x128xf32, #tpu.memory_space<hbm>>
      %dma_wait3A_70 = arith.constant 0 : i32
      %dma_wait3A_71 = tpu.memref_slice %arg11[%add3A_52, %dma_wait3A_70] : memref<10240x128xf32, #tpu.memory_space<vmem_shared>> -> memref<128x128xf32, #tpu.memory_space<vmem_shared>>
      tpu.wait_dma2 semaphore(%run_scoped3A_57 : memref<!tpu.dma_semaphore, #tpu.memory_space<semaphore_mem>>) src(%dma_wait3A_71 : memref<128x128xf32, #tpu.memory_space<vmem_shared>>) dst(%dma_wait3A_69 : memref<128x128xf32, #tpu.memory_space<hbm>>)
      tpu.yield
    }) : () -> ()
    %mul3A_53 = arith.constant 640 : i32
    %mul3A_54 = arith.muli %arg1, %mul3A_53 : i32
    %add3A_55 = arith.constant 512 : i32
    %add3A_56 = arith.addi %mul3A_54, %add3A_55 : i32
    "tpu.region"() ({
      %run_scoped3A_57 = tpu.sem_alloc : memref<!tpu.dma_semaphore, #tpu.memory_space<semaphore_mem>>
      %dma_start3A = arith.constant 0 : i32
      %dma_start3A_58 = arith.constant 0 : i32
      %dma_start3A_59 = tpu.memref_slice %arg6[%arg0, %dma_start3A, %dma_start3A_58] : memref<2x10240x128xf32, #tpu.memory_space<hbm>> -> memref<1x10240x128xf32, #tpu.memory_space<hbm>>
      %dma_start3A_60 = tpu.memref_squeeze %dma_start3A_59 : memref<1x10240x128xf32, #tpu.memory_space<hbm>> -> memref<10240x128xf32, #tpu.memory_space<hbm>>
      %dma_start3A_61 = arith.constant 0 : i32
      %dma_start3A_62 = tpu.memref_slice %dma_start3A_60[%add3A_56, %dma_start3A_61] : memref<10240x128xf32, #tpu.memory_space<hbm>> -> memref<128x128xf32, #tpu.memory_space<hbm>>
      %dma_start3A_63 = arith.constant 0 : i32
      %dma_start3A_64 = tpu.memref_slice %arg11[%add3A_56, %dma_start3A_63] : memref<10240x128xf32, #tpu.memory_space<vmem_shared>> -> memref<128x128xf32, #tpu.memory_space<vmem_shared>>
      tpu.enqueue_dma source(%dma_start3A_64 : memref<128x128xf32, #tpu.memory_space<vmem_shared>>) target(%dma_start3A_62 : memref<128x128xf32, #tpu.memory_space<hbm>>) target_semaphore(%run_scoped3A_57 : memref<!tpu.dma_semaphore, #tpu.memory_space<semaphore_mem>>)
      %dma_wait3A = arith.constant 0 : i32
      %dma_wait3A_65 = arith.constant 0 : i32
      %dma_wait3A_66 = tpu.memref_slice %arg6[%arg0, %dma_wait3A, %dma_wait3A_65] : memref<2x10240x128xf32, #tpu.memory_space<hbm>> -> memref<1x10240x128xf32, #tpu.memory_space<hbm>>
      %dma_wait3A_67 = tpu.memref_squeeze %dma_wait3A_66 : memref<1x10240x128xf32, #tpu.memory_space<hbm>> -> memref<10240x128xf32, #tpu.memory_space<hbm>>
      %dma_wait3A_68 = arith.constant 0 : i32
      %dma_wait3A_69 = tpu.memref_slice %dma_wait3A_67[%add3A_56, %dma_wait3A_68] : memref<10240x128xf32, #tpu.memory_space<hbm>> -> memref<128x128xf32, #tpu.memory_space<hbm>>
      %dma_wait3A_70 = arith.constant 0 : i32
      %dma_wait3A_71 = tpu.memref_slice %arg11[%add3A_56, %dma_wait3A_70] : memref<10240x128xf32, #tpu.memory_space<vmem_shared>> -> memref<128x128xf32, #tpu.memory_space<vmem_shared>>
      tpu.wait_dma2 semaphore(%run_scoped3A_57 : memref<!tpu.dma_semaphore, #tpu.memory_space<semaphore_mem>>) src(%dma_wait3A_71 : memref<128x128xf32, #tpu.memory_space<vmem_shared>>) dst(%dma_wait3A_69 : memref<128x128xf32, #tpu.memory_space<hbm>>)
      tpu.yield
    }) : () -> ()
    return
  }
}

module attributes {stable_mosaic.version = 14 : i64} {
  func.func @body(%arg0: i32, %arg1: memref<1000x128xf32, #tpu.memory_space<vmem>>, %arg2: memref<2x1000x128xf32, #tpu.memory_space<vmem>>, %arg3: memref<128x128xf32, #tpu.memory_space<vmem>>, %arg4: memref<1x128xf32, #tpu.memory_space<vmem>>, %arg5: memref<1x128xf32, #tpu.memory_space<vmem>>, %arg6: memref<1000x128xf32, #tpu.memory_space<vmem>>) attributes {dimension_semantics = [#tpu.dimension_semantics<arbitrary>], iteration_bounds = array<i64: 10>, scalar_prefetch = 0 : i64, scratch_operands = 0 : i64, tpu.core_type = #tpu.core_type<tc>, window_params = [{transform_indices = @transform_0, window_bounds = array<i64: 1000, 128>}, {transform_indices = @transform_1, window_bounds = array<i64: 2, 1000, 128>}, {pipeline_mode = #tpu.pipeline_mode<synchronous>, transform_indices = @transform_2, window_bounds = array<i64: 128, 128>}, {pipeline_mode = #tpu.pipeline_mode<synchronous>, transform_indices = @transform_3, window_bounds = array<i64: 1, 128>}, {pipeline_mode = #tpu.pipeline_mode<synchronous>, transform_indices = @transform_4, window_bounds = array<i64: 1, 128>}, {transform_indices = @transform_5, window_bounds = array<i64: 1000, 128>}]} {
    %get3A = arith.constant 0 : index
    %get3A_0 = arith.constant 0 : index
    %get3A_1 = vector.load %arg3[%get3A, %get3A_0] : memref<128x128xf32, #tpu.memory_space<vmem>>, vector<128x128xf32>
    %get3A_2 = arith.constant 0 : index
    %get3A_3 = arith.constant 0 : index
    %get3A_4 = vector.load %arg1[%get3A_2, %get3A_3] : memref<1000x128xf32, #tpu.memory_space<vmem>>, vector<1000x128xf32>
    %get3A_5 = arith.constant 0 : index
    %get3A_6 = arith.constant 0 : index
    %get3A_7 = vector.load %arg5[%get3A_5, %get3A_6] : memref<1x128xf32, #tpu.memory_space<vmem>>, vector<1x128xf32>
    %mul3A = vector.broadcast %get3A_7 : vector<1x128xf32> to vector<128x128xf32>
    %mul3A_8 = arith.mulf %get3A_1, %mul3A : vector<128x128xf32>
    %dot_general3A = arith.constant dense<0.000000e+00> : vector<1000x128xf32>
    %dot_general3A_9 = tpu.matmul %get3A_4, %mul3A_8, %dot_general3A {dimension_numbers = #tpu.dot_dimension_numbers<[1], [0], [0], [1], [0, 0, 1, 1], [], []>, transpose_lhs_hint = false} : vector<1000x128xf32>, vector<128x128xf32>, vector<1000x128xf32> -> vector<1000x128xf32>
    %get3A_10 = arith.constant 0 : index
    %get3A_11 = arith.constant 0 : index
    %get3A_12 = arith.constant 0 : index
    %get3A_13 = vector.load %arg2[%get3A_10, %get3A_11, %get3A_12] : memref<2x1000x128xf32, #tpu.memory_space<vmem>>, vector<1x1000x128xf32>
    %get3A_14 = vector.shape_cast %get3A_13 : vector<1x1000x128xf32> to vector<1000x128xf32>
    %get3A_15 = arith.constant 1 : index
    %get3A_16 = arith.constant 0 : index
    %get3A_17 = arith.constant 0 : index
    %get3A_18 = vector.load %arg2[%get3A_15, %get3A_16, %get3A_17] : memref<2x1000x128xf32, #tpu.memory_space<vmem>>, vector<1x1000x128xf32>
    %get3A_19 = vector.shape_cast %get3A_18 : vector<1x1000x128xf32> to vector<1000x128xf32>
    %add3A = arith.addf %get3A_14, %get3A_19 : vector<1000x128xf32>
    %dot_general3A_20 = arith.constant dense<0.000000e+00> : vector<1000x128xf32>
    %dot_general3A_21 = tpu.matmul %add3A, %get3A_1, %dot_general3A_20 {dimension_numbers = #tpu.dot_dimension_numbers<[1], [0], [0], [1], [0, 0, 1, 1], [], []>, transpose_lhs_hint = false} : vector<1000x128xf32>, vector<128x128xf32>, vector<1000x128xf32> -> vector<1000x128xf32>
    %add3A_22 = arith.addf %dot_general3A_9, %dot_general3A_21 : vector<1000x128xf32>
    %get3A_23 = arith.constant 0 : index
    %get3A_24 = arith.constant 0 : index
    %get3A_25 = vector.load %arg4[%get3A_23, %get3A_24] : memref<1x128xf32, #tpu.memory_space<vmem>>, vector<1x128xf32>
    %add3A_26 = vector.broadcast %get3A_25 : vector<1x128xf32> to vector<1000x128xf32>
    %add3A_27 = arith.addf %add3A_22, %add3A_26 : vector<1000x128xf32>
    %min3A = arith.constant 0.000000e+00 : f32
    %min3A_28 = vector.broadcast %min3A : f32 to vector<1000x128xf32>
    %min3A_29 = arith.minimumf %add3A_27, %min3A_28 : vector<1000x128xf32>
    %exp3A = math.exp %min3A_29 : vector<1000x128xf32>
    %sub3A = arith.constant 1.000000e+00 : f32
    %sub3A_30 = vector.broadcast %sub3A : f32 to vector<1000x128xf32>
    %sub3A_31 = arith.subf %exp3A, %sub3A_30 : vector<1000x128xf32>
    %mul3A_32 = arith.constant 1.67326319 : f32
    %mul3A_33 = vector.broadcast %mul3A_32 : f32 to vector<1000x128xf32>
    %mul3A_34 = arith.mulf %mul3A_33, %sub3A_31 : vector<1000x128xf32>
    %gt3A = arith.constant 0.000000e+00 : f32
    %gt3A_35 = vector.broadcast %gt3A : f32 to vector<1000x128xf32>
    %gt3A_36 = arith.cmpf ogt, %add3A_27, %gt3A_35 : vector<1000x128xf32>
    %select_n3A = arith.select %gt3A_36, %add3A_27, %mul3A_34 : vector<1000x128xi1>, vector<1000x128xf32>
    %mul3A_37 = arith.constant 1.05070102 : f32
    %mul3A_38 = vector.broadcast %mul3A_37 : f32 to vector<1000x128xf32>
    %mul3A_39 = arith.mulf %mul3A_38, %select_n3A : vector<1000x128xf32>
    %swap3A = arith.constant 0 : index
    %swap3A_40 = arith.constant 0 : index
    %swap3A_41 = vector.load %arg6[%swap3A, %swap3A_40] : memref<1000x128xf32, #tpu.memory_space<vmem>>, vector<1000x128xf32>
    tpu.vector_store %arg6[%swap3A, %swap3A_40], %mul3A_39 {strides = array<i32>} : memref<1000x128xf32, #tpu.memory_space<vmem>>, vector<1000x128xf32>,
    return
  }
  func.func @transform_0(%arg0: i32) -> (i32, i32) {
    %c0_i32 = arith.constant 0 : i32
    %c0_i32_0 = arith.constant 0 : i32
    return %arg0, %c0_i32 : i32, i32
  }
  func.func @transform_1(%arg0: i32) -> (i32, i32, i32) {
    %c0_i32 = arith.constant 0 : i32
    %c0_i32_0 = arith.constant 0 : i32
    %c0_i32_1 = arith.constant 0 : i32
    return %c0_i32, %arg0, %c0_i32_0 : i32, i32, i32
  }
  func.func @transform_2(%arg0: i32) -> (i32, i32) {
    %c0_i32 = arith.constant 0 : i32
    %c0_i32_0 = arith.constant 0 : i32
    %c0_i32_1 = arith.constant 0 : i32
    return %c0_i32, %c0_i32_0 : i32, i32
  }
  func.func @transform_3(%arg0: i32) -> (i32, i32) {
    %c0_i32 = arith.constant 0 : i32
    %c0_i32_0 = arith.constant 0 : i32
    %c0_i32_1 = arith.constant 0 : i32
    return %c0_i32, %c0_i32_0 : i32, i32
  }
  func.func @transform_4(%arg0: i32) -> (i32, i32) {
    %c0_i32 = arith.constant 0 : i32
    %c0_i32_0 = arith.constant 0 : i32
    %c0_i32_1 = arith.constant 0 : i32
    return %c0_i32, %c0_i32_0 : i32, i32
  }
  func.func @transform_5(%arg0: i32) -> (i32, i32) {
    %c0_i32 = arith.constant 0 : i32
    %c0_i32_0 = arith.constant 0 : i32
    return %arg0, %c0_i32 : i32, i32
  }
}

</mosaic_0001>

<sc_bundles>
// kernel: kernel.5.cloned.1.call-start
scs
__scs_entry_jumppad:
0x0: {  	(pc) =	sbr.rel $0x88, $3  }
0x1: {  	(tag) =	ssettag $0x0;
	lr =	simm.s32 $0x1  }
0x2: {  	[smem:$0x3F9B] =	sst lr;
	_ =	strace $0xD0000000  }
0x3: {  	_ = 	snop  }
0x4: {  	_ = 	snop  }
0x5: {  	_ = 	snop  }
0x6: {  	_ = 	snop  }
0x7: {  	_ = 	snop  }
__scs_overlays_trampoline_lowered:
0x8: {  	[smem:$0x3FAA] =	sst s0  }
0x9: {  	[smem:$0x3FAB] =	sst s1  }
0xa: {  	[smem:$0x3FAC] =	sst s2  }
0xb: {  	[smem:$0x3FAD] =	sst s3  }
0xc: {  	[smem:$0x3FAE] =	sst s4  }
0xd: {  	[smem:$0x3FAF] =	sst s5  }
0xe: {  	[smem:$0x3FB0] =	sst s6  }
0xf: {  	[smem:$0x3FB1] =	sst s7  }
0x10: {  	[smem:$0x3FB2] =	sst s8  }
0x11: {  	[smem:$0x3FB3] =	sst s9;
	s0 =	simm.s32 @!p0 $0x0  }
0x12: {  	s1 =	sld [smem:$0x3F99];
	s0 =	simm.s32 @p0 $0x1  }
0x13: {  	[smem:$0x3FB4] =	sst s0;
	s0 =	simm.s32 @!p1 $0x0  }
0x14: {  	s2 =	sld [smem:$0x3F98];
	s0 =	simm.s32 @p1 $0x1  }
0x15: {  	[smem:$0x3FB5] =	sst s0;
	s0 =	simm.s32 @!p2 $0x0  }
0x16: {  	s3 =	sld [smem:$0x3FDB];
	s0 =	simm.s32 @p2 $0x1  }
0x17: {  	s4 =	simm.s32 $0x1BF5;
	[smem:$0x3FB7] =	sst s0  }
0x18: {  	s0 =	sld [smem:$0x3F9A];
	_ =	swait.ge [sflag:s4], $0x0  }
0x19: {  	s7 =	sld [smem:$0x3F9B]  }
0x1a: {  	s8 =	sadd.s32 $0xFFFFE003, lr  }
0x1b: {  	s9 =	sadd.s32 $0xFFFFFEF7, lr;
	s5 =	simm.s32 $0xFFFFFFFF;
	p2 =	slt.u32 s8, $0xFFFFF086  }
0x1c: {  	p1 =	slt.u32 s9, $0xF7A;
	s5 =	simm.s32 @!p2 $0x0  }
0x1d: {  	s5 =	simm.s32 @p1 $0x1;
	p0 =	seq.s32 s7, s2  }
0x1e: {  	s7 =	smul.u32 @!p0 $0xF7A, s2;
	p2 =	seq.s32 @!p0 s5, $0x0  }
0x1f: {  	s9 =	smul.u32 $0xF7A, s1;
	s8 =	simm.s32 @!p0 $0x1BF5;
	p2 =	por !p2, p0  }
0x20: {  	[sflag:s8] =	ssyncset.s32 @!p0 $0xFFFFF086;
	s6 =	sadd.s32 @!p0 s3, s7;
	s7 =	simm.s32 @!p0 $0x108  }
0x21: {  	s3 =	sadd.s32 s3, s9;
	s6 =	sadd.s32 @!p0 $0x88, s6;
	s7 =	simm.s32 @p2 $0x1082  }
0x22: {  	[simem:s7], [sflag:s8] =	dma.local @!p0 [hbm:s6], $0xF7A  }
0x23: {  	s9 =	sor.u32 $0xD0000000, s2;
	s6 =	simm.s32 $0x108;
	_ =	swait.ge @!p0 [sflag:s8], $0x0  }
0x24: {  	s3 =	sadd.s32 $0x88, s3;
	s6 =	simm.s32 @!p1 $0x1082;
	[sflag:s4] =	ssyncset.s32 $0xFFFFF086  }
0x25: {  	[simem:s6], [sflag:s4] =	dma.local [hbm:s3], $0xF7A  }
0x26: {  	[smem:$0x3F9B] =	sst s1;
	(tag) =	ssettag s2;
	_ =	strace s9  }
0x27: {  	s1 =	sld [smem:$0x3FAB]  }
0x28: {  	s2 =	sld [smem:$0x3FAC]  }
0x29: {  	s4 =	sld [smem:$0x3FAE]  }
0x2a: {  	p0 =	seq.s32 s5, $0x0;
	s5 =	sld [smem:$0x3FAF]  }
0x2b: {  	s6 =	sld [smem:$0x3FB0]  }
0x2c: {  	s7 =	sld [smem:$0x3FB1]  }
0x2d: {  	s3 =	simm.s32 $0x108;
	s8 =	sld [smem:$0x3FB2]  }
0x2e: {  	s3 =	simm.s32 @!p0 $0x1082;
	s9 =	sld [smem:$0x3FB3]  }
0x2f: {  	lr =	sadd.s32 s0, s3;
	s0 =	sld [smem:$0x3FAA]  }
0x30: {  	s3 =	sld [smem:$0x3FAD]  }
0x31: {  	[smem:$0x3FB6] =	sst s10  }
0x32: {  	s10 =	sld [smem:$0x3FB4];
	_ =	sdelay $0x3  }
0x33: {  	p0 =	seq.s32 s10, $0x1;
	s10 =	sld [smem:$0x3FB6];
	_ =	sdelay $0x3  }
0x34: {  	[smem:$0x3FB6] =	sst s10  }
0x35: {  	s10 =	sld [smem:$0x3FB5];
	_ =	sdelay $0x3  }
0x36: {  	p1 =	seq.s32 s10, $0x1;
	s10 =	sld [smem:$0x3FB6];
	_ =	sdelay $0x3  }
0x37: {  	[smem:$0x3FB6] =	sst s10  }
0x38: {  	s10 =	sld [smem:$0x3FB7]  }
0x39: {  	_ = 	snop;
	(pc) =	sbr.ind lr, $3  }
0x3a: {  	_ = 	snop  }
0x3b: {  	_ = 	snop  }
0x3c: {  	p2 =	seq.s32 s10, $0x1;
	s10 =	sld [smem:$0x3FB6]  }
0x3d: {  	_ =	shalt  }
0x3e: {  	_ =	shalt  }
0x3f: {  	_ =	shalt  }
0x40: {  	_ =	shalt  }
0x41: {  	_ =	shalt  }
0x42: {  	_ =	shalt  }
0x43: {  	_ =	shalt  }
0x44: {  	_ =	shalt  }
0x45: {  	_ =	shalt  }
0x46: {  	_ =	shalt  }
0x47: {  	_ =	shalt  }
0x48: {  	_ =	shalt  }
0x49: {  	_ =	shalt  }
0x4a: {  	_ =	shalt  }
0x4b: {  	_ =	shalt  }
0x4c: {  	_ =	shalt  }
0x4d: {  	_ =	shalt  }
0x4e: {  	_ =	shalt  }
0x4f: {  	_ =	shalt  }
0x50: {  	_ =	shalt  }
0x51: {  	_ =	shalt  }
0x52: {  	_ =	shalt  }
0x53: {  	_ =	shalt  }
0x54: {  	_ =	shalt  }
0x55: {  	_ =	shalt  }
0x56: {  	_ =	shalt  }
0x57: {  	_ =	shalt  }
0x58: {  	_ =	shalt  }
0x59: {  	_ =	shalt  }
0x5a: {  	_ =	shalt  }
0x5b: {  	_ =	shalt  }
0x5c: {  	_ =	shalt  }
0x5d: {  	_ =	shalt  }
0x5e: {  	_ =	shalt  }
0x5f: {  	_ =	shalt  }
0x60: {  	_ =	shalt  }
0x61: {  	_ =	shalt  }
0x62: {  	_ =	shalt  }
0x63: {  	_ =	shalt  }
0x64: {  	_ =	shalt  }
0x65: {  	_ =	shalt  }
0x66: {  	_ =	shalt  }
0x67: {  	_ =	shalt  }
0x68: {  	_ =	shalt  }
0x69: {  	_ =	shalt  }
0x6a: {  	_ =	shalt  }
0x6b: {  	_ =	shalt  }
0x6c: {  	_ =	shalt  }
0x6d: {  	_ =	shalt  }
0x6e: {  	_ =	shalt  }
0x6f: {  	_ =	shalt  }
0x70: {  	_ =	shalt  }
0x71: {  	_ =	shalt  }
0x72: {  	_ =	shalt  }
0x73: {  	_ =	shalt  }
0x74: {  	_ =	shalt  }
0x75: {  	_ =	shalt  }
0x76: {  	_ =	shalt  }
0x77: {  	_ =	shalt  }
0x78: {  	_ =	shalt  }
0x79: {  	_ =	shalt  }
0x7a: {  	_ =	shalt  }
0x7b: {  	_ =	shalt  }
0x7c: {  	_ =	shalt  }
0x7d: {  	_ =	shalt  }
0x7e: {  	_ =	shalt  }
0x7f: {  	_ =	shalt  }
0x80: {  	_ =	shalt  }
0x81: {  	_ =	shalt  }
0x82: {  	_ =	shalt  }
0x83: {  	_ =	shalt  }
0x84: {  	_ =	shalt  }
0x85: {  	_ =	shalt  }
0x86: {  	_ =	shalt  }
0x87: {  	_ =	shalt  }
.Lfunc_end0:
.L_simem_size_0:
called_computation_lowered:
.L_overlay_start_0:
0x88: {  	s2 =	sld [smem:$0x3FD9]  }
0x89: {  	s3 =	sld [smem:$0x3FFE];
	_ =	sdelay $0x1  }
0x8a: {  	s1 =	srdreg.scid  }
0x8b: {  	s0 =	sand.u32 $0x1, s1  }
0x8c: {  	s17 =	sshll.u32 s0, $0xA;
	s2 =	sadd.s32 s3, s2  }
0x8d: {  	s2 =	sadd.s32 s2, s17  }
0x8e: {  	[smem:$0x3FC2] =	sst s2  }
0x8f: {  	_ = 	snop  }
0x90: {  	s2 =	sld [smem:$0x3FC9]  }
0x91: {  	s18 =	sld [smem:$0x3FD0];
	(tm) =	ssettm $0x1  }
0x92: {  	s4 =	sld [smem:$0x3FFB];
	_ =	sdelay $0x3  }
0x93: {  	_ =	strace s4  }
0x94: {  	s4 =	sld [smem:$0x3FFC];
	_ =	sdelay $0x3  }
0x95: {  	_ =	strace s4  }
0x96: {  	s4 =	sld [smem:$0x3FFD];
	_ =	sdelay $0x3  }
0x97: {  	_ =	strace s4  }
0x98: {  	_ =	strace $0x8FFFFFFF  }
0x99: {  	s19 =	sld [smem:$0x3FDB];
	_ =	sdelay $0x1  }
0x9a: {  	s5 =	simm.s32 $_scs_section_size  }
0x9b: {  	s6 =	simm.s32 $_size__tile_overlayer_lowered;
	s7 =	simm.s32 $_tile_overlayer_lowered  }
0x9c: {  	s22 =	simm.s32 $0x1BFF;
	s21 =	sshll.u32 s7, $0x1;
	s4 =	sadd.s32 s5, s19  }
0x9d: {  	s8 =	simm.s32 $0x0;
	s20 =	sshll.u32 s6, $0x1;
	s6 =	sadd.s32 s21, s4  }
0x9e: {  	[timem:s8], [sflag:s22] =	dma.local [hbm:s6], s20  }
0x9f: {  	_ =	swait.ge [sflag:s22], s20  }
0xa0: {  	s5 =	ssub.s32 $0x0, s20;
	[sflag:s22] =	ssyncset.done $0x0  }
0xa1: {  	[sflag:s22] =	ssyncadd.s32 s5;
	_ =	sdelay $0x1  }
0xa2: {  	s23 =	simm.s32 $0x1B8B  }
0xa3: {  	_ =	swait.ge [sflag:s23], $0x1  }
0xa4: {  	[sflag:s23] =	ssyncset.done $0x0  }
0xa5: {  	s25 =	simm.s32 $0x1B8E;
	s24 =	sld [smem:$0x3FFE];
	[sflag:s23] =	ssyncadd.s32 $0xFFFFFFFF  }
0xa6: {  	s26 =	simm.s32 $execute0_lowered;
	[smem:$0x3FD2] =	sst s25  }
0xa7: {  	s6 =	sshll.u32 s26, $0x1;
	_ =	strace $0x80000046;
	[dreg:$0x1] =	wrdreg $0xFFFFFFFF  }
0xa8: {  	s28 =	simm.s32 $_size_execute0_lowered;
	s4 =	sadd.s32 s4, s6;
	[dreg:$0x0] =	wrdreg $0x0  }
0xa9: {  	s6 =	sshll.u32 s28, $0x1;
	[dreg:$0x2] =	wrdreg s4  }
0xaa: {  	[dreg:$0x3] =	wrdreg s6  }
0xab: {  	[dreg:$0x4] =	wrdreg $0xC0  }
0xac: {  	_ =	task [dreg:s8], $0x5FFFF  }
0xad: {  	[dreg:$0x1] =	wrdreg $0xFFFFFFFF  }
0xae: {  	[dreg:$0x0] =	wrdreg $0x60  }
0xaf: {  	[dreg:$0x2] =	wrdreg s2  }
0xb0: {  	[dreg:$0x3] =	wrdreg s24  }
0xb1: {  	[dreg:$0x4] =	wrdreg s18  }
0xb2: {  	[dreg:$0x5] =	wrdreg $0x8C000  }
0xb3: {  	[dreg:$0x6] =	wrdreg $0x9  }
0xb4: {  	_ =	task.clear_ibuf [dreg:s8], $0x7FFFF;
	_ =	strace $0x90000046  }
0xb5: {  	s29 =	simm.s32 $0x9;
	_ =	strace $0x80000048  }
0xb6: {  	_ =	swait.ge [sflag:s29], $0x1  }
0xb7: {  	[sflag:s29] =	ssyncadd.s32 $0xFFFFFFFF  }
0xb8: {  	_ =	strace $0x90000048  }
0xb9: {  	_ =	sfence  }
0xba: {  	s30 =	sld [smem:$0x0];
	_ =	sdelay $0x2  }
0xbb: {  	s31 =	sshll.u32 s1, $0xD;
	s1 =	sshrl.u32 s1, $0x2  }
0xbc: {  	s3 =	sand.u32 $0x4000, s31;
	s1 =	sadd.s32 s1, s30  }
0xbd: {  	s0 =	sor.u32 s3, s0;
	s1 =	sshll.u32 s1, $0x11  }
0xbe: {  	s0 =	sor.u32 s1, s0  }
0xbf: {  	s0 =	sadd.s32 $0x8F2B, s0  }
0xc0: {  	[sflag:s0] =	ssyncadd.remote.s32 $0x1  }
0xc1: {  	_ =	sfence.sel $0xFFFF  }
0xc2: {  	[dreg:$0x0] =	wrdreg $0xFFFFFFFF;
	(pc) =	sbr.abs _section_cstart, $3  }
0xc3: {  	[dreg:$0x1] =	wrdreg $0xFFFFFFFF  }
0xc4: {  	_ =	task.clear_ibuf [dreg:s8], $0x2FFFF;
	_ =	strace $0x9FFFFFFF  }
0xc5: {  	(tm) =	ssettm $0x7FFFFFFF  }
tec
execute0_lowered:
.L_overlay_start_1:
0x0: {  	(tag) =	ssettag $0x1  }
0x1: {  	s1 =	rddreg [dreg:$0x0]  }
0x2: {  	s0 =	rddreg [dreg:$0x1]  }
0x3: {  	s2 =	srdreg.scid;
	s11 =	rddreg [dreg:$0x2]  }
0x4: {  	s18 =	stileid.u32;
	s3 =	rddreg [dreg:$0x3];
	s19 =	simm.s32 $0x4C00  }
0x5: {  	s28 =	simm.s32 $0x3;
	s29 =	simm.s32 $0x4;
	s7 =	smul.u32 $0x280, s18  }
0x6: {  	s30 =	simm.s32 $0x0;
	s2 =	sand.u32 $0x1, s2;
	s6 =	smul.u32 $0x50000, s18  }
0x7: {  	s4 =	sshll.u32 s18, $0x1;
	s25 =	smul.u32 $0x2800, s18;
	s18 =	simm.s32 $0x80  }
0x8: {  	s5 =	sor.u32 s2, s4;
	s4 =	simm.s32 $0x0;
	s20 =	smul.u32 $0x28000, s2  }
0x9: {  	s2 =	ssub.s32 $0x2, s2;
	s12 =	smul.u32 $0x500, s5;
	[smem:$0x7FF] =	sst s4  }
0xa: {  	s21 =	sshrl.u32 s2, $0x1;
	s14 =	sadd.s32 $0x80, s7;
	s22 =	sshrl.u32 s6, $0x2  }
0xb: {  	s15 =	sadd.s32 $0x100, s7;
	s16 =	sadd.s32 $0x180, s7;
	s17 =	sadd.s32 $0x200, s7  }
0xc: {  	_ =	strace $0x80000047;
	s2 =	ssub.s32 s2, s21;
	s23 =	sshll.u32 s14, $0x7  }
0xd: {  	s5 =	sadd.s32 s22, s3;
	s8 =	sshll.u32 s15, $0x7;
	s24 =	sshll.u32 s16, $0x7  }
0xe: {  	s9 =	sshll.u32 s17, $0x7;
	s21 =	sshll.u32 s15, $0x4;
	s15 =	simm.s32 $0x5  }
0xf: {  	s13 =	sadd.s32 s12, s0;
	s0 =	sadd.s32 s20, s0;
	s6 =	sadd.s32 s23, s3  }
0x10: {  	s7 =	sadd.s32 s8, s3;
	s8 =	sadd.s32 s24, s3;
	s9 =	sadd.s32 s9, s3  }
0x11: {  	s11 =	sadd.s32 s11, s12;
	s20 =	sshll.u32 s14, $0x4;
	s23 =	sshll.u32 s16, $0x4  }
0x12: {  	s24 =	sshll.u32 s17, $0x4;
	s2 =	smax.u32 s2, $0x1;
	s14 =	simm.s32 $0xC00  }
0x13: {  	s16 =	simm.s32 $0x400;
	s17 =	simm.s32 $0x800;
	s10 =	sadd.s32 $0xB000, s13  }
0x14: {  	s12 =	sadd.s32 $0x1000, s13;
	s0 =	sadd.s32 $0x15000, s0;
	[dreg:$0x5] =	wrdreg s2  }
0x15: {  	s26 =	sadd.s32 s25, s0;
	s31 =	sadd.s32 s20, s0;
	s22 =	sadd.s32 s21, s0  }
0x16: {  	s23 =	sadd.s32 s23, s0;
	s24 =	sadd.s32 s24, s0;
	[dreg:$0x6] =	wrdreg s26  }
0x17: {  	v0 =	vimm.f32 $0.0e+00;
	s25 =	simm.s32 $0x1;
	[dreg:$0x7] =	wrdreg s31;
	s26 =	simm.s32 $0x2  }
.LBB2_1:
0x18: {  	s0 =	simm.s32 $0x0;
	s2 =	simm.s32 $0x200  }
.LBB2_2:
0x19: {  	p0 =	sne.s32 s2, $0xFE00;
	[tilespmem:s0+$0xC70] =	vst v0  }
0x1a: {  	[tilespmem:s0+$0xC00] =	vst v0  }
0x1b: {  	[tilespmem:s0+$0xC10] =	vst v0  }
.Ltmp0:
0x1c: {  	[tilespmem:s0+$0xC20] =	vst v0;
	(pc) =	sbr.rel @p0 .LBB2_2-.Ltmp0, $4  }
0x1d: {  	[tilespmem:s0+$0xC30] =	vst v0  }
0x1e: {  	[tilespmem:s0+$0xC40] =	vst v0  }
0x1f: {  	[tilespmem:s0+$0xC50] =	vst v0  }
0x20: {  	[tilespmem:s0+$0xC60] =	vst v0;
	s0 =	sshra.s32 s2, $0x2;
	s2 =	sadd.s32 $0x200, s2  }
0x21: {  	[tilespmem:s0+$0xC70] =	vst v0  }
0x22: {  	[tilespmem:s0+$0xC00] =	vst v0  }
0x23: {  	[tilespmem:s0+$0xC10] =	vst v0  }
0x24: {  	[tilespmem:s0+$0xC20] =	vst v0  }
0x25: {  	[tilespmem:s0+$0xC30] =	vst v0  }
0x26: {  	[tilespmem:s0+$0xC40] =	vst v0  }
0x27: {  	[tilespmem:s0+$0xC50] =	vst v0  }
0x28: {  	[tilespmem:s0+$0xC60] =	vst v0  }
0x29: {  	[spmem:s5] =	stream.linear.scatter [tilespmem:s14], [sflag:$0x5], $0x4000, $0x38;
	[tilespmem:$0x1CC00] =	vst v63  }
0x2a: {  	_ =	swait.ge [sflag:s15], $0x4000  }
0x2b: {  	[sflag:s15] =	ssyncset.done $0x0  }
0x2c: {  	[sflag:s15] =	ssyncadd.s32 $0xFFFFC000  }
0x2d: {  	[spmem:s6] =	stream.linear.scatter [tilespmem:s14], [sflag:$0x5], $0x4000, $0x38;
	[tilespmem:$0x1CC00] =	vst v63  }
0x2e: {  	_ =	swait.ge [sflag:s15], $0x4000  }
0x2f: {  	[sflag:s15] =	ssyncset.done $0x0  }
0x30: {  	[sflag:s15] =	ssyncadd.s32 $0xFFFFC000  }
0x31: {  	[spmem:s7] =	stream.linear.scatter [tilespmem:s14], [sflag:$0x5], $0x4000, $0x38;
	[tilespmem:$0x1CC00] =	vst v63  }
0x32: {  	_ =	swait.ge [sflag:s15], $0x4000  }
0x33: {  	[sflag:s15] =	ssyncset.done $0x0  }
0x34: {  	[sflag:s15] =	ssyncadd.s32 $0xFFFFC000  }
0x35: {  	[spmem:s8] =	stream.linear.scatter [tilespmem:s14], [sflag:$0x5], $0x4000, $0x38;
	[tilespmem:$0x1CC00] =	vst v63  }
0x36: {  	_ =	swait.ge [sflag:s15], $0x4000  }
0x37: {  	[sflag:s15] =	ssyncset.done $0x0  }
0x38: {  	[sflag:s15] =	ssyncadd.s32 $0xFFFFC000  }
0x39: {  	[spmem:s9] =	stream.linear.scatter [tilespmem:s14], [sflag:$0x5], $0x4000, $0x38;
	[tilespmem:$0x1CC00] =	vst v63  }
0x3a: {  	_ =	swait.ge [sflag:s15], $0x4000  }
0x3b: {  	[sflag:s15] =	ssyncset.done $0x0  }
0x3c: {  	[sflag:s15] =	ssyncadd.s32 $0xFFFFC000  }
0x3d: {  	s31 =	simm.s32 $0x0;
	[bflag:$0x0] =	sbarrier.arrive $0xFFFF  }
.LBB2_4:
0x3e: {  	s0 =	sshll.u32 s31, $0x7  }
0x3f: {  	s2 =	sadd.s32 s0, s10  }
0x40: {  	[tilespmem:s30], [sflag:$0x5] =	stream.linear.gather [hbm4b:s2+s30], $0x400, $0x38;
	[tilespmem:$0x1CC00] =	vst v63  }
0x41: {  	_ =	swait.ge [sflag:s15], $0x400  }
0x42: {  	[sflag:s15] =	ssyncset.done $0x0  }
0x43: {  	s21 =	sadd.s32 s0, s11;
	[sflag:s15] =	ssyncadd.s32 $0xFFFFFC00  }
0x44: {  	[tilespmem:s16], [sflag:$0x5] =	stream.linear.gather [hbm4b:s21+s30], $0x400, $0x38;
	[tilespmem:$0x1CC00] =	vst v63  }
0x45: {  	_ =	swait.ge [sflag:s15], $0x400  }
0x46: {  	[sflag:s15] =	ssyncset.done $0x0  }
0x47: {  	s0 =	sadd.s32 s0, s12;
	[sflag:s15] =	ssyncadd.s32 $0xFFFFFC00  }
0x48: {  	[tilespmem:s17], [sflag:$0x5] =	stream.linear.gather [hbm4b:s0+s30], $0x400, $0x38;
	[tilespmem:$0x1CC00] =	vst v63  }
0x49: {  	_ =	swait.ge [sflag:s15], $0x400  }
0x4a: {  	[sflag:s15] =	ssyncset.done $0x0  }
0x4b: {  	s2 =	simm.s32 $0x0;
	[sflag:s15] =	ssyncadd.s32 $0xFFFFFC00  }
.LBB2_5:
0x4c: {  	s13 =	sshll.u32 s2, $0x8  }
0x4d: {  	[tilespmem:s14], [sflag:$0x1] =	stream.indirect.gather [hbm4b:s1+s18], $0x80, s13, s18, $0xb8;
	[tilespmem:$0x1CC00] =	vst v63  }
0x4e: {  	s0 =	sor.u32 $0x80, s13;
	s21 =	sadd.s32 $0x800, s13  }
0x4f: {  	[tilespmem:s19], [sflag:$0x2] =	stream.indirect.gather [hbm4b:s1+s18], $0x80, s0, s18, $0xb8;
	[tilespmem:$0x1CC00] =	vst v63  }
0x50: {  	v1 =	vmov s21;
	_ =	swait.ge [sflag:s25], $0x4000  }
0x51: {  	[sflag:s25] =	ssyncset.done $0x0  }
0x52: {  	s20 =	simm.s32 $0x0;
	[sflag:s25] =	ssyncadd.s32 $0xFFFFC000  }
.LBB2_6:
0x53: {  	s21 =	sshll.u32 s20, $0x4  }
0x54: {  	s21 =	sand.u32 $0x3FFFFFF0, s21  }
0x55: {  	v2 =	vld.idx.msk [tilespmem:v1+s21+$0x0 ss:$0x1], $0xffff;
	s21 =	sshll.u32 s20, $0xB  }
0x56: {  	s21 =	sand.u32 $0x3FFFF800, s21  }
0x57: {  	v3 =	vld [tilespmem:s21+$0xC00]  }
0x58: {  	v4 =	vld [tilespmem:s21+$0xC10]  }
0x59: {  	v5 =	vld [tilespmem:s21+$0xC20]  }
0x5a: {  	v7 =	vld [tilespmem:s21+$0xC30];
	v6 =	vbroadcast v2, $0x0  }
0x5b: {  	v8 =	vld [tilespmem:s21+$0xC40]  }
0x5c: {  	v9 =	vld [tilespmem:s21+$0xC50];
	v3 =	vmul.f32 v6, v3  }
0x5d: {  	v10 =	vld [tilespmem:s21+$0xC60];
	v4 =	vmul.f32 v4, v6  }
0x5e: {  	v24 =	vld [tilespmem:s21+$0xC70];
	[tilespmem:s21+$0xC00] =	vst v3;
	v3 =	vmul.f32 v5, v6  }
0x5f: {  	v26 =	vld [tilespmem:s21+$0xC80];
	v25 =	vmul.f32 v7, v6;
	[tilespmem:s21+$0xC10] =	vst v4  }
0x60: {  	v27 =	vld [tilespmem:s21+$0xC90];
	[tilespmem:s21+$0xC20] =	vst v3;
	v3 =	vmul.f32 v8, v6  }
0x61: {  	v29 =	vld [tilespmem:s21+$0xCA0];
	v28 =	vmul.f32 v9, v6;
	[tilespmem:s21+$0xC30] =	vst v25  }
0x62: {  	v11 =	vld [tilespmem:s21+$0xCB0];
	v30 =	vbroadcast v2, $0x1;
	[tilespmem:s21+$0xC40] =	vst v3;
	v3 =	vmul.f32 v10, v6  }
0x63: {  	v32 =	vld [tilespmem:s21+$0xCC0];
	v31 =	vmul.f32 v24, v6;
	[tilespmem:s21+$0xC50] =	vst v28  }
0x64: {  	v33 =	vld [tilespmem:s21+$0xCD0];
	[tilespmem:s21+$0xC60] =	vst v3;
	v3 =	vmul.f32 v26, v30  }
0x65: {  	v35 =	vld [tilespmem:s21+$0xCE0];
	v34 =	vmul.f32 v27, v30;
	[tilespmem:s21+$0xC70] =	vst v31  }
0x66: {  	v36 =	vld [tilespmem:s21+$0xCF0];
	[tilespmem:s21+$0xC80] =	vst v3;
	v3 =	vmul.f32 v29, v30  }
0x67: {  	v38 =	vld [tilespmem:s21+$0xD00];
	v37 =	vmul.f32 v11, v30;
	[tilespmem:s21+$0xC90] =	vst v34  }
0x68: {  	v39 =	vld [tilespmem:s21+$0xD10];
	[tilespmem:s21+$0xCA0] =	vst v3;
	v3 =	vmul.f32 v32, v30  }
0x69: {  	v41 =	vld [tilespmem:s21+$0xD20];
	v40 =	vmul.f32 v33, v30;
	[tilespmem:s21+$0xCB0] =	vst v37  }
0x6a: {  	v43 =	vld [tilespmem:s21+$0xD30];
	v42 =	vbroadcast v2, $0x2;
	[tilespmem:s21+$0xCC0] =	vst v3;
	v3 =	vmul.f32 v35, v30  }
0x6b: {  	v45 =	vld [tilespmem:s21+$0xD40];
	v44 =	vmul.f32 v36, v30;
	[tilespmem:s21+$0xCD0] =	vst v40  }
0x6c: {  	v46 =	vld [tilespmem:s21+$0xD50];
	[tilespmem:s21+$0xCE0] =	vst v3;
	v3 =	vmul.f32 v38, v42  }
0x6d: {  	v48 =	vld [tilespmem:s21+$0xD60];
	v47 =	vmul.f32 v39, v42;
	[tilespmem:s21+$0xCF0] =	vst v44  }
0x6e: {  	v49 =	vld [tilespmem:s21+$0xD70];
	[tilespmem:s21+$0xD00] =	vst v3;
	v3 =	vmul.f32 v41, v42  }
0x6f: {  	v51 =	vld [tilespmem:s21+$0xD80];
	v50 =	vmul.f32 v43, v42;
	[tilespmem:s21+$0xD10] =	vst v47  }
0x70: {  	v52 =	vld [tilespmem:s21+$0xD90];
	[tilespmem:s21+$0xD20] =	vst v3;
	v3 =	vmul.f32 v45, v42  }
0x71: {  	v54 =	vld [tilespmem:s21+$0xDA0];
	v53 =	vmul.f32 v46, v42;
	[tilespmem:s21+$0xD30] =	vst v50  }
0x72: {  	v56 =	vld [tilespmem:s21+$0xDB0];
	v55 =	vbroadcast v2, $0x3;
	[tilespmem:s21+$0xD40] =	vst v3;
	v3 =	vmul.f32 v48, v42  }
0x73: {  	v58 =	vld [tilespmem:s21+$0xDC0];
	v57 =	vmul.f32 v49, v42;
	[tilespmem:s21+$0xD50] =	vst v53  }
0x74: {  	v59 =	vld [tilespmem:s21+$0xDD0];
	[tilespmem:s21+$0xD60] =	vst v3;
	v3 =	vmul.f32 v51, v55  }
0x75: {  	v61 =	vld [tilespmem:s21+$0xDE0];
	v60 =	vmul.f32 v52, v55;
	[tilespmem:s21+$0xD70] =	vst v57  }
0x76: {  	v62 =	vld [tilespmem:s21+$0xDF0];
	[tilespmem:s21+$0xD80] =	vst v3;
	v3 =	vmul.f32 v54, v55  }
0x77: {  	v12 =	vld [tilespmem:s21+$0xE00];
	v63 =	vmul.f32 v56, v55;
	[tilespmem:s21+$0xD90] =	vst v60  }
0x78: {  	v13 =	vld [tilespmem:s21+$0xE10];
	[tilespmem:s21+$0xDA0] =	vst v3;
	v3 =	vmul.f32 v58, v55  }
0x79: {  	v15 =	vld [tilespmem:s21+$0xE20];
	v14 =	vmul.f32 v59, v55;
	[tilespmem:s21+$0xDB0] =	vst v63  }
0x7a: {  	v17 =	vld [tilespmem:s21+$0xE30];
	v16 =	vbroadcast v2, $0x4;
	[tilespmem:s21+$0xDC0] =	vst v3;
	v3 =	vmul.f32 v61, v55  }
0x7b: {  	v19 =	vld [tilespmem:s21+$0xE40];
	v18 =	vmul.f32 v62, v55;
	[tilespmem:s21+$0xDD0] =	vst v14  }
0x7c: {  	v20 =	vld [tilespmem:s21+$0xE50];
	[tilespmem:s21+$0xDE0] =	vst v3;
	v3 =	vmul.f32 v12, v16  }
0x7d: {  	v22 =	vld [tilespmem:s21+$0xE60];
	v21 =	vmul.f32 v13, v16;
	[tilespmem:s21+$0xDF0] =	vst v18  }
0x7e: {  	v23 =	vld [tilespmem:s21+$0xE70];
	[tilespmem:s21+$0xE00] =	vst v3;
	v3 =	vmul.f32 v15, v16  }
0x7f: {  	v24 =	vmul.f32 v17, v16;
	[tilespmem:s21+$0xE10] =	vst v21;
	v25 =	vld [tilespmem:s21+$0xE80]  }
0x80: {  	v33 =	vld [tilespmem:s21+$0xED0];
	[tilespmem:s21+$0xE20] =	vst v3;
	v3 =	vmul.f32 v19, v16  }
0x81: {  	v27 =	vmul.f32 v20, v16;
	[tilespmem:s21+$0xE30] =	vst v24;
	v28 =	vld [tilespmem:s21+$0xEA0]  }
0x82: {  	v36 =	vld [tilespmem:s21+$0xEF0];
	v29 =	vbroadcast v2, $0x5;
	[tilespmem:s21+$0xE40] =	vst v3;
	v3 =	vmul.f32 v22, v16  }
0x83: {  	[tilespmem:s21+$0xE50] =	vst v27;
	v31 =	vmul.f32 v23, v16;
	v32 =	vld [tilespmem:s21+$0xEC0]  }
0x84: {  	v26 =	vld [tilespmem:s21+$0xE90];
	[tilespmem:s21+$0xE60] =	vst v3;
	v3 =	vmul.f32 v25, v29  }
0x85: {  	[tilespmem:s21+$0xE70] =	vst v31;
	v40 =	vmul.f32 v33, v29;
	v35 =	vld [tilespmem:s21+$0xEE0]  }
0x86: {  	v30 =	vld [tilespmem:s21+$0xEB0];
	[tilespmem:s21+$0xE80] =	vst v3;
	v3 =	vmul.f32 v28, v29  }
0x87: {  	v44 =	vmul.f32 v36, v29;
	[tilespmem:s21+$0xED0] =	vst v40;
	v38 =	vld [tilespmem:s21+$0xF00]  }
0x88: {  	v39 =	vld [tilespmem:s21+$0xF10];
	[tilespmem:s21+$0xEA0] =	vst v3;
	v3 =	vmul.f32 v32, v29  }
0x89: {  	v34 =	vmul.f32 v26, v29;
	[tilespmem:s21+$0xEF0] =	vst v44;
	v41 =	vld [tilespmem:s21+$0xF20]  }
0x8a: {  	v43 =	vld [tilespmem:s21+$0xF30];
	v42 =	vbroadcast v2, $0x6;
	[tilespmem:s21+$0xEC0] =	vst v3;
	v3 =	vmul.f32 v35, v29  }
0x8b: {  	[tilespmem:s21+$0xE90] =	vst v34;
	v37 =	vmul.f32 v30, v29;
	v45 =	vld [tilespmem:s21+$0xF40]  }
0x8c: {  	v46 =	vld [tilespmem:s21+$0xF50];
	[tilespmem:s21+$0xEE0] =	vst v3;
	v3 =	vmul.f32 v38, v42  }
0x8d: {  	[tilespmem:s21+$0xEB0] =	vst v37;
	v48 =	vld [tilespmem:s21+$0xF60];
	v47 =	vmul.f32 v39, v42  }
0x8e: {  	v49 =	vld [tilespmem:s21+$0xF70];
	[tilespmem:s21+$0xF00] =	vst v3;
	v3 =	vmul.f32 v41, v42  }
0x8f: {  	v50 =	vmul.f32 v43, v42;
	v51 =	vld [tilespmem:s21+$0xF80];
	[tilespmem:s21+$0xF10] =	vst v47  }
0x90: {  	v52 =	vld [tilespmem:s21+$0xF90];
	[tilespmem:s21+$0xF20] =	vst v3;
	v3 =	vmul.f32 v45, v42  }
0x91: {  	v53 =	vmul.f32 v46, v42;
	[tilespmem:s21+$0xF30] =	vst v50;
	v54 =	vld [tilespmem:s21+$0xFA0]  }
0x92: {  	v56 =	vld [tilespmem:s21+$0xFB0];
	v55 =	vbroadcast v2, $0x7;
	[tilespmem:s21+$0xF40] =	vst v3;
	v3 =	vmul.f32 v48, v42  }
0x93: {  	v57 =	vmul.f32 v49, v42;
	[tilespmem:s21+$0xF50] =	vst v53;
	v58 =	vld [tilespmem:s21+$0xFC0]  }
0x94: {  	v59 =	vld [tilespmem:s21+$0xFD0];
	[tilespmem:s21+$0xF60] =	vst v3;
	v3 =	vmul.f32 v51, v55  }
0x95: {  	[tilespmem:s21+$0xF70] =	vst v57;
	v61 =	vld [tilespmem:s21+$0xFE0];
	v60 =	vmul.f32 v52, v55  }
0x96: {  	v62 =	vld [tilespmem:s21+$0xFF0];
	[tilespmem:s21+$0xF80] =	vst v3;
	v3 =	vmul.f32 v54, v55  }
0x97: {  	v63 =	vmul.f32 v56, v55;
	v12 =	vld [tilespmem:s21+$0x1000];
	[tilespmem:s21+$0xF90] =	vst v60  }
0x98: {  	v13 =	vld [tilespmem:s21+$0x1010];
	[tilespmem:s21+$0xFA0] =	vst v3;
	v3 =	vmul.f32 v58, v55  }
0x99: {  	v14 =	vmul.f32 v59, v55;
	[tilespmem:s21+$0xFB0] =	vst v63;
	v15 =	vld [tilespmem:s21+$0x1020]  }
0x9a: {  	v17 =	vld [tilespmem:s21+$0x1030];
	v16 =	vbroadcast v2, $0x8;
	[tilespmem:s21+$0xFC0] =	vst v3;
	v3 =	vmul.f32 v61, v55  }
0x9b: {  	v18 =	vmul.f32 v62, v55;
	[tilespmem:s21+$0xFD0] =	vst v14;
	v19 =	vld [tilespmem:s21+$0x1040]  }
0x9c: {  	v20 =	vld [tilespmem:s21+$0x1050];
	[tilespmem:s21+$0xFE0] =	vst v3;
	v3 =	vmul.f32 v12, v16  }
0x9d: {  	[tilespmem:s21+$0xFF0] =	vst v18;
	v22 =	vld [tilespmem:s21+$0x1060];
	v21 =	vmul.f32 v13, v16  }
0x9e: {  	v23 =	vld [tilespmem:s21+$0x1070];
	[tilespmem:s21+$0x1000] =	vst v3;
	v3 =	vmul.f32 v15, v16  }
0x9f: {  	v24 =	vmul.f32 v17, v16;
	v25 =	vld [tilespmem:s21+$0x1080];
	[tilespmem:s21+$0x1010] =	vst v21  }
0xa0: {  	v26 =	vld [tilespmem:s21+$0x1090];
	[tilespmem:s21+$0x1020] =	vst v3;
	v3 =	vmul.f32 v19, v16  }
0xa1: {  	v27 =	vmul.f32 v20, v16;
	[tilespmem:s21+$0x1030] =	vst v24;
	v28 =	vld [tilespmem:s21+$0x10A0]  }
0xa2: {  	v30 =	vld [tilespmem:s21+$0x10B0];
	v29 =	vbroadcast v2, $0x9;
	[tilespmem:s21+$0x1040] =	vst v3;
	v3 =	vmul.f32 v22, v16  }
0xa3: {  	v31 =	vmul.f32 v23, v16;
	[tilespmem:s21+$0x1050] =	vst v27;
	v32 =	vld [tilespmem:s21+$0x10C0]  }
0xa4: {  	v33 =	vld [tilespmem:s21+$0x10D0];
	[tilespmem:s21+$0x1060] =	vst v3;
	v3 =	vmul.f32 v25, v29  }
0xa5: {  	[tilespmem:s21+$0x1070] =	vst v31;
	v35 =	vld [tilespmem:s21+$0x10E0];
	v34 =	vmul.f32 v26, v29  }
0xa6: {  	v36 =	vld [tilespmem:s21+$0x10F0];
	[tilespmem:s21+$0x1080] =	vst v3;
	v3 =	vmul.f32 v28, v29  }
0xa7: {  	v37 =	vmul.f32 v30, v29;
	v38 =	vld [tilespmem:s21+$0x1100];
	[tilespmem:s21+$0x1090] =	vst v34  }
0xa8: {  	v39 =	vld [tilespmem:s21+$0x1110];
	[tilespmem:s21+$0x10A0] =	vst v3;
	v3 =	vmul.f32 v32, v29  }
0xa9: {  	v40 =	vmul.f32 v33, v29;
	[tilespmem:s21+$0x10B0] =	vst v37;
	v41 =	vld [tilespmem:s21+$0x1120]  }
0xaa: {  	v43 =	vld [tilespmem:s21+$0x1130];
	v42 =	vbroadcast v2, $0xA;
	[tilespmem:s21+$0x10C0] =	vst v3;
	v3 =	vmul.f32 v35, v29  }
0xab: {  	v44 =	vmul.f32 v36, v29;
	[tilespmem:s21+$0x10D0] =	vst v40;
	v45 =	vld [tilespmem:s21+$0x1140]  }
0xac: {  	v46 =	vld [tilespmem:s21+$0x1150];
	[tilespmem:s21+$0x10E0] =	vst v3;
	v3 =	vmul.f32 v38, v42  }
0xad: {  	[tilespmem:s21+$0x10F0] =	vst v44;
	v48 =	vld [tilespmem:s21+$0x1160];
	v47 =	vmul.f32 v39, v42  }
0xae: {  	v49 =	vld [tilespmem:s21+$0x1170];
	[tilespmem:s21+$0x1100] =	vst v3;
	v3 =	vmul.f32 v41, v42  }
0xaf: {  	v50 =	vmul.f32 v43, v42;
	v51 =	vld [tilespmem:s21+$0x1180];
	[tilespmem:s21+$0x1110] =	vst v47  }
0xb0: {  	v52 =	vld [tilespmem:s21+$0x1190];
	[tilespmem:s21+$0x1120] =	vst v3;
	v3 =	vmul.f32 v45, v42  }
0xb1: {  	v53 =	vmul.f32 v46, v42;
	[tilespmem:s21+$0x1130] =	vst v50;
	v54 =	vld [tilespmem:s21+$0x11A0]  }
0xb2: {  	v56 =	vld [tilespmem:s21+$0x11B0];
	v55 =	vbroadcast v2, $0xB;
	[tilespmem:s21+$0x1140] =	vst v3;
	v3 =	vmul.f32 v48, v42  }
0xb3: {  	v57 =	vmul.f32 v49, v42;
	[tilespmem:s21+$0x1150] =	vst v53;
	v58 =	vld [tilespmem:s21+$0x11C0]  }
0xb4: {  	v59 =	vld [tilespmem:s21+$0x11D0];
	[tilespmem:s21+$0x1160] =	vst v3;
	v3 =	vmul.f32 v51, v55  }
0xb5: {  	[tilespmem:s21+$0x1170] =	vst v57;
	v61 =	vld [tilespmem:s21+$0x11E0];
	v60 =	vmul.f32 v52, v55  }
0xb6: {  	v62 =	vld [tilespmem:s21+$0x11F0];
	[tilespmem:s21+$0x1180] =	vst v3;
	v3 =	vmul.f32 v54, v55  }
0xb7: {  	v63 =	vmul.f32 v56, v55;
	v12 =	vld [tilespmem:s21+$0x1200];
	[tilespmem:s21+$0x1190] =	vst v60  }
0xb8: {  	v13 =	vld [tilespmem:s21+$0x1210];
	[tilespmem:s21+$0x11A0] =	vst v3;
	v3 =	vmul.f32 v58, v55  }
0xb9: {  	v14 =	vmul.f32 v59, v55;
	[tilespmem:s21+$0x11B0] =	vst v63;
	v15 =	vld [tilespmem:s21+$0x1220]  }
0xba: {  	v17 =	vld [tilespmem:s21+$0x1230];
	v16 =	vbroadcast v2, $0xC;
	[tilespmem:s21+$0x11C0] =	vst v3;
	v3 =	vmul.f32 v61, v55  }
0xbb: {  	v18 =	vmul.f32 v62, v55;
	[tilespmem:s21+$0x11D0] =	vst v14;
	v19 =	vld [tilespmem:s21+$0x1240]  }
0xbc: {  	v20 =	vld [tilespmem:s21+$0x1250];
	[tilespmem:s21+$0x11E0] =	vst v3;
	v3 =	vmul.f32 v12, v16  }
0xbd: {  	[tilespmem:s21+$0x11F0] =	vst v18;
	v22 =	vld [tilespmem:s21+$0x1260];
	v21 =	vmul.f32 v13, v16  }
0xbe: {  	v23 =	vld [tilespmem:s21+$0x1270];
	[tilespmem:s21+$0x1200] =	vst v3;
	v3 =	vmul.f32 v15, v16  }
0xbf: {  	v24 =	vmul.f32 v17, v16;
	v25 =	vld [tilespmem:s21+$0x1280];
	[tilespmem:s21+$0x1210] =	vst v21  }
0xc0: {  	v26 =	vld [tilespmem:s21+$0x1290];
	[tilespmem:s21+$0x1220] =	vst v3;
	v3 =	vmul.f32 v19, v16  }
0xc1: {  	v27 =	vmul.f32 v20, v16;
	[tilespmem:s21+$0x1230] =	vst v24;
	v28 =	vld [tilespmem:s21+$0x12A0]  }
0xc2: {  	v30 =	vld [tilespmem:s21+$0x12B0];
	v29 =	vbroadcast v2, $0xD;
	[tilespmem:s21+$0x1240] =	vst v3;
	v3 =	vmul.f32 v22, v16  }
0xc3: {  	v31 =	vmul.f32 v23, v16;
	[tilespmem:s21+$0x1250] =	vst v27;
	v32 =	vld [tilespmem:s21+$0x12C0]  }
0xc4: {  	v33 =	vld [tilespmem:s21+$0x12D0];
	[tilespmem:s21+$0x1260] =	vst v3;
	v3 =	vmul.f32 v25, v29  }
0xc5: {  	[tilespmem:s21+$0x1270] =	vst v31;
	v35 =	vld [tilespmem:s21+$0x12E0];
	v34 =	vmul.f32 v26, v29  }
0xc6: {  	v36 =	vld [tilespmem:s21+$0x12F0];
	[tilespmem:s21+$0x1280] =	vst v3;
	v3 =	vmul.f32 v28, v29  }
0xc7: {  	v37 =	vmul.f32 v30, v29;
	v38 =	vld [tilespmem:s21+$0x1300];
	[tilespmem:s21+$0x1290] =	vst v34  }
0xc8: {  	v39 =	vld [tilespmem:s21+$0x1310];
	[tilespmem:s21+$0x12A0] =	vst v3;
	v3 =	vmul.f32 v32, v29  }
0xc9: {  	v40 =	vmul.f32 v33, v29;
	[tilespmem:s21+$0x12B0] =	vst v37;
	v41 =	vld [tilespmem:s21+$0x1320]  }
0xca: {  	v43 =	vld [tilespmem:s21+$0x1330];
	v42 =	vbroadcast v2, $0xE;
	[tilespmem:s21+$0x12C0] =	vst v3;
	v3 =	vmul.f32 v35, v29  }
0xcb: {  	v44 =	vmul.f32 v36, v29;
	[tilespmem:s21+$0x12D0] =	vst v40;
	v45 =	vld [tilespmem:s21+$0x1340]  }
0xcc: {  	v46 =	vld [tilespmem:s21+$0x1350];
	[tilespmem:s21+$0x12E0] =	vst v3;
	v3 =	vmul.f32 v38, v42  }
0xcd: {  	[tilespmem:s21+$0x12F0] =	vst v44;
	v48 =	vld [tilespmem:s21+$0x1360];
	v47 =	vmul.f32 v39, v42  }
0xce: {  	v49 =	vld [tilespmem:s21+$0x1370];
	[tilespmem:s21+$0x1300] =	vst v3;
	v3 =	vmul.f32 v41, v42  }
0xcf: {  	v50 =	vmul.f32 v43, v42;
	v51 =	vld [tilespmem:s21+$0x1380];
	[tilespmem:s21+$0x1310] =	vst v47  }
0xd0: {  	v52 =	vld [tilespmem:s21+$0x1390];
	[tilespmem:s21+$0x1320] =	vst v3;
	v3 =	vmul.f32 v45, v42  }
0xd1: {  	v53 =	vmul.f32 v46, v42;
	[tilespmem:s21+$0x1330] =	vst v50;
	v54 =	vld [tilespmem:s21+$0x13A0]  }
0xd2: {  	v2 =	vbroadcast v2, $0xF;
	v58 =	vld [tilespmem:s21+$0x13D0];
	[tilespmem:s21+$0x1340] =	vst v3;
	v3 =	vmul.f32 v48, v42  }
0xd3: {  	v57 =	vld [tilespmem:s21+$0x13C0];
	v56 =	vmul.f32 v49, v42;
	[tilespmem:s21+$0x1350] =	vst v53  }
0xd4: {  	v55 =	vld [tilespmem:s21+$0x13B0];
	[tilespmem:s21+$0x1360] =	vst v3;
	v3 =	vmul.f32 v51, v2  }
0xd5: {  	v60 =	vld [tilespmem:s21+$0x13E0];
	v59 =	vmul.f32 v52, v2;
	[tilespmem:s21+$0x1370] =	vst v56  }
0xd6: {  	v61 =	vld [tilespmem:s21+$0x13F0];
	[tilespmem:s21+$0x1380] =	vst v3;
	v3 =	vmul.f32 v54, v2  }
0xd7: {  	[tilespmem:s21+$0x1390] =	vst v59;
	v63 =	vmul.f32 v58, v2  }
0xd8: {  	p0 =	sne.s32 s20, $0x7;
	[tilespmem:s21+$0x13A0] =	vst v3;
	v3 =	vmul.f32 v57, v2  }
.Ltmp1:
0xd9: {  	v62 =	vmul.f32 v55, v2;
	[tilespmem:s21+$0x13D0] =	vst v63;
	(pc) =	sbr.rel @p0 .LBB2_6-.Ltmp1, $4  }
0xda: {  	[tilespmem:s21+$0x13C0] =	vst v3;
	v3 =	vmul.f32 v60, v2  }
0xdb: {  	[tilespmem:s21+$0x13B0] =	vst v62;
	v2 =	vmul.f32 v61, v2  }
0xdc: {  	[tilespmem:s21+$0x13E0] =	vst v3  }
0xdd: {  	s20 =	sadd.s32 $0x1, s20;
	[tilespmem:s21+$0x13F0] =	vst v2  }
0xde: {  	s13 =	sadd.s32 $0x400, s13;
	s20 =	sadd.s32 $0x800, s0  }
0xdf: {  	[spmem:s3] =	stream.indirect.scatter.add.f32 [tilespmem:s14], [sflag:$0x3], $0x80, s13, s18, $0xb8;
	[tilespmem:$0x1CC00] =	vst v63  }
0xe0: {  	v1 =	vmov s20;
	_ =	swait.ge [sflag:s26], $0x4000  }
0xe1: {  	[sflag:s26] =	ssyncset.done $0x0  }
0xe2: {  	s13 =	simm.s32 $0x0;
	[sflag:s26] =	ssyncadd.s32 $0xFFFFC000  }
.LBB2_8:
0xe3: {  	s20 =	sshll.u32 s13, $0x4  }
0xe4: {  	s20 =	sand.u32 $0x3FFFFFF0, s20  }
0xe5: {  	s21 =	sshll.u32 s13, $0xB;
	v2 =	vld.idx.msk [tilespmem:v1+s20+$0x0 ss:$0x1], $0xffff  }
0xe6: {  	s20 =	sand.u32 $0x3FFFF800, s21  }
0xe7: {  	v3 =	vld [tilespmem:s20+$0x4C00]  }
0xe8: {  	v4 =	vld [tilespmem:s20+$0x4C10]  }
0xe9: {  	v5 =	vld [tilespmem:s20+$0x4C20]  }
0xea: {  	v7 =	vld [tilespmem:s20+$0x4C30];
	v6 =	vbroadcast v2, $0x0  }
0xeb: {  	v8 =	vld [tilespmem:s20+$0x4C40]  }
0xec: {  	v9 =	vld [tilespmem:s20+$0x4C50];
	v3 =	vmul.f32 v6, v3  }
0xed: {  	v10 =	vld [tilespmem:s20+$0x4C60];
	v4 =	vmul.f32 v4, v6  }
0xee: {  	v24 =	vld [tilespmem:s20+$0x4C70];
	[tilespmem:s20+$0x4C00] =	vst v3;
	v3 =	vmul.f32 v5, v6  }
0xef: {  	v26 =	vld [tilespmem:s20+$0x4C80];
	v25 =	vmul.f32 v7, v6;
	[tilespmem:s20+$0x4C10] =	vst v4  }
0xf0: {  	v27 =	vld [tilespmem:s20+$0x4C90];
	[tilespmem:s20+$0x4C20] =	vst v3;
	v3 =	vmul.f32 v8, v6  }
0xf1: {  	v29 =	vld [tilespmem:s20+$0x4CA0];
	v28 =	vmul.f32 v9, v6;
	[tilespmem:s20+$0x4C30] =	vst v25  }
0xf2: {  	v11 =	vld [tilespmem:s20+$0x4CB0];
	v30 =	vbroadcast v2, $0x1;
	[tilespmem:s20+$0x4C40] =	vst v3;
	v3 =	vmul.f32 v10, v6  }
0xf3: {  	v32 =	vld [tilespmem:s20+$0x4CC0];
	v31 =	vmul.f32 v24, v6;
	[tilespmem:s20+$0x4C50] =	vst v28  }
0xf4: {  	v33 =	vld [tilespmem:s20+$0x4CD0];
	[tilespmem:s20+$0x4C60] =	vst v3;
	v3 =	vmul.f32 v26, v30  }
0xf5: {  	v35 =	vld [tilespmem:s20+$0x4CE0];
	v34 =	vmul.f32 v27, v30;
	[tilespmem:s20+$0x4C70] =	vst v31  }
0xf6: {  	v36 =	vld [tilespmem:s20+$0x4CF0];
	[tilespmem:s20+$0x4C80] =	vst v3;
	v3 =	vmul.f32 v29, v30  }
0xf7: {  	v38 =	vld [tilespmem:s20+$0x4D00];
	v37 =	vmul.f32 v11, v30;
	[tilespmem:s20+$0x4C90] =	vst v34  }
0xf8: {  	v39 =	vld [tilespmem:s20+$0x4D10];
	[tilespmem:s20+$0x4CA0] =	vst v3;
	v3 =	vmul.f32 v32, v30  }
0xf9: {  	v41 =	vld [tilespmem:s20+$0x4D20];
	v40 =	vmul.f32 v33, v30;
	[tilespmem:s20+$0x4CB0] =	vst v37  }
0xfa: {  	v43 =	vld [tilespmem:s20+$0x4D30];
	v42 =	vbroadcast v2, $0x2;
	[tilespmem:s20+$0x4CC0] =	vst v3;
	v3 =	vmul.f32 v35, v30  }
0xfb: {  	v45 =	vld [tilespmem:s20+$0x4D40];
	v44 =	vmul.f32 v36, v30;
	[tilespmem:s20+$0x4CD0] =	vst v40  }
0xfc: {  	v46 =	vld [tilespmem:s20+$0x4D50];
	[tilespmem:s20+$0x4CE0] =	vst v3;
	v3 =	vmul.f32 v38, v42  }
0xfd: {  	v48 =	vld [tilespmem:s20+$0x4D60];
	v47 =	vmul.f32 v39, v42;
	[tilespmem:s20+$0x4CF0] =	vst v44  }
0xfe: {  	v49 =	vld [tilespmem:s20+$0x4D70];
	[tilespmem:s20+$0x4D00] =	vst v3;
	v3 =	vmul.f32 v41, v42  }
0xff: {  	v51 =	vld [tilespmem:s20+$0x4D80];
	v50 =	vmul.f32 v43, v42;
	[tilespmem:s20+$0x4D10] =	vst v47  }
0x100: {  	v52 =	vld [tilespmem:s20+$0x4D90];
	[tilespmem:s20+$0x4D20] =	vst v3;
	v3 =	vmul.f32 v45, v42  }
0x101: {  	v54 =	vld [tilespmem:s20+$0x4DA0];
	v53 =	vmul.f32 v46, v42;
	[tilespmem:s20+$0x4D30] =	vst v50  }
0x102: {  	v56 =	vld [tilespmem:s20+$0x4DB0];
	v55 =	vbroadcast v2, $0x3;
	[tilespmem:s20+$0x4D40] =	vst v3;
	v3 =	vmul.f32 v48, v42  }
0x103: {  	v58 =	vld [tilespmem:s20+$0x4DC0];
	v57 =	vmul.f32 v49, v42;
	[tilespmem:s20+$0x4D50] =	vst v53  }
0x104: {  	v59 =	vld [tilespmem:s20+$0x4DD0];
	[tilespmem:s20+$0x4D60] =	vst v3;
	v3 =	vmul.f32 v51, v55  }
0x105: {  	v61 =	vld [tilespmem:s20+$0x4DE0];
	v60 =	vmul.f32 v52, v55;
	[tilespmem:s20+$0x4D70] =	vst v57  }
0x106: {  	v62 =	vld [tilespmem:s20+$0x4DF0];
	[tilespmem:s20+$0x4D80] =	vst v3;
	v3 =	vmul.f32 v54, v55  }
0x107: {  	v12 =	vld [tilespmem:s20+$0x4E00];
	v63 =	vmul.f32 v56, v55;
	[tilespmem:s20+$0x4D90] =	vst v60  }
0x108: {  	v13 =	vld [tilespmem:s20+$0x4E10];
	[tilespmem:s20+$0x4DA0] =	vst v3;
	v3 =	vmul.f32 v58, v55  }
0x109: {  	v15 =	vld [tilespmem:s20+$0x4E20];
	v14 =	vmul.f32 v59, v55;
	[tilespmem:s20+$0x4DB0] =	vst v63  }
0x10a: {  	v17 =	vld [tilespmem:s20+$0x4E30];
	v16 =	vbroadcast v2, $0x4;
	[tilespmem:s20+$0x4DC0] =	vst v3;
	v3 =	vmul.f32 v61, v55  }
0x10b: {  	v19 =	vld [tilespmem:s20+$0x4E40];
	v18 =	vmul.f32 v62, v55;
	[tilespmem:s20+$0x4DD0] =	vst v14  }
0x10c: {  	v20 =	vld [tilespmem:s20+$0x4E50];
	[tilespmem:s20+$0x4DE0] =	vst v3;
	v3 =	vmul.f32 v12, v16  }
0x10d: {  	v22 =	vld [tilespmem:s20+$0x4E60];
	v21 =	vmul.f32 v13, v16;
	[tilespmem:s20+$0x4DF0] =	vst v18  }
0x10e: {  	v23 =	vld [tilespmem:s20+$0x4E70];
	[tilespmem:s20+$0x4E00] =	vst v3;
	v3 =	vmul.f32 v15, v16  }
0x10f: {  	v24 =	vmul.f32 v17, v16;
	[tilespmem:s20+$0x4E10] =	vst v21;
	v25 =	vld [tilespmem:s20+$0x4E80]  }
0x110: {  	v33 =	vld [tilespmem:s20+$0x4ED0];
	[tilespmem:s20+$0x4E20] =	vst v3;
	v3 =	vmul.f32 v19, v16  }
0x111: {  	v27 =	vmul.f32 v20, v16;
	[tilespmem:s20+$0x4E30] =	vst v24;
	v28 =	vld [tilespmem:s20+$0x4EA0]  }
0x112: {  	v36 =	vld [tilespmem:s20+$0x4EF0];
	v29 =	vbroadcast v2, $0x5;
	[tilespmem:s20+$0x4E40] =	vst v3;
	v3 =	vmul.f32 v22, v16  }
0x113: {  	[tilespmem:s20+$0x4E50] =	vst v27;
	v31 =	vmul.f32 v23, v16;
	v32 =	vld [tilespmem:s20+$0x4EC0]  }
0x114: {  	v26 =	vld [tilespmem:s20+$0x4E90];
	[tilespmem:s20+$0x4E60] =	vst v3;
	v3 =	vmul.f32 v25, v29  }
0x115: {  	[tilespmem:s20+$0x4E70] =	vst v31;
	v40 =	vmul.f32 v33, v29;
	v35 =	vld [tilespmem:s20+$0x4EE0]  }
0x116: {  	v30 =	vld [tilespmem:s20+$0x4EB0];
	[tilespmem:s20+$0x4E80] =	vst v3;
	v3 =	vmul.f32 v28, v29  }
0x117: {  	v44 =	vmul.f32 v36, v29;
	[tilespmem:s20+$0x4ED0] =	vst v40;
	v38 =	vld [tilespmem:s20+$0x4F00]  }
0x118: {  	v39 =	vld [tilespmem:s20+$0x4F10];
	[tilespmem:s20+$0x4EA0] =	vst v3;
	v3 =	vmul.f32 v32, v29  }
0x119: {  	v34 =	vmul.f32 v26, v29;
	[tilespmem:s20+$0x4EF0] =	vst v44;
	v41 =	vld [tilespmem:s20+$0x4F20]  }
0x11a: {  	v43 =	vld [tilespmem:s20+$0x4F30];
	v42 =	vbroadcast v2, $0x6;
	[tilespmem:s20+$0x4EC0] =	vst v3;
	v3 =	vmul.f32 v35, v29  }
0x11b: {  	[tilespmem:s20+$0x4E90] =	vst v34;
	v37 =	vmul.f32 v30, v29;
	v45 =	vld [tilespmem:s20+$0x4F40]  }
0x11c: {  	v46 =	vld [tilespmem:s20+$0x4F50];
	[tilespmem:s20+$0x4EE0] =	vst v3;
	v3 =	vmul.f32 v38, v42  }
0x11d: {  	[tilespmem:s20+$0x4EB0] =	vst v37;
	v48 =	vld [tilespmem:s20+$0x4F60];
	v47 =	vmul.f32 v39, v42  }
0x11e: {  	v49 =	vld [tilespmem:s20+$0x4F70];
	[tilespmem:s20+$0x4F00] =	vst v3;
	v3 =	vmul.f32 v41, v42  }
0x11f: {  	v50 =	vmul.f32 v43, v42;
	v51 =	vld [tilespmem:s20+$0x4F80];
	[tilespmem:s20+$0x4F10] =	vst v47  }
0x120: {  	v52 =	vld [tilespmem:s20+$0x4F90];
	[tilespmem:s20+$0x4F20] =	vst v3;
	v3 =	vmul.f32 v45, v42  }
0x121: {  	v53 =	vmul.f32 v46, v42;
	[tilespmem:s20+$0x4F30] =	vst v50;
	v54 =	vld [tilespmem:s20+$0x4FA0]  }
0x122: {  	v56 =	vld [tilespmem:s20+$0x4FB0];
	v55 =	vbroadcast v2, $0x7;
	[tilespmem:s20+$0x4F40] =	vst v3;
	v3 =	vmul.f32 v48, v42  }
0x123: {  	v57 =	vmul.f32 v49, v42;
	[tilespmem:s20+$0x4F50] =	vst v53;
	v58 =	vld [tilespmem:s20+$0x4FC0]  }
0x124: {  	v59 =	vld [tilespmem:s20+$0x4FD0];
	[tilespmem:s20+$0x4F60] =	vst v3;
	v3 =	vmul.f32 v51, v55  }
0x125: {  	[tilespmem:s20+$0x4F70] =	vst v57;
	v61 =	vld [tilespmem:s20+$0x4FE0];
	v60 =	vmul.f32 v52, v55  }
0x126: {  	v62 =	vld [tilespmem:s20+$0x4FF0];
	[tilespmem:s20+$0x4F80] =	vst v3;
	v3 =	vmul.f32 v54, v55  }
0x127: {  	v63 =	vmul.f32 v56, v55;
	v12 =	vld [tilespmem:s20+$0x5000];
	[tilespmem:s20+$0x4F90] =	vst v60  }
0x128: {  	v13 =	vld [tilespmem:s20+$0x5010];
	[tilespmem:s20+$0x4FA0] =	vst v3;
	v3 =	vmul.f32 v58, v55  }
0x129: {  	v14 =	vmul.f32 v59, v55;
	[tilespmem:s20+$0x4FB0] =	vst v63;
	v15 =	vld [tilespmem:s20+$0x5020]  }
0x12a: {  	v17 =	vld [tilespmem:s20+$0x5030];
	v16 =	vbroadcast v2, $0x8;
	[tilespmem:s20+$0x4FC0] =	vst v3;
	v3 =	vmul.f32 v61, v55  }
0x12b: {  	v18 =	vmul.f32 v62, v55;
	[tilespmem:s20+$0x4FD0] =	vst v14;
	v19 =	vld [tilespmem:s20+$0x5040]  }
0x12c: {  	v20 =	vld [tilespmem:s20+$0x5050];
	[tilespmem:s20+$0x4FE0] =	vst v3;
	v3 =	vmul.f32 v12, v16  }
0x12d: {  	[tilespmem:s20+$0x4FF0] =	vst v18;
	v22 =	vld [tilespmem:s20+$0x5060];
	v21 =	vmul.f32 v13, v16  }
0x12e: {  	v23 =	vld [tilespmem:s20+$0x5070];
	[tilespmem:s20+$0x5000] =	vst v3;
	v3 =	vmul.f32 v15, v16  }
0x12f: {  	v24 =	vmul.f32 v17, v16;
	v25 =	vld [tilespmem:s20+$0x5080];
	[tilespmem:s20+$0x5010] =	vst v21  }
0x130: {  	v26 =	vld [tilespmem:s20+$0x5090];
	[tilespmem:s20+$0x5020] =	vst v3;
	v3 =	vmul.f32 v19, v16  }
0x131: {  	v27 =	vmul.f32 v20, v16;
	[tilespmem:s20+$0x5030] =	vst v24;
	v28 =	vld [tilespmem:s20+$0x50A0]  }
0x132: {  	v30 =	vld [tilespmem:s20+$0x50B0];
	v29 =	vbroadcast v2, $0x9;
	[tilespmem:s20+$0x5040] =	vst v3;
	v3 =	vmul.f32 v22, v16  }
0x133: {  	v31 =	vmul.f32 v23, v16;
	[tilespmem:s20+$0x5050] =	vst v27;
	v32 =	vld [tilespmem:s20+$0x50C0]  }
0x134: {  	v33 =	vld [tilespmem:s20+$0x50D0];
	[tilespmem:s20+$0x5060] =	vst v3;
	v3 =	vmul.f32 v25, v29  }
0x135: {  	[tilespmem:s20+$0x5070] =	vst v31;
	v35 =	vld [tilespmem:s20+$0x50E0];
	v34 =	vmul.f32 v26, v29  }
0x136: {  	v36 =	vld [tilespmem:s20+$0x50F0];
	[tilespmem:s20+$0x5080] =	vst v3;
	v3 =	vmul.f32 v28, v29  }
0x137: {  	v37 =	vmul.f32 v30, v29;
	v38 =	vld [tilespmem:s20+$0x5100];
	[tilespmem:s20+$0x5090] =	vst v34  }
0x138: {  	v39 =	vld [tilespmem:s20+$0x5110];
	[tilespmem:s20+$0x50A0] =	vst v3;
	v3 =	vmul.f32 v32, v29  }
0x139: {  	v40 =	vmul.f32 v33, v29;
	[tilespmem:s20+$0x50B0] =	vst v37;
	v41 =	vld [tilespmem:s20+$0x5120]  }
0x13a: {  	v43 =	vld [tilespmem:s20+$0x5130];
	v42 =	vbroadcast v2, $0xA;
	[tilespmem:s20+$0x50C0] =	vst v3;
	v3 =	vmul.f32 v35, v29  }
0x13b: {  	v44 =	vmul.f32 v36, v29;
	[tilespmem:s20+$0x50D0] =	vst v40;
	v45 =	vld [tilespmem:s20+$0x5140]  }
0x13c: {  	v46 =	vld [tilespmem:s20+$0x5150];
	[tilespmem:s20+$0x50E0] =	vst v3;
	v3 =	vmul.f32 v38, v42  }
0x13d: {  	[tilespmem:s20+$0x50F0] =	vst v44;
	v48 =	vld [tilespmem:s20+$0x5160];
	v47 =	vmul.f32 v39, v42  }
0x13e: {  	v49 =	vld [tilespmem:s20+$0x5170];
	[tilespmem:s20+$0x5100] =	vst v3;
	v3 =	vmul.f32 v41, v42  }
0x13f: {  	v50 =	vmul.f32 v43, v42;
	v51 =	vld [tilespmem:s20+$0x5180];
	[tilespmem:s20+$0x5110] =	vst v47  }
0x140: {  	v52 =	vld [tilespmem:s20+$0x5190];
	[tilespmem:s20+$0x5120] =	vst v3;
	v3 =	vmul.f32 v45, v42  }
0x141: {  	v53 =	vmul.f32 v46, v42;
	[tilespmem:s20+$0x5130] =	vst v50;
	v54 =	vld [tilespmem:s20+$0x51A0]  }
0x142: {  	v56 =	vld [tilespmem:s20+$0x51B0];
	v55 =	vbroadcast v2, $0xB;
	[tilespmem:s20+$0x5140] =	vst v3;
	v3 =	vmul.f32 v48, v42  }
0x143: {  	v57 =	vmul.f32 v49, v42;
	[tilespmem:s20+$0x5150] =	vst v53;
	v58 =	vld [tilespmem:s20+$0x51C0]  }
0x144: {  	v59 =	vld [tilespmem:s20+$0x51D0];
	[tilespmem:s20+$0x5160] =	vst v3;
	v3 =	vmul.f32 v51, v55  }
0x145: {  	[tilespmem:s20+$0x5170] =	vst v57;
	v61 =	vld [tilespmem:s20+$0x51E0];
	v60 =	vmul.f32 v52, v55  }
0x146: {  	v62 =	vld [tilespmem:s20+$0x51F0];
	[tilespmem:s20+$0x5180] =	vst v3;
	v3 =	vmul.f32 v54, v55  }
0x147: {  	v63 =	vmul.f32 v56, v55;
	v12 =	vld [tilespmem:s20+$0x5200];
	[tilespmem:s20+$0x5190] =	vst v60  }
0x148: {  	v13 =	vld [tilespmem:s20+$0x5210];
	[tilespmem:s20+$0x51A0] =	vst v3;
	v3 =	vmul.f32 v58, v55  }
0x149: {  	v14 =	vmul.f32 v59, v55;
	[tilespmem:s20+$0x51B0] =	vst v63;
	v15 =	vld [tilespmem:s20+$0x5220]  }
0x14a: {  	v17 =	vld [tilespmem:s20+$0x5230];
	v16 =	vbroadcast v2, $0xC;
	[tilespmem:s20+$0x51C0] =	vst v3;
	v3 =	vmul.f32 v61, v55  }
0x14b: {  	v18 =	vmul.f32 v62, v55;
	[tilespmem:s20+$0x51D0] =	vst v14;
	v19 =	vld [tilespmem:s20+$0x5240]  }
0x14c: {  	v20 =	vld [tilespmem:s20+$0x5250];
	[tilespmem:s20+$0x51E0] =	vst v3;
	v3 =	vmul.f32 v12, v16  }
0x14d: {  	[tilespmem:s20+$0x51F0] =	vst v18;
	v22 =	vld [tilespmem:s20+$0x5260];
	v21 =	vmul.f32 v13, v16  }
0x14e: {  	v23 =	vld [tilespmem:s20+$0x5270];
	[tilespmem:s20+$0x5200] =	vst v3;
	v3 =	vmul.f32 v15, v16  }
0x14f: {  	v24 =	vmul.f32 v17, v16;
	v25 =	vld [tilespmem:s20+$0x5280];
	[tilespmem:s20+$0x5210] =	vst v21  }
0x150: {  	v26 =	vld [tilespmem:s20+$0x5290];
	[tilespmem:s20+$0x5220] =	vst v3;
	v3 =	vmul.f32 v19, v16  }
0x151: {  	v27 =	vmul.f32 v20, v16;
	[tilespmem:s20+$0x5230] =	vst v24;
	v28 =	vld [tilespmem:s20+$0x52A0]  }
0x152: {  	v30 =	vld [tilespmem:s20+$0x52B0];
	v29 =	vbroadcast v2, $0xD;
	[tilespmem:s20+$0x5240] =	vst v3;
	v3 =	vmul.f32 v22, v16  }
0x153: {  	v31 =	vmul.f32 v23, v16;
	[tilespmem:s20+$0x5250] =	vst v27;
	v32 =	vld [tilespmem:s20+$0x52C0]  }
0x154: {  	v33 =	vld [tilespmem:s20+$0x52D0];
	[tilespmem:s20+$0x5260] =	vst v3;
	v3 =	vmul.f32 v25, v29  }
0x155: {  	[tilespmem:s20+$0x5270] =	vst v31;
	v35 =	vld [tilespmem:s20+$0x52E0];
	v34 =	vmul.f32 v26, v29  }
0x156: {  	v36 =	vld [tilespmem:s20+$0x52F0];
	[tilespmem:s20+$0x5280] =	vst v3;
	v3 =	vmul.f32 v28, v29  }
0x157: {  	v37 =	vmul.f32 v30, v29;
	v38 =	vld [tilespmem:s20+$0x5300];
	[tilespmem:s20+$0x5290] =	vst v34  }
0x158: {  	v39 =	vld [tilespmem:s20+$0x5310];
	[tilespmem:s20+$0x52A0] =	vst v3;
	v3 =	vmul.f32 v32, v29  }
0x159: {  	v40 =	vmul.f32 v33, v29;
	[tilespmem:s20+$0x52B0] =	vst v37;
	v41 =	vld [tilespmem:s20+$0x5320]  }
0x15a: {  	v43 =	vld [tilespmem:s20+$0x5330];
	v42 =	vbroadcast v2, $0xE;
	[tilespmem:s20+$0x52C0] =	vst v3;
	v3 =	vmul.f32 v35, v29  }
0x15b: {  	v44 =	vmul.f32 v36, v29;
	[tilespmem:s20+$0x52D0] =	vst v40;
	v45 =	vld [tilespmem:s20+$0x5340]  }
0x15c: {  	v46 =	vld [tilespmem:s20+$0x5350];
	[tilespmem:s20+$0x52E0] =	vst v3;
	v3 =	vmul.f32 v38, v42  }
0x15d: {  	[tilespmem:s20+$0x52F0] =	vst v44;
	v48 =	vld [tilespmem:s20+$0x5360];
	v47 =	vmul.f32 v39, v42  }
0x15e: {  	v49 =	vld [tilespmem:s20+$0x5370];
	[tilespmem:s20+$0x5300] =	vst v3;
	v3 =	vmul.f32 v41, v42  }
0x15f: {  	v50 =	vmul.f32 v43, v42;
	v51 =	vld [tilespmem:s20+$0x5380];
	[tilespmem:s20+$0x5310] =	vst v47  }
0x160: {  	v52 =	vld [tilespmem:s20+$0x5390];
	[tilespmem:s20+$0x5320] =	vst v3;
	v3 =	vmul.f32 v45, v42  }
0x161: {  	v53 =	vmul.f32 v46, v42;
	[tilespmem:s20+$0x5330] =	vst v50;
	v54 =	vld [tilespmem:s20+$0x53A0]  }
0x162: {  	v2 =	vbroadcast v2, $0xF;
	v58 =	vld [tilespmem:s20+$0x53D0];
	[tilespmem:s20+$0x5340] =	vst v3;
	v3 =	vmul.f32 v48, v42  }
0x163: {  	v57 =	vld [tilespmem:s20+$0x53C0];
	v56 =	vmul.f32 v49, v42;
	[tilespmem:s20+$0x5350] =	vst v53  }
0x164: {  	v55 =	vld [tilespmem:s20+$0x53B0];
	[tilespmem:s20+$0x5360] =	vst v3;
	v3 =	vmul.f32 v51, v2  }
0x165: {  	v60 =	vld [tilespmem:s20+$0x53E0];
	v59 =	vmul.f32 v52, v2;
	[tilespmem:s20+$0x5370] =	vst v56  }
0x166: {  	v61 =	vld [tilespmem:s20+$0x53F0];
	[tilespmem:s20+$0x5380] =	vst v3;
	v3 =	vmul.f32 v54, v2  }
0x167: {  	[tilespmem:s20+$0x5390] =	vst v59;
	v63 =	vmul.f32 v58, v2  }
0x168: {  	p0 =	sne.s32 s13, $0x7;
	[tilespmem:s20+$0x53A0] =	vst v3;
	v3 =	vmul.f32 v57, v2  }
.Ltmp2:
0x169: {  	v62 =	vmul.f32 v55, v2;
	[tilespmem:s20+$0x53D0] =	vst v63;
	(pc) =	sbr.rel @p0 .LBB2_8-.Ltmp2, $4  }
0x16a: {  	[tilespmem:s20+$0x53C0] =	vst v3;
	v3 =	vmul.f32 v60, v2  }
0x16b: {  	[tilespmem:s20+$0x53B0] =	vst v62;
	v2 =	vmul.f32 v61, v2  }
0x16c: {  	[tilespmem:s20+$0x53E0] =	vst v3  }
0x16d: {  	s13 =	sadd.s32 $0x1, s13;
	[tilespmem:s20+$0x53F0] =	vst v2  }
0x16e: {  	s0 =	sadd.s32 $0x400, s0;
	s2 =	sadd.s32 $0x1, s2  }
0x16f: {  	[spmem:s3] =	stream.indirect.scatter.add.f32 [tilespmem:s19], [sflag:$0x4], $0x80, s0, s18, $0xb8;
	[tilespmem:$0x1CC00] =	vst v63  }
0x170: {  	p0 =	sne.s32 s2, $0x4;
	_ =	swait.ge [sflag:s28], $0x4000  }
.Ltmp3:
0x171: {  	[sflag:s28] =	ssyncset.done $0x0;
	(pc) =	sbr.rel @p0 .LBB2_5-.Ltmp3, $4  }
0x172: {  	[sflag:s28] =	ssyncadd.s32 $0xFFFFC000  }
0x173: {  	_ =	swait.ge [sflag:s29], $0x4000  }
0x174: {  	[sflag:s29] =	ssyncset.done $0x0  }
0x175: {  	[sflag:s29] =	ssyncadd.s32 $0xFFFFC000  }
0x176: {  	s31 =	sadd.s32 $0x1, s31  }
0x177: {  	p0 =	sne.s32 s31, $0xA  }
.Ltmp4:
0x178: {  	_ = 	snop;
	(pc) =	sbr.rel @p0 .LBB2_4-.Ltmp4, $1  }
0x179: {  	_ =	sdelay $0x3  }
0x17a: {  	s0 =	stileid.u32  }
0x17b: {  	[bflag:$0x0] =	sbarrier.arrive $0xFFFF;
	s0 =	sshll.u32 s0, $0x6  }
0x17c: {  	s2 =	sshrl.u32 s5, $0x3;
	s13 =	rddreg [dreg:$0x6];
	s0 =	sor.u32 $0x1C05, s0  }
0x17d: {  	[hbm:s13], [sflag:s0] =	dma.local [spmem:s2], $0x800  }
0x17e: {  	_ =	swait.ge [sflag:s15], $0x800  }
0x17f: {  	[sflag:s15] =	ssyncset.done $0x0  }
0x180: {  	s21 =	sshrl.u32 s6, $0x3;
	s31 =	rddreg [dreg:$0x7];
	[sflag:s15] =	ssyncadd.s32 $0xFFFFF800  }
0x181: {  	[hbm:s31], [sflag:s0] =	dma.local [spmem:s21], $0x800  }
0x182: {  	_ =	swait.ge [sflag:s15], $0x800  }
0x183: {  	[sflag:s15] =	ssyncset.done $0x0  }
0x184: {  	s13 =	sshrl.u32 s7, $0x3;
	[sflag:s15] =	ssyncadd.s32 $0xFFFFF800  }
0x185: {  	[hbm:s22], [sflag:s0] =	dma.local [spmem:s13], $0x800  }
0x186: {  	_ =	swait.ge [sflag:s15], $0x800  }
0x187: {  	[sflag:s15] =	ssyncset.done $0x0  }
0x188: {  	s20 =	sshrl.u32 s8, $0x3;
	[sflag:s15] =	ssyncadd.s32 $0xFFFFF800  }
0x189: {  	[hbm:s23], [sflag:s0] =	dma.local [spmem:s20], $0x800  }
0x18a: {  	_ =	swait.ge [sflag:s15], $0x800  }
0x18b: {  	[sflag:s15] =	ssyncset.done $0x0  }
0x18c: {  	s21 =	sshrl.u32 s9, $0x3;
	[sflag:s15] =	ssyncadd.s32 $0xFFFFF800  }
0x18d: {  	[hbm:s24], [sflag:s0] =	dma.local [spmem:s21], $0x800  }
0x18e: {  	_ =	swait.ge [sflag:s15], $0x800  }
0x18f: {  	s4 =	sadd.s32 $0x1, s4;
	s31 =	rddreg [dreg:$0x5]  }
0x190: {  	p0 =	sne.s32 s4, s31  }
.Ltmp5:
0x191: {  	_ = 	snop;
	(pc) =	sbr.rel @p0 .LBB2_1-.Ltmp5, $3  }
0x192: {  	_ =	sdelay $0x1  }
0x193: {  	[sflag:s15] =	ssyncset.done $0x0  }
0x194: {  	[sflag:s15] =	ssyncadd.s32 $0xFFFFF800  }
0x195: {  	_ =	sfence.sel $0x180000  }
0x196: {  	[bflag:$0x0] =	sbarrier.arrive $0xFFFF  }
0x197: {  	_ =	strace $0x90000047  }
0x198: {  	s0 =	stileid.u32;
	[bflag:$0x2] =	sbarrier.arrive $0xFFFF  }
0x199: {  	p0 =	sne.s32 s0, $0x0;
	s0 =	rddreg [dreg:$0x4]  }
0x19a: {  	s0 =	sadd.s32 @!p0 $0x100000, s0  }
0x19b: {  	[sflag:s0] =	ssyncadd.tile.s32 @!p0 $0x1;
	_ =	shalt  }
.Lfunc_end2:
_tile_overlayer_lowered:
.L_overlay_start_2:
0x19c: {  	(tag) =	ssettag $0x2  }
0x19d: {  	s0 =	rddreg [dreg:$0x0];
	s2 =	stileid.u32  }
0x19e: {  	s1 =	rddreg [dreg:$0x1];
	p0 =	sne.s32 s2, $0x0  }
0x19f: {  	s3 =	rddreg [dreg:$0x2];
	[bflag:$0x3] =	sbarrier.arrive $0xFFFF;
	s2 =	simm.s32 @!p0 $0x1C05  }
0x1a0: {  	[timem:s3], [sflag:s2] =	dma.local @!p0 [hbm:s0], s1  }
0x1a1: {  	s0 =	simm.s32 @!p0 $0x5  }
0x1a2: {  	_ =	swait.ge @!p0 [sflag:s0], s1  }
0x1a3: {  	s1 =	ssub.s32 @!p0 $0x0, s1;
	[sflag:s0] =	ssyncset.done @!p0 $0x0  }
0x1a4: {  	[sflag:s0] =	ssyncadd.s32 @!p0 s1  }
0x1a5: {  	[bflag:$0x3] =	sbarrier.arrive $0xFFFF  }
0x1a6: {  	_ =	shalt  }

</sc_bundles>
